<compile_context>
chip_gen: v7x
topology: tpu7x:2x2x1
jax: 0.10.2.dev20260603
libtpu: 0.0.44.dev20260713+nightly
codegen_flags: <defaults>
</compile_context>

<pallas_src>
import functools

import jax
import jax.numpy as jnp
from jax import lax
from jax.experimental import pallas as pl
from jax.experimental.pallas import tpu as pltpu
from jax.experimental.pallas import tpu_sc as plsc

_DIM = 32
_NC = 2
_NS = 16
_NW = _NC * _NS


@functools.lru_cache(maxsize=None)
def _make_lookup(n_seq, n_batch):
  it_tiles = n_batch // 128
  grp = 4
  ch = grp * 128
  n_sc = n_seq * (it_tiles // grp)
  per_w = n_sc // _NW
  assert per_w * _NW == n_sc and per_w >= 2
  kt = _DIM // 8
  mesh = plsc.VectorSubcoreMesh(core_axis_name="c", subcore_axis_name="s")

  @functools.partial(
      pl.kernel,
      out_type=jax.ShapeDtypeStruct((n_seq, kt, it_tiles * 1024), jnp.float32),
      mesh=mesh,
      scratch_types=[
          pltpu.VMEM((2, ch), jnp.int32),
          pltpu.VMEM((2, ch, _DIM), jnp.float32),
          pltpu.VMEM((2, grp, 8 * 128 * kt), jnp.float32),
          pltpu.SemaphoreType.DMA((2,)),
          pltpu.SemaphoreType.DMA((2,)),
          pltpu.SemaphoreType.DMA((2,)),
      ],
      compiler_params=pltpu.CompilerParams(
          use_tc_tiling_on_sc=False, needs_layout_passes=False),
  )
  def lookup(idx_hbm, table_hbm, out_hbm, idx_v, rows_v, t_v, i_sem, g_sem,
             o_sem):
    wid = lax.axis_index("s") * _NC + lax.axis_index("c")
    base_sc = wid * per_w
    n_grp_j = it_tiles // grp

    def coords(g):
      sc = base_sc + g
      return sc // n_grp_j, sc % n_grp_j

    def idx_start(g, b):
      j, itg = coords(g)
      pltpu.async_copy(
          idx_hbm.at[j, pl.ds(itg * ch, ch)], idx_v.at[b], i_sem.at[b])

    def idx_wait(b):
      pltpu.make_async_copy(
          idx_hbm.at[0, pl.ds(0, ch)], idx_v.at[b], i_sem.at[b]).wait()

    def gather_start(b):
      pltpu.async_copy(table_hbm.at[idx_v.at[b]], rows_v.at[b], g_sem.at[b])

    def gather_wait(b):
      pltpu.make_async_copy(
          table_hbm.at[idx_v.at[b]], rows_v.at[b], g_sem.at[b]).wait()

    def out_start(g, b):
      j, itg = coords(g)
      for bb in range(grp):
        for t in range(kt):
          pltpu.async_copy(
              t_v.at[b, bb, pl.ds(t * 1024, 1024)],
              out_hbm.at[j, t, pl.ds((itg * grp + bb) * 1024, 1024)],
              o_sem.at[b])

    def out_wait(b):
      pltpu.make_async_copy(
          t_v.at[b], out_hbm.at[0, :, pl.ds(0, grp * 1024)],
          o_sem.at[b]).wait()

    lanes = lax.iota(jnp.int32, 16)
    lanes128 = lanes * 128

    def transpose(b):

      @plsc.parallel_loop(0, 16, unroll=2)
      def _(d):
        rot = lax.bitwise_and(lanes + d, 15)
        dstd = lanes128 + rot
        for bb in range(grp):
          for i0 in range(0, 128, 16):
            for k0 in (0, 16):
              col = lanes + k0
              v = plsc.load_gather(
                  rows_v.at[b], [rot + (bb * 128 + i0), col])
              plsc.store_scatter(
                  t_v.at[b, bb], [dstd + (k0 * 128 + i0)], v)

    idx_start(0, 0)
    idx_start(1, 1)
    idx_wait(0)
    gather_start(0)

    def body(g, carry):
      b = g % 2
      nb = (g + 1) % 2

      @pl.when(g + 1 < per_w)
      def _():
        idx_wait(nb)
        gather_start(nb)

      gather_wait(b)

      @pl.when(g + 2 < per_w)
      def _():
        idx_start(g + 2, b)

      @pl.when(g >= 2)
      def _():
        out_wait(b)

      transpose(b)
      out_start(g, b)
      return carry

    lax.fori_loop(0, per_w, body, 0, unroll=False)
    out_wait(per_w % 2)
    out_wait((per_w + 1) % 2)

  return lookup


def kernel(inputs, embeddings):
  n_batch, n_seq = inputs.shape
  idx_t = jnp.swapaxes(inputs.astype(jnp.int32), 0, 1)
  out_p = _make_lookup(n_seq, n_batch)(idx_t, embeddings)
  out = out_p.reshape(n_seq, 4, n_batch // 128, 8, 128)
  out = out.transpose(2, 4, 0, 1, 3)
  return out.reshape(n_batch, n_seq, _DIM)

# --- scband reference (transcript-rebuilt; emitter-appended) ---
"""Pipeline reference for scband-embedding-31903017074918 (READ-ONLY COPY).

The authoritative reference and input builder live on the scoring server;
editing this copy changes nothing except your own understanding.
"""

import jax, jax.numpy as jnp
import numpy as np

MAX_ID = 999999
DIM = 32

def setup_inputs(seed: int = 0) -> dict:
    key = jax.random.key(seed)
    k_idx, k_emb = jax.random.split(key)
    inputs = jax.random.randint(k_idx, (16384, 200), 0, 1000000, dtype=jnp.int64)
    # truncated_normal_initializer(stddev=0.1)
    embeddings = jax.random.truncated_normal(k_emb, -2.0, 2.0, (MAX_ID + 1, DIM), dtype=jnp.float32) * 0.1
    return {"inputs": inputs, "embeddings": embeddings}

def reference(inputs, embeddings):
    shape = inputs.shape
    flat = jnp.reshape(inputs, (-1,))
    out = jnp.take(embeddings, flat, axis=0)
    return jnp.reshape(out, shape + (DIM,))

if __name__ == "__main__":
    import jax
    _d = setup_inputs()
    print(jax.jit(kernel)(*tuple(_d.values())))

</pallas_src>

<mosaic_0001>
#map = affine_map<(d0, d1) -> (0, 0)>
#map1 = affine_map<(d0, d1) -> (0, 0, 0)>
module attributes {stable_mosaic.version = 14 : i64} {
  func.func @lookup(%arg0: i32, %arg1: i32, %arg2: memref<200x16384xi32, #tpu.memory_space<hbm>>, %arg3: memref<1000000x32xf32, #tpu.memory_space<hbm>>, %arg4: memref<200x4x131072xf32, #tpu.memory_space<hbm>>, %arg5: memref<2x512xi32, #tpu.memory_space<vmem>>, %arg6: memref<2x512x32xf32, #tpu.memory_space<vmem>>, %arg7: memref<2x4x4096xf32, #tpu.memory_space<vmem>>, %arg8: memref<2x!tpu.dma_semaphore, #tpu.memory_space<semaphore_mem>>, %arg9: memref<2x!tpu.dma_semaphore, #tpu.memory_space<semaphore_mem>>, %arg10: memref<2x!tpu.dma_semaphore, #tpu.memory_space<semaphore_mem>>) attributes {dimension_semantics = [#tpu.dimension_semantics<core_parallel>, #tpu.dimension_semantics<subcore_parallel>], iteration_bounds = array<i64: 2, 16>, scalar_prefetch = 0 : i64, scratch_operands = 6 : i64, tpu.core_type = #tpu.core_type<sc_vector_subcore>, window_params = [{transform_indices = #map}, {transform_indices = #map}, {transform_indices = #map1}]} {
    %mul3A = arith.constant 2 : i32
    %mul3A_0 = arith.muli %arg1, %mul3A : i32
    %add3A = arith.addi %mul3A_0, %arg0 : i32
    %mul3A_1 = arith.constant 200 : i32
    %mul3A_2 = arith.muli %add3A, %mul3A_1 : i32
    %iota3A = tpu.iota {dimensions = array<i32: 0>} : vector<16xi32>
    %mul3A_3 = arith.constant 128 : i32
    %mul3A_4 = vector.broadcast %mul3A_3 : i32 to vector<16xi32>
    %mul3A_5 = arith.muli %iota3A, %mul3A_4 : vector<16xi32>
    %add3A_6 = arith.constant 0 : i32
    %add3A_7 = arith.addi %mul3A_2, %add3A_6 : i32
    %jit3A = arith.constant 32 : i32
    %div3A = arith.divsi %add3A_7, %jit3A : i32
    %sign3A = arith.constant 0 : i32
    %sign3A_8 = arith.cmpi sgt, %add3A_7, %sign3A : i32
    %sign3A_9 = arith.extui %sign3A_8 : i1 to i32
    %sign3A_10 = arith.constant 0 : i32
    %sign3A_11 = arith.cmpi slt, %add3A_7, %sign3A_10 : i32
    %sign3A_12 = arith.extui %sign3A_11 : i1 to i32
    %sign3A_13 = arith.subi %sign3A_9, %sign3A_12 : i32
    %sign3A_14 = arith.constant 0 : i32
    %sign3A_15 = arith.cmpi sgt, %jit3A, %sign3A_14 : i32
    %sign3A_16 = arith.extui %sign3A_15 : i1 to i32
    %sign3A_17 = arith.constant 0 : i32
    %sign3A_18 = arith.cmpi slt, %jit3A, %sign3A_17 : i32
    %sign3A_19 = arith.extui %sign3A_18 : i1 to i32
    %sign3A_20 = arith.subi %sign3A_16, %sign3A_19 : i32
    %ne3A = arith.cmpi ne, %sign3A_13, %sign3A_20 : i32
    %rem3A = arith.remsi %add3A_7, %jit3A : i32
    %ne3A_21 = arith.constant 0 : i32
    %ne3A_22 = arith.cmpi ne, %rem3A, %ne3A_21 : i32
    %and3A = arith.andi %ne3A, %ne3A_22 : i1
    %sub3A = arith.constant 1 : i32
    %sub3A_23 = arith.subi %div3A, %sub3A : i32
    %select_n3A = arith.select %and3A, %sub3A_23, %div3A : i32
    %jit3A_24 = arith.constant 32 : i32
    %eq3A = arith.constant 0 : i32
    %eq3A_25 = arith.cmpi eq, %jit3A_24, %eq3A : i32
    %jit3A_26 = arith.constant 1 : i32
    %select_n3A_27 = arith.select %eq3A_25, %jit3A_26, %jit3A_24 : i32
    %rem3A_28 = arith.remsi %add3A_7, %select_n3A_27 : i32
    %ne3A_29 = arith.constant 0 : i32
    %ne3A_30 = arith.cmpi ne, %rem3A_28, %ne3A_29 : i32
    %lt3A = arith.constant 0 : i32
    %lt3A_31 = arith.cmpi slt, %rem3A_28, %lt3A : i32
    %lt3A_32 = arith.constant 0 : i32
    %lt3A_33 = arith.cmpi slt, %select_n3A_27, %lt3A_32 : i32
    %ne3A_34 = arith.xori %lt3A_31, %lt3A_33 : i1
    %and3A_35 = arith.andi %ne3A_34, %ne3A_30 : i1
    %add3A_36 = arith.addi %rem3A_28, %select_n3A_27 : i32
    %select_n3A_37 = arith.select %and3A_35, %add3A_36, %rem3A_28 : i32
    %mul3A_38 = arith.constant 512 : i32
    %mul3A_39 = arith.muli %select_n3A_37, %mul3A_38 : i32
    %dma_start3A = arith.constant 0 : i32
    %dma_start3A_40 = arith.constant 0 : i32
    %dma_start3A_41 = arith.constant 0 : i32
    %dma_start3A_42 = tpu.memref_slice %arg5[%dma_start3A, %dma_start3A_41] : memref<2x512xi32, #tpu.memory_space<vmem>> -> memref<1x512xi32, #tpu.memory_space<vmem>>
    %dma_start3A_43 = tpu.memref_squeeze %dma_start3A_42 : memref<1x512xi32, #tpu.memory_space<vmem>> -> memref<512xi32, #tpu.memory_space<vmem>>
    %dma_start3A_44 = tpu.memref_slice %arg2[%select_n3A, %mul3A_39] : memref<200x16384xi32, #tpu.memory_space<hbm>> -> memref<1x512xi32, #tpu.memory_space<hbm>>
    %dma_start3A_45 = tpu.memref_squeeze %dma_start3A_44 : memref<1x512xi32, #tpu.memory_space<hbm>> -> memref<512xi32, #tpu.memory_space<hbm>>
    %dma_start3A_46 = tpu.memref_slice %arg8[%dma_start3A_40] : memref<2x!tpu.dma_semaphore, #tpu.memory_space<semaphore_mem>> -> memref<1x!tpu.dma_semaphore, #tpu.memory_space<semaphore_mem>>
    %dma_start3A_47 = tpu.memref_squeeze %dma_start3A_46 : memref<1x!tpu.dma_semaphore, #tpu.memory_space<semaphore_mem>> -> memref<!tpu.dma_semaphore, #tpu.memory_space<semaphore_mem>>
    %dma_start3A_48 = arith.constant 0 : i32
    %dma_start3A_49 = tpu.memref_slice %arg5[%dma_start3A, %dma_start3A_48] : memref<2x512xi32, #tpu.memory_space<vmem>> -> memref<1x512xi32, #tpu.memory_space<vmem>>
    %dma_start3A_50 = tpu.memref_squeeze %dma_start3A_49 : memref<1x512xi32, #tpu.memory_space<vmem>> -> memref<512xi32, #tpu.memory_space<vmem>>
    %dma_start3A_51 = tpu.memref_slice %arg2[%select_n3A, %mul3A_39] : memref<200x16384xi32, #tpu.memory_space<hbm>> -> memref<1x512xi32, #tpu.memory_space<hbm>>
    %dma_start3A_52 = tpu.memref_squeeze %dma_start3A_51 : memref<1x512xi32, #tpu.memory_space<hbm>> -> memref<512xi32, #tpu.memory_space<hbm>>
    tpu.enqueue_dma source(%dma_start3A_52 : memref<512xi32, #tpu.memory_space<hbm>>) target(%dma_start3A_50 : memref<512xi32, #tpu.memory_space<vmem>>) target_semaphore(%dma_start3A_47 : memref<!tpu.dma_semaphore, #tpu.memory_space<semaphore_mem>>)
    %add3A_53 = arith.constant 1 : i32
    %add3A_54 = arith.addi %mul3A_2, %add3A_53 : i32
    %jit3A_55 = arith.constant 32 : i32
    %div3A_56 = arith.divsi %add3A_54, %jit3A_55 : i32
    %sign3A_57 = arith.constant 0 : i32
    %sign3A_58 = arith.cmpi sgt, %add3A_54, %sign3A_57 : i32
    %sign3A_59 = arith.extui %sign3A_58 : i1 to i32
    %sign3A_60 = arith.constant 0 : i32
    %sign3A_61 = arith.cmpi slt, %add3A_54, %sign3A_60 : i32
    %sign3A_62 = arith.extui %sign3A_61 : i1 to i32
    %sign3A_63 = arith.subi %sign3A_59, %sign3A_62 : i32
    %sign3A_64 = arith.constant 0 : i32
    %sign3A_65 = arith.cmpi sgt, %jit3A_55, %sign3A_64 : i32
    %sign3A_66 = arith.extui %sign3A_65 : i1 to i32
    %sign3A_67 = arith.constant 0 : i32
    %sign3A_68 = arith.cmpi slt, %jit3A_55, %sign3A_67 : i32
    %sign3A_69 = arith.extui %sign3A_68 : i1 to i32
    %sign3A_70 = arith.subi %sign3A_66, %sign3A_69 : i32
    %ne3A_71 = arith.cmpi ne, %sign3A_63, %sign3A_70 : i32
    %rem3A_72 = arith.remsi %add3A_54, %jit3A_55 : i32
    %ne3A_73 = arith.constant 0 : i32
    %ne3A_74 = arith.cmpi ne, %rem3A_72, %ne3A_73 : i32
    %and3A_75 = arith.andi %ne3A_71, %ne3A_74 : i1
    %sub3A_76 = arith.constant 1 : i32
    %sub3A_77 = arith.subi %div3A_56, %sub3A_76 : i32
    %select_n3A_78 = arith.select %and3A_75, %sub3A_77, %div3A_56 : i32
    %jit3A_79 = arith.constant 32 : i32
    %eq3A_80 = arith.constant 0 : i32
    %eq3A_81 = arith.cmpi eq, %jit3A_79, %eq3A_80 : i32
    %jit3A_82 = arith.constant 1 : i32
    %select_n3A_83 = arith.select %eq3A_81, %jit3A_82, %jit3A_79 : i32
    %rem3A_84 = arith.remsi %add3A_54, %select_n3A_83 : i32
    %ne3A_85 = arith.constant 0 : i32
    %ne3A_86 = arith.cmpi ne, %rem3A_84, %ne3A_85 : i32
    %lt3A_87 = arith.constant 0 : i32
    %lt3A_88 = arith.cmpi slt, %rem3A_84, %lt3A_87 : i32
    %lt3A_89 = arith.constant 0 : i32
    %lt3A_90 = arith.cmpi slt, %select_n3A_83, %lt3A_89 : i32
    %ne3A_91 = arith.xori %lt3A_88, %lt3A_90 : i1
    %and3A_92 = arith.andi %ne3A_91, %ne3A_86 : i1
    %add3A_93 = arith.addi %rem3A_84, %select_n3A_83 : i32
    %select_n3A_94 = arith.select %and3A_92, %add3A_93, %rem3A_84 : i32
    %mul3A_95 = arith.constant 512 : i32
    %mul3A_96 = arith.muli %select_n3A_94, %mul3A_95 : i32
    %dma_start3A_97 = arith.constant 1 : i32
    %dma_start3A_98 = arith.constant 1 : i32
    %dma_start3A_99 = arith.constant 0 : i32
    %dma_start3A_100 = tpu.memref_slice %arg5[%dma_start3A_97, %dma_start3A_99] : memref<2x512xi32, #tpu.memory_space<vmem>> -> memref<1x512xi32, #tpu.memory_space<vmem>>
    %dma_start3A_101 = tpu.memref_squeeze %dma_start3A_100 : memref<1x512xi32, #tpu.memory_space<vmem>> -> memref<512xi32, #tpu.memory_space<vmem>>
    %dma_start3A_102 = tpu.memref_slice %arg2[%select_n3A_78, %mul3A_96] : memref<200x16384xi32, #tpu.memory_space<hbm>> -> memref<1x512xi32, #tpu.memory_space<hbm>>
    %dma_start3A_103 = tpu.memref_squeeze %dma_start3A_102 : memref<1x512xi32, #tpu.memory_space<hbm>> -> memref<512xi32, #tpu.memory_space<hbm>>
    %dma_start3A_104 = tpu.memref_slice %arg8[%dma_start3A_98] : memref<2x!tpu.dma_semaphore, #tpu.memory_space<semaphore_mem>> -> memref<1x!tpu.dma_semaphore, #tpu.memory_space<semaphore_mem>>
    %dma_start3A_105 = tpu.memref_squeeze %dma_start3A_104 : memref<1x!tpu.dma_semaphore, #tpu.memory_space<semaphore_mem>> -> memref<!tpu.dma_semaphore, #tpu.memory_space<semaphore_mem>>
    %dma_start3A_106 = arith.constant 0 : i32
    %dma_start3A_107 = tpu.memref_slice %arg5[%dma_start3A_97, %dma_start3A_106] : memref<2x512xi32, #tpu.memory_space<vmem>> -> memref<1x512xi32, #tpu.memory_space<vmem>>
    %dma_start3A_108 = tpu.memref_squeeze %dma_start3A_107 : memref<1x512xi32, #tpu.memory_space<vmem>> -> memref<512xi32, #tpu.memory_space<vmem>>
    %dma_start3A_109 = tpu.memref_slice %arg2[%select_n3A_78, %mul3A_96] : memref<200x16384xi32, #tpu.memory_space<hbm>> -> memref<1x512xi32, #tpu.memory_space<hbm>>
    %dma_start3A_110 = tpu.memref_squeeze %dma_start3A_109 : memref<1x512xi32, #tpu.memory_space<hbm>> -> memref<512xi32, #tpu.memory_space<hbm>>
    tpu.enqueue_dma source(%dma_start3A_110 : memref<512xi32, #tpu.memory_space<hbm>>) target(%dma_start3A_108 : memref<512xi32, #tpu.memory_space<vmem>>) target_semaphore(%dma_start3A_105 : memref<!tpu.dma_semaphore, #tpu.memory_space<semaphore_mem>>)
    %dma_wait3A = arith.constant 0 : i32
    %dma_wait3A_111 = arith.constant 0 : i32
    %dma_wait3A_112 = arith.constant 0 : i32
    %dma_wait3A_113 = arith.constant 0 : i32
    %dma_wait3A_114 = tpu.memref_slice %arg5[%dma_wait3A_111, %dma_wait3A_113] : memref<2x512xi32, #tpu.memory_space<vmem>> -> memref<1x512xi32, #tpu.memory_space<vmem>>
    %dma_wait3A_115 = tpu.memref_squeeze %dma_wait3A_114 : memref<1x512xi32, #tpu.memory_space<vmem>> -> memref<512xi32, #tpu.memory_space<vmem>>
    %dma_wait3A_116 = arith.constant 0 : i32
    %dma_wait3A_117 = tpu.memref_slice %arg2[%dma_wait3A, %dma_wait3A_116] : memref<200x16384xi32, #tpu.memory_space<hbm>> -> memref<1x512xi32, #tpu.memory_space<hbm>>
    %dma_wait3A_118 = tpu.memref_squeeze %dma_wait3A_117 : memref<1x512xi32, #tpu.memory_space<hbm>> -> memref<512xi32, #tpu.memory_space<hbm>>
    %dma_wait3A_119 = tpu.memref_slice %arg8[%dma_wait3A_112] : memref<2x!tpu.dma_semaphore, #tpu.memory_space<semaphore_mem>> -> memref<1x!tpu.dma_semaphore, #tpu.memory_space<semaphore_mem>>
    %dma_wait3A_120 = tpu.memref_squeeze %dma_wait3A_119 : memref<1x!tpu.dma_semaphore, #tpu.memory_space<semaphore_mem>> -> memref<!tpu.dma_semaphore, #tpu.memory_space<semaphore_mem>>
    %dma_wait3A_121 = arith.constant 0 : i32
    %dma_wait3A_122 = tpu.memref_slice %arg5[%dma_wait3A_111, %dma_wait3A_121] : memref<2x512xi32, #tpu.memory_space<vmem>> -> memref<1x512xi32, #tpu.memory_space<vmem>>
    %dma_wait3A_123 = tpu.memref_squeeze %dma_wait3A_122 : memref<1x512xi32, #tpu.memory_space<vmem>> -> memref<512xi32, #tpu.memory_space<vmem>>
    %dma_wait3A_124 = arith.constant 0 : i32
    %dma_wait3A_125 = tpu.memref_slice %arg2[%dma_wait3A, %dma_wait3A_124] : memref<200x16384xi32, #tpu.memory_space<hbm>> -> memref<1x512xi32, #tpu.memory_space<hbm>>
    %dma_wait3A_126 = tpu.memref_squeeze %dma_wait3A_125 : memref<1x512xi32, #tpu.memory_space<hbm>> -> memref<512xi32, #tpu.memory_space<hbm>>
    tpu.wait_dma2 semaphore(%dma_wait3A_120 : memref<!tpu.dma_semaphore, #tpu.memory_space<semaphore_mem>>) src(%dma_wait3A_126 : memref<512xi32, #tpu.memory_space<hbm>>) dst(%dma_wait3A_123 : memref<512xi32, #tpu.memory_space<vmem>>)
    %dma_start3A_127 = arith.constant 0 : i32
    %dma_start3A_128 = arith.constant 0 : i32
    %dma_start3A_129 = arith.constant 0 : i32
    %dma_start3A_130 = arith.constant 0 : i32
    %dma_start3A_131 = arith.constant 0 : i32
    %dma_start3A_132 = tpu.memref_slice %arg6[%dma_start3A_128, %dma_start3A_130, %dma_start3A_131] : memref<2x512x32xf32, #tpu.memory_space<vmem>> -> memref<1x512x32xf32, #tpu.memory_space<vmem>>
    %dma_start3A_133 = tpu.memref_squeeze %dma_start3A_132 : memref<1x512x32xf32, #tpu.memory_space<vmem>> -> memref<512x32xf32, #tpu.memory_space<vmem>>
    %dma_start3A_134 = arith.constant 0 : i32
    %dma_start3A_135 = tpu.memref_slice %arg5[%dma_start3A_127, %dma_start3A_134] : memref<2x512xi32, #tpu.memory_space<vmem>> -> memref<1x512xi32, #tpu.memory_space<vmem>>
    %dma_start3A_136 = tpu.memref_squeeze %dma_start3A_135 : memref<1x512xi32, #tpu.memory_space<vmem>> -> memref<512xi32, #tpu.memory_space<vmem>>
    %dma_start3A_137 = arith.constant 0 : i32
    %dma_start3A_138 = arith.constant 0 : i32
    %dma_start3A_139 = tpu.memref_slice %arg3[%dma_start3A_137, %dma_start3A_138] : memref<1000000x32xf32, #tpu.memory_space<hbm>> -> memref<1000000x32xf32, #tpu.memory_space<hbm>>
    %dma_start3A_140 = tpu.memref_slice %arg9[%dma_start3A_129] : memref<2x!tpu.dma_semaphore, #tpu.memory_space<semaphore_mem>> -> memref<1x!tpu.dma_semaphore, #tpu.memory_space<semaphore_mem>>
    %dma_start3A_141 = tpu.memref_squeeze %dma_start3A_140 : memref<1x!tpu.dma_semaphore, #tpu.memory_space<semaphore_mem>> -> memref<!tpu.dma_semaphore, #tpu.memory_space<semaphore_mem>>
    tpu.enqueue_indirect_dma source(%dma_start3A_139 : memref<1000000x32xf32, #tpu.memory_space<hbm>>) target(%dma_start3A_133 : memref<512x32xf32, #tpu.memory_space<vmem>>) offsets(%dma_start3A_136 : memref<512xi32, #tpu.memory_space<vmem>>) semaphore(%dma_start3A_141 : memref<!tpu.dma_semaphore, #tpu.memory_space<semaphore_mem>>)
    %scan3A = arith.constant 0 : i32
    %scan3A_142 = arith.constant 0 : i32
    %scan3A_143 = arith.constant 200 : i32
    %scan3A_144 = arith.addi %scan3A_142, %scan3A_143 : i32
    %scan3A_145 = arith.constant 1 : i32
    scf.for %scan3A_189 = %scan3A_142 to %scan3A_144 step %scan3A_145  : i32 {
      %jit3A_190 = arith.constant 2 : i32
      %eq3A_191 = arith.constant 0 : i32
      %eq3A_192 = arith.cmpi eq, %jit3A_190, %eq3A_191 : i32
      %jit3A_193 = arith.constant 1 : i32
      %select_n3A_194 = arith.select %eq3A_192, %jit3A_193, %jit3A_190 : i32
      %rem3A_195 = arith.remsi %scan3A_189, %select_n3A_194 : i32
      %ne3A_196 = arith.constant 0 : i32
      %ne3A_197 = arith.cmpi ne, %rem3A_195, %ne3A_196 : i32
      %lt3A_198 = arith.constant 0 : i32
      %lt3A_199 = arith.cmpi slt, %rem3A_195, %lt3A_198 : i32
      %lt3A_200 = arith.constant 0 : i32
      %lt3A_201 = arith.cmpi slt, %select_n3A_194, %lt3A_200 : i32
      %ne3A_202 = arith.xori %lt3A_199, %lt3A_201 : i1
      %and3A_203 = arith.andi %ne3A_202, %ne3A_197 : i1
      %add3A_204 = arith.addi %rem3A_195, %select_n3A_194 : i32
      %select_n3A_205 = arith.select %and3A_203, %add3A_204, %rem3A_195 : i32
      %add3A_206 = arith.constant 1 : i32
      %add3A_207 = arith.addi %scan3A_189, %add3A_206 : i32
      %jit3A_208 = arith.constant 2 : i32
      %eq3A_209 = arith.constant 0 : i32
      %eq3A_210 = arith.cmpi eq, %jit3A_208, %eq3A_209 : i32
      %jit3A_211 = arith.constant 1 : i32
      %select_n3A_212 = arith.select %eq3A_210, %jit3A_211, %jit3A_208 : i32
      %rem3A_213 = arith.remsi %add3A_207, %select_n3A_212 : i32
      %ne3A_214 = arith.constant 0 : i32
      %ne3A_215 = arith.cmpi ne, %rem3A_213, %ne3A_214 : i32
      %lt3A_216 = arith.constant 0 : i32
      %lt3A_217 = arith.cmpi slt, %rem3A_213, %lt3A_216 : i32
      %lt3A_218 = arith.constant 0 : i32
      %lt3A_219 = arith.cmpi slt, %select_n3A_212, %lt3A_218 : i32
      %ne3A_220 = arith.xori %lt3A_217, %lt3A_219 : i1
      %and3A_221 = arith.andi %ne3A_220, %ne3A_215 : i1
      %add3A_222 = arith.addi %rem3A_213, %select_n3A_212 : i32
      %select_n3A_223 = arith.select %and3A_221, %add3A_222, %rem3A_213 : i32
      %add3A_224 = arith.constant 1 : i32
      %add3A_225 = arith.addi %scan3A_189, %add3A_224 : i32
      %lt3A_226 = arith.constant 200 : i32
      %lt3A_227 = arith.cmpi slt, %add3A_225, %lt3A_226 : i32
      %convert_element_type3A = arith.extui %lt3A_227 : i1 to i32
      %cond3A = arith.constant 0 : i32
      %cond3A_228 = arith.cmpi ne, %convert_element_type3A, %cond3A : i32
      scf.if %cond3A_228 {
        %dma_wait3A_615 = arith.constant 0 : i32
        %dma_wait3A_616 = arith.constant 0 : i32
        %dma_wait3A_617 = tpu.memref_slice %arg5[%select_n3A_223, %dma_wait3A_616] : memref<2x512xi32, #tpu.memory_space<vmem>> -> memref<1x512xi32, #tpu.memory_space<vmem>>
        %dma_wait3A_618 = tpu.memref_squeeze %dma_wait3A_617 : memref<1x512xi32, #tpu.memory_space<vmem>> -> memref<512xi32, #tpu.memory_space<vmem>>
        %dma_wait3A_619 = arith.constant 0 : i32
        %dma_wait3A_620 = tpu.memref_slice %arg2[%dma_wait3A_615, %dma_wait3A_619] : memref<200x16384xi32, #tpu.memory_space<hbm>> -> memref<1x512xi32, #tpu.memory_space<hbm>>
        %dma_wait3A_621 = tpu.memref_squeeze %dma_wait3A_620 : memref<1x512xi32, #tpu.memory_space<hbm>> -> memref<512xi32, #tpu.memory_space<hbm>>
        %dma_wait3A_622 = tpu.memref_slice %arg8[%select_n3A_223] : memref<2x!tpu.dma_semaphore, #tpu.memory_space<semaphore_mem>> -> memref<1x!tpu.dma_semaphore, #tpu.memory_space<semaphore_mem>>
        %dma_wait3A_623 = tpu.memref_squeeze %dma_wait3A_622 : memref<1x!tpu.dma_semaphore, #tpu.memory_space<semaphore_mem>> -> memref<!tpu.dma_semaphore, #tpu.memory_space<semaphore_mem>>
        %dma_wait3A_624 = arith.constant 0 : i32
        %dma_wait3A_625 = tpu.memref_slice %arg5[%select_n3A_223, %dma_wait3A_624] : memref<2x512xi32, #tpu.memory_space<vmem>> -> memref<1x512xi32, #tpu.memory_space<vmem>>
        %dma_wait3A_626 = tpu.memref_squeeze %dma_wait3A_625 : memref<1x512xi32, #tpu.memory_space<vmem>> -> memref<512xi32, #tpu.memory_space<vmem>>
        %dma_wait3A_627 = arith.constant 0 : i32
        %dma_wait3A_628 = tpu.memref_slice %arg2[%dma_wait3A_615, %dma_wait3A_627] : memref<200x16384xi32, #tpu.memory_space<hbm>> -> memref<1x512xi32, #tpu.memory_space<hbm>>
        %dma_wait3A_629 = tpu.memref_squeeze %dma_wait3A_628 : memref<1x512xi32, #tpu.memory_space<hbm>> -> memref<512xi32, #tpu.memory_space<hbm>>
        tpu.wait_dma2 semaphore(%dma_wait3A_623 : memref<!tpu.dma_semaphore, #tpu.memory_space<semaphore_mem>>) src(%dma_wait3A_629 : memref<512xi32, #tpu.memory_space<hbm>>) dst(%dma_wait3A_626 : memref<512xi32, #tpu.memory_space<vmem>>)
        %dma_start3A_630 = arith.constant 0 : i32
        %dma_start3A_631 = arith.constant 0 : i32
        %dma_start3A_632 = tpu.memref_slice %arg6[%select_n3A_223, %dma_start3A_630, %dma_start3A_631] : memref<2x512x32xf32, #tpu.memory_space<vmem>> -> memref<1x512x32xf32, #tpu.memory_space<vmem>>
        %dma_start3A_633 = tpu.memref_squeeze %dma_start3A_632 : memref<1x512x32xf32, #tpu.memory_space<vmem>> -> memref<512x32xf32, #tpu.memory_space<vmem>>
        %dma_start3A_634 = arith.constant 0 : i32
        %dma_start3A_635 = tpu.memref_slice %arg5[%select_n3A_223, %dma_start3A_634] : memref<2x512xi32, #tpu.memory_space<vmem>> -> memref<1x512xi32, #tpu.memory_space<vmem>>
        %dma_start3A_636 = tpu.memref_squeeze %dma_start3A_635 : memref<1x512xi32, #tpu.memory_space<vmem>> -> memref<512xi32, #tpu.memory_space<vmem>>
        %dma_start3A_637 = arith.constant 0 : i32
        %dma_start3A_638 = arith.constant 0 : i32
        %dma_start3A_639 = tpu.memref_slice %arg3[%dma_start3A_637, %dma_start3A_638] : memref<1000000x32xf32, #tpu.memory_space<hbm>> -> memref<1000000x32xf32, #tpu.memory_space<hbm>>
        %dma_start3A_640 = tpu.memref_slice %arg9[%select_n3A_223] : memref<2x!tpu.dma_semaphore, #tpu.memory_space<semaphore_mem>> -> memref<1x!tpu.dma_semaphore, #tpu.memory_space<semaphore_mem>>
        %dma_start3A_641 = tpu.memref_squeeze %dma_start3A_640 : memref<1x!tpu.dma_semaphore, #tpu.memory_space<semaphore_mem>> -> memref<!tpu.dma_semaphore, #tpu.memory_space<semaphore_mem>>
        tpu.enqueue_indirect_dma source(%dma_start3A_639 : memref<1000000x32xf32, #tpu.memory_space<hbm>>) target(%dma_start3A_633 : memref<512x32xf32, #tpu.memory_space<vmem>>) offsets(%dma_start3A_636 : memref<512xi32, #tpu.memory_space<vmem>>) semaphore(%dma_start3A_641 : memref<!tpu.dma_semaphore, #tpu.memory_space<semaphore_mem>>)
      } else {
      }
      %dma_wait3A_229 = arith.constant 0 : i32
      %dma_wait3A_230 = arith.constant 0 : i32
      %dma_wait3A_231 = tpu.memref_slice %arg6[%select_n3A_205, %dma_wait3A_229, %dma_wait3A_230] : memref<2x512x32xf32, #tpu.memory_space<vmem>> -> memref<1x512x32xf32, #tpu.memory_space<vmem>>
      %dma_wait3A_232 = tpu.memref_squeeze %dma_wait3A_231 : memref<1x512x32xf32, #tpu.memory_space<vmem>> -> memref<512x32xf32, #tpu.memory_space<vmem>>
      %dma_wait3A_233 = arith.constant 0 : i32
      %dma_wait3A_234 = tpu.memref_slice %arg5[%select_n3A_205, %dma_wait3A_233] : memref<2x512xi32, #tpu.memory_space<vmem>> -> memref<1x512xi32, #tpu.memory_space<vmem>>
      %dma_wait3A_235 = tpu.memref_squeeze %dma_wait3A_234 : memref<1x512xi32, #tpu.memory_space<vmem>> -> memref<512xi32, #tpu.memory_space<vmem>>
      %dma_wait3A_236 = arith.constant 0 : i32
      %dma_wait3A_237 = arith.constant 0 : i32
      %dma_wait3A_238 = tpu.memref_slice %arg3[%dma_wait3A_236, %dma_wait3A_237] : memref<1000000x32xf32, #tpu.memory_space<hbm>> -> memref<1000000x32xf32, #tpu.memory_space<hbm>>
      %dma_wait3A_239 = tpu.memref_slice %arg9[%select_n3A_205] : memref<2x!tpu.dma_semaphore, #tpu.memory_space<semaphore_mem>> -> memref<1x!tpu.dma_semaphore, #tpu.memory_space<semaphore_mem>>
      %dma_wait3A_240 = tpu.memref_squeeze %dma_wait3A_239 : memref<1x!tpu.dma_semaphore, #tpu.memory_space<semaphore_mem>> -> memref<!tpu.dma_semaphore, #tpu.memory_space<semaphore_mem>>
      tpu.wait_indirect_dma semaphore(%dma_wait3A_240 : memref<!tpu.dma_semaphore, #tpu.memory_space<semaphore_mem>>) src(%dma_wait3A_238 : memref<1000000x32xf32, #tpu.memory_space<hbm>>) dst(%dma_wait3A_232 : memref<512x32xf32, #tpu.memory_space<vmem>>)
      %add3A_241 = arith.constant 2 : i32
      %add3A_242 = arith.addi %scan3A_189, %add3A_241 : i32
      %lt3A_243 = arith.constant 200 : i32
      %lt3A_244 = arith.cmpi slt, %add3A_242, %lt3A_243 : i32
      %convert_element_type3A_245 = arith.extui %lt3A_244 : i1 to i32
      %cond3A_246 = arith.constant 0 : i32
      %cond3A_247 = arith.cmpi ne, %convert_element_type3A_245, %cond3A_246 : i32
      scf.if %cond3A_247 {
        %add3A_615 = arith.constant 2 : i32
        %add3A_616 = arith.addi %scan3A_189, %add3A_615 : i32
        %add3A_617 = arith.addi %mul3A_2, %add3A_616 : i32
        %jit3A_618 = arith.constant 32 : i32
        %div3A_619 = arith.divsi %add3A_617, %jit3A_618 : i32
        %sign3A_620 = arith.constant 0 : i32
        %sign3A_621 = arith.cmpi sgt, %add3A_617, %sign3A_620 : i32
        %sign3A_622 = arith.extui %sign3A_621 : i1 to i32
        %sign3A_623 = arith.constant 0 : i32
        %sign3A_624 = arith.cmpi slt, %add3A_617, %sign3A_623 : i32
        %sign3A_625 = arith.extui %sign3A_624 : i1 to i32
        %sign3A_626 = arith.subi %sign3A_622, %sign3A_625 : i32
        %sign3A_627 = arith.constant 0 : i32
        %sign3A_628 = arith.cmpi sgt, %jit3A_618, %sign3A_627 : i32
        %sign3A_629 = arith.extui %sign3A_628 : i1 to i32
        %sign3A_630 = arith.constant 0 : i32
        %sign3A_631 = arith.cmpi slt, %jit3A_618, %sign3A_630 : i32
        %sign3A_632 = arith.extui %sign3A_631 : i1 to i32
        %sign3A_633 = arith.subi %sign3A_629, %sign3A_632 : i32
        %ne3A_634 = arith.cmpi ne, %sign3A_626, %sign3A_633 : i32
        %rem3A_635 = arith.remsi %add3A_617, %jit3A_618 : i32
        %ne3A_636 = arith.constant 0 : i32
        %ne3A_637 = arith.cmpi ne, %rem3A_635, %ne3A_636 : i32
        %and3A_638 = arith.andi %ne3A_634, %ne3A_637 : i1
        %sub3A_639 = arith.constant 1 : i32
        %sub3A_640 = arith.subi %div3A_619, %sub3A_639 : i32
        %select_n3A_641 = arith.select %and3A_638, %sub3A_640, %div3A_619 : i32
        %jit3A_642 = arith.constant 32 : i32
        %eq3A_643 = arith.constant 0 : i32
        %eq3A_644 = arith.cmpi eq, %jit3A_642, %eq3A_643 : i32
        %jit3A_645 = arith.constant 1 : i32
        %select_n3A_646 = arith.select %eq3A_644, %jit3A_645, %jit3A_642 : i32
        %rem3A_647 = arith.remsi %add3A_617, %select_n3A_646 : i32
        %ne3A_648 = arith.constant 0 : i32
        %ne3A_649 = arith.cmpi ne, %rem3A_647, %ne3A_648 : i32
        %lt3A_650 = arith.constant 0 : i32
        %lt3A_651 = arith.cmpi slt, %rem3A_647, %lt3A_650 : i32
        %lt3A_652 = arith.constant 0 : i32
        %lt3A_653 = arith.cmpi slt, %select_n3A_646, %lt3A_652 : i32
        %ne3A_654 = arith.xori %lt3A_651, %lt3A_653 : i1
        %and3A_655 = arith.andi %ne3A_654, %ne3A_649 : i1
        %add3A_656 = arith.addi %rem3A_647, %select_n3A_646 : i32
        %select_n3A_657 = arith.select %and3A_655, %add3A_656, %rem3A_647 : i32
        %mul3A_658 = arith.constant 512 : i32
        %mul3A_659 = arith.muli %select_n3A_657, %mul3A_658 : i32
        %dma_start3A_660 = arith.constant 0 : i32
        %dma_start3A_661 = tpu.memref_slice %arg5[%select_n3A_205, %dma_start3A_660] : memref<2x512xi32, #tpu.memory_space<vmem>> -> memref<1x512xi32, #tpu.memory_space<vmem>>
        %dma_start3A_662 = tpu.memref_squeeze %dma_start3A_661 : memref<1x512xi32, #tpu.memory_space<vmem>> -> memref<512xi32, #tpu.memory_space<vmem>>
        %dma_start3A_663 = tpu.memref_slice %arg2[%select_n3A_641, %mul3A_659] : memref<200x16384xi32, #tpu.memory_space<hbm>> -> memref<1x512xi32, #tpu.memory_space<hbm>>
        %dma_start3A_664 = tpu.memref_squeeze %dma_start3A_663 : memref<1x512xi32, #tpu.memory_space<hbm>> -> memref<512xi32, #tpu.memory_space<hbm>>
        %dma_start3A_665 = tpu.memref_slice %arg8[%select_n3A_205] : memref<2x!tpu.dma_semaphore, #tpu.memory_space<semaphore_mem>> -> memref<1x!tpu.dma_semaphore, #tpu.memory_space<semaphore_mem>>
        %dma_start3A_666 = tpu.memref_squeeze %dma_start3A_665 : memref<1x!tpu.dma_semaphore, #tpu.memory_space<semaphore_mem>> -> memref<!tpu.dma_semaphore, #tpu.memory_space<semaphore_mem>>
        %dma_start3A_667 = arith.constant 0 : i32
        %dma_start3A_668 = tpu.memref_slice %arg5[%select_n3A_205, %dma_start3A_667] : memref<2x512xi32, #tpu.memory_space<vmem>> -> memref<1x512xi32, #tpu.memory_space<vmem>>
        %dma_start3A_669 = tpu.memref_squeeze %dma_start3A_668 : memref<1x512xi32, #tpu.memory_space<vmem>> -> memref<512xi32, #tpu.memory_space<vmem>>
        %dma_start3A_670 = tpu.memref_slice %arg2[%select_n3A_641, %mul3A_659] : memref<200x16384xi32, #tpu.memory_space<hbm>> -> memref<1x512xi32, #tpu.memory_space<hbm>>
        %dma_start3A_671 = tpu.memref_squeeze %dma_start3A_670 : memref<1x512xi32, #tpu.memory_space<hbm>> -> memref<512xi32, #tpu.memory_space<hbm>>
        tpu.enqueue_dma source(%dma_start3A_671 : memref<512xi32, #tpu.memory_space<hbm>>) target(%dma_start3A_669 : memref<512xi32, #tpu.memory_space<vmem>>) target_semaphore(%dma_start3A_666 : memref<!tpu.dma_semaphore, #tpu.memory_space<semaphore_mem>>)
      } else {
      }
      %ge3A = arith.constant 2 : i32
      %ge3A_248 = arith.cmpi sge, %scan3A_189, %ge3A : i32
      %convert_element_type3A_249 = arith.extui %ge3A_248 : i1 to i32
      %cond3A_250 = arith.constant 0 : i32
      %cond3A_251 = arith.cmpi ne, %convert_element_type3A_249, %cond3A_250 : i32
      scf.if %cond3A_251 {
        %dma_wait3A_615 = arith.constant 0 : i32
        %dma_wait3A_616 = arith.constant 0 : i32
        %dma_wait3A_617 = arith.constant 0 : i32
        %dma_wait3A_618 = tpu.memref_slice %arg7[%select_n3A_205, %dma_wait3A_616, %dma_wait3A_617] : memref<2x4x4096xf32, #tpu.memory_space<vmem>> -> memref<1x4x4096xf32, #tpu.memory_space<vmem>>
        %dma_wait3A_619 = tpu.memref_squeeze %dma_wait3A_618 : memref<1x4x4096xf32, #tpu.memory_space<vmem>> -> memref<4x4096xf32, #tpu.memory_space<vmem>>
        %dma_wait3A_620 = arith.constant 0 : i32
        %dma_wait3A_621 = arith.constant 0 : i32
        %dma_wait3A_622 = tpu.memref_slice %arg4[%dma_wait3A_615, %dma_wait3A_620, %dma_wait3A_621] : memref<200x4x131072xf32, #tpu.memory_space<hbm>> -> memref<1x4x4096xf32, #tpu.memory_space<hbm>>
        %dma_wait3A_623 = tpu.memref_squeeze %dma_wait3A_622 : memref<1x4x4096xf32, #tpu.memory_space<hbm>> -> memref<4x4096xf32, #tpu.memory_space<hbm>>
        %dma_wait3A_624 = tpu.memref_slice %arg10[%select_n3A_205] : memref<2x!tpu.dma_semaphore, #tpu.memory_space<semaphore_mem>> -> memref<1x!tpu.dma_semaphore, #tpu.memory_space<semaphore_mem>>
        %dma_wait3A_625 = tpu.memref_squeeze %dma_wait3A_624 : memref<1x!tpu.dma_semaphore, #tpu.memory_space<semaphore_mem>> -> memref<!tpu.dma_semaphore, #tpu.memory_space<semaphore_mem>>
        %dma_wait3A_626 = arith.constant 0 : i32
        %dma_wait3A_627 = arith.constant 0 : i32
        %dma_wait3A_628 = tpu.memref_slice %arg4[%dma_wait3A_615, %dma_wait3A_626, %dma_wait3A_627] : memref<200x4x131072xf32, #tpu.memory_space<hbm>> -> memref<1x4x4096xf32, #tpu.memory_space<hbm>>
        %dma_wait3A_629 = tpu.memref_squeeze %dma_wait3A_628 : memref<1x4x4096xf32, #tpu.memory_space<hbm>> -> memref<4x4096xf32, #tpu.memory_space<hbm>>
        %dma_wait3A_630 = arith.constant 0 : i32
        %dma_wait3A_631 = arith.constant 0 : i32
        %dma_wait3A_632 = tpu.memref_slice %arg7[%select_n3A_205, %dma_wait3A_630, %dma_wait3A_631] : memref<2x4x4096xf32, #tpu.memory_space<vmem>> -> memref<1x4x4096xf32, #tpu.memory_space<vmem>>
        %dma_wait3A_633 = tpu.memref_squeeze %dma_wait3A_632 : memref<1x4x4096xf32, #tpu.memory_space<vmem>> -> memref<4x4096xf32, #tpu.memory_space<vmem>>
        tpu.wait_dma2 semaphore(%dma_wait3A_625 : memref<!tpu.dma_semaphore, #tpu.memory_space<semaphore_mem>>) src(%dma_wait3A_633 : memref<4x4096xf32, #tpu.memory_space<vmem>>) dst(%dma_wait3A_629 : memref<4x4096xf32, #tpu.memory_space<hbm>>)
      } else {
      }
      %parallel_loop3A = arith.constant 0 : i32
      %parallel_loop3A_252 = arith.constant 16 : i32
      %parallel_loop3A_253 = arith.constant 1 : i32
      scf.for %parallel_loop3A_615 = %parallel_loop3A to %parallel_loop3A_252 step %parallel_loop3A_253  : i32 {
        %parallel_loop3A_616 = vector.broadcast %parallel_loop3A_615 : i32 to vector<16xi32>
        %parallel_loop3A_617 = arith.addi %iota3A, %parallel_loop3A_616 : vector<16xi32>
        %parallel_loop3A_618 = arith.constant 15 : i32
        %parallel_loop3A_619 = vector.broadcast %parallel_loop3A_618 : i32 to vector<16xi32>
        %parallel_loop3A_620 = arith.andi %parallel_loop3A_617, %parallel_loop3A_619 : vector<16xi32>
        %parallel_loop3A_621 = arith.addi %mul3A_5, %parallel_loop3A_620 : vector<16xi32>
        %parallel_loop3A_622 = arith.constant 0 : i32
        %parallel_loop3A_623 = vector.broadcast %parallel_loop3A_622 : i32 to vector<16xi32>
        %parallel_loop3A_624 = arith.addi %iota3A, %parallel_loop3A_623 : vector<16xi32>
        %parallel_loop3A_625 = arith.constant 0 : i32
        %parallel_loop3A_626 = vector.broadcast %parallel_loop3A_625 : i32 to vector<16xi32>
        %parallel_loop3A_627 = arith.addi %parallel_loop3A_620, %parallel_loop3A_626 : vector<16xi32>
        %parallel_loop3A_628 = arith.constant 0 : i32
        %parallel_loop3A_629 = arith.constant 0 : i32
        %parallel_loop3A_630 = tpu.memref_slice %arg6[%select_n3A_205, %parallel_loop3A_628, %parallel_loop3A_629] : memref<2x512x32xf32, #tpu.memory_space<vmem>> -> memref<1x512x32xf32, #tpu.memory_space<vmem>>
        %parallel_loop3A_631 = tpu.memref_squeeze %parallel_loop3A_630 : memref<1x512x32xf32, #tpu.memory_space<vmem>> -> memref<512x32xf32, #tpu.memory_space<vmem>>
        %parallel_loop3A_632 = tpu.vector_load_idx %parallel_loop3A_631[%parallel_loop3A_627, %parallel_loop3A_624] : memref<512x32xf32, #tpu.memory_space<vmem>>[vector<16xi32>, vector<16xi32>], vector<16xf32>,
        %parallel_loop3A_633 = arith.constant 0 : i32
        %parallel_loop3A_634 = vector.broadcast %parallel_loop3A_633 : i32 to vector<16xi32>
        %parallel_loop3A_635 = arith.addi %parallel_loop3A_621, %parallel_loop3A_634 : vector<16xi32>
        %parallel_loop3A_636 = arith.constant 0 : i32
        %parallel_loop3A_637 = arith.constant 0 : i32
        %parallel_loop3A_638 = tpu.memref_slice %arg7[%select_n3A_205, %parallel_loop3A_636, %parallel_loop3A_637] : memref<2x4x4096xf32, #tpu.memory_space<vmem>> -> memref<1x1x4096xf32, #tpu.memory_space<vmem>>
        %parallel_loop3A_639 = tpu.memref_squeeze %parallel_loop3A_638 : memref<1x1x4096xf32, #tpu.memory_space<vmem>> -> memref<4096xf32, #tpu.memory_space<vmem>>
        tpu.vector_store_idx %parallel_loop3A_639[%parallel_loop3A_635], %parallel_loop3A_632 : memref<4096xf32, #tpu.memory_space<vmem>>[vector<16xi32>], vector<16xf32>,
        %parallel_loop3A_640 = arith.constant 16 : i32
        %parallel_loop3A_641 = vector.broadcast %parallel_loop3A_640 : i32 to vector<16xi32>
        %parallel_loop3A_642 = arith.addi %iota3A, %parallel_loop3A_641 : vector<16xi32>
        %parallel_loop3A_643 = arith.constant 0 : i32
        %parallel_loop3A_644 = vector.broadcast %parallel_loop3A_643 : i32 to vector<16xi32>
        %parallel_loop3A_645 = arith.addi %parallel_loop3A_620, %parallel_loop3A_644 : vector<16xi32>
        %parallel_loop3A_646 = arith.constant 0 : i32
        %parallel_loop3A_647 = arith.constant 0 : i32
        %parallel_loop3A_648 = tpu.memref_slice %arg6[%select_n3A_205, %parallel_loop3A_646, %parallel_loop3A_647] : memref<2x512x32xf32, #tpu.memory_space<vmem>> -> memref<1x512x32xf32, #tpu.memory_space<vmem>>
        %parallel_loop3A_649 = tpu.memref_squeeze %parallel_loop3A_648 : memref<1x512x32xf32, #tpu.memory_space<vmem>> -> memref<512x32xf32, #tpu.memory_space<vmem>>
        %parallel_loop3A_650 = tpu.vector_load_idx %parallel_loop3A_649[%parallel_loop3A_645, %parallel_loop3A_642] : memref<512x32xf32, #tpu.memory_space<vmem>>[vector<16xi32>, vector<16xi32>], vector<16xf32>,
        %parallel_loop3A_651 = arith.constant 2048 : i32
        %parallel_loop3A_652 = vector.broadcast %parallel_loop3A_651 : i32 to vector<16xi32>
        %parallel_loop3A_653 = arith.addi %parallel_loop3A_621, %parallel_loop3A_652 : vector<16xi32>
        %parallel_loop3A_654 = arith.constant 0 : i32
        %parallel_loop3A_655 = arith.constant 0 : i32
        %parallel_loop3A_656 = tpu.memref_slice %arg7[%select_n3A_205, %parallel_loop3A_654, %parallel_loop3A_655] : memref<2x4x4096xf32, #tpu.memory_space<vmem>> -> memref<1x1x4096xf32, #tpu.memory_space<vmem>>
        %parallel_loop3A_657 = tpu.memref_squeeze %parallel_loop3A_656 : memref<1x1x4096xf32, #tpu.memory_space<vmem>> -> memref<4096xf32, #tpu.memory_space<vmem>>
        tpu.vector_store_idx %parallel_loop3A_657[%parallel_loop3A_653], %parallel_loop3A_650 : memref<4096xf32, #tpu.memory_space<vmem>>[vector<16xi32>], vector<16xf32>,
        %parallel_loop3A_658 = arith.constant 0 : i32
        %parallel_loop3A_659 = vector.broadcast %parallel_loop3A_658 : i32 to vector<16xi32>
        %parallel_loop3A_660 = arith.addi %iota3A, %parallel_loop3A_659 : vector<16xi32>
        %parallel_loop3A_661 = arith.constant 16 : i32
        %parallel_loop3A_662 = vector.broadcast %parallel_loop3A_661 : i32 to vector<16xi32>
        %parallel_loop3A_663 = arith.addi %parallel_loop3A_620, %parallel_loop3A_662 : vector<16xi32>
        %parallel_loop3A_664 = arith.constant 0 : i32
        %parallel_loop3A_665 = arith.constant 0 : i32
        %parallel_loop3A_666 = tpu.memref_slice %arg6[%select_n3A_205, %parallel_loop3A_664, %parallel_loop3A_665] : memref<2x512x32xf32, #tpu.memory_space<vmem>> -> memref<1x512x32xf32, #tpu.memory_space<vmem>>
        %parallel_loop3A_667 = tpu.memref_squeeze %parallel_loop3A_666 : memref<1x512x32xf32, #tpu.memory_space<vmem>> -> memref<512x32xf32, #tpu.memory_space<vmem>>
        %parallel_loop3A_668 = tpu.vector_load_idx %parallel_loop3A_667[%parallel_loop3A_663, %parallel_loop3A_660] : memref<512x32xf32, #tpu.memory_space<vmem>>[vector<16xi32>, vector<16xi32>], vector<16xf32>,
        %parallel_loop3A_669 = arith.constant 16 : i32
        %parallel_loop3A_670 = vector.broadcast %parallel_loop3A_669 : i32 to vector<16xi32>
        %parallel_loop3A_671 = arith.addi %parallel_loop3A_621, %parallel_loop3A_670 : vector<16xi32>
        %parallel_loop3A_672 = arith.constant 0 : i32
        %parallel_loop3A_673 = arith.constant 0 : i32
        %parallel_loop3A_674 = tpu.memref_slice %arg7[%select_n3A_205, %parallel_loop3A_672, %parallel_loop3A_673] : memref<2x4x4096xf32, #tpu.memory_space<vmem>> -> memref<1x1x4096xf32, #tpu.memory_space<vmem>>
        %parallel_loop3A_675 = tpu.memref_squeeze %parallel_loop3A_674 : memref<1x1x4096xf32, #tpu.memory_space<vmem>> -> memref<4096xf32, #tpu.memory_space<vmem>>
        tpu.vector_store_idx %parallel_loop3A_675[%parallel_loop3A_671], %parallel_loop3A_668 : memref<4096xf32, #tpu.memory_space<vmem>>[vector<16xi32>], vector<16xf32>,
        %parallel_loop3A_676 = arith.constant 16 : i32
        %parallel_loop3A_677 = vector.broadcast %parallel_loop3A_676 : i32 to vector<16xi32>
        %parallel_loop3A_678 = arith.addi %iota3A, %parallel_loop3A_677 : vector<16xi32>
        %parallel_loop3A_679 = arith.constant 16 : i32
        %parallel_loop3A_680 = vector.broadcast %parallel_loop3A_679 : i32 to vector<16xi32>
        %parallel_loop3A_681 = arith.addi %parallel_loop3A_620, %parallel_loop3A_680 : vector<16xi32>
        %parallel_loop3A_682 = arith.constant 0 : i32
        %parallel_loop3A_683 = arith.constant 0 : i32
        %parallel_loop3A_684 = tpu.memref_slice %arg6[%select_n3A_205, %parallel_loop3A_682, %parallel_loop3A_683] : memref<2x512x32xf32, #tpu.memory_space<vmem>> -> memref<1x512x32xf32, #tpu.memory_space<vmem>>
        %parallel_loop3A_685 = tpu.memref_squeeze %parallel_loop3A_684 : memref<1x512x32xf32, #tpu.memory_space<vmem>> -> memref<512x32xf32, #tpu.memory_space<vmem>>
        %parallel_loop3A_686 = tpu.vector_load_idx %parallel_loop3A_685[%parallel_loop3A_681, %parallel_loop3A_678] : memref<512x32xf32, #tpu.memory_space<vmem>>[vector<16xi32>, vector<16xi32>], vector<16xf32>,
        %parallel_loop3A_687 = arith.constant 2064 : i32
        %parallel_loop3A_688 = vector.broadcast %parallel_loop3A_687 : i32 to vector<16xi32>
        %parallel_loop3A_689 = arith.addi %parallel_loop3A_621, %parallel_loop3A_688 : vector<16xi32>
        %parallel_loop3A_690 = arith.constant 0 : i32
        %parallel_loop3A_691 = arith.constant 0 : i32
        %parallel_loop3A_692 = tpu.memref_slice %arg7[%select_n3A_205, %parallel_loop3A_690, %parallel_loop3A_691] : memref<2x4x4096xf32, #tpu.memory_space<vmem>> -> memref<1x1x4096xf32, #tpu.memory_space<vmem>>
        %parallel_loop3A_693 = tpu.memref_squeeze %parallel_loop3A_692 : memref<1x1x4096xf32, #tpu.memory_space<vmem>> -> memref<4096xf32, #tpu.memory_space<vmem>>
        tpu.vector_store_idx %parallel_loop3A_693[%parallel_loop3A_689], %parallel_loop3A_686 : memref<4096xf32, #tpu.memory_space<vmem>>[vector<16xi32>], vector<16xf32>,
        %parallel_loop3A_694 = arith.constant 0 : i32
        %parallel_loop3A_695 = vector.broadcast %parallel_loop3A_694 : i32 to vector<16xi32>
        %parallel_loop3A_696 = arith.addi %iota3A, %parallel_loop3A_695 : vector<16xi32>
        %parallel_loop3A_697 = arith.constant 32 : i32
        %parallel_loop3A_698 = vector.broadcast %parallel_loop3A_697 : i32 to vector<16xi32>
        %parallel_loop3A_699 = arith.addi %parallel_loop3A_620, %parallel_loop3A_698 : vector<16xi32>
        %parallel_loop3A_700 = arith.constant 0 : i32
        %parallel_loop3A_701 = arith.constant 0 : i32
        %parallel_loop3A_702 = tpu.memref_slice %arg6[%select_n3A_205, %parallel_loop3A_700, %parallel_loop3A_701] : memref<2x512x32xf32, #tpu.memory_space<vmem>> -> memref<1x512x32xf32, #tpu.memory_space<vmem>>
        %parallel_loop3A_703 = tpu.memref_squeeze %parallel_loop3A_702 : memref<1x512x32xf32, #tpu.memory_space<vmem>> -> memref<512x32xf32, #tpu.memory_space<vmem>>
        %parallel_loop3A_704 = tpu.vector_load_idx %parallel_loop3A_703[%parallel_loop3A_699, %parallel_loop3A_696] : memref<512x32xf32, #tpu.memory_space<vmem>>[vector<16xi32>, vector<16xi32>], vector<16xf32>,
        %parallel_loop3A_705 = arith.constant 32 : i32
        %parallel_loop3A_706 = vector.broadcast %parallel_loop3A_705 : i32 to vector<16xi32>
        %parallel_loop3A_707 = arith.addi %parallel_loop3A_621, %parallel_loop3A_706 : vector<16xi32>
        %parallel_loop3A_708 = arith.constant 0 : i32
        %parallel_loop3A_709 = arith.constant 0 : i32
        %parallel_loop3A_710 = tpu.memref_slice %arg7[%select_n3A_205, %parallel_loop3A_708, %parallel_loop3A_709] : memref<2x4x4096xf32, #tpu.memory_space<vmem>> -> memref<1x1x4096xf32, #tpu.memory_space<vmem>>
        %parallel_loop3A_711 = tpu.memref_squeeze %parallel_loop3A_710 : memref<1x1x4096xf32, #tpu.memory_space<vmem>> -> memref<4096xf32, #tpu.memory_space<vmem>>
        tpu.vector_store_idx %parallel_loop3A_711[%parallel_loop3A_707], %parallel_loop3A_704 : memref<4096xf32, #tpu.memory_space<vmem>>[vector<16xi32>], vector<16xf32>,
        %parallel_loop3A_712 = arith.constant 16 : i32
        %parallel_loop3A_713 = vector.broadcast %parallel_loop3A_712 : i32 to vector<16xi32>
        %parallel_loop3A_714 = arith.addi %iota3A, %parallel_loop3A_713 : vector<16xi32>
        %parallel_loop3A_715 = arith.constant 32 : i32
        %parallel_loop3A_716 = vector.broadcast %parallel_loop3A_715 : i32 to vector<16xi32>
        %parallel_loop3A_717 = arith.addi %parallel_loop3A_620, %parallel_loop3A_716 : vector<16xi32>
        %parallel_loop3A_718 = arith.constant 0 : i32
        %parallel_loop3A_719 = arith.constant 0 : i32
        %parallel_loop3A_720 = tpu.memref_slice %arg6[%select_n3A_205, %parallel_loop3A_718, %parallel_loop3A_719] : memref<2x512x32xf32, #tpu.memory_space<vmem>> -> memref<1x512x32xf32, #tpu.memory_space<vmem>>
        %parallel_loop3A_721 = tpu.memref_squeeze %parallel_loop3A_720 : memref<1x512x32xf32, #tpu.memory_space<vmem>> -> memref<512x32xf32, #tpu.memory_space<vmem>>
        %parallel_loop3A_722 = tpu.vector_load_idx %parallel_loop3A_721[%parallel_loop3A_717, %parallel_loop3A_714] : memref<512x32xf32, #tpu.memory_space<vmem>>[vector<16xi32>, vector<16xi32>], vector<16xf32>,
        %parallel_loop3A_723 = arith.constant 2080 : i32
        %parallel_loop3A_724 = vector.broadcast %parallel_loop3A_723 : i32 to vector<16xi32>
        %parallel_loop3A_725 = arith.addi %parallel_loop3A_621, %parallel_loop3A_724 : vector<16xi32>
        %parallel_loop3A_726 = arith.constant 0 : i32
        %parallel_loop3A_727 = arith.constant 0 : i32
        %parallel_loop3A_728 = tpu.memref_slice %arg7[%select_n3A_205, %parallel_loop3A_726, %parallel_loop3A_727] : memref<2x4x4096xf32, #tpu.memory_space<vmem>> -> memref<1x1x4096xf32, #tpu.memory_space<vmem>>
        %parallel_loop3A_729 = tpu.memref_squeeze %parallel_loop3A_728 : memref<1x1x4096xf32, #tpu.memory_space<vmem>> -> memref<4096xf32, #tpu.memory_space<vmem>>
        tpu.vector_store_idx %parallel_loop3A_729[%parallel_loop3A_725], %parallel_loop3A_722 : memref<4096xf32, #tpu.memory_space<vmem>>[vector<16xi32>], vector<16xf32>,
        %parallel_loop3A_730 = arith.constant 0 : i32
        %parallel_loop3A_731 = vector.broadcast %parallel_loop3A_730 : i32 to vector<16xi32>
        %parallel_loop3A_732 = arith.addi %iota3A, %parallel_loop3A_731 : vector<16xi32>
        %parallel_loop3A_733 = arith.constant 48 : i32
        %parallel_loop3A_734 = vector.broadcast %parallel_loop3A_733 : i32 to vector<16xi32>
        %parallel_loop3A_735 = arith.addi %parallel_loop3A_620, %parallel_loop3A_734 : vector<16xi32>
        %parallel_loop3A_736 = arith.constant 0 : i32
        %parallel_loop3A_737 = arith.constant 0 : i32
        %parallel_loop3A_738 = tpu.memref_slice %arg6[%select_n3A_205, %parallel_loop3A_736, %parallel_loop3A_737] : memref<2x512x32xf32, #tpu.memory_space<vmem>> -> memref<1x512x32xf32, #tpu.memory_space<vmem>>
        %parallel_loop3A_739 = tpu.memref_squeeze %parallel_loop3A_738 : memref<1x512x32xf32, #tpu.memory_space<vmem>> -> memref<512x32xf32, #tpu.memory_space<vmem>>
        %parallel_loop3A_740 = tpu.vector_load_idx %parallel_loop3A_739[%parallel_loop3A_735, %parallel_loop3A_732] : memref<512x32xf32, #tpu.memory_space<vmem>>[vector<16xi32>, vector<16xi32>], vector<16xf32>,
        %parallel_loop3A_741 = arith.constant 48 : i32
        %parallel_loop3A_742 = vector.broadcast %parallel_loop3A_741 : i32 to vector<16xi32>
        %parallel_loop3A_743 = arith.addi %parallel_loop3A_621, %parallel_loop3A_742 : vector<16xi32>
        %parallel_loop3A_744 = arith.constant 0 : i32
        %parallel_loop3A_745 = arith.constant 0 : i32
        %parallel_loop3A_746 = tpu.memref_slice %arg7[%select_n3A_205, %parallel_loop3A_744, %parallel_loop3A_745] : memref<2x4x4096xf32, #tpu.memory_space<vmem>> -> memref<1x1x4096xf32, #tpu.memory_space<vmem>>
        %parallel_loop3A_747 = tpu.memref_squeeze %parallel_loop3A_746 : memref<1x1x4096xf32, #tpu.memory_space<vmem>> -> memref<4096xf32, #tpu.memory_space<vmem>>
        tpu.vector_store_idx %parallel_loop3A_747[%parallel_loop3A_743], %parallel_loop3A_740 : memref<4096xf32, #tpu.memory_space<vmem>>[vector<16xi32>], vector<16xf32>,
        %parallel_loop3A_748 = arith.constant 16 : i32
        %parallel_loop3A_749 = vector.broadcast %parallel_loop3A_748 : i32 to vector<16xi32>
        %parallel_loop3A_750 = arith.addi %iota3A, %parallel_loop3A_749 : vector<16xi32>
        %parallel_loop3A_751 = arith.constant 48 : i32
        %parallel_loop3A_752 = vector.broadcast %parallel_loop3A_751 : i32 to vector<16xi32>
        %parallel_loop3A_753 = arith.addi %parallel_loop3A_620, %parallel_loop3A_752 : vector<16xi32>
        %parallel_loop3A_754 = arith.constant 0 : i32
        %parallel_loop3A_755 = arith.constant 0 : i32
        %parallel_loop3A_756 = tpu.memref_slice %arg6[%select_n3A_205, %parallel_loop3A_754, %parallel_loop3A_755] : memref<2x512x32xf32, #tpu.memory_space<vmem>> -> memref<1x512x32xf32, #tpu.memory_space<vmem>>
        %parallel_loop3A_757 = tpu.memref_squeeze %parallel_loop3A_756 : memref<1x512x32xf32, #tpu.memory_space<vmem>> -> memref<512x32xf32, #tpu.memory_space<vmem>>
        %parallel_loop3A_758 = tpu.vector_load_idx %parallel_loop3A_757[%parallel_loop3A_753, %parallel_loop3A_750] : memref<512x32xf32, #tpu.memory_space<vmem>>[vector<16xi32>, vector<16xi32>], vector<16xf32>,
        %parallel_loop3A_759 = arith.constant 2096 : i32
        %parallel_loop3A_760 = vector.broadcast %parallel_loop3A_759 : i32 to vector<16xi32>
        %parallel_loop3A_761 = arith.addi %parallel_loop3A_621, %parallel_loop3A_760 : vector<16xi32>
        %parallel_loop3A_762 = arith.constant 0 : i32
        %parallel_loop3A_763 = arith.constant 0 : i32
        %parallel_loop3A_764 = tpu.memref_slice %arg7[%select_n3A_205, %parallel_loop3A_762, %parallel_loop3A_763] : memref<2x4x4096xf32, #tpu.memory_space<vmem>> -> memref<1x1x4096xf32, #tpu.memory_space<vmem>>
        %parallel_loop3A_765 = tpu.memref_squeeze %parallel_loop3A_764 : memref<1x1x4096xf32, #tpu.memory_space<vmem>> -> memref<4096xf32, #tpu.memory_space<vmem>>
        tpu.vector_store_idx %parallel_loop3A_765[%parallel_loop3A_761], %parallel_loop3A_758 : memref<4096xf32, #tpu.memory_space<vmem>>[vector<16xi32>], vector<16xf32>,
        %parallel_loop3A_766 = arith.constant 0 : i32
        %parallel_loop3A_767 = vector.broadcast %parallel_loop3A_766 : i32 to vector<16xi32>
        %parallel_loop3A_768 = arith.addi %iota3A, %parallel_loop3A_767 : vector<16xi32>
        %parallel_loop3A_769 = arith.constant 64 : i32
        %parallel_loop3A_770 = vector.broadcast %parallel_loop3A_769 : i32 to vector<16xi32>
        %parallel_loop3A_771 = arith.addi %parallel_loop3A_620, %parallel_loop3A_770 : vector<16xi32>
        %parallel_loop3A_772 = arith.constant 0 : i32
        %parallel_loop3A_773 = arith.constant 0 : i32
        %parallel_loop3A_774 = tpu.memref_slice %arg6[%select_n3A_205, %parallel_loop3A_772, %parallel_loop3A_773] : memref<2x512x32xf32, #tpu.memory_space<vmem>> -> memref<1x512x32xf32, #tpu.memory_space<vmem>>
        %parallel_loop3A_775 = tpu.memref_squeeze %parallel_loop3A_774 : memref<1x512x32xf32, #tpu.memory_space<vmem>> -> memref<512x32xf32, #tpu.memory_space<vmem>>
        %parallel_loop3A_776 = tpu.vector_load_idx %parallel_loop3A_775[%parallel_loop3A_771, %parallel_loop3A_768] : memref<512x32xf32, #tpu.memory_space<vmem>>[vector<16xi32>, vector<16xi32>], vector<16xf32>,
        %parallel_loop3A_777 = arith.constant 64 : i32
        %parallel_loop3A_778 = vector.broadcast %parallel_loop3A_777 : i32 to vector<16xi32>
        %parallel_loop3A_779 = arith.addi %parallel_loop3A_621, %parallel_loop3A_778 : vector<16xi32>
        %parallel_loop3A_780 = arith.constant 0 : i32
        %parallel_loop3A_781 = arith.constant 0 : i32
        %parallel_loop3A_782 = tpu.memref_slice %arg7[%select_n3A_205, %parallel_loop3A_780, %parallel_loop3A_781] : memref<2x4x4096xf32, #tpu.memory_space<vmem>> -> memref<1x1x4096xf32, #tpu.memory_space<vmem>>
        %parallel_loop3A_783 = tpu.memref_squeeze %parallel_loop3A_782 : memref<1x1x4096xf32, #tpu.memory_space<vmem>> -> memref<4096xf32, #tpu.memory_space<vmem>>
        tpu.vector_store_idx %parallel_loop3A_783[%parallel_loop3A_779], %parallel_loop3A_776 : memref<4096xf32, #tpu.memory_space<vmem>>[vector<16xi32>], vector<16xf32>,
        %parallel_loop3A_784 = arith.constant 16 : i32
        %parallel_loop3A_785 = vector.broadcast %parallel_loop3A_784 : i32 to vector<16xi32>
        %parallel_loop3A_786 = arith.addi %iota3A, %parallel_loop3A_785 : vector<16xi32>
        %parallel_loop3A_787 = arith.constant 64 : i32
        %parallel_loop3A_788 = vector.broadcast %parallel_loop3A_787 : i32 to vector<16xi32>
        %parallel_loop3A_789 = arith.addi %parallel_loop3A_620, %parallel_loop3A_788 : vector<16xi32>
        %parallel_loop3A_790 = arith.constant 0 : i32
        %parallel_loop3A_791 = arith.constant 0 : i32
        %parallel_loop3A_792 = tpu.memref_slice %arg6[%select_n3A_205, %parallel_loop3A_790, %parallel_loop3A_791] : memref<2x512x32xf32, #tpu.memory_space<vmem>> -> memref<1x512x32xf32, #tpu.memory_space<vmem>>
        %parallel_loop3A_793 = tpu.memref_squeeze %parallel_loop3A_792 : memref<1x512x32xf32, #tpu.memory_space<vmem>> -> memref<512x32xf32, #tpu.memory_space<vmem>>
        %parallel_loop3A_794 = tpu.vector_load_idx %parallel_loop3A_793[%parallel_loop3A_789, %parallel_loop3A_786] : memref<512x32xf32, #tpu.memory_space<vmem>>[vector<16xi32>, vector<16xi32>], vector<16xf32>,
        %parallel_loop3A_795 = arith.constant 2112 : i32
        %parallel_loop3A_796 = vector.broadcast %parallel_loop3A_795 : i32 to vector<16xi32>
        %parallel_loop3A_797 = arith.addi %parallel_loop3A_621, %parallel_loop3A_796 : vector<16xi32>
        %parallel_loop3A_798 = arith.constant 0 : i32
        %parallel_loop3A_799 = arith.constant 0 : i32
        %parallel_loop3A_800 = tpu.memref_slice %arg7[%select_n3A_205, %parallel_loop3A_798, %parallel_loop3A_799] : memref<2x4x4096xf32, #tpu.memory_space<vmem>> -> memref<1x1x4096xf32, #tpu.memory_space<vmem>>
        %parallel_loop3A_801 = tpu.memref_squeeze %parallel_loop3A_800 : memref<1x1x4096xf32, #tpu.memory_space<vmem>> -> memref<4096xf32, #tpu.memory_space<vmem>>
        tpu.vector_store_idx %parallel_loop3A_801[%parallel_loop3A_797], %parallel_loop3A_794 : memref<4096xf32, #tpu.memory_space<vmem>>[vector<16xi32>], vector<16xf32>,
        %parallel_loop3A_802 = arith.constant 0 : i32
        %parallel_loop3A_803 = vector.broadcast %parallel_loop3A_802 : i32 to vector<16xi32>
        %parallel_loop3A_804 = arith.addi %iota3A, %parallel_loop3A_803 : vector<16xi32>
        %parallel_loop3A_805 = arith.constant 80 : i32
        %parallel_loop3A_806 = vector.broadcast %parallel_loop3A_805 : i32 to vector<16xi32>
        %parallel_loop3A_807 = arith.addi %parallel_loop3A_620, %parallel_loop3A_806 : vector<16xi32>
        %parallel_loop3A_808 = arith.constant 0 : i32
        %parallel_loop3A_809 = arith.constant 0 : i32
        %parallel_loop3A_810 = tpu.memref_slice %arg6[%select_n3A_205, %parallel_loop3A_808, %parallel_loop3A_809] : memref<2x512x32xf32, #tpu.memory_space<vmem>> -> memref<1x512x32xf32, #tpu.memory_space<vmem>>
        %parallel_loop3A_811 = tpu.memref_squeeze %parallel_loop3A_810 : memref<1x512x32xf32, #tpu.memory_space<vmem>> -> memref<512x32xf32, #tpu.memory_space<vmem>>
        %parallel_loop3A_812 = tpu.vector_load_idx %parallel_loop3A_811[%parallel_loop3A_807, %parallel_loop3A_804] : memref<512x32xf32, #tpu.memory_space<vmem>>[vector<16xi32>, vector<16xi32>], vector<16xf32>,
        %parallel_loop3A_813 = arith.constant 80 : i32
        %parallel_loop3A_814 = vector.broadcast %parallel_loop3A_813 : i32 to vector<16xi32>
        %parallel_loop3A_815 = arith.addi %parallel_loop3A_621, %parallel_loop3A_814 : vector<16xi32>
        %parallel_loop3A_816 = arith.constant 0 : i32
        %parallel_loop3A_817 = arith.constant 0 : i32
        %parallel_loop3A_818 = tpu.memref_slice %arg7[%select_n3A_205, %parallel_loop3A_816, %parallel_loop3A_817] : memref<2x4x4096xf32, #tpu.memory_space<vmem>> -> memref<1x1x4096xf32, #tpu.memory_space<vmem>>
        %parallel_loop3A_819 = tpu.memref_squeeze %parallel_loop3A_818 : memref<1x1x4096xf32, #tpu.memory_space<vmem>> -> memref<4096xf32, #tpu.memory_space<vmem>>
        tpu.vector_store_idx %parallel_loop3A_819[%parallel_loop3A_815], %parallel_loop3A_812 : memref<4096xf32, #tpu.memory_space<vmem>>[vector<16xi32>], vector<16xf32>,
        %parallel_loop3A_820 = arith.constant 16 : i32
        %parallel_loop3A_821 = vector.broadcast %parallel_loop3A_820 : i32 to vector<16xi32>
        %parallel_loop3A_822 = arith.addi %iota3A, %parallel_loop3A_821 : vector<16xi32>
        %parallel_loop3A_823 = arith.constant 80 : i32
        %parallel_loop3A_824 = vector.broadcast %parallel_loop3A_823 : i32 to vector<16xi32>
        %parallel_loop3A_825 = arith.addi %parallel_loop3A_620, %parallel_loop3A_824 : vector<16xi32>
        %parallel_loop3A_826 = arith.constant 0 : i32
        %parallel_loop3A_827 = arith.constant 0 : i32
        %parallel_loop3A_828 = tpu.memref_slice %arg6[%select_n3A_205, %parallel_loop3A_826, %parallel_loop3A_827] : memref<2x512x32xf32, #tpu.memory_space<vmem>> -> memref<1x512x32xf32, #tpu.memory_space<vmem>>
        %parallel_loop3A_829 = tpu.memref_squeeze %parallel_loop3A_828 : memref<1x512x32xf32, #tpu.memory_space<vmem>> -> memref<512x32xf32, #tpu.memory_space<vmem>>
        %parallel_loop3A_830 = tpu.vector_load_idx %parallel_loop3A_829[%parallel_loop3A_825, %parallel_loop3A_822] : memref<512x32xf32, #tpu.memory_space<vmem>>[vector<16xi32>, vector<16xi32>], vector<16xf32>,
        %parallel_loop3A_831 = arith.constant 2128 : i32
        %parallel_loop3A_832 = vector.broadcast %parallel_loop3A_831 : i32 to vector<16xi32>
        %parallel_loop3A_833 = arith.addi %parallel_loop3A_621, %parallel_loop3A_832 : vector<16xi32>
        %parallel_loop3A_834 = arith.constant 0 : i32
        %parallel_loop3A_835 = arith.constant 0 : i32
        %parallel_loop3A_836 = tpu.memref_slice %arg7[%select_n3A_205, %parallel_loop3A_834, %parallel_loop3A_835] : memref<2x4x4096xf32, #tpu.memory_space<vmem>> -> memref<1x1x4096xf32, #tpu.memory_space<vmem>>
        %parallel_loop3A_837 = tpu.memref_squeeze %parallel_loop3A_836 : memref<1x1x4096xf32, #tpu.memory_space<vmem>> -> memref<4096xf32, #tpu.memory_space<vmem>>
        tpu.vector_store_idx %parallel_loop3A_837[%parallel_loop3A_833], %parallel_loop3A_830 : memref<4096xf32, #tpu.memory_space<vmem>>[vector<16xi32>], vector<16xf32>,
        %parallel_loop3A_838 = arith.constant 0 : i32
        %parallel_loop3A_839 = vector.broadcast %parallel_loop3A_838 : i32 to vector<16xi32>
        %parallel_loop3A_840 = arith.addi %iota3A, %parallel_loop3A_839 : vector<16xi32>
        %parallel_loop3A_841 = arith.constant 96 : i32
        %parallel_loop3A_842 = vector.broadcast %parallel_loop3A_841 : i32 to vector<16xi32>
        %parallel_loop3A_843 = arith.addi %parallel_loop3A_620, %parallel_loop3A_842 : vector<16xi32>
        %parallel_loop3A_844 = arith.constant 0 : i32
        %parallel_loop3A_845 = arith.constant 0 : i32
        %parallel_loop3A_846 = tpu.memref_slice %arg6[%select_n3A_205, %parallel_loop3A_844, %parallel_loop3A_845] : memref<2x512x32xf32, #tpu.memory_space<vmem>> -> memref<1x512x32xf32, #tpu.memory_space<vmem>>
        %parallel_loop3A_847 = tpu.memref_squeeze %parallel_loop3A_846 : memref<1x512x32xf32, #tpu.memory_space<vmem>> -> memref<512x32xf32, #tpu.memory_space<vmem>>
        %parallel_loop3A_848 = tpu.vector_load_idx %parallel_loop3A_847[%parallel_loop3A_843, %parallel_loop3A_840] : memref<512x32xf32, #tpu.memory_space<vmem>>[vector<16xi32>, vector<16xi32>], vector<16xf32>,
        %parallel_loop3A_849 = arith.constant 96 : i32
        %parallel_loop3A_850 = vector.broadcast %parallel_loop3A_849 : i32 to vector<16xi32>
        %parallel_loop3A_851 = arith.addi %parallel_loop3A_621, %parallel_loop3A_850 : vector<16xi32>
        %parallel_loop3A_852 = arith.constant 0 : i32
        %parallel_loop3A_853 = arith.constant 0 : i32
        %parallel_loop3A_854 = tpu.memref_slice %arg7[%select_n3A_205, %parallel_loop3A_852, %parallel_loop3A_853] : memref<2x4x4096xf32, #tpu.memory_space<vmem>> -> memref<1x1x4096xf32, #tpu.memory_space<vmem>>
        %parallel_loop3A_855 = tpu.memref_squeeze %parallel_loop3A_854 : memref<1x1x4096xf32, #tpu.memory_space<vmem>> -> memref<4096xf32, #tpu.memory_space<vmem>>
        tpu.vector_store_idx %parallel_loop3A_855[%parallel_loop3A_851], %parallel_loop3A_848 : memref<4096xf32, #tpu.memory_space<vmem>>[vector<16xi32>], vector<16xf32>,
        %parallel_loop3A_856 = arith.constant 16 : i32
        %parallel_loop3A_857 = vector.broadcast %parallel_loop3A_856 : i32 to vector<16xi32>
        %parallel_loop3A_858 = arith.addi %iota3A, %parallel_loop3A_857 : vector<16xi32>
        %parallel_loop3A_859 = arith.constant 96 : i32
        %parallel_loop3A_860 = vector.broadcast %parallel_loop3A_859 : i32 to vector<16xi32>
        %parallel_loop3A_861 = arith.addi %parallel_loop3A_620, %parallel_loop3A_860 : vector<16xi32>
        %parallel_loop3A_862 = arith.constant 0 : i32
        %parallel_loop3A_863 = arith.constant 0 : i32
        %parallel_loop3A_864 = tpu.memref_slice %arg6[%select_n3A_205, %parallel_loop3A_862, %parallel_loop3A_863] : memref<2x512x32xf32, #tpu.memory_space<vmem>> -> memref<1x512x32xf32, #tpu.memory_space<vmem>>
        %parallel_loop3A_865 = tpu.memref_squeeze %parallel_loop3A_864 : memref<1x512x32xf32, #tpu.memory_space<vmem>> -> memref<512x32xf32, #tpu.memory_space<vmem>>
        %parallel_loop3A_866 = tpu.vector_load_idx %parallel_loop3A_865[%parallel_loop3A_861, %parallel_loop3A_858] : memref<512x32xf32, #tpu.memory_space<vmem>>[vector<16xi32>, vector<16xi32>], vector<16xf32>,
        %parallel_loop3A_867 = arith.constant 2144 : i32
        %parallel_loop3A_868 = vector.broadcast %parallel_loop3A_867 : i32 to vector<16xi32>
        %parallel_loop3A_869 = arith.addi %parallel_loop3A_621, %parallel_loop3A_868 : vector<16xi32>
        %parallel_loop3A_870 = arith.constant 0 : i32
        %parallel_loop3A_871 = arith.constant 0 : i32
        %parallel_loop3A_872 = tpu.memref_slice %arg7[%select_n3A_205, %parallel_loop3A_870, %parallel_loop3A_871] : memref<2x4x4096xf32, #tpu.memory_space<vmem>> -> memref<1x1x4096xf32, #tpu.memory_space<vmem>>
        %parallel_loop3A_873 = tpu.memref_squeeze %parallel_loop3A_872 : memref<1x1x4096xf32, #tpu.memory_space<vmem>> -> memref<4096xf32, #tpu.memory_space<vmem>>
        tpu.vector_store_idx %parallel_loop3A_873[%parallel_loop3A_869], %parallel_loop3A_866 : memref<4096xf32, #tpu.memory_space<vmem>>[vector<16xi32>], vector<16xf32>,
        %parallel_loop3A_874 = arith.constant 0 : i32
        %parallel_loop3A_875 = vector.broadcast %parallel_loop3A_874 : i32 to vector<16xi32>
        %parallel_loop3A_876 = arith.addi %iota3A, %parallel_loop3A_875 : vector<16xi32>
        %parallel_loop3A_877 = arith.constant 112 : i32
        %parallel_loop3A_878 = vector.broadcast %parallel_loop3A_877 : i32 to vector<16xi32>
        %parallel_loop3A_879 = arith.addi %parallel_loop3A_620, %parallel_loop3A_878 : vector<16xi32>
        %parallel_loop3A_880 = arith.constant 0 : i32
        %parallel_loop3A_881 = arith.constant 0 : i32
        %parallel_loop3A_882 = tpu.memref_slice %arg6[%select_n3A_205, %parallel_loop3A_880, %parallel_loop3A_881] : memref<2x512x32xf32, #tpu.memory_space<vmem>> -> memref<1x512x32xf32, #tpu.memory_space<vmem>>
        %parallel_loop3A_883 = tpu.memref_squeeze %parallel_loop3A_882 : memref<1x512x32xf32, #tpu.memory_space<vmem>> -> memref<512x32xf32, #tpu.memory_space<vmem>>
        %parallel_loop3A_884 = tpu.vector_load_idx %parallel_loop3A_883[%parallel_loop3A_879, %parallel_loop3A_876] : memref<512x32xf32, #tpu.memory_space<vmem>>[vector<16xi32>, vector<16xi32>], vector<16xf32>,
        %parallel_loop3A_885 = arith.constant 112 : i32
        %parallel_loop3A_886 = vector.broadcast %parallel_loop3A_885 : i32 to vector<16xi32>
        %parallel_loop3A_887 = arith.addi %parallel_loop3A_621, %parallel_loop3A_886 : vector<16xi32>
        %parallel_loop3A_888 = arith.constant 0 : i32
        %parallel_loop3A_889 = arith.constant 0 : i32
        %parallel_loop3A_890 = tpu.memref_slice %arg7[%select_n3A_205, %parallel_loop3A_888, %parallel_loop3A_889] : memref<2x4x4096xf32, #tpu.memory_space<vmem>> -> memref<1x1x4096xf32, #tpu.memory_space<vmem>>
        %parallel_loop3A_891 = tpu.memref_squeeze %parallel_loop3A_890 : memref<1x1x4096xf32, #tpu.memory_space<vmem>> -> memref<4096xf32, #tpu.memory_space<vmem>>
        tpu.vector_store_idx %parallel_loop3A_891[%parallel_loop3A_887], %parallel_loop3A_884 : memref<4096xf32, #tpu.memory_space<vmem>>[vector<16xi32>], vector<16xf32>,
        %parallel_loop3A_892 = arith.constant 16 : i32
        %parallel_loop3A_893 = vector.broadcast %parallel_loop3A_892 : i32 to vector<16xi32>
        %parallel_loop3A_894 = arith.addi %iota3A, %parallel_loop3A_893 : vector<16xi32>
        %parallel_loop3A_895 = arith.constant 112 : i32
        %parallel_loop3A_896 = vector.broadcast %parallel_loop3A_895 : i32 to vector<16xi32>
        %parallel_loop3A_897 = arith.addi %parallel_loop3A_620, %parallel_loop3A_896 : vector<16xi32>
        %parallel_loop3A_898 = arith.constant 0 : i32
        %parallel_loop3A_899 = arith.constant 0 : i32
        %parallel_loop3A_900 = tpu.memref_slice %arg6[%select_n3A_205, %parallel_loop3A_898, %parallel_loop3A_899] : memref<2x512x32xf32, #tpu.memory_space<vmem>> -> memref<1x512x32xf32, #tpu.memory_space<vmem>>
        %parallel_loop3A_901 = tpu.memref_squeeze %parallel_loop3A_900 : memref<1x512x32xf32, #tpu.memory_space<vmem>> -> memref<512x32xf32, #tpu.memory_space<vmem>>
        %parallel_loop3A_902 = tpu.vector_load_idx %parallel_loop3A_901[%parallel_loop3A_897, %parallel_loop3A_894] : memref<512x32xf32, #tpu.memory_space<vmem>>[vector<16xi32>, vector<16xi32>], vector<16xf32>,
        %parallel_loop3A_903 = arith.constant 2160 : i32
        %parallel_loop3A_904 = vector.broadcast %parallel_loop3A_903 : i32 to vector<16xi32>
        %parallel_loop3A_905 = arith.addi %parallel_loop3A_621, %parallel_loop3A_904 : vector<16xi32>
        %parallel_loop3A_906 = arith.constant 0 : i32
        %parallel_loop3A_907 = arith.constant 0 : i32
        %parallel_loop3A_908 = tpu.memref_slice %arg7[%select_n3A_205, %parallel_loop3A_906, %parallel_loop3A_907] : memref<2x4x4096xf32, #tpu.memory_space<vmem>> -> memref<1x1x4096xf32, #tpu.memory_space<vmem>>
        %parallel_loop3A_909 = tpu.memref_squeeze %parallel_loop3A_908 : memref<1x1x4096xf32, #tpu.memory_space<vmem>> -> memref<4096xf32, #tpu.memory_space<vmem>>
        tpu.vector_store_idx %parallel_loop3A_909[%parallel_loop3A_905], %parallel_loop3A_902 : memref<4096xf32, #tpu.memory_space<vmem>>[vector<16xi32>], vector<16xf32>,
        %parallel_loop3A_910 = arith.constant 0 : i32
        %parallel_loop3A_911 = vector.broadcast %parallel_loop3A_910 : i32 to vector<16xi32>
        %parallel_loop3A_912 = arith.addi %iota3A, %parallel_loop3A_911 : vector<16xi32>
        %parallel_loop3A_913 = arith.constant 128 : i32
        %parallel_loop3A_914 = vector.broadcast %parallel_loop3A_913 : i32 to vector<16xi32>
        %parallel_loop3A_915 = arith.addi %parallel_loop3A_620, %parallel_loop3A_914 : vector<16xi32>
        %parallel_loop3A_916 = arith.constant 0 : i32
        %parallel_loop3A_917 = arith.constant 0 : i32
        %parallel_loop3A_918 = tpu.memref_slice %arg6[%select_n3A_205, %parallel_loop3A_916, %parallel_loop3A_917] : memref<2x512x32xf32, #tpu.memory_space<vmem>> -> memref<1x512x32xf32, #tpu.memory_space<vmem>>
        %parallel_loop3A_919 = tpu.memref_squeeze %parallel_loop3A_918 : memref<1x512x32xf32, #tpu.memory_space<vmem>> -> memref<512x32xf32, #tpu.memory_space<vmem>>
        %parallel_loop3A_920 = tpu.vector_load_idx %parallel_loop3A_919[%parallel_loop3A_915, %parallel_loop3A_912] : memref<512x32xf32, #tpu.memory_space<vmem>>[vector<16xi32>, vector<16xi32>], vector<16xf32>,
        %parallel_loop3A_921 = arith.constant 0 : i32
        %parallel_loop3A_922 = vector.broadcast %parallel_loop3A_921 : i32 to vector<16xi32>
        %parallel_loop3A_923 = arith.addi %parallel_loop3A_621, %parallel_loop3A_922 : vector<16xi32>
        %parallel_loop3A_924 = arith.constant 1 : i32
        %parallel_loop3A_925 = arith.constant 0 : i32
        %parallel_loop3A_926 = tpu.memref_slice %arg7[%select_n3A_205, %parallel_loop3A_924, %parallel_loop3A_925] : memref<2x4x4096xf32, #tpu.memory_space<vmem>> -> memref<1x1x4096xf32, #tpu.memory_space<vmem>>
        %parallel_loop3A_927 = tpu.memref_squeeze %parallel_loop3A_926 : memref<1x1x4096xf32, #tpu.memory_space<vmem>> -> memref<4096xf32, #tpu.memory_space<vmem>>
        tpu.vector_store_idx %parallel_loop3A_927[%parallel_loop3A_923], %parallel_loop3A_920 : memref<4096xf32, #tpu.memory_space<vmem>>[vector<16xi32>], vector<16xf32>,
        %parallel_loop3A_928 = arith.constant 16 : i32
        %parallel_loop3A_929 = vector.broadcast %parallel_loop3A_928 : i32 to vector<16xi32>
        %parallel_loop3A_930 = arith.addi %iota3A, %parallel_loop3A_929 : vector<16xi32>
        %parallel_loop3A_931 = arith.constant 128 : i32
        %parallel_loop3A_932 = vector.broadcast %parallel_loop3A_931 : i32 to vector<16xi32>
        %parallel_loop3A_933 = arith.addi %parallel_loop3A_620, %parallel_loop3A_932 : vector<16xi32>
        %parallel_loop3A_934 = arith.constant 0 : i32
        %parallel_loop3A_935 = arith.constant 0 : i32
        %parallel_loop3A_936 = tpu.memref_slice %arg6[%select_n3A_205, %parallel_loop3A_934, %parallel_loop3A_935] : memref<2x512x32xf32, #tpu.memory_space<vmem>> -> memref<1x512x32xf32, #tpu.memory_space<vmem>>
        %parallel_loop3A_937 = tpu.memref_squeeze %parallel_loop3A_936 : memref<1x512x32xf32, #tpu.memory_space<vmem>> -> memref<512x32xf32, #tpu.memory_space<vmem>>
        %parallel_loop3A_938 = tpu.vector_load_idx %parallel_loop3A_937[%parallel_loop3A_933, %parallel_loop3A_930] : memref<512x32xf32, #tpu.memory_space<vmem>>[vector<16xi32>, vector<16xi32>], vector<16xf32>,
        %parallel_loop3A_939 = arith.constant 2048 : i32
        %parallel_loop3A_940 = vector.broadcast %parallel_loop3A_939 : i32 to vector<16xi32>
        %parallel_loop3A_941 = arith.addi %parallel_loop3A_621, %parallel_loop3A_940 : vector<16xi32>
        %parallel_loop3A_942 = arith.constant 1 : i32
        %parallel_loop3A_943 = arith.constant 0 : i32
        %parallel_loop3A_944 = tpu.memref_slice %arg7[%select_n3A_205, %parallel_loop3A_942, %parallel_loop3A_943] : memref<2x4x4096xf32, #tpu.memory_space<vmem>> -> memref<1x1x4096xf32, #tpu.memory_space<vmem>>
        %parallel_loop3A_945 = tpu.memref_squeeze %parallel_loop3A_944 : memref<1x1x4096xf32, #tpu.memory_space<vmem>> -> memref<4096xf32, #tpu.memory_space<vmem>>
        tpu.vector_store_idx %parallel_loop3A_945[%parallel_loop3A_941], %parallel_loop3A_938 : memref<4096xf32, #tpu.memory_space<vmem>>[vector<16xi32>], vector<16xf32>,
        %parallel_loop3A_946 = arith.constant 0 : i32
        %parallel_loop3A_947 = vector.broadcast %parallel_loop3A_946 : i32 to vector<16xi32>
        %parallel_loop3A_948 = arith.addi %iota3A, %parallel_loop3A_947 : vector<16xi32>
        %parallel_loop3A_949 = arith.constant 144 : i32
        %parallel_loop3A_950 = vector.broadcast %parallel_loop3A_949 : i32 to vector<16xi32>
        %parallel_loop3A_951 = arith.addi %parallel_loop3A_620, %parallel_loop3A_950 : vector<16xi32>
        %parallel_loop3A_952 = arith.constant 0 : i32
        %parallel_loop3A_953 = arith.constant 0 : i32
        %parallel_loop3A_954 = tpu.memref_slice %arg6[%select_n3A_205, %parallel_loop3A_952, %parallel_loop3A_953] : memref<2x512x32xf32, #tpu.memory_space<vmem>> -> memref<1x512x32xf32, #tpu.memory_space<vmem>>
        %parallel_loop3A_955 = tpu.memref_squeeze %parallel_loop3A_954 : memref<1x512x32xf32, #tpu.memory_space<vmem>> -> memref<512x32xf32, #tpu.memory_space<vmem>>
        %parallel_loop3A_956 = tpu.vector_load_idx %parallel_loop3A_955[%parallel_loop3A_951, %parallel_loop3A_948] : memref<512x32xf32, #tpu.memory_space<vmem>>[vector<16xi32>, vector<16xi32>], vector<16xf32>,
        %parallel_loop3A_957 = arith.constant 16 : i32
        %parallel_loop3A_958 = vector.broadcast %parallel_loop3A_957 : i32 to vector<16xi32>
        %parallel_loop3A_959 = arith.addi %parallel_loop3A_621, %parallel_loop3A_958 : vector<16xi32>
        %parallel_loop3A_960 = arith.constant 1 : i32
        %parallel_loop3A_961 = arith.constant 0 : i32
        %parallel_loop3A_962 = tpu.memref_slice %arg7[%select_n3A_205, %parallel_loop3A_960, %parallel_loop3A_961] : memref<2x4x4096xf32, #tpu.memory_space<vmem>> -> memref<1x1x4096xf32, #tpu.memory_space<vmem>>
        %parallel_loop3A_963 = tpu.memref_squeeze %parallel_loop3A_962 : memref<1x1x4096xf32, #tpu.memory_space<vmem>> -> memref<4096xf32, #tpu.memory_space<vmem>>
        tpu.vector_store_idx %parallel_loop3A_963[%parallel_loop3A_959], %parallel_loop3A_956 : memref<4096xf32, #tpu.memory_space<vmem>>[vector<16xi32>], vector<16xf32>,
        %parallel_loop3A_964 = arith.constant 16 : i32
        %parallel_loop3A_965 = vector.broadcast %parallel_loop3A_964 : i32 to vector<16xi32>
        %parallel_loop3A_966 = arith.addi %iota3A, %parallel_loop3A_965 : vector<16xi32>
        %parallel_loop3A_967 = arith.constant 144 : i32
        %parallel_loop3A_968 = vector.broadcast %parallel_loop3A_967 : i32 to vector<16xi32>
        %parallel_loop3A_969 = arith.addi %parallel_loop3A_620, %parallel_loop3A_968 : vector<16xi32>
        %parallel_loop3A_970 = arith.constant 0 : i32
        %parallel_loop3A_971 = arith.constant 0 : i32
        %parallel_loop3A_972 = tpu.memref_slice %arg6[%select_n3A_205, %parallel_loop3A_970, %parallel_loop3A_971] : memref<2x512x32xf32, #tpu.memory_space<vmem>> -> memref<1x512x32xf32, #tpu.memory_space<vmem>>
        %parallel_loop3A_973 = tpu.memref_squeeze %parallel_loop3A_972 : memref<1x512x32xf32, #tpu.memory_space<vmem>> -> memref<512x32xf32, #tpu.memory_space<vmem>>
        %parallel_loop3A_974 = tpu.vector_load_idx %parallel_loop3A_973[%parallel_loop3A_969, %parallel_loop3A_966] : memref<512x32xf32, #tpu.memory_space<vmem>>[vector<16xi32>, vector<16xi32>], vector<16xf32>,
        %parallel_loop3A_975 = arith.constant 2064 : i32
        %parallel_loop3A_976 = vector.broadcast %parallel_loop3A_975 : i32 to vector<16xi32>
        %parallel_loop3A_977 = arith.addi %parallel_loop3A_621, %parallel_loop3A_976 : vector<16xi32>
        %parallel_loop3A_978 = arith.constant 1 : i32
        %parallel_loop3A_979 = arith.constant 0 : i32
        %parallel_loop3A_980 = tpu.memref_slice %arg7[%select_n3A_205, %parallel_loop3A_978, %parallel_loop3A_979] : memref<2x4x4096xf32, #tpu.memory_space<vmem>> -> memref<1x1x4096xf32, #tpu.memory_space<vmem>>
        %parallel_loop3A_981 = tpu.memref_squeeze %parallel_loop3A_980 : memref<1x1x4096xf32, #tpu.memory_space<vmem>> -> memref<4096xf32, #tpu.memory_space<vmem>>
        tpu.vector_store_idx %parallel_loop3A_981[%parallel_loop3A_977], %parallel_loop3A_974 : memref<4096xf32, #tpu.memory_space<vmem>>[vector<16xi32>], vector<16xf32>,
        %parallel_loop3A_982 = arith.constant 0 : i32
        %parallel_loop3A_983 = vector.broadcast %parallel_loop3A_982 : i32 to vector<16xi32>
        %parallel_loop3A_984 = arith.addi %iota3A, %parallel_loop3A_983 : vector<16xi32>
        %parallel_loop3A_985 = arith.constant 160 : i32
        %parallel_loop3A_986 = vector.broadcast %parallel_loop3A_985 : i32 to vector<16xi32>
        %parallel_loop3A_987 = arith.addi %parallel_loop3A_620, %parallel_loop3A_986 : vector<16xi32>
        %parallel_loop3A_988 = arith.constant 0 : i32
        %parallel_loop3A_989 = arith.constant 0 : i32
        %parallel_loop3A_990 = tpu.memref_slice %arg6[%select_n3A_205, %parallel_loop3A_988, %parallel_loop3A_989] : memref<2x512x32xf32, #tpu.memory_space<vmem>> -> memref<1x512x32xf32, #tpu.memory_space<vmem>>
        %parallel_loop3A_991 = tpu.memref_squeeze %parallel_loop3A_990 : memref<1x512x32xf32, #tpu.memory_space<vmem>> -> memref<512x32xf32, #tpu.memory_space<vmem>>
        %parallel_loop3A_992 = tpu.vector_load_idx %parallel_loop3A_991[%parallel_loop3A_987, %parallel_loop3A_984] : memref<512x32xf32, #tpu.memory_space<vmem>>[vector<16xi32>, vector<16xi32>], vector<16xf32>,
        %parallel_loop3A_993 = arith.constant 32 : i32
        %parallel_loop3A_994 = vector.broadcast %parallel_loop3A_993 : i32 to vector<16xi32>
        %parallel_loop3A_995 = arith.addi %parallel_loop3A_621, %parallel_loop3A_994 : vector<16xi32>
        %parallel_loop3A_996 = arith.constant 1 : i32
        %parallel_loop3A_997 = arith.constant 0 : i32
        %parallel_loop3A_998 = tpu.memref_slice %arg7[%select_n3A_205, %parallel_loop3A_996, %parallel_loop3A_997] : memref<2x4x4096xf32, #tpu.memory_space<vmem>> -> memref<1x1x4096xf32, #tpu.memory_space<vmem>>
        %parallel_loop3A_999 = tpu.memref_squeeze %parallel_loop3A_998 : memref<1x1x4096xf32, #tpu.memory_space<vmem>> -> memref<4096xf32, #tpu.memory_space<vmem>>
        tpu.vector_store_idx %parallel_loop3A_999[%parallel_loop3A_995], %parallel_loop3A_992 : memref<4096xf32, #tpu.memory_space<vmem>>[vector<16xi32>], vector<16xf32>,
        %parallel_loop3A_1000 = arith.constant 16 : i32
        %parallel_loop3A_1001 = vector.broadcast %parallel_loop3A_1000 : i32 to vector<16xi32>
        %parallel_loop3A_1002 = arith.addi %iota3A, %parallel_loop3A_1001 : vector<16xi32>
        %parallel_loop3A_1003 = arith.constant 160 : i32
        %parallel_loop3A_1004 = vector.broadcast %parallel_loop3A_1003 : i32 to vector<16xi32>
        %parallel_loop3A_1005 = arith.addi %parallel_loop3A_620, %parallel_loop3A_1004 : vector<16xi32>
        %parallel_loop3A_1006 = arith.constant 0 : i32
        %parallel_loop3A_1007 = arith.constant 0 : i32
        %parallel_loop3A_1008 = tpu.memref_slice %arg6[%select_n3A_205, %parallel_loop3A_1006, %parallel_loop3A_1007] : memref<2x512x32xf32, #tpu.memory_space<vmem>> -> memref<1x512x32xf32, #tpu.memory_space<vmem>>
        %parallel_loop3A_1009 = tpu.memref_squeeze %parallel_loop3A_1008 : memref<1x512x32xf32, #tpu.memory_space<vmem>> -> memref<512x32xf32, #tpu.memory_space<vmem>>
        %parallel_loop3A_1010 = tpu.vector_load_idx %parallel_loop3A_1009[%parallel_loop3A_1005, %parallel_loop3A_1002] : memref<512x32xf32, #tpu.memory_space<vmem>>[vector<16xi32>, vector<16xi32>], vector<16xf32>,
        %parallel_loop3A_1011 = arith.constant 2080 : i32
        %parallel_loop3A_1012 = vector.broadcast %parallel_loop3A_1011 : i32 to vector<16xi32>
        %parallel_loop3A_1013 = arith.addi %parallel_loop3A_621, %parallel_loop3A_1012 : vector<16xi32>
        %parallel_loop3A_1014 = arith.constant 1 : i32
        %parallel_loop3A_1015 = arith.constant 0 : i32
        %parallel_loop3A_1016 = tpu.memref_slice %arg7[%select_n3A_205, %parallel_loop3A_1014, %parallel_loop3A_1015] : memref<2x4x4096xf32, #tpu.memory_space<vmem>> -> memref<1x1x4096xf32, #tpu.memory_space<vmem>>
        %parallel_loop3A_1017 = tpu.memref_squeeze %parallel_loop3A_1016 : memref<1x1x4096xf32, #tpu.memory_space<vmem>> -> memref<4096xf32, #tpu.memory_space<vmem>>
        tpu.vector_store_idx %parallel_loop3A_1017[%parallel_loop3A_1013], %parallel_loop3A_1010 : memref<4096xf32, #tpu.memory_space<vmem>>[vector<16xi32>], vector<16xf32>,
        %parallel_loop3A_1018 = arith.constant 0 : i32
        %parallel_loop3A_1019 = vector.broadcast %parallel_loop3A_1018 : i32 to vector<16xi32>
        %parallel_loop3A_1020 = arith.addi %iota3A, %parallel_loop3A_1019 : vector<16xi32>
        %parallel_loop3A_1021 = arith.constant 176 : i32
        %parallel_loop3A_1022 = vector.broadcast %parallel_loop3A_1021 : i32 to vector<16xi32>
        %parallel_loop3A_1023 = arith.addi %parallel_loop3A_620, %parallel_loop3A_1022 : vector<16xi32>
        %parallel_loop3A_1024 = arith.constant 0 : i32
        %parallel_loop3A_1025 = arith.constant 0 : i32
        %parallel_loop3A_1026 = tpu.memref_slice %arg6[%select_n3A_205, %parallel_loop3A_1024, %parallel_loop3A_1025] : memref<2x512x32xf32, #tpu.memory_space<vmem>> -> memref<1x512x32xf32, #tpu.memory_space<vmem>>
        %parallel_loop3A_1027 = tpu.memref_squeeze %parallel_loop3A_1026 : memref<1x512x32xf32, #tpu.memory_space<vmem>> -> memref<512x32xf32, #tpu.memory_space<vmem>>
        %parallel_loop3A_1028 = tpu.vector_load_idx %parallel_loop3A_1027[%parallel_loop3A_1023, %parallel_loop3A_1020] : memref<512x32xf32, #tpu.memory_space<vmem>>[vector<16xi32>, vector<16xi32>], vector<16xf32>,
        %parallel_loop3A_1029 = arith.constant 48 : i32
        %parallel_loop3A_1030 = vector.broadcast %parallel_loop3A_1029 : i32 to vector<16xi32>
        %parallel_loop3A_1031 = arith.addi %parallel_loop3A_621, %parallel_loop3A_1030 : vector<16xi32>
        %parallel_loop3A_1032 = arith.constant 1 : i32
        %parallel_loop3A_1033 = arith.constant 0 : i32
        %parallel_loop3A_1034 = tpu.memref_slice %arg7[%select_n3A_205, %parallel_loop3A_1032, %parallel_loop3A_1033] : memref<2x4x4096xf32, #tpu.memory_space<vmem>> -> memref<1x1x4096xf32, #tpu.memory_space<vmem>>
        %parallel_loop3A_1035 = tpu.memref_squeeze %parallel_loop3A_1034 : memref<1x1x4096xf32, #tpu.memory_space<vmem>> -> memref<4096xf32, #tpu.memory_space<vmem>>
        tpu.vector_store_idx %parallel_loop3A_1035[%parallel_loop3A_1031], %parallel_loop3A_1028 : memref<4096xf32, #tpu.memory_space<vmem>>[vector<16xi32>], vector<16xf32>,
        %parallel_loop3A_1036 = arith.constant 16 : i32
        %parallel_loop3A_1037 = vector.broadcast %parallel_loop3A_1036 : i32 to vector<16xi32>
        %parallel_loop3A_1038 = arith.addi %iota3A, %parallel_loop3A_1037 : vector<16xi32>
        %parallel_loop3A_1039 = arith.constant 176 : i32
        %parallel_loop3A_1040 = vector.broadcast %parallel_loop3A_1039 : i32 to vector<16xi32>
        %parallel_loop3A_1041 = arith.addi %parallel_loop3A_620, %parallel_loop3A_1040 : vector<16xi32>
        %parallel_loop3A_1042 = arith.constant 0 : i32
        %parallel_loop3A_1043 = arith.constant 0 : i32
        %parallel_loop3A_1044 = tpu.memref_slice %arg6[%select_n3A_205, %parallel_loop3A_1042, %parallel_loop3A_1043] : memref<2x512x32xf32, #tpu.memory_space<vmem>> -> memref<1x512x32xf32, #tpu.memory_space<vmem>>
        %parallel_loop3A_1045 = tpu.memref_squeeze %parallel_loop3A_1044 : memref<1x512x32xf32, #tpu.memory_space<vmem>> -> memref<512x32xf32, #tpu.memory_space<vmem>>
        %parallel_loop3A_1046 = tpu.vector_load_idx %parallel_loop3A_1045[%parallel_loop3A_1041, %parallel_loop3A_1038] : memref<512x32xf32, #tpu.memory_space<vmem>>[vector<16xi32>, vector<16xi32>], vector<16xf32>,
        %parallel_loop3A_1047 = arith.constant 2096 : i32
        %parallel_loop3A_1048 = vector.broadcast %parallel_loop3A_1047 : i32 to vector<16xi32>
        %parallel_loop3A_1049 = arith.addi %parallel_loop3A_621, %parallel_loop3A_1048 : vector<16xi32>
        %parallel_loop3A_1050 = arith.constant 1 : i32
        %parallel_loop3A_1051 = arith.constant 0 : i32
        %parallel_loop3A_1052 = tpu.memref_slice %arg7[%select_n3A_205, %parallel_loop3A_1050, %parallel_loop3A_1051] : memref<2x4x4096xf32, #tpu.memory_space<vmem>> -> memref<1x1x4096xf32, #tpu.memory_space<vmem>>
        %parallel_loop3A_1053 = tpu.memref_squeeze %parallel_loop3A_1052 : memref<1x1x4096xf32, #tpu.memory_space<vmem>> -> memref<4096xf32, #tpu.memory_space<vmem>>
        tpu.vector_store_idx %parallel_loop3A_1053[%parallel_loop3A_1049], %parallel_loop3A_1046 : memref<4096xf32, #tpu.memory_space<vmem>>[vector<16xi32>], vector<16xf32>,
        %parallel_loop3A_1054 = arith.constant 0 : i32
        %parallel_loop3A_1055 = vector.broadcast %parallel_loop3A_1054 : i32 to vector<16xi32>
        %parallel_loop3A_1056 = arith.addi %iota3A, %parallel_loop3A_1055 : vector<16xi32>
        %parallel_loop3A_1057 = arith.constant 192 : i32
        %parallel_loop3A_1058 = vector.broadcast %parallel_loop3A_1057 : i32 to vector<16xi32>
        %parallel_loop3A_1059 = arith.addi %parallel_loop3A_620, %parallel_loop3A_1058 : vector<16xi32>
        %parallel_loop3A_1060 = arith.constant 0 : i32
        %parallel_loop3A_1061 = arith.constant 0 : i32
        %parallel_loop3A_1062 = tpu.memref_slice %arg6[%select_n3A_205, %parallel_loop3A_1060, %parallel_loop3A_1061] : memref<2x512x32xf32, #tpu.memory_space<vmem>> -> memref<1x512x32xf32, #tpu.memory_space<vmem>>
        %parallel_loop3A_1063 = tpu.memref_squeeze %parallel_loop3A_1062 : memref<1x512x32xf32, #tpu.memory_space<vmem>> -> memref<512x32xf32, #tpu.memory_space<vmem>>
        %parallel_loop3A_1064 = tpu.vector_load_idx %parallel_loop3A_1063[%parallel_loop3A_1059, %parallel_loop3A_1056] : memref<512x32xf32, #tpu.memory_space<vmem>>[vector<16xi32>, vector<16xi32>], vector<16xf32>,
        %parallel_loop3A_1065 = arith.constant 64 : i32
        %parallel_loop3A_1066 = vector.broadcast %parallel_loop3A_1065 : i32 to vector<16xi32>
        %parallel_loop3A_1067 = arith.addi %parallel_loop3A_621, %parallel_loop3A_1066 : vector<16xi32>
        %parallel_loop3A_1068 = arith.constant 1 : i32
        %parallel_loop3A_1069 = arith.constant 0 : i32
        %parallel_loop3A_1070 = tpu.memref_slice %arg7[%select_n3A_205, %parallel_loop3A_1068, %parallel_loop3A_1069] : memref<2x4x4096xf32, #tpu.memory_space<vmem>> -> memref<1x1x4096xf32, #tpu.memory_space<vmem>>
        %parallel_loop3A_1071 = tpu.memref_squeeze %parallel_loop3A_1070 : memref<1x1x4096xf32, #tpu.memory_space<vmem>> -> memref<4096xf32, #tpu.memory_space<vmem>>
        tpu.vector_store_idx %parallel_loop3A_1071[%parallel_loop3A_1067], %parallel_loop3A_1064 : memref<4096xf32, #tpu.memory_space<vmem>>[vector<16xi32>], vector<16xf32>,
        %parallel_loop3A_1072 = arith.constant 16 : i32
        %parallel_loop3A_1073 = vector.broadcast %parallel_loop3A_1072 : i32 to vector<16xi32>
        %parallel_loop3A_1074 = arith.addi %iota3A, %parallel_loop3A_1073 : vector<16xi32>
        %parallel_loop3A_1075 = arith.constant 192 : i32
        %parallel_loop3A_1076 = vector.broadcast %parallel_loop3A_1075 : i32 to vector<16xi32>
        %parallel_loop3A_1077 = arith.addi %parallel_loop3A_620, %parallel_loop3A_1076 : vector<16xi32>
        %parallel_loop3A_1078 = arith.constant 0 : i32
        %parallel_loop3A_1079 = arith.constant 0 : i32
        %parallel_loop3A_1080 = tpu.memref_slice %arg6[%select_n3A_205, %parallel_loop3A_1078, %parallel_loop3A_1079] : memref<2x512x32xf32, #tpu.memory_space<vmem>> -> memref<1x512x32xf32, #tpu.memory_space<vmem>>
        %parallel_loop3A_1081 = tpu.memref_squeeze %parallel_loop3A_1080 : memref<1x512x32xf32, #tpu.memory_space<vmem>> -> memref<512x32xf32, #tpu.memory_space<vmem>>
        %parallel_loop3A_1082 = tpu.vector_load_idx %parallel_loop3A_1081[%parallel_loop3A_1077, %parallel_loop3A_1074] : memref<512x32xf32, #tpu.memory_space<vmem>>[vector<16xi32>, vector<16xi32>], vector<16xf32>,
        %parallel_loop3A_1083 = arith.constant 2112 : i32
        %parallel_loop3A_1084 = vector.broadcast %parallel_loop3A_1083 : i32 to vector<16xi32>
        %parallel_loop3A_1085 = arith.addi %parallel_loop3A_621, %parallel_loop3A_1084 : vector<16xi32>
        %parallel_loop3A_1086 = arith.constant 1 : i32
        %parallel_loop3A_1087 = arith.constant 0 : i32
        %parallel_loop3A_1088 = tpu.memref_slice %arg7[%select_n3A_205, %parallel_loop3A_1086, %parallel_loop3A_1087] : memref<2x4x4096xf32, #tpu.memory_space<vmem>> -> memref<1x1x4096xf32, #tpu.memory_space<vmem>>
        %parallel_loop3A_1089 = tpu.memref_squeeze %parallel_loop3A_1088 : memref<1x1x4096xf32, #tpu.memory_space<vmem>> -> memref<4096xf32, #tpu.memory_space<vmem>>
        tpu.vector_store_idx %parallel_loop3A_1089[%parallel_loop3A_1085], %parallel_loop3A_1082 : memref<4096xf32, #tpu.memory_space<vmem>>[vector<16xi32>], vector<16xf32>,
        %parallel_loop3A_1090 = arith.constant 0 : i32
        %parallel_loop3A_1091 = vector.broadcast %parallel_loop3A_1090 : i32 to vector<16xi32>
        %parallel_loop3A_1092 = arith.addi %iota3A, %parallel_loop3A_1091 : vector<16xi32>
        %parallel_loop3A_1093 = arith.constant 208 : i32
        %parallel_loop3A_1094 = vector.broadcast %parallel_loop3A_1093 : i32 to vector<16xi32>
        %parallel_loop3A_1095 = arith.addi %parallel_loop3A_620, %parallel_loop3A_1094 : vector<16xi32>
        %parallel_loop3A_1096 = arith.constant 0 : i32
        %parallel_loop3A_1097 = arith.constant 0 : i32
        %parallel_loop3A_1098 = tpu.memref_slice %arg6[%select_n3A_205, %parallel_loop3A_1096, %parallel_loop3A_1097] : memref<2x512x32xf32, #tpu.memory_space<vmem>> -> memref<1x512x32xf32, #tpu.memory_space<vmem>>
        %parallel_loop3A_1099 = tpu.memref_squeeze %parallel_loop3A_1098 : memref<1x512x32xf32, #tpu.memory_space<vmem>> -> memref<512x32xf32, #tpu.memory_space<vmem>>
        %parallel_loop3A_1100 = tpu.vector_load_idx %parallel_loop3A_1099[%parallel_loop3A_1095, %parallel_loop3A_1092] : memref<512x32xf32, #tpu.memory_space<vmem>>[vector<16xi32>, vector<16xi32>], vector<16xf32>,
        %parallel_loop3A_1101 = arith.constant 80 : i32
        %parallel_loop3A_1102 = vector.broadcast %parallel_loop3A_1101 : i32 to vector<16xi32>
        %parallel_loop3A_1103 = arith.addi %parallel_loop3A_621, %parallel_loop3A_1102 : vector<16xi32>
        %parallel_loop3A_1104 = arith.constant 1 : i32
        %parallel_loop3A_1105 = arith.constant 0 : i32
        %parallel_loop3A_1106 = tpu.memref_slice %arg7[%select_n3A_205, %parallel_loop3A_1104, %parallel_loop3A_1105] : memref<2x4x4096xf32, #tpu.memory_space<vmem>> -> memref<1x1x4096xf32, #tpu.memory_space<vmem>>
        %parallel_loop3A_1107 = tpu.memref_squeeze %parallel_loop3A_1106 : memref<1x1x4096xf32, #tpu.memory_space<vmem>> -> memref<4096xf32, #tpu.memory_space<vmem>>
        tpu.vector_store_idx %parallel_loop3A_1107[%parallel_loop3A_1103], %parallel_loop3A_1100 : memref<4096xf32, #tpu.memory_space<vmem>>[vector<16xi32>], vector<16xf32>,
        %parallel_loop3A_1108 = arith.constant 16 : i32
        %parallel_loop3A_1109 = vector.broadcast %parallel_loop3A_1108 : i32 to vector<16xi32>
        %parallel_loop3A_1110 = arith.addi %iota3A, %parallel_loop3A_1109 : vector<16xi32>
        %parallel_loop3A_1111 = arith.constant 208 : i32
        %parallel_loop3A_1112 = vector.broadcast %parallel_loop3A_1111 : i32 to vector<16xi32>
        %parallel_loop3A_1113 = arith.addi %parallel_loop3A_620, %parallel_loop3A_1112 : vector<16xi32>
        %parallel_loop3A_1114 = arith.constant 0 : i32
        %parallel_loop3A_1115 = arith.constant 0 : i32
        %parallel_loop3A_1116 = tpu.memref_slice %arg6[%select_n3A_205, %parallel_loop3A_1114, %parallel_loop3A_1115] : memref<2x512x32xf32, #tpu.memory_space<vmem>> -> memref<1x512x32xf32, #tpu.memory_space<vmem>>
        %parallel_loop3A_1117 = tpu.memref_squeeze %parallel_loop3A_1116 : memref<1x512x32xf32, #tpu.memory_space<vmem>> -> memref<512x32xf32, #tpu.memory_space<vmem>>
        %parallel_loop3A_1118 = tpu.vector_load_idx %parallel_loop3A_1117[%parallel_loop3A_1113, %parallel_loop3A_1110] : memref<512x32xf32, #tpu.memory_space<vmem>>[vector<16xi32>, vector<16xi32>], vector<16xf32>,
        %parallel_loop3A_1119 = arith.constant 2128 : i32
        %parallel_loop3A_1120 = vector.broadcast %parallel_loop3A_1119 : i32 to vector<16xi32>
        %parallel_loop3A_1121 = arith.addi %parallel_loop3A_621, %parallel_loop3A_1120 : vector<16xi32>
        %parallel_loop3A_1122 = arith.constant 1 : i32
        %parallel_loop3A_1123 = arith.constant 0 : i32
        %parallel_loop3A_1124 = tpu.memref_slice %arg7[%select_n3A_205, %parallel_loop3A_1122, %parallel_loop3A_1123] : memref<2x4x4096xf32, #tpu.memory_space<vmem>> -> memref<1x1x4096xf32, #tpu.memory_space<vmem>>
        %parallel_loop3A_1125 = tpu.memref_squeeze %parallel_loop3A_1124 : memref<1x1x4096xf32, #tpu.memory_space<vmem>> -> memref<4096xf32, #tpu.memory_space<vmem>>
        tpu.vector_store_idx %parallel_loop3A_1125[%parallel_loop3A_1121], %parallel_loop3A_1118 : memref<4096xf32, #tpu.memory_space<vmem>>[vector<16xi32>], vector<16xf32>,
        %parallel_loop3A_1126 = arith.constant 0 : i32
        %parallel_loop3A_1127 = vector.broadcast %parallel_loop3A_1126 : i32 to vector<16xi32>
        %parallel_loop3A_1128 = arith.addi %iota3A, %parallel_loop3A_1127 : vector<16xi32>
        %parallel_loop3A_1129 = arith.constant 224 : i32
        %parallel_loop3A_1130 = vector.broadcast %parallel_loop3A_1129 : i32 to vector<16xi32>
        %parallel_loop3A_1131 = arith.addi %parallel_loop3A_620, %parallel_loop3A_1130 : vector<16xi32>
        %parallel_loop3A_1132 = arith.constant 0 : i32
        %parallel_loop3A_1133 = arith.constant 0 : i32
        %parallel_loop3A_1134 = tpu.memref_slice %arg6[%select_n3A_205, %parallel_loop3A_1132, %parallel_loop3A_1133] : memref<2x512x32xf32, #tpu.memory_space<vmem>> -> memref<1x512x32xf32, #tpu.memory_space<vmem>>
        %parallel_loop3A_1135 = tpu.memref_squeeze %parallel_loop3A_1134 : memref<1x512x32xf32, #tpu.memory_space<vmem>> -> memref<512x32xf32, #tpu.memory_space<vmem>>
        %parallel_loop3A_1136 = tpu.vector_load_idx %parallel_loop3A_1135[%parallel_loop3A_1131, %parallel_loop3A_1128] : memref<512x32xf32, #tpu.memory_space<vmem>>[vector<16xi32>, vector<16xi32>], vector<16xf32>,
        %parallel_loop3A_1137 = arith.constant 96 : i32
        %parallel_loop3A_1138 = vector.broadcast %parallel_loop3A_1137 : i32 to vector<16xi32>
        %parallel_loop3A_1139 = arith.addi %parallel_loop3A_621, %parallel_loop3A_1138 : vector<16xi32>
        %parallel_loop3A_1140 = arith.constant 1 : i32
        %parallel_loop3A_1141 = arith.constant 0 : i32
        %parallel_loop3A_1142 = tpu.memref_slice %arg7[%select_n3A_205, %parallel_loop3A_1140, %parallel_loop3A_1141] : memref<2x4x4096xf32, #tpu.memory_space<vmem>> -> memref<1x1x4096xf32, #tpu.memory_space<vmem>>
        %parallel_loop3A_1143 = tpu.memref_squeeze %parallel_loop3A_1142 : memref<1x1x4096xf32, #tpu.memory_space<vmem>> -> memref<4096xf32, #tpu.memory_space<vmem>>
        tpu.vector_store_idx %parallel_loop3A_1143[%parallel_loop3A_1139], %parallel_loop3A_1136 : memref<4096xf32, #tpu.memory_space<vmem>>[vector<16xi32>], vector<16xf32>,
        %parallel_loop3A_1144 = arith.constant 16 : i32
        %parallel_loop3A_1145 = vector.broadcast %parallel_loop3A_1144 : i32 to vector<16xi32>
        %parallel_loop3A_1146 = arith.addi %iota3A, %parallel_loop3A_1145 : vector<16xi32>
        %parallel_loop3A_1147 = arith.constant 224 : i32
        %parallel_loop3A_1148 = vector.broadcast %parallel_loop3A_1147 : i32 to vector<16xi32>
        %parallel_loop3A_1149 = arith.addi %parallel_loop3A_620, %parallel_loop3A_1148 : vector<16xi32>
        %parallel_loop3A_1150 = arith.constant 0 : i32
        %parallel_loop3A_1151 = arith.constant 0 : i32
        %parallel_loop3A_1152 = tpu.memref_slice %arg6[%select_n3A_205, %parallel_loop3A_1150, %parallel_loop3A_1151] : memref<2x512x32xf32, #tpu.memory_space<vmem>> -> memref<1x512x32xf32, #tpu.memory_space<vmem>>
        %parallel_loop3A_1153 = tpu.memref_squeeze %parallel_loop3A_1152 : memref<1x512x32xf32, #tpu.memory_space<vmem>> -> memref<512x32xf32, #tpu.memory_space<vmem>>
        %parallel_loop3A_1154 = tpu.vector_load_idx %parallel_loop3A_1153[%parallel_loop3A_1149, %parallel_loop3A_1146] : memref<512x32xf32, #tpu.memory_space<vmem>>[vector<16xi32>, vector<16xi32>], vector<16xf32>,
        %parallel_loop3A_1155 = arith.constant 2144 : i32
        %parallel_loop3A_1156 = vector.broadcast %parallel_loop3A_1155 : i32 to vector<16xi32>
        %parallel_loop3A_1157 = arith.addi %parallel_loop3A_621, %parallel_loop3A_1156 : vector<16xi32>
        %parallel_loop3A_1158 = arith.constant 1 : i32
        %parallel_loop3A_1159 = arith.constant 0 : i32
        %parallel_loop3A_1160 = tpu.memref_slice %arg7[%select_n3A_205, %parallel_loop3A_1158, %parallel_loop3A_1159] : memref<2x4x4096xf32, #tpu.memory_space<vmem>> -> memref<1x1x4096xf32, #tpu.memory_space<vmem>>
        %parallel_loop3A_1161 = tpu.memref_squeeze %parallel_loop3A_1160 : memref<1x1x4096xf32, #tpu.memory_space<vmem>> -> memref<4096xf32, #tpu.memory_space<vmem>>
        tpu.vector_store_idx %parallel_loop3A_1161[%parallel_loop3A_1157], %parallel_loop3A_1154 : memref<4096xf32, #tpu.memory_space<vmem>>[vector<16xi32>], vector<16xf32>,
        %parallel_loop3A_1162 = arith.constant 0 : i32
        %parallel_loop3A_1163 = vector.broadcast %parallel_loop3A_1162 : i32 to vector<16xi32>
        %parallel_loop3A_1164 = arith.addi %iota3A, %parallel_loop3A_1163 : vector<16xi32>
        %parallel_loop3A_1165 = arith.constant 240 : i32
        %parallel_loop3A_1166 = vector.broadcast %parallel_loop3A_1165 : i32 to vector<16xi32>
        %parallel_loop3A_1167 = arith.addi %parallel_loop3A_620, %parallel_loop3A_1166 : vector<16xi32>
        %parallel_loop3A_1168 = arith.constant 0 : i32
        %parallel_loop3A_1169 = arith.constant 0 : i32
        %parallel_loop3A_1170 = tpu.memref_slice %arg6[%select_n3A_205, %parallel_loop3A_1168, %parallel_loop3A_1169] : memref<2x512x32xf32, #tpu.memory_space<vmem>> -> memref<1x512x32xf32, #tpu.memory_space<vmem>>
        %parallel_loop3A_1171 = tpu.memref_squeeze %parallel_loop3A_1170 : memref<1x512x32xf32, #tpu.memory_space<vmem>> -> memref<512x32xf32, #tpu.memory_space<vmem>>
        %parallel_loop3A_1172 = tpu.vector_load_idx %parallel_loop3A_1171[%parallel_loop3A_1167, %parallel_loop3A_1164] : memref<512x32xf32, #tpu.memory_space<vmem>>[vector<16xi32>, vector<16xi32>], vector<16xf32>,
        %parallel_loop3A_1173 = arith.constant 112 : i32
        %parallel_loop3A_1174 = vector.broadcast %parallel_loop3A_1173 : i32 to vector<16xi32>
        %parallel_loop3A_1175 = arith.addi %parallel_loop3A_621, %parallel_loop3A_1174 : vector<16xi32>
        %parallel_loop3A_1176 = arith.constant 1 : i32
        %parallel_loop3A_1177 = arith.constant 0 : i32
        %parallel_loop3A_1178 = tpu.memref_slice %arg7[%select_n3A_205, %parallel_loop3A_1176, %parallel_loop3A_1177] : memref<2x4x4096xf32, #tpu.memory_space<vmem>> -> memref<1x1x4096xf32, #tpu.memory_space<vmem>>
        %parallel_loop3A_1179 = tpu.memref_squeeze %parallel_loop3A_1178 : memref<1x1x4096xf32, #tpu.memory_space<vmem>> -> memref<4096xf32, #tpu.memory_space<vmem>>
        tpu.vector_store_idx %parallel_loop3A_1179[%parallel_loop3A_1175], %parallel_loop3A_1172 : memref<4096xf32, #tpu.memory_space<vmem>>[vector<16xi32>], vector<16xf32>,
        %parallel_loop3A_1180 = arith.constant 16 : i32
        %parallel_loop3A_1181 = vector.broadcast %parallel_loop3A_1180 : i32 to vector<16xi32>
        %parallel_loop3A_1182 = arith.addi %iota3A, %parallel_loop3A_1181 : vector<16xi32>
        %parallel_loop3A_1183 = arith.constant 240 : i32
        %parallel_loop3A_1184 = vector.broadcast %parallel_loop3A_1183 : i32 to vector<16xi32>
        %parallel_loop3A_1185 = arith.addi %parallel_loop3A_620, %parallel_loop3A_1184 : vector<16xi32>
        %parallel_loop3A_1186 = arith.constant 0 : i32
        %parallel_loop3A_1187 = arith.constant 0 : i32
        %parallel_loop3A_1188 = tpu.memref_slice %arg6[%select_n3A_205, %parallel_loop3A_1186, %parallel_loop3A_1187] : memref<2x512x32xf32, #tpu.memory_space<vmem>> -> memref<1x512x32xf32, #tpu.memory_space<vmem>>
        %parallel_loop3A_1189 = tpu.memref_squeeze %parallel_loop3A_1188 : memref<1x512x32xf32, #tpu.memory_space<vmem>> -> memref<512x32xf32, #tpu.memory_space<vmem>>
        %parallel_loop3A_1190 = tpu.vector_load_idx %parallel_loop3A_1189[%parallel_loop3A_1185, %parallel_loop3A_1182] : memref<512x32xf32, #tpu.memory_space<vmem>>[vector<16xi32>, vector<16xi32>], vector<16xf32>,
        %parallel_loop3A_1191 = arith.constant 2160 : i32
        %parallel_loop3A_1192 = vector.broadcast %parallel_loop3A_1191 : i32 to vector<16xi32>
        %parallel_loop3A_1193 = arith.addi %parallel_loop3A_621, %parallel_loop3A_1192 : vector<16xi32>
        %parallel_loop3A_1194 = arith.constant 1 : i32
        %parallel_loop3A_1195 = arith.constant 0 : i32
        %parallel_loop3A_1196 = tpu.memref_slice %arg7[%select_n3A_205, %parallel_loop3A_1194, %parallel_loop3A_1195] : memref<2x4x4096xf32, #tpu.memory_space<vmem>> -> memref<1x1x4096xf32, #tpu.memory_space<vmem>>
        %parallel_loop3A_1197 = tpu.memref_squeeze %parallel_loop3A_1196 : memref<1x1x4096xf32, #tpu.memory_space<vmem>> -> memref<4096xf32, #tpu.memory_space<vmem>>
        tpu.vector_store_idx %parallel_loop3A_1197[%parallel_loop3A_1193], %parallel_loop3A_1190 : memref<4096xf32, #tpu.memory_space<vmem>>[vector<16xi32>], vector<16xf32>,
        %parallel_loop3A_1198 = arith.constant 0 : i32
        %parallel_loop3A_1199 = vector.broadcast %parallel_loop3A_1198 : i32 to vector<16xi32>
        %parallel_loop3A_1200 = arith.addi %iota3A, %parallel_loop3A_1199 : vector<16xi32>
        %parallel_loop3A_1201 = arith.constant 256 : i32
        %parallel_loop3A_1202 = vector.broadcast %parallel_loop3A_1201 : i32 to vector<16xi32>
        %parallel_loop3A_1203 = arith.addi %parallel_loop3A_620, %parallel_loop3A_1202 : vector<16xi32>
        %parallel_loop3A_1204 = arith.constant 0 : i32
        %parallel_loop3A_1205 = arith.constant 0 : i32
        %parallel_loop3A_1206 = tpu.memref_slice %arg6[%select_n3A_205, %parallel_loop3A_1204, %parallel_loop3A_1205] : memref<2x512x32xf32, #tpu.memory_space<vmem>> -> memref<1x512x32xf32, #tpu.memory_space<vmem>>
        %parallel_loop3A_1207 = tpu.memref_squeeze %parallel_loop3A_1206 : memref<1x512x32xf32, #tpu.memory_space<vmem>> -> memref<512x32xf32, #tpu.memory_space<vmem>>
        %parallel_loop3A_1208 = tpu.vector_load_idx %parallel_loop3A_1207[%parallel_loop3A_1203, %parallel_loop3A_1200] : memref<512x32xf32, #tpu.memory_space<vmem>>[vector<16xi32>, vector<16xi32>], vector<16xf32>,
        %parallel_loop3A_1209 = arith.constant 0 : i32
        %parallel_loop3A_1210 = vector.broadcast %parallel_loop3A_1209 : i32 to vector<16xi32>
        %parallel_loop3A_1211 = arith.addi %parallel_loop3A_621, %parallel_loop3A_1210 : vector<16xi32>
        %parallel_loop3A_1212 = arith.constant 2 : i32
        %parallel_loop3A_1213 = arith.constant 0 : i32
        %parallel_loop3A_1214 = tpu.memref_slice %arg7[%select_n3A_205, %parallel_loop3A_1212, %parallel_loop3A_1213] : memref<2x4x4096xf32, #tpu.memory_space<vmem>> -> memref<1x1x4096xf32, #tpu.memory_space<vmem>>
        %parallel_loop3A_1215 = tpu.memref_squeeze %parallel_loop3A_1214 : memref<1x1x4096xf32, #tpu.memory_space<vmem>> -> memref<4096xf32, #tpu.memory_space<vmem>>
        tpu.vector_store_idx %parallel_loop3A_1215[%parallel_loop3A_1211], %parallel_loop3A_1208 : memref<4096xf32, #tpu.memory_space<vmem>>[vector<16xi32>], vector<16xf32>,
        %parallel_loop3A_1216 = arith.constant 16 : i32
        %parallel_loop3A_1217 = vector.broadcast %parallel_loop3A_1216 : i32 to vector<16xi32>
        %parallel_loop3A_1218 = arith.addi %iota3A, %parallel_loop3A_1217 : vector<16xi32>
        %parallel_loop3A_1219 = arith.constant 256 : i32
        %parallel_loop3A_1220 = vector.broadcast %parallel_loop3A_1219 : i32 to vector<16xi32>
        %parallel_loop3A_1221 = arith.addi %parallel_loop3A_620, %parallel_loop3A_1220 : vector<16xi32>
        %parallel_loop3A_1222 = arith.constant 0 : i32
        %parallel_loop3A_1223 = arith.constant 0 : i32
        %parallel_loop3A_1224 = tpu.memref_slice %arg6[%select_n3A_205, %parallel_loop3A_1222, %parallel_loop3A_1223] : memref<2x512x32xf32, #tpu.memory_space<vmem>> -> memref<1x512x32xf32, #tpu.memory_space<vmem>>
        %parallel_loop3A_1225 = tpu.memref_squeeze %parallel_loop3A_1224 : memref<1x512x32xf32, #tpu.memory_space<vmem>> -> memref<512x32xf32, #tpu.memory_space<vmem>>
        %parallel_loop3A_1226 = tpu.vector_load_idx %parallel_loop3A_1225[%parallel_loop3A_1221, %parallel_loop3A_1218] : memref<512x32xf32, #tpu.memory_space<vmem>>[vector<16xi32>, vector<16xi32>], vector<16xf32>,
        %parallel_loop3A_1227 = arith.constant 2048 : i32
        %parallel_loop3A_1228 = vector.broadcast %parallel_loop3A_1227 : i32 to vector<16xi32>
        %parallel_loop3A_1229 = arith.addi %parallel_loop3A_621, %parallel_loop3A_1228 : vector<16xi32>
        %parallel_loop3A_1230 = arith.constant 2 : i32
        %parallel_loop3A_1231 = arith.constant 0 : i32
        %parallel_loop3A_1232 = tpu.memref_slice %arg7[%select_n3A_205, %parallel_loop3A_1230, %parallel_loop3A_1231] : memref<2x4x4096xf32, #tpu.memory_space<vmem>> -> memref<1x1x4096xf32, #tpu.memory_space<vmem>>
        %parallel_loop3A_1233 = tpu.memref_squeeze %parallel_loop3A_1232 : memref<1x1x4096xf32, #tpu.memory_space<vmem>> -> memref<4096xf32, #tpu.memory_space<vmem>>
        tpu.vector_store_idx %parallel_loop3A_1233[%parallel_loop3A_1229], %parallel_loop3A_1226 : memref<4096xf32, #tpu.memory_space<vmem>>[vector<16xi32>], vector<16xf32>,
        %parallel_loop3A_1234 = arith.constant 0 : i32
        %parallel_loop3A_1235 = vector.broadcast %parallel_loop3A_1234 : i32 to vector<16xi32>
        %parallel_loop3A_1236 = arith.addi %iota3A, %parallel_loop3A_1235 : vector<16xi32>
        %parallel_loop3A_1237 = arith.constant 272 : i32
        %parallel_loop3A_1238 = vector.broadcast %parallel_loop3A_1237 : i32 to vector<16xi32>
        %parallel_loop3A_1239 = arith.addi %parallel_loop3A_620, %parallel_loop3A_1238 : vector<16xi32>
        %parallel_loop3A_1240 = arith.constant 0 : i32
        %parallel_loop3A_1241 = arith.constant 0 : i32
        %parallel_loop3A_1242 = tpu.memref_slice %arg6[%select_n3A_205, %parallel_loop3A_1240, %parallel_loop3A_1241] : memref<2x512x32xf32, #tpu.memory_space<vmem>> -> memref<1x512x32xf32, #tpu.memory_space<vmem>>
        %parallel_loop3A_1243 = tpu.memref_squeeze %parallel_loop3A_1242 : memref<1x512x32xf32, #tpu.memory_space<vmem>> -> memref<512x32xf32, #tpu.memory_space<vmem>>
        %parallel_loop3A_1244 = tpu.vector_load_idx %parallel_loop3A_1243[%parallel_loop3A_1239, %parallel_loop3A_1236] : memref<512x32xf32, #tpu.memory_space<vmem>>[vector<16xi32>, vector<16xi32>], vector<16xf32>,
        %parallel_loop3A_1245 = arith.constant 16 : i32
        %parallel_loop3A_1246 = vector.broadcast %parallel_loop3A_1245 : i32 to vector<16xi32>
        %parallel_loop3A_1247 = arith.addi %parallel_loop3A_621, %parallel_loop3A_1246 : vector<16xi32>
        %parallel_loop3A_1248 = arith.constant 2 : i32
        %parallel_loop3A_1249 = arith.constant 0 : i32
        %parallel_loop3A_1250 = tpu.memref_slice %arg7[%select_n3A_205, %parallel_loop3A_1248, %parallel_loop3A_1249] : memref<2x4x4096xf32, #tpu.memory_space<vmem>> -> memref<1x1x4096xf32, #tpu.memory_space<vmem>>
        %parallel_loop3A_1251 = tpu.memref_squeeze %parallel_loop3A_1250 : memref<1x1x4096xf32, #tpu.memory_space<vmem>> -> memref<4096xf32, #tpu.memory_space<vmem>>
        tpu.vector_store_idx %parallel_loop3A_1251[%parallel_loop3A_1247], %parallel_loop3A_1244 : memref<4096xf32, #tpu.memory_space<vmem>>[vector<16xi32>], vector<16xf32>,
        %parallel_loop3A_1252 = arith.constant 16 : i32
        %parallel_loop3A_1253 = vector.broadcast %parallel_loop3A_1252 : i32 to vector<16xi32>
        %parallel_loop3A_1254 = arith.addi %iota3A, %parallel_loop3A_1253 : vector<16xi32>
        %parallel_loop3A_1255 = arith.constant 272 : i32
        %parallel_loop3A_1256 = vector.broadcast %parallel_loop3A_1255 : i32 to vector<16xi32>
        %parallel_loop3A_1257 = arith.addi %parallel_loop3A_620, %parallel_loop3A_1256 : vector<16xi32>
        %parallel_loop3A_1258 = arith.constant 0 : i32
        %parallel_loop3A_1259 = arith.constant 0 : i32
        %parallel_loop3A_1260 = tpu.memref_slice %arg6[%select_n3A_205, %parallel_loop3A_1258, %parallel_loop3A_1259] : memref<2x512x32xf32, #tpu.memory_space<vmem>> -> memref<1x512x32xf32, #tpu.memory_space<vmem>>
        %parallel_loop3A_1261 = tpu.memref_squeeze %parallel_loop3A_1260 : memref<1x512x32xf32, #tpu.memory_space<vmem>> -> memref<512x32xf32, #tpu.memory_space<vmem>>
        %parallel_loop3A_1262 = tpu.vector_load_idx %parallel_loop3A_1261[%parallel_loop3A_1257, %parallel_loop3A_1254] : memref<512x32xf32, #tpu.memory_space<vmem>>[vector<16xi32>, vector<16xi32>], vector<16xf32>,
        %parallel_loop3A_1263 = arith.constant 2064 : i32
        %parallel_loop3A_1264 = vector.broadcast %parallel_loop3A_1263 : i32 to vector<16xi32>
        %parallel_loop3A_1265 = arith.addi %parallel_loop3A_621, %parallel_loop3A_1264 : vector<16xi32>
        %parallel_loop3A_1266 = arith.constant 2 : i32
        %parallel_loop3A_1267 = arith.constant 0 : i32
        %parallel_loop3A_1268 = tpu.memref_slice %arg7[%select_n3A_205, %parallel_loop3A_1266, %parallel_loop3A_1267] : memref<2x4x4096xf32, #tpu.memory_space<vmem>> -> memref<1x1x4096xf32, #tpu.memory_space<vmem>>
        %parallel_loop3A_1269 = tpu.memref_squeeze %parallel_loop3A_1268 : memref<1x1x4096xf32, #tpu.memory_space<vmem>> -> memref<4096xf32, #tpu.memory_space<vmem>>
        tpu.vector_store_idx %parallel_loop3A_1269[%parallel_loop3A_1265], %parallel_loop3A_1262 : memref<4096xf32, #tpu.memory_space<vmem>>[vector<16xi32>], vector<16xf32>,
        %parallel_loop3A_1270 = arith.constant 0 : i32
        %parallel_loop3A_1271 = vector.broadcast %parallel_loop3A_1270 : i32 to vector<16xi32>
        %parallel_loop3A_1272 = arith.addi %iota3A, %parallel_loop3A_1271 : vector<16xi32>
        %parallel_loop3A_1273 = arith.constant 288 : i32
        %parallel_loop3A_1274 = vector.broadcast %parallel_loop3A_1273 : i32 to vector<16xi32>
        %parallel_loop3A_1275 = arith.addi %parallel_loop3A_620, %parallel_loop3A_1274 : vector<16xi32>
        %parallel_loop3A_1276 = arith.constant 0 : i32
        %parallel_loop3A_1277 = arith.constant 0 : i32
        %parallel_loop3A_1278 = tpu.memref_slice %arg6[%select_n3A_205, %parallel_loop3A_1276, %parallel_loop3A_1277] : memref<2x512x32xf32, #tpu.memory_space<vmem>> -> memref<1x512x32xf32, #tpu.memory_space<vmem>>
        %parallel_loop3A_1279 = tpu.memref_squeeze %parallel_loop3A_1278 : memref<1x512x32xf32, #tpu.memory_space<vmem>> -> memref<512x32xf32, #tpu.memory_space<vmem>>
        %parallel_loop3A_1280 = tpu.vector_load_idx %parallel_loop3A_1279[%parallel_loop3A_1275, %parallel_loop3A_1272] : memref<512x32xf32, #tpu.memory_space<vmem>>[vector<16xi32>, vector<16xi32>], vector<16xf32>,
        %parallel_loop3A_1281 = arith.constant 32 : i32
        %parallel_loop3A_1282 = vector.broadcast %parallel_loop3A_1281 : i32 to vector<16xi32>
        %parallel_loop3A_1283 = arith.addi %parallel_loop3A_621, %parallel_loop3A_1282 : vector<16xi32>
        %parallel_loop3A_1284 = arith.constant 2 : i32
        %parallel_loop3A_1285 = arith.constant 0 : i32
        %parallel_loop3A_1286 = tpu.memref_slice %arg7[%select_n3A_205, %parallel_loop3A_1284, %parallel_loop3A_1285] : memref<2x4x4096xf32, #tpu.memory_space<vmem>> -> memref<1x1x4096xf32, #tpu.memory_space<vmem>>
        %parallel_loop3A_1287 = tpu.memref_squeeze %parallel_loop3A_1286 : memref<1x1x4096xf32, #tpu.memory_space<vmem>> -> memref<4096xf32, #tpu.memory_space<vmem>>
        tpu.vector_store_idx %parallel_loop3A_1287[%parallel_loop3A_1283], %parallel_loop3A_1280 : memref<4096xf32, #tpu.memory_space<vmem>>[vector<16xi32>], vector<16xf32>,
        %parallel_loop3A_1288 = arith.constant 16 : i32
        %parallel_loop3A_1289 = vector.broadcast %parallel_loop3A_1288 : i32 to vector<16xi32>
        %parallel_loop3A_1290 = arith.addi %iota3A, %parallel_loop3A_1289 : vector<16xi32>
        %parallel_loop3A_1291 = arith.constant 288 : i32
        %parallel_loop3A_1292 = vector.broadcast %parallel_loop3A_1291 : i32 to vector<16xi32>
        %parallel_loop3A_1293 = arith.addi %parallel_loop3A_620, %parallel_loop3A_1292 : vector<16xi32>
        %parallel_loop3A_1294 = arith.constant 0 : i32
        %parallel_loop3A_1295 = arith.constant 0 : i32
        %parallel_loop3A_1296 = tpu.memref_slice %arg6[%select_n3A_205, %parallel_loop3A_1294, %parallel_loop3A_1295] : memref<2x512x32xf32, #tpu.memory_space<vmem>> -> memref<1x512x32xf32, #tpu.memory_space<vmem>>
        %parallel_loop3A_1297 = tpu.memref_squeeze %parallel_loop3A_1296 : memref<1x512x32xf32, #tpu.memory_space<vmem>> -> memref<512x32xf32, #tpu.memory_space<vmem>>
        %parallel_loop3A_1298 = tpu.vector_load_idx %parallel_loop3A_1297[%parallel_loop3A_1293, %parallel_loop3A_1290] : memref<512x32xf32, #tpu.memory_space<vmem>>[vector<16xi32>, vector<16xi32>], vector<16xf32>,
        %parallel_loop3A_1299 = arith.constant 2080 : i32
        %parallel_loop3A_1300 = vector.broadcast %parallel_loop3A_1299 : i32 to vector<16xi32>
        %parallel_loop3A_1301 = arith.addi %parallel_loop3A_621, %parallel_loop3A_1300 : vector<16xi32>
        %parallel_loop3A_1302 = arith.constant 2 : i32
        %parallel_loop3A_1303 = arith.constant 0 : i32
        %parallel_loop3A_1304 = tpu.memref_slice %arg7[%select_n3A_205, %parallel_loop3A_1302, %parallel_loop3A_1303] : memref<2x4x4096xf32, #tpu.memory_space<vmem>> -> memref<1x1x4096xf32, #tpu.memory_space<vmem>>
        %parallel_loop3A_1305 = tpu.memref_squeeze %parallel_loop3A_1304 : memref<1x1x4096xf32, #tpu.memory_space<vmem>> -> memref<4096xf32, #tpu.memory_space<vmem>>
        tpu.vector_store_idx %parallel_loop3A_1305[%parallel_loop3A_1301], %parallel_loop3A_1298 : memref<4096xf32, #tpu.memory_space<vmem>>[vector<16xi32>], vector<16xf32>,
        %parallel_loop3A_1306 = arith.constant 0 : i32
        %parallel_loop3A_1307 = vector.broadcast %parallel_loop3A_1306 : i32 to vector<16xi32>
        %parallel_loop3A_1308 = arith.addi %iota3A, %parallel_loop3A_1307 : vector<16xi32>
        %parallel_loop3A_1309 = arith.constant 304 : i32
        %parallel_loop3A_1310 = vector.broadcast %parallel_loop3A_1309 : i32 to vector<16xi32>
        %parallel_loop3A_1311 = arith.addi %parallel_loop3A_620, %parallel_loop3A_1310 : vector<16xi32>
        %parallel_loop3A_1312 = arith.constant 0 : i32
        %parallel_loop3A_1313 = arith.constant 0 : i32
        %parallel_loop3A_1314 = tpu.memref_slice %arg6[%select_n3A_205, %parallel_loop3A_1312, %parallel_loop3A_1313] : memref<2x512x32xf32, #tpu.memory_space<vmem>> -> memref<1x512x32xf32, #tpu.memory_space<vmem>>
        %parallel_loop3A_1315 = tpu.memref_squeeze %parallel_loop3A_1314 : memref<1x512x32xf32, #tpu.memory_space<vmem>> -> memref<512x32xf32, #tpu.memory_space<vmem>>
        %parallel_loop3A_1316 = tpu.vector_load_idx %parallel_loop3A_1315[%parallel_loop3A_1311, %parallel_loop3A_1308] : memref<512x32xf32, #tpu.memory_space<vmem>>[vector<16xi32>, vector<16xi32>], vector<16xf32>,
        %parallel_loop3A_1317 = arith.constant 48 : i32
        %parallel_loop3A_1318 = vector.broadcast %parallel_loop3A_1317 : i32 to vector<16xi32>
        %parallel_loop3A_1319 = arith.addi %parallel_loop3A_621, %parallel_loop3A_1318 : vector<16xi32>
        %parallel_loop3A_1320 = arith.constant 2 : i32
        %parallel_loop3A_1321 = arith.constant 0 : i32
        %parallel_loop3A_1322 = tpu.memref_slice %arg7[%select_n3A_205, %parallel_loop3A_1320, %parallel_loop3A_1321] : memref<2x4x4096xf32, #tpu.memory_space<vmem>> -> memref<1x1x4096xf32, #tpu.memory_space<vmem>>
        %parallel_loop3A_1323 = tpu.memref_squeeze %parallel_loop3A_1322 : memref<1x1x4096xf32, #tpu.memory_space<vmem>> -> memref<4096xf32, #tpu.memory_space<vmem>>
        tpu.vector_store_idx %parallel_loop3A_1323[%parallel_loop3A_1319], %parallel_loop3A_1316 : memref<4096xf32, #tpu.memory_space<vmem>>[vector<16xi32>], vector<16xf32>,
        %parallel_loop3A_1324 = arith.constant 16 : i32
        %parallel_loop3A_1325 = vector.broadcast %parallel_loop3A_1324 : i32 to vector<16xi32>
        %parallel_loop3A_1326 = arith.addi %iota3A, %parallel_loop3A_1325 : vector<16xi32>
        %parallel_loop3A_1327 = arith.constant 304 : i32
        %parallel_loop3A_1328 = vector.broadcast %parallel_loop3A_1327 : i32 to vector<16xi32>
        %parallel_loop3A_1329 = arith.addi %parallel_loop3A_620, %parallel_loop3A_1328 : vector<16xi32>
        %parallel_loop3A_1330 = arith.constant 0 : i32
        %parallel_loop3A_1331 = arith.constant 0 : i32
        %parallel_loop3A_1332 = tpu.memref_slice %arg6[%select_n3A_205, %parallel_loop3A_1330, %parallel_loop3A_1331] : memref<2x512x32xf32, #tpu.memory_space<vmem>> -> memref<1x512x32xf32, #tpu.memory_space<vmem>>
        %parallel_loop3A_1333 = tpu.memref_squeeze %parallel_loop3A_1332 : memref<1x512x32xf32, #tpu.memory_space<vmem>> -> memref<512x32xf32, #tpu.memory_space<vmem>>
        %parallel_loop3A_1334 = tpu.vector_load_idx %parallel_loop3A_1333[%parallel_loop3A_1329, %parallel_loop3A_1326] : memref<512x32xf32, #tpu.memory_space<vmem>>[vector<16xi32>, vector<16xi32>], vector<16xf32>,
        %parallel_loop3A_1335 = arith.constant 2096 : i32
        %parallel_loop3A_1336 = vector.broadcast %parallel_loop3A_1335 : i32 to vector<16xi32>
        %parallel_loop3A_1337 = arith.addi %parallel_loop3A_621, %parallel_loop3A_1336 : vector<16xi32>
        %parallel_loop3A_1338 = arith.constant 2 : i32
        %parallel_loop3A_1339 = arith.constant 0 : i32
        %parallel_loop3A_1340 = tpu.memref_slice %arg7[%select_n3A_205, %parallel_loop3A_1338, %parallel_loop3A_1339] : memref<2x4x4096xf32, #tpu.memory_space<vmem>> -> memref<1x1x4096xf32, #tpu.memory_space<vmem>>
        %parallel_loop3A_1341 = tpu.memref_squeeze %parallel_loop3A_1340 : memref<1x1x4096xf32, #tpu.memory_space<vmem>> -> memref<4096xf32, #tpu.memory_space<vmem>>
        tpu.vector_store_idx %parallel_loop3A_1341[%parallel_loop3A_1337], %parallel_loop3A_1334 : memref<4096xf32, #tpu.memory_space<vmem>>[vector<16xi32>], vector<16xf32>,
        %parallel_loop3A_1342 = arith.constant 0 : i32
        %parallel_loop3A_1343 = vector.broadcast %parallel_loop3A_1342 : i32 to vector<16xi32>
        %parallel_loop3A_1344 = arith.addi %iota3A, %parallel_loop3A_1343 : vector<16xi32>
        %parallel_loop3A_1345 = arith.constant 320 : i32
        %parallel_loop3A_1346 = vector.broadcast %parallel_loop3A_1345 : i32 to vector<16xi32>
        %parallel_loop3A_1347 = arith.addi %parallel_loop3A_620, %parallel_loop3A_1346 : vector<16xi32>
        %parallel_loop3A_1348 = arith.constant 0 : i32
        %parallel_loop3A_1349 = arith.constant 0 : i32
        %parallel_loop3A_1350 = tpu.memref_slice %arg6[%select_n3A_205, %parallel_loop3A_1348, %parallel_loop3A_1349] : memref<2x512x32xf32, #tpu.memory_space<vmem>> -> memref<1x512x32xf32, #tpu.memory_space<vmem>>
        %parallel_loop3A_1351 = tpu.memref_squeeze %parallel_loop3A_1350 : memref<1x512x32xf32, #tpu.memory_space<vmem>> -> memref<512x32xf32, #tpu.memory_space<vmem>>
        %parallel_loop3A_1352 = tpu.vector_load_idx %parallel_loop3A_1351[%parallel_loop3A_1347, %parallel_loop3A_1344] : memref<512x32xf32, #tpu.memory_space<vmem>>[vector<16xi32>, vector<16xi32>], vector<16xf32>,
        %parallel_loop3A_1353 = arith.constant 64 : i32
        %parallel_loop3A_1354 = vector.broadcast %parallel_loop3A_1353 : i32 to vector<16xi32>
        %parallel_loop3A_1355 = arith.addi %parallel_loop3A_621, %parallel_loop3A_1354 : vector<16xi32>
        %parallel_loop3A_1356 = arith.constant 2 : i32
        %parallel_loop3A_1357 = arith.constant 0 : i32
        %parallel_loop3A_1358 = tpu.memref_slice %arg7[%select_n3A_205, %parallel_loop3A_1356, %parallel_loop3A_1357] : memref<2x4x4096xf32, #tpu.memory_space<vmem>> -> memref<1x1x4096xf32, #tpu.memory_space<vmem>>
        %parallel_loop3A_1359 = tpu.memref_squeeze %parallel_loop3A_1358 : memref<1x1x4096xf32, #tpu.memory_space<vmem>> -> memref<4096xf32, #tpu.memory_space<vmem>>
        tpu.vector_store_idx %parallel_loop3A_1359[%parallel_loop3A_1355], %parallel_loop3A_1352 : memref<4096xf32, #tpu.memory_space<vmem>>[vector<16xi32>], vector<16xf32>,
        %parallel_loop3A_1360 = arith.constant 16 : i32
        %parallel_loop3A_1361 = vector.broadcast %parallel_loop3A_1360 : i32 to vector<16xi32>
        %parallel_loop3A_1362 = arith.addi %iota3A, %parallel_loop3A_1361 : vector<16xi32>
        %parallel_loop3A_1363 = arith.constant 320 : i32
        %parallel_loop3A_1364 = vector.broadcast %parallel_loop3A_1363 : i32 to vector<16xi32>
        %parallel_loop3A_1365 = arith.addi %parallel_loop3A_620, %parallel_loop3A_1364 : vector<16xi32>
        %parallel_loop3A_1366 = arith.constant 0 : i32
        %parallel_loop3A_1367 = arith.constant 0 : i32
        %parallel_loop3A_1368 = tpu.memref_slice %arg6[%select_n3A_205, %parallel_loop3A_1366, %parallel_loop3A_1367] : memref<2x512x32xf32, #tpu.memory_space<vmem>> -> memref<1x512x32xf32, #tpu.memory_space<vmem>>
        %parallel_loop3A_1369 = tpu.memref_squeeze %parallel_loop3A_1368 : memref<1x512x32xf32, #tpu.memory_space<vmem>> -> memref<512x32xf32, #tpu.memory_space<vmem>>
        %parallel_loop3A_1370 = tpu.vector_load_idx %parallel_loop3A_1369[%parallel_loop3A_1365, %parallel_loop3A_1362] : memref<512x32xf32, #tpu.memory_space<vmem>>[vector<16xi32>, vector<16xi32>], vector<16xf32>,
        %parallel_loop3A_1371 = arith.constant 2112 : i32
        %parallel_loop3A_1372 = vector.broadcast %parallel_loop3A_1371 : i32 to vector<16xi32>
        %parallel_loop3A_1373 = arith.addi %parallel_loop3A_621, %parallel_loop3A_1372 : vector<16xi32>
        %parallel_loop3A_1374 = arith.constant 2 : i32
        %parallel_loop3A_1375 = arith.constant 0 : i32
        %parallel_loop3A_1376 = tpu.memref_slice %arg7[%select_n3A_205, %parallel_loop3A_1374, %parallel_loop3A_1375] : memref<2x4x4096xf32, #tpu.memory_space<vmem>> -> memref<1x1x4096xf32, #tpu.memory_space<vmem>>
        %parallel_loop3A_1377 = tpu.memref_squeeze %parallel_loop3A_1376 : memref<1x1x4096xf32, #tpu.memory_space<vmem>> -> memref<4096xf32, #tpu.memory_space<vmem>>
        tpu.vector_store_idx %parallel_loop3A_1377[%parallel_loop3A_1373], %parallel_loop3A_1370 : memref<4096xf32, #tpu.memory_space<vmem>>[vector<16xi32>], vector<16xf32>,
        %parallel_loop3A_1378 = arith.constant 0 : i32
        %parallel_loop3A_1379 = vector.broadcast %parallel_loop3A_1378 : i32 to vector<16xi32>
        %parallel_loop3A_1380 = arith.addi %iota3A, %parallel_loop3A_1379 : vector<16xi32>
        %parallel_loop3A_1381 = arith.constant 336 : i32
        %parallel_loop3A_1382 = vector.broadcast %parallel_loop3A_1381 : i32 to vector<16xi32>
        %parallel_loop3A_1383 = arith.addi %parallel_loop3A_620, %parallel_loop3A_1382 : vector<16xi32>
        %parallel_loop3A_1384 = arith.constant 0 : i32
        %parallel_loop3A_1385 = arith.constant 0 : i32
        %parallel_loop3A_1386 = tpu.memref_slice %arg6[%select_n3A_205, %parallel_loop3A_1384, %parallel_loop3A_1385] : memref<2x512x32xf32, #tpu.memory_space<vmem>> -> memref<1x512x32xf32, #tpu.memory_space<vmem>>
        %parallel_loop3A_1387 = tpu.memref_squeeze %parallel_loop3A_1386 : memref<1x512x32xf32, #tpu.memory_space<vmem>> -> memref<512x32xf32, #tpu.memory_space<vmem>>
        %parallel_loop3A_1388 = tpu.vector_load_idx %parallel_loop3A_1387[%parallel_loop3A_1383, %parallel_loop3A_1380] : memref<512x32xf32, #tpu.memory_space<vmem>>[vector<16xi32>, vector<16xi32>], vector<16xf32>,
        %parallel_loop3A_1389 = arith.constant 80 : i32
        %parallel_loop3A_1390 = vector.broadcast %parallel_loop3A_1389 : i32 to vector<16xi32>
        %parallel_loop3A_1391 = arith.addi %parallel_loop3A_621, %parallel_loop3A_1390 : vector<16xi32>
        %parallel_loop3A_1392 = arith.constant 2 : i32
        %parallel_loop3A_1393 = arith.constant 0 : i32
        %parallel_loop3A_1394 = tpu.memref_slice %arg7[%select_n3A_205, %parallel_loop3A_1392, %parallel_loop3A_1393] : memref<2x4x4096xf32, #tpu.memory_space<vmem>> -> memref<1x1x4096xf32, #tpu.memory_space<vmem>>
        %parallel_loop3A_1395 = tpu.memref_squeeze %parallel_loop3A_1394 : memref<1x1x4096xf32, #tpu.memory_space<vmem>> -> memref<4096xf32, #tpu.memory_space<vmem>>
        tpu.vector_store_idx %parallel_loop3A_1395[%parallel_loop3A_1391], %parallel_loop3A_1388 : memref<4096xf32, #tpu.memory_space<vmem>>[vector<16xi32>], vector<16xf32>,
        %parallel_loop3A_1396 = arith.constant 16 : i32
        %parallel_loop3A_1397 = vector.broadcast %parallel_loop3A_1396 : i32 to vector<16xi32>
        %parallel_loop3A_1398 = arith.addi %iota3A, %parallel_loop3A_1397 : vector<16xi32>
        %parallel_loop3A_1399 = arith.constant 336 : i32
        %parallel_loop3A_1400 = vector.broadcast %parallel_loop3A_1399 : i32 to vector<16xi32>
        %parallel_loop3A_1401 = arith.addi %parallel_loop3A_620, %parallel_loop3A_1400 : vector<16xi32>
        %parallel_loop3A_1402 = arith.constant 0 : i32
        %parallel_loop3A_1403 = arith.constant 0 : i32
        %parallel_loop3A_1404 = tpu.memref_slice %arg6[%select_n3A_205, %parallel_loop3A_1402, %parallel_loop3A_1403] : memref<2x512x32xf32, #tpu.memory_space<vmem>> -> memref<1x512x32xf32, #tpu.memory_space<vmem>>
        %parallel_loop3A_1405 = tpu.memref_squeeze %parallel_loop3A_1404 : memref<1x512x32xf32, #tpu.memory_space<vmem>> -> memref<512x32xf32, #tpu.memory_space<vmem>>
        %parallel_loop3A_1406 = tpu.vector_load_idx %parallel_loop3A_1405[%parallel_loop3A_1401, %parallel_loop3A_1398] : memref<512x32xf32, #tpu.memory_space<vmem>>[vector<16xi32>, vector<16xi32>], vector<16xf32>,
        %parallel_loop3A_1407 = arith.constant 2128 : i32
        %parallel_loop3A_1408 = vector.broadcast %parallel_loop3A_1407 : i32 to vector<16xi32>
        %parallel_loop3A_1409 = arith.addi %parallel_loop3A_621, %parallel_loop3A_1408 : vector<16xi32>
        %parallel_loop3A_1410 = arith.constant 2 : i32
        %parallel_loop3A_1411 = arith.constant 0 : i32
        %parallel_loop3A_1412 = tpu.memref_slice %arg7[%select_n3A_205, %parallel_loop3A_1410, %parallel_loop3A_1411] : memref<2x4x4096xf32, #tpu.memory_space<vmem>> -> memref<1x1x4096xf32, #tpu.memory_space<vmem>>
        %parallel_loop3A_1413 = tpu.memref_squeeze %parallel_loop3A_1412 : memref<1x1x4096xf32, #tpu.memory_space<vmem>> -> memref<4096xf32, #tpu.memory_space<vmem>>
        tpu.vector_store_idx %parallel_loop3A_1413[%parallel_loop3A_1409], %parallel_loop3A_1406 : memref<4096xf32, #tpu.memory_space<vmem>>[vector<16xi32>], vector<16xf32>,
        %parallel_loop3A_1414 = arith.constant 0 : i32
        %parallel_loop3A_1415 = vector.broadcast %parallel_loop3A_1414 : i32 to vector<16xi32>
        %parallel_loop3A_1416 = arith.addi %iota3A, %parallel_loop3A_1415 : vector<16xi32>
        %parallel_loop3A_1417 = arith.constant 352 : i32
        %parallel_loop3A_1418 = vector.broadcast %parallel_loop3A_1417 : i32 to vector<16xi32>
        %parallel_loop3A_1419 = arith.addi %parallel_loop3A_620, %parallel_loop3A_1418 : vector<16xi32>
        %parallel_loop3A_1420 = arith.constant 0 : i32
        %parallel_loop3A_1421 = arith.constant 0 : i32
        %parallel_loop3A_1422 = tpu.memref_slice %arg6[%select_n3A_205, %parallel_loop3A_1420, %parallel_loop3A_1421] : memref<2x512x32xf32, #tpu.memory_space<vmem>> -> memref<1x512x32xf32, #tpu.memory_space<vmem>>
        %parallel_loop3A_1423 = tpu.memref_squeeze %parallel_loop3A_1422 : memref<1x512x32xf32, #tpu.memory_space<vmem>> -> memref<512x32xf32, #tpu.memory_space<vmem>>
        %parallel_loop3A_1424 = tpu.vector_load_idx %parallel_loop3A_1423[%parallel_loop3A_1419, %parallel_loop3A_1416] : memref<512x32xf32, #tpu.memory_space<vmem>>[vector<16xi32>, vector<16xi32>], vector<16xf32>,
        %parallel_loop3A_1425 = arith.constant 96 : i32
        %parallel_loop3A_1426 = vector.broadcast %parallel_loop3A_1425 : i32 to vector<16xi32>
        %parallel_loop3A_1427 = arith.addi %parallel_loop3A_621, %parallel_loop3A_1426 : vector<16xi32>
        %parallel_loop3A_1428 = arith.constant 2 : i32
        %parallel_loop3A_1429 = arith.constant 0 : i32
        %parallel_loop3A_1430 = tpu.memref_slice %arg7[%select_n3A_205, %parallel_loop3A_1428, %parallel_loop3A_1429] : memref<2x4x4096xf32, #tpu.memory_space<vmem>> -> memref<1x1x4096xf32, #tpu.memory_space<vmem>>
        %parallel_loop3A_1431 = tpu.memref_squeeze %parallel_loop3A_1430 : memref<1x1x4096xf32, #tpu.memory_space<vmem>> -> memref<4096xf32, #tpu.memory_space<vmem>>
        tpu.vector_store_idx %parallel_loop3A_1431[%parallel_loop3A_1427], %parallel_loop3A_1424 : memref<4096xf32, #tpu.memory_space<vmem>>[vector<16xi32>], vector<16xf32>,
        %parallel_loop3A_1432 = arith.constant 16 : i32
        %parallel_loop3A_1433 = vector.broadcast %parallel_loop3A_1432 : i32 to vector<16xi32>
        %parallel_loop3A_1434 = arith.addi %iota3A, %parallel_loop3A_1433 : vector<16xi32>
        %parallel_loop3A_1435 = arith.constant 352 : i32
        %parallel_loop3A_1436 = vector.broadcast %parallel_loop3A_1435 : i32 to vector<16xi32>
        %parallel_loop3A_1437 = arith.addi %parallel_loop3A_620, %parallel_loop3A_1436 : vector<16xi32>
        %parallel_loop3A_1438 = arith.constant 0 : i32
        %parallel_loop3A_1439 = arith.constant 0 : i32
        %parallel_loop3A_1440 = tpu.memref_slice %arg6[%select_n3A_205, %parallel_loop3A_1438, %parallel_loop3A_1439] : memref<2x512x32xf32, #tpu.memory_space<vmem>> -> memref<1x512x32xf32, #tpu.memory_space<vmem>>
        %parallel_loop3A_1441 = tpu.memref_squeeze %parallel_loop3A_1440 : memref<1x512x32xf32, #tpu.memory_space<vmem>> -> memref<512x32xf32, #tpu.memory_space<vmem>>
        %parallel_loop3A_1442 = tpu.vector_load_idx %parallel_loop3A_1441[%parallel_loop3A_1437, %parallel_loop3A_1434] : memref<512x32xf32, #tpu.memory_space<vmem>>[vector<16xi32>, vector<16xi32>], vector<16xf32>,
        %parallel_loop3A_1443 = arith.constant 2144 : i32
        %parallel_loop3A_1444 = vector.broadcast %parallel_loop3A_1443 : i32 to vector<16xi32>
        %parallel_loop3A_1445 = arith.addi %parallel_loop3A_621, %parallel_loop3A_1444 : vector<16xi32>
        %parallel_loop3A_1446 = arith.constant 2 : i32
        %parallel_loop3A_1447 = arith.constant 0 : i32
        %parallel_loop3A_1448 = tpu.memref_slice %arg7[%select_n3A_205, %parallel_loop3A_1446, %parallel_loop3A_1447] : memref<2x4x4096xf32, #tpu.memory_space<vmem>> -> memref<1x1x4096xf32, #tpu.memory_space<vmem>>
        %parallel_loop3A_1449 = tpu.memref_squeeze %parallel_loop3A_1448 : memref<1x1x4096xf32, #tpu.memory_space<vmem>> -> memref<4096xf32, #tpu.memory_space<vmem>>
        tpu.vector_store_idx %parallel_loop3A_1449[%parallel_loop3A_1445], %parallel_loop3A_1442 : memref<4096xf32, #tpu.memory_space<vmem>>[vector<16xi32>], vector<16xf32>,
        %parallel_loop3A_1450 = arith.constant 0 : i32
        %parallel_loop3A_1451 = vector.broadcast %parallel_loop3A_1450 : i32 to vector<16xi32>
        %parallel_loop3A_1452 = arith.addi %iota3A, %parallel_loop3A_1451 : vector<16xi32>
        %parallel_loop3A_1453 = arith.constant 368 : i32
        %parallel_loop3A_1454 = vector.broadcast %parallel_loop3A_1453 : i32 to vector<16xi32>
        %parallel_loop3A_1455 = arith.addi %parallel_loop3A_620, %parallel_loop3A_1454 : vector<16xi32>
        %parallel_loop3A_1456 = arith.constant 0 : i32
        %parallel_loop3A_1457 = arith.constant 0 : i32
        %parallel_loop3A_1458 = tpu.memref_slice %arg6[%select_n3A_205, %parallel_loop3A_1456, %parallel_loop3A_1457] : memref<2x512x32xf32, #tpu.memory_space<vmem>> -> memref<1x512x32xf32, #tpu.memory_space<vmem>>
        %parallel_loop3A_1459 = tpu.memref_squeeze %parallel_loop3A_1458 : memref<1x512x32xf32, #tpu.memory_space<vmem>> -> memref<512x32xf32, #tpu.memory_space<vmem>>
        %parallel_loop3A_1460 = tpu.vector_load_idx %parallel_loop3A_1459[%parallel_loop3A_1455, %parallel_loop3A_1452] : memref<512x32xf32, #tpu.memory_space<vmem>>[vector<16xi32>, vector<16xi32>], vector<16xf32>,
        %parallel_loop3A_1461 = arith.constant 112 : i32
        %parallel_loop3A_1462 = vector.broadcast %parallel_loop3A_1461 : i32 to vector<16xi32>
        %parallel_loop3A_1463 = arith.addi %parallel_loop3A_621, %parallel_loop3A_1462 : vector<16xi32>
        %parallel_loop3A_1464 = arith.constant 2 : i32
        %parallel_loop3A_1465 = arith.constant 0 : i32
        %parallel_loop3A_1466 = tpu.memref_slice %arg7[%select_n3A_205, %parallel_loop3A_1464, %parallel_loop3A_1465] : memref<2x4x4096xf32, #tpu.memory_space<vmem>> -> memref<1x1x4096xf32, #tpu.memory_space<vmem>>
        %parallel_loop3A_1467 = tpu.memref_squeeze %parallel_loop3A_1466 : memref<1x1x4096xf32, #tpu.memory_space<vmem>> -> memref<4096xf32, #tpu.memory_space<vmem>>
        tpu.vector_store_idx %parallel_loop3A_1467[%parallel_loop3A_1463], %parallel_loop3A_1460 : memref<4096xf32, #tpu.memory_space<vmem>>[vector<16xi32>], vector<16xf32>,
        %parallel_loop3A_1468 = arith.constant 16 : i32
        %parallel_loop3A_1469 = vector.broadcast %parallel_loop3A_1468 : i32 to vector<16xi32>
        %parallel_loop3A_1470 = arith.addi %iota3A, %parallel_loop3A_1469 : vector<16xi32>
        %parallel_loop3A_1471 = arith.constant 368 : i32
        %parallel_loop3A_1472 = vector.broadcast %parallel_loop3A_1471 : i32 to vector<16xi32>
        %parallel_loop3A_1473 = arith.addi %parallel_loop3A_620, %parallel_loop3A_1472 : vector<16xi32>
        %parallel_loop3A_1474 = arith.constant 0 : i32
        %parallel_loop3A_1475 = arith.constant 0 : i32
        %parallel_loop3A_1476 = tpu.memref_slice %arg6[%select_n3A_205, %parallel_loop3A_1474, %parallel_loop3A_1475] : memref<2x512x32xf32, #tpu.memory_space<vmem>> -> memref<1x512x32xf32, #tpu.memory_space<vmem>>
        %parallel_loop3A_1477 = tpu.memref_squeeze %parallel_loop3A_1476 : memref<1x512x32xf32, #tpu.memory_space<vmem>> -> memref<512x32xf32, #tpu.memory_space<vmem>>
        %parallel_loop3A_1478 = tpu.vector_load_idx %parallel_loop3A_1477[%parallel_loop3A_1473, %parallel_loop3A_1470] : memref<512x32xf32, #tpu.memory_space<vmem>>[vector<16xi32>, vector<16xi32>], vector<16xf32>,
        %parallel_loop3A_1479 = arith.constant 2160 : i32
        %parallel_loop3A_1480 = vector.broadcast %parallel_loop3A_1479 : i32 to vector<16xi32>
        %parallel_loop3A_1481 = arith.addi %parallel_loop3A_621, %parallel_loop3A_1480 : vector<16xi32>
        %parallel_loop3A_1482 = arith.constant 2 : i32
        %parallel_loop3A_1483 = arith.constant 0 : i32
        %parallel_loop3A_1484 = tpu.memref_slice %arg7[%select_n3A_205, %parallel_loop3A_1482, %parallel_loop3A_1483] : memref<2x4x4096xf32, #tpu.memory_space<vmem>> -> memref<1x1x4096xf32, #tpu.memory_space<vmem>>
        %parallel_loop3A_1485 = tpu.memref_squeeze %parallel_loop3A_1484 : memref<1x1x4096xf32, #tpu.memory_space<vmem>> -> memref<4096xf32, #tpu.memory_space<vmem>>
        tpu.vector_store_idx %parallel_loop3A_1485[%parallel_loop3A_1481], %parallel_loop3A_1478 : memref<4096xf32, #tpu.memory_space<vmem>>[vector<16xi32>], vector<16xf32>,
        %parallel_loop3A_1486 = arith.constant 0 : i32
        %parallel_loop3A_1487 = vector.broadcast %parallel_loop3A_1486 : i32 to vector<16xi32>
        %parallel_loop3A_1488 = arith.addi %iota3A, %parallel_loop3A_1487 : vector<16xi32>
        %parallel_loop3A_1489 = arith.constant 384 : i32
        %parallel_loop3A_1490 = vector.broadcast %parallel_loop3A_1489 : i32 to vector<16xi32>
        %parallel_loop3A_1491 = arith.addi %parallel_loop3A_620, %parallel_loop3A_1490 : vector<16xi32>
        %parallel_loop3A_1492 = arith.constant 0 : i32
        %parallel_loop3A_1493 = arith.constant 0 : i32
        %parallel_loop3A_1494 = tpu.memref_slice %arg6[%select_n3A_205, %parallel_loop3A_1492, %parallel_loop3A_1493] : memref<2x512x32xf32, #tpu.memory_space<vmem>> -> memref<1x512x32xf32, #tpu.memory_space<vmem>>
        %parallel_loop3A_1495 = tpu.memref_squeeze %parallel_loop3A_1494 : memref<1x512x32xf32, #tpu.memory_space<vmem>> -> memref<512x32xf32, #tpu.memory_space<vmem>>
        %parallel_loop3A_1496 = tpu.vector_load_idx %parallel_loop3A_1495[%parallel_loop3A_1491, %parallel_loop3A_1488] : memref<512x32xf32, #tpu.memory_space<vmem>>[vector<16xi32>, vector<16xi32>], vector<16xf32>,
        %parallel_loop3A_1497 = arith.constant 0 : i32
        %parallel_loop3A_1498 = vector.broadcast %parallel_loop3A_1497 : i32 to vector<16xi32>
        %parallel_loop3A_1499 = arith.addi %parallel_loop3A_621, %parallel_loop3A_1498 : vector<16xi32>
        %parallel_loop3A_1500 = arith.constant 3 : i32
        %parallel_loop3A_1501 = arith.constant 0 : i32
        %parallel_loop3A_1502 = tpu.memref_slice %arg7[%select_n3A_205, %parallel_loop3A_1500, %parallel_loop3A_1501] : memref<2x4x4096xf32, #tpu.memory_space<vmem>> -> memref<1x1x4096xf32, #tpu.memory_space<vmem>>
        %parallel_loop3A_1503 = tpu.memref_squeeze %parallel_loop3A_1502 : memref<1x1x4096xf32, #tpu.memory_space<vmem>> -> memref<4096xf32, #tpu.memory_space<vmem>>
        tpu.vector_store_idx %parallel_loop3A_1503[%parallel_loop3A_1499], %parallel_loop3A_1496 : memref<4096xf32, #tpu.memory_space<vmem>>[vector<16xi32>], vector<16xf32>,
        %parallel_loop3A_1504 = arith.constant 16 : i32
        %parallel_loop3A_1505 = vector.broadcast %parallel_loop3A_1504 : i32 to vector<16xi32>
        %parallel_loop3A_1506 = arith.addi %iota3A, %parallel_loop3A_1505 : vector<16xi32>
        %parallel_loop3A_1507 = arith.constant 384 : i32
        %parallel_loop3A_1508 = vector.broadcast %parallel_loop3A_1507 : i32 to vector<16xi32>
        %parallel_loop3A_1509 = arith.addi %parallel_loop3A_620, %parallel_loop3A_1508 : vector<16xi32>
        %parallel_loop3A_1510 = arith.constant 0 : i32
        %parallel_loop3A_1511 = arith.constant 0 : i32
        %parallel_loop3A_1512 = tpu.memref_slice %arg6[%select_n3A_205, %parallel_loop3A_1510, %parallel_loop3A_1511] : memref<2x512x32xf32, #tpu.memory_space<vmem>> -> memref<1x512x32xf32, #tpu.memory_space<vmem>>
        %parallel_loop3A_1513 = tpu.memref_squeeze %parallel_loop3A_1512 : memref<1x512x32xf32, #tpu.memory_space<vmem>> -> memref<512x32xf32, #tpu.memory_space<vmem>>
        %parallel_loop3A_1514 = tpu.vector_load_idx %parallel_loop3A_1513[%parallel_loop3A_1509, %parallel_loop3A_1506] : memref<512x32xf32, #tpu.memory_space<vmem>>[vector<16xi32>, vector<16xi32>], vector<16xf32>,
        %parallel_loop3A_1515 = arith.constant 2048 : i32
        %parallel_loop3A_1516 = vector.broadcast %parallel_loop3A_1515 : i32 to vector<16xi32>
        %parallel_loop3A_1517 = arith.addi %parallel_loop3A_621, %parallel_loop3A_1516 : vector<16xi32>
        %parallel_loop3A_1518 = arith.constant 3 : i32
        %parallel_loop3A_1519 = arith.constant 0 : i32
        %parallel_loop3A_1520 = tpu.memref_slice %arg7[%select_n3A_205, %parallel_loop3A_1518, %parallel_loop3A_1519] : memref<2x4x4096xf32, #tpu.memory_space<vmem>> -> memref<1x1x4096xf32, #tpu.memory_space<vmem>>
        %parallel_loop3A_1521 = tpu.memref_squeeze %parallel_loop3A_1520 : memref<1x1x4096xf32, #tpu.memory_space<vmem>> -> memref<4096xf32, #tpu.memory_space<vmem>>
        tpu.vector_store_idx %parallel_loop3A_1521[%parallel_loop3A_1517], %parallel_loop3A_1514 : memref<4096xf32, #tpu.memory_space<vmem>>[vector<16xi32>], vector<16xf32>,
        %parallel_loop3A_1522 = arith.constant 0 : i32
        %parallel_loop3A_1523 = vector.broadcast %parallel_loop3A_1522 : i32 to vector<16xi32>
        %parallel_loop3A_1524 = arith.addi %iota3A, %parallel_loop3A_1523 : vector<16xi32>
        %parallel_loop3A_1525 = arith.constant 400 : i32
        %parallel_loop3A_1526 = vector.broadcast %parallel_loop3A_1525 : i32 to vector<16xi32>
        %parallel_loop3A_1527 = arith.addi %parallel_loop3A_620, %parallel_loop3A_1526 : vector<16xi32>
        %parallel_loop3A_1528 = arith.constant 0 : i32
        %parallel_loop3A_1529 = arith.constant 0 : i32
        %parallel_loop3A_1530 = tpu.memref_slice %arg6[%select_n3A_205, %parallel_loop3A_1528, %parallel_loop3A_1529] : memref<2x512x32xf32, #tpu.memory_space<vmem>> -> memref<1x512x32xf32, #tpu.memory_space<vmem>>
        %parallel_loop3A_1531 = tpu.memref_squeeze %parallel_loop3A_1530 : memref<1x512x32xf32, #tpu.memory_space<vmem>> -> memref<512x32xf32, #tpu.memory_space<vmem>>
        %parallel_loop3A_1532 = tpu.vector_load_idx %parallel_loop3A_1531[%parallel_loop3A_1527, %parallel_loop3A_1524] : memref<512x32xf32, #tpu.memory_space<vmem>>[vector<16xi32>, vector<16xi32>], vector<16xf32>,
        %parallel_loop3A_1533 = arith.constant 16 : i32
        %parallel_loop3A_1534 = vector.broadcast %parallel_loop3A_1533 : i32 to vector<16xi32>
        %parallel_loop3A_1535 = arith.addi %parallel_loop3A_621, %parallel_loop3A_1534 : vector<16xi32>
        %parallel_loop3A_1536 = arith.constant 3 : i32
        %parallel_loop3A_1537 = arith.constant 0 : i32
        %parallel_loop3A_1538 = tpu.memref_slice %arg7[%select_n3A_205, %parallel_loop3A_1536, %parallel_loop3A_1537] : memref<2x4x4096xf32, #tpu.memory_space<vmem>> -> memref<1x1x4096xf32, #tpu.memory_space<vmem>>
        %parallel_loop3A_1539 = tpu.memref_squeeze %parallel_loop3A_1538 : memref<1x1x4096xf32, #tpu.memory_space<vmem>> -> memref<4096xf32, #tpu.memory_space<vmem>>
        tpu.vector_store_idx %parallel_loop3A_1539[%parallel_loop3A_1535], %parallel_loop3A_1532 : memref<4096xf32, #tpu.memory_space<vmem>>[vector<16xi32>], vector<16xf32>,
        %parallel_loop3A_1540 = arith.constant 16 : i32
        %parallel_loop3A_1541 = vector.broadcast %parallel_loop3A_1540 : i32 to vector<16xi32>
        %parallel_loop3A_1542 = arith.addi %iota3A, %parallel_loop3A_1541 : vector<16xi32>
        %parallel_loop3A_1543 = arith.constant 400 : i32
        %parallel_loop3A_1544 = vector.broadcast %parallel_loop3A_1543 : i32 to vector<16xi32>
        %parallel_loop3A_1545 = arith.addi %parallel_loop3A_620, %parallel_loop3A_1544 : vector<16xi32>
        %parallel_loop3A_1546 = arith.constant 0 : i32
        %parallel_loop3A_1547 = arith.constant 0 : i32
        %parallel_loop3A_1548 = tpu.memref_slice %arg6[%select_n3A_205, %parallel_loop3A_1546, %parallel_loop3A_1547] : memref<2x512x32xf32, #tpu.memory_space<vmem>> -> memref<1x512x32xf32, #tpu.memory_space<vmem>>
        %parallel_loop3A_1549 = tpu.memref_squeeze %parallel_loop3A_1548 : memref<1x512x32xf32, #tpu.memory_space<vmem>> -> memref<512x32xf32, #tpu.memory_space<vmem>>
        %parallel_loop3A_1550 = tpu.vector_load_idx %parallel_loop3A_1549[%parallel_loop3A_1545, %parallel_loop3A_1542] : memref<512x32xf32, #tpu.memory_space<vmem>>[vector<16xi32>, vector<16xi32>], vector<16xf32>,
        %parallel_loop3A_1551 = arith.constant 2064 : i32
        %parallel_loop3A_1552 = vector.broadcast %parallel_loop3A_1551 : i32 to vector<16xi32>
        %parallel_loop3A_1553 = arith.addi %parallel_loop3A_621, %parallel_loop3A_1552 : vector<16xi32>
        %parallel_loop3A_1554 = arith.constant 3 : i32
        %parallel_loop3A_1555 = arith.constant 0 : i32
        %parallel_loop3A_1556 = tpu.memref_slice %arg7[%select_n3A_205, %parallel_loop3A_1554, %parallel_loop3A_1555] : memref<2x4x4096xf32, #tpu.memory_space<vmem>> -> memref<1x1x4096xf32, #tpu.memory_space<vmem>>
        %parallel_loop3A_1557 = tpu.memref_squeeze %parallel_loop3A_1556 : memref<1x1x4096xf32, #tpu.memory_space<vmem>> -> memref<4096xf32, #tpu.memory_space<vmem>>
        tpu.vector_store_idx %parallel_loop3A_1557[%parallel_loop3A_1553], %parallel_loop3A_1550 : memref<4096xf32, #tpu.memory_space<vmem>>[vector<16xi32>], vector<16xf32>,
        %parallel_loop3A_1558 = arith.constant 0 : i32
        %parallel_loop3A_1559 = vector.broadcast %parallel_loop3A_1558 : i32 to vector<16xi32>
        %parallel_loop3A_1560 = arith.addi %iota3A, %parallel_loop3A_1559 : vector<16xi32>
        %parallel_loop3A_1561 = arith.constant 416 : i32
        %parallel_loop3A_1562 = vector.broadcast %parallel_loop3A_1561 : i32 to vector<16xi32>
        %parallel_loop3A_1563 = arith.addi %parallel_loop3A_620, %parallel_loop3A_1562 : vector<16xi32>
        %parallel_loop3A_1564 = arith.constant 0 : i32
        %parallel_loop3A_1565 = arith.constant 0 : i32
        %parallel_loop3A_1566 = tpu.memref_slice %arg6[%select_n3A_205, %parallel_loop3A_1564, %parallel_loop3A_1565] : memref<2x512x32xf32, #tpu.memory_space<vmem>> -> memref<1x512x32xf32, #tpu.memory_space<vmem>>
        %parallel_loop3A_1567 = tpu.memref_squeeze %parallel_loop3A_1566 : memref<1x512x32xf32, #tpu.memory_space<vmem>> -> memref<512x32xf32, #tpu.memory_space<vmem>>
        %parallel_loop3A_1568 = tpu.vector_load_idx %parallel_loop3A_1567[%parallel_loop3A_1563, %parallel_loop3A_1560] : memref<512x32xf32, #tpu.memory_space<vmem>>[vector<16xi32>, vector<16xi32>], vector<16xf32>,
        %parallel_loop3A_1569 = arith.constant 32 : i32
        %parallel_loop3A_1570 = vector.broadcast %parallel_loop3A_1569 : i32 to vector<16xi32>
        %parallel_loop3A_1571 = arith.addi %parallel_loop3A_621, %parallel_loop3A_1570 : vector<16xi32>
        %parallel_loop3A_1572 = arith.constant 3 : i32
        %parallel_loop3A_1573 = arith.constant 0 : i32
        %parallel_loop3A_1574 = tpu.memref_slice %arg7[%select_n3A_205, %parallel_loop3A_1572, %parallel_loop3A_1573] : memref<2x4x4096xf32, #tpu.memory_space<vmem>> -> memref<1x1x4096xf32, #tpu.memory_space<vmem>>
        %parallel_loop3A_1575 = tpu.memref_squeeze %parallel_loop3A_1574 : memref<1x1x4096xf32, #tpu.memory_space<vmem>> -> memref<4096xf32, #tpu.memory_space<vmem>>
        tpu.vector_store_idx %parallel_loop3A_1575[%parallel_loop3A_1571], %parallel_loop3A_1568 : memref<4096xf32, #tpu.memory_space<vmem>>[vector<16xi32>], vector<16xf32>,
        %parallel_loop3A_1576 = arith.constant 16 : i32
        %parallel_loop3A_1577 = vector.broadcast %parallel_loop3A_1576 : i32 to vector<16xi32>
        %parallel_loop3A_1578 = arith.addi %iota3A, %parallel_loop3A_1577 : vector<16xi32>
        %parallel_loop3A_1579 = arith.constant 416 : i32
        %parallel_loop3A_1580 = vector.broadcast %parallel_loop3A_1579 : i32 to vector<16xi32>
        %parallel_loop3A_1581 = arith.addi %parallel_loop3A_620, %parallel_loop3A_1580 : vector<16xi32>
        %parallel_loop3A_1582 = arith.constant 0 : i32
        %parallel_loop3A_1583 = arith.constant 0 : i32
        %parallel_loop3A_1584 = tpu.memref_slice %arg6[%select_n3A_205, %parallel_loop3A_1582, %parallel_loop3A_1583] : memref<2x512x32xf32, #tpu.memory_space<vmem>> -> memref<1x512x32xf32, #tpu.memory_space<vmem>>
        %parallel_loop3A_1585 = tpu.memref_squeeze %parallel_loop3A_1584 : memref<1x512x32xf32, #tpu.memory_space<vmem>> -> memref<512x32xf32, #tpu.memory_space<vmem>>
        %parallel_loop3A_1586 = tpu.vector_load_idx %parallel_loop3A_1585[%parallel_loop3A_1581, %parallel_loop3A_1578] : memref<512x32xf32, #tpu.memory_space<vmem>>[vector<16xi32>, vector<16xi32>], vector<16xf32>,
        %parallel_loop3A_1587 = arith.constant 2080 : i32
        %parallel_loop3A_1588 = vector.broadcast %parallel_loop3A_1587 : i32 to vector<16xi32>
        %parallel_loop3A_1589 = arith.addi %parallel_loop3A_621, %parallel_loop3A_1588 : vector<16xi32>
        %parallel_loop3A_1590 = arith.constant 3 : i32
        %parallel_loop3A_1591 = arith.constant 0 : i32
        %parallel_loop3A_1592 = tpu.memref_slice %arg7[%select_n3A_205, %parallel_loop3A_1590, %parallel_loop3A_1591] : memref<2x4x4096xf32, #tpu.memory_space<vmem>> -> memref<1x1x4096xf32, #tpu.memory_space<vmem>>
        %parallel_loop3A_1593 = tpu.memref_squeeze %parallel_loop3A_1592 : memref<1x1x4096xf32, #tpu.memory_space<vmem>> -> memref<4096xf32, #tpu.memory_space<vmem>>
        tpu.vector_store_idx %parallel_loop3A_1593[%parallel_loop3A_1589], %parallel_loop3A_1586 : memref<4096xf32, #tpu.memory_space<vmem>>[vector<16xi32>], vector<16xf32>,
        %parallel_loop3A_1594 = arith.constant 0 : i32
        %parallel_loop3A_1595 = vector.broadcast %parallel_loop3A_1594 : i32 to vector<16xi32>
        %parallel_loop3A_1596 = arith.addi %iota3A, %parallel_loop3A_1595 : vector<16xi32>
        %parallel_loop3A_1597 = arith.constant 432 : i32
        %parallel_loop3A_1598 = vector.broadcast %parallel_loop3A_1597 : i32 to vector<16xi32>
        %parallel_loop3A_1599 = arith.addi %parallel_loop3A_620, %parallel_loop3A_1598 : vector<16xi32>
        %parallel_loop3A_1600 = arith.constant 0 : i32
        %parallel_loop3A_1601 = arith.constant 0 : i32
        %parallel_loop3A_1602 = tpu.memref_slice %arg6[%select_n3A_205, %parallel_loop3A_1600, %parallel_loop3A_1601] : memref<2x512x32xf32, #tpu.memory_space<vmem>> -> memref<1x512x32xf32, #tpu.memory_space<vmem>>
        %parallel_loop3A_1603 = tpu.memref_squeeze %parallel_loop3A_1602 : memref<1x512x32xf32, #tpu.memory_space<vmem>> -> memref<512x32xf32, #tpu.memory_space<vmem>>
        %parallel_loop3A_1604 = tpu.vector_load_idx %parallel_loop3A_1603[%parallel_loop3A_1599, %parallel_loop3A_1596] : memref<512x32xf32, #tpu.memory_space<vmem>>[vector<16xi32>, vector<16xi32>], vector<16xf32>,
        %parallel_loop3A_1605 = arith.constant 48 : i32
        %parallel_loop3A_1606 = vector.broadcast %parallel_loop3A_1605 : i32 to vector<16xi32>
        %parallel_loop3A_1607 = arith.addi %parallel_loop3A_621, %parallel_loop3A_1606 : vector<16xi32>
        %parallel_loop3A_1608 = arith.constant 3 : i32
        %parallel_loop3A_1609 = arith.constant 0 : i32
        %parallel_loop3A_1610 = tpu.memref_slice %arg7[%select_n3A_205, %parallel_loop3A_1608, %parallel_loop3A_1609] : memref<2x4x4096xf32, #tpu.memory_space<vmem>> -> memref<1x1x4096xf32, #tpu.memory_space<vmem>>
        %parallel_loop3A_1611 = tpu.memref_squeeze %parallel_loop3A_1610 : memref<1x1x4096xf32, #tpu.memory_space<vmem>> -> memref<4096xf32, #tpu.memory_space<vmem>>
        tpu.vector_store_idx %parallel_loop3A_1611[%parallel_loop3A_1607], %parallel_loop3A_1604 : memref<4096xf32, #tpu.memory_space<vmem>>[vector<16xi32>], vector<16xf32>,
        %parallel_loop3A_1612 = arith.constant 16 : i32
        %parallel_loop3A_1613 = vector.broadcast %parallel_loop3A_1612 : i32 to vector<16xi32>
        %parallel_loop3A_1614 = arith.addi %iota3A, %parallel_loop3A_1613 : vector<16xi32>
        %parallel_loop3A_1615 = arith.constant 432 : i32
        %parallel_loop3A_1616 = vector.broadcast %parallel_loop3A_1615 : i32 to vector<16xi32>
        %parallel_loop3A_1617 = arith.addi %parallel_loop3A_620, %parallel_loop3A_1616 : vector<16xi32>
        %parallel_loop3A_1618 = arith.constant 0 : i32
        %parallel_loop3A_1619 = arith.constant 0 : i32
        %parallel_loop3A_1620 = tpu.memref_slice %arg6[%select_n3A_205, %parallel_loop3A_1618, %parallel_loop3A_1619] : memref<2x512x32xf32, #tpu.memory_space<vmem>> -> memref<1x512x32xf32, #tpu.memory_space<vmem>>
        %parallel_loop3A_1621 = tpu.memref_squeeze %parallel_loop3A_1620 : memref<1x512x32xf32, #tpu.memory_space<vmem>> -> memref<512x32xf32, #tpu.memory_space<vmem>>
        %parallel_loop3A_1622 = tpu.vector_load_idx %parallel_loop3A_1621[%parallel_loop3A_1617, %parallel_loop3A_1614] : memref<512x32xf32, #tpu.memory_space<vmem>>[vector<16xi32>, vector<16xi32>], vector<16xf32>,
        %parallel_loop3A_1623 = arith.constant 2096 : i32
        %parallel_loop3A_1624 = vector.broadcast %parallel_loop3A_1623 : i32 to vector<16xi32>
        %parallel_loop3A_1625 = arith.addi %parallel_loop3A_621, %parallel_loop3A_1624 : vector<16xi32>
        %parallel_loop3A_1626 = arith.constant 3 : i32
        %parallel_loop3A_1627 = arith.constant 0 : i32
        %parallel_loop3A_1628 = tpu.memref_slice %arg7[%select_n3A_205, %parallel_loop3A_1626, %parallel_loop3A_1627] : memref<2x4x4096xf32, #tpu.memory_space<vmem>> -> memref<1x1x4096xf32, #tpu.memory_space<vmem>>
        %parallel_loop3A_1629 = tpu.memref_squeeze %parallel_loop3A_1628 : memref<1x1x4096xf32, #tpu.memory_space<vmem>> -> memref<4096xf32, #tpu.memory_space<vmem>>
        tpu.vector_store_idx %parallel_loop3A_1629[%parallel_loop3A_1625], %parallel_loop3A_1622 : memref<4096xf32, #tpu.memory_space<vmem>>[vector<16xi32>], vector<16xf32>,
        %parallel_loop3A_1630 = arith.constant 0 : i32
        %parallel_loop3A_1631 = vector.broadcast %parallel_loop3A_1630 : i32 to vector<16xi32>
        %parallel_loop3A_1632 = arith.addi %iota3A, %parallel_loop3A_1631 : vector<16xi32>
        %parallel_loop3A_1633 = arith.constant 448 : i32
        %parallel_loop3A_1634 = vector.broadcast %parallel_loop3A_1633 : i32 to vector<16xi32>
        %parallel_loop3A_1635 = arith.addi %parallel_loop3A_620, %parallel_loop3A_1634 : vector<16xi32>
        %parallel_loop3A_1636 = arith.constant 0 : i32
        %parallel_loop3A_1637 = arith.constant 0 : i32
        %parallel_loop3A_1638 = tpu.memref_slice %arg6[%select_n3A_205, %parallel_loop3A_1636, %parallel_loop3A_1637] : memref<2x512x32xf32, #tpu.memory_space<vmem>> -> memref<1x512x32xf32, #tpu.memory_space<vmem>>
        %parallel_loop3A_1639 = tpu.memref_squeeze %parallel_loop3A_1638 : memref<1x512x32xf32, #tpu.memory_space<vmem>> -> memref<512x32xf32, #tpu.memory_space<vmem>>
        %parallel_loop3A_1640 = tpu.vector_load_idx %parallel_loop3A_1639[%parallel_loop3A_1635, %parallel_loop3A_1632] : memref<512x32xf32, #tpu.memory_space<vmem>>[vector<16xi32>, vector<16xi32>], vector<16xf32>,
        %parallel_loop3A_1641 = arith.constant 64 : i32
        %parallel_loop3A_1642 = vector.broadcast %parallel_loop3A_1641 : i32 to vector<16xi32>
        %parallel_loop3A_1643 = arith.addi %parallel_loop3A_621, %parallel_loop3A_1642 : vector<16xi32>
        %parallel_loop3A_1644 = arith.constant 3 : i32
        %parallel_loop3A_1645 = arith.constant 0 : i32
        %parallel_loop3A_1646 = tpu.memref_slice %arg7[%select_n3A_205, %parallel_loop3A_1644, %parallel_loop3A_1645] : memref<2x4x4096xf32, #tpu.memory_space<vmem>> -> memref<1x1x4096xf32, #tpu.memory_space<vmem>>
        %parallel_loop3A_1647 = tpu.memref_squeeze %parallel_loop3A_1646 : memref<1x1x4096xf32, #tpu.memory_space<vmem>> -> memref<4096xf32, #tpu.memory_space<vmem>>
        tpu.vector_store_idx %parallel_loop3A_1647[%parallel_loop3A_1643], %parallel_loop3A_1640 : memref<4096xf32, #tpu.memory_space<vmem>>[vector<16xi32>], vector<16xf32>,
        %parallel_loop3A_1648 = arith.constant 16 : i32
        %parallel_loop3A_1649 = vector.broadcast %parallel_loop3A_1648 : i32 to vector<16xi32>
        %parallel_loop3A_1650 = arith.addi %iota3A, %parallel_loop3A_1649 : vector<16xi32>
        %parallel_loop3A_1651 = arith.constant 448 : i32
        %parallel_loop3A_1652 = vector.broadcast %parallel_loop3A_1651 : i32 to vector<16xi32>
        %parallel_loop3A_1653 = arith.addi %parallel_loop3A_620, %parallel_loop3A_1652 : vector<16xi32>
        %parallel_loop3A_1654 = arith.constant 0 : i32
        %parallel_loop3A_1655 = arith.constant 0 : i32
        %parallel_loop3A_1656 = tpu.memref_slice %arg6[%select_n3A_205, %parallel_loop3A_1654, %parallel_loop3A_1655] : memref<2x512x32xf32, #tpu.memory_space<vmem>> -> memref<1x512x32xf32, #tpu.memory_space<vmem>>
        %parallel_loop3A_1657 = tpu.memref_squeeze %parallel_loop3A_1656 : memref<1x512x32xf32, #tpu.memory_space<vmem>> -> memref<512x32xf32, #tpu.memory_space<vmem>>
        %parallel_loop3A_1658 = tpu.vector_load_idx %parallel_loop3A_1657[%parallel_loop3A_1653, %parallel_loop3A_1650] : memref<512x32xf32, #tpu.memory_space<vmem>>[vector<16xi32>, vector<16xi32>], vector<16xf32>,
        %parallel_loop3A_1659 = arith.constant 2112 : i32
        %parallel_loop3A_1660 = vector.broadcast %parallel_loop3A_1659 : i32 to vector<16xi32>
        %parallel_loop3A_1661 = arith.addi %parallel_loop3A_621, %parallel_loop3A_1660 : vector<16xi32>
        %parallel_loop3A_1662 = arith.constant 3 : i32
        %parallel_loop3A_1663 = arith.constant 0 : i32
        %parallel_loop3A_1664 = tpu.memref_slice %arg7[%select_n3A_205, %parallel_loop3A_1662, %parallel_loop3A_1663] : memref<2x4x4096xf32, #tpu.memory_space<vmem>> -> memref<1x1x4096xf32, #tpu.memory_space<vmem>>
        %parallel_loop3A_1665 = tpu.memref_squeeze %parallel_loop3A_1664 : memref<1x1x4096xf32, #tpu.memory_space<vmem>> -> memref<4096xf32, #tpu.memory_space<vmem>>
        tpu.vector_store_idx %parallel_loop3A_1665[%parallel_loop3A_1661], %parallel_loop3A_1658 : memref<4096xf32, #tpu.memory_space<vmem>>[vector<16xi32>], vector<16xf32>,
        %parallel_loop3A_1666 = arith.constant 0 : i32
        %parallel_loop3A_1667 = vector.broadcast %parallel_loop3A_1666 : i32 to vector<16xi32>
        %parallel_loop3A_1668 = arith.addi %iota3A, %parallel_loop3A_1667 : vector<16xi32>
        %parallel_loop3A_1669 = arith.constant 464 : i32
        %parallel_loop3A_1670 = vector.broadcast %parallel_loop3A_1669 : i32 to vector<16xi32>
        %parallel_loop3A_1671 = arith.addi %parallel_loop3A_620, %parallel_loop3A_1670 : vector<16xi32>
        %parallel_loop3A_1672 = arith.constant 0 : i32
        %parallel_loop3A_1673 = arith.constant 0 : i32
        %parallel_loop3A_1674 = tpu.memref_slice %arg6[%select_n3A_205, %parallel_loop3A_1672, %parallel_loop3A_1673] : memref<2x512x32xf32, #tpu.memory_space<vmem>> -> memref<1x512x32xf32, #tpu.memory_space<vmem>>
        %parallel_loop3A_1675 = tpu.memref_squeeze %parallel_loop3A_1674 : memref<1x512x32xf32, #tpu.memory_space<vmem>> -> memref<512x32xf32, #tpu.memory_space<vmem>>
        %parallel_loop3A_1676 = tpu.vector_load_idx %parallel_loop3A_1675[%parallel_loop3A_1671, %parallel_loop3A_1668] : memref<512x32xf32, #tpu.memory_space<vmem>>[vector<16xi32>, vector<16xi32>], vector<16xf32>,
        %parallel_loop3A_1677 = arith.constant 80 : i32
        %parallel_loop3A_1678 = vector.broadcast %parallel_loop3A_1677 : i32 to vector<16xi32>
        %parallel_loop3A_1679 = arith.addi %parallel_loop3A_621, %parallel_loop3A_1678 : vector<16xi32>
        %parallel_loop3A_1680 = arith.constant 3 : i32
        %parallel_loop3A_1681 = arith.constant 0 : i32
        %parallel_loop3A_1682 = tpu.memref_slice %arg7[%select_n3A_205, %parallel_loop3A_1680, %parallel_loop3A_1681] : memref<2x4x4096xf32, #tpu.memory_space<vmem>> -> memref<1x1x4096xf32, #tpu.memory_space<vmem>>
        %parallel_loop3A_1683 = tpu.memref_squeeze %parallel_loop3A_1682 : memref<1x1x4096xf32, #tpu.memory_space<vmem>> -> memref<4096xf32, #tpu.memory_space<vmem>>
        tpu.vector_store_idx %parallel_loop3A_1683[%parallel_loop3A_1679], %parallel_loop3A_1676 : memref<4096xf32, #tpu.memory_space<vmem>>[vector<16xi32>], vector<16xf32>,
        %parallel_loop3A_1684 = arith.constant 16 : i32
        %parallel_loop3A_1685 = vector.broadcast %parallel_loop3A_1684 : i32 to vector<16xi32>
        %parallel_loop3A_1686 = arith.addi %iota3A, %parallel_loop3A_1685 : vector<16xi32>
        %parallel_loop3A_1687 = arith.constant 464 : i32
        %parallel_loop3A_1688 = vector.broadcast %parallel_loop3A_1687 : i32 to vector<16xi32>
        %parallel_loop3A_1689 = arith.addi %parallel_loop3A_620, %parallel_loop3A_1688 : vector<16xi32>
        %parallel_loop3A_1690 = arith.constant 0 : i32
        %parallel_loop3A_1691 = arith.constant 0 : i32
        %parallel_loop3A_1692 = tpu.memref_slice %arg6[%select_n3A_205, %parallel_loop3A_1690, %parallel_loop3A_1691] : memref<2x512x32xf32, #tpu.memory_space<vmem>> -> memref<1x512x32xf32, #tpu.memory_space<vmem>>
        %parallel_loop3A_1693 = tpu.memref_squeeze %parallel_loop3A_1692 : memref<1x512x32xf32, #tpu.memory_space<vmem>> -> memref<512x32xf32, #tpu.memory_space<vmem>>
        %parallel_loop3A_1694 = tpu.vector_load_idx %parallel_loop3A_1693[%parallel_loop3A_1689, %parallel_loop3A_1686] : memref<512x32xf32, #tpu.memory_space<vmem>>[vector<16xi32>, vector<16xi32>], vector<16xf32>,
        %parallel_loop3A_1695 = arith.constant 2128 : i32
        %parallel_loop3A_1696 = vector.broadcast %parallel_loop3A_1695 : i32 to vector<16xi32>
        %parallel_loop3A_1697 = arith.addi %parallel_loop3A_621, %parallel_loop3A_1696 : vector<16xi32>
        %parallel_loop3A_1698 = arith.constant 3 : i32
        %parallel_loop3A_1699 = arith.constant 0 : i32
        %parallel_loop3A_1700 = tpu.memref_slice %arg7[%select_n3A_205, %parallel_loop3A_1698, %parallel_loop3A_1699] : memref<2x4x4096xf32, #tpu.memory_space<vmem>> -> memref<1x1x4096xf32, #tpu.memory_space<vmem>>
        %parallel_loop3A_1701 = tpu.memref_squeeze %parallel_loop3A_1700 : memref<1x1x4096xf32, #tpu.memory_space<vmem>> -> memref<4096xf32, #tpu.memory_space<vmem>>
        tpu.vector_store_idx %parallel_loop3A_1701[%parallel_loop3A_1697], %parallel_loop3A_1694 : memref<4096xf32, #tpu.memory_space<vmem>>[vector<16xi32>], vector<16xf32>,
        %parallel_loop3A_1702 = arith.constant 0 : i32
        %parallel_loop3A_1703 = vector.broadcast %parallel_loop3A_1702 : i32 to vector<16xi32>
        %parallel_loop3A_1704 = arith.addi %iota3A, %parallel_loop3A_1703 : vector<16xi32>
        %parallel_loop3A_1705 = arith.constant 480 : i32
        %parallel_loop3A_1706 = vector.broadcast %parallel_loop3A_1705 : i32 to vector<16xi32>
        %parallel_loop3A_1707 = arith.addi %parallel_loop3A_620, %parallel_loop3A_1706 : vector<16xi32>
        %parallel_loop3A_1708 = arith.constant 0 : i32
        %parallel_loop3A_1709 = arith.constant 0 : i32
        %parallel_loop3A_1710 = tpu.memref_slice %arg6[%select_n3A_205, %parallel_loop3A_1708, %parallel_loop3A_1709] : memref<2x512x32xf32, #tpu.memory_space<vmem>> -> memref<1x512x32xf32, #tpu.memory_space<vmem>>
        %parallel_loop3A_1711 = tpu.memref_squeeze %parallel_loop3A_1710 : memref<1x512x32xf32, #tpu.memory_space<vmem>> -> memref<512x32xf32, #tpu.memory_space<vmem>>
        %parallel_loop3A_1712 = tpu.vector_load_idx %parallel_loop3A_1711[%parallel_loop3A_1707, %parallel_loop3A_1704] : memref<512x32xf32, #tpu.memory_space<vmem>>[vector<16xi32>, vector<16xi32>], vector<16xf32>,
        %parallel_loop3A_1713 = arith.constant 96 : i32
        %parallel_loop3A_1714 = vector.broadcast %parallel_loop3A_1713 : i32 to vector<16xi32>
        %parallel_loop3A_1715 = arith.addi %parallel_loop3A_621, %parallel_loop3A_1714 : vector<16xi32>
        %parallel_loop3A_1716 = arith.constant 3 : i32
        %parallel_loop3A_1717 = arith.constant 0 : i32
        %parallel_loop3A_1718 = tpu.memref_slice %arg7[%select_n3A_205, %parallel_loop3A_1716, %parallel_loop3A_1717] : memref<2x4x4096xf32, #tpu.memory_space<vmem>> -> memref<1x1x4096xf32, #tpu.memory_space<vmem>>
        %parallel_loop3A_1719 = tpu.memref_squeeze %parallel_loop3A_1718 : memref<1x1x4096xf32, #tpu.memory_space<vmem>> -> memref<4096xf32, #tpu.memory_space<vmem>>
        tpu.vector_store_idx %parallel_loop3A_1719[%parallel_loop3A_1715], %parallel_loop3A_1712 : memref<4096xf32, #tpu.memory_space<vmem>>[vector<16xi32>], vector<16xf32>,
        %parallel_loop3A_1720 = arith.constant 16 : i32
        %parallel_loop3A_1721 = vector.broadcast %parallel_loop3A_1720 : i32 to vector<16xi32>
        %parallel_loop3A_1722 = arith.addi %iota3A, %parallel_loop3A_1721 : vector<16xi32>
        %parallel_loop3A_1723 = arith.constant 480 : i32
        %parallel_loop3A_1724 = vector.broadcast %parallel_loop3A_1723 : i32 to vector<16xi32>
        %parallel_loop3A_1725 = arith.addi %parallel_loop3A_620, %parallel_loop3A_1724 : vector<16xi32>
        %parallel_loop3A_1726 = arith.constant 0 : i32
        %parallel_loop3A_1727 = arith.constant 0 : i32
        %parallel_loop3A_1728 = tpu.memref_slice %arg6[%select_n3A_205, %parallel_loop3A_1726, %parallel_loop3A_1727] : memref<2x512x32xf32, #tpu.memory_space<vmem>> -> memref<1x512x32xf32, #tpu.memory_space<vmem>>
        %parallel_loop3A_1729 = tpu.memref_squeeze %parallel_loop3A_1728 : memref<1x512x32xf32, #tpu.memory_space<vmem>> -> memref<512x32xf32, #tpu.memory_space<vmem>>
        %parallel_loop3A_1730 = tpu.vector_load_idx %parallel_loop3A_1729[%parallel_loop3A_1725, %parallel_loop3A_1722] : memref<512x32xf32, #tpu.memory_space<vmem>>[vector<16xi32>, vector<16xi32>], vector<16xf32>,
        %parallel_loop3A_1731 = arith.constant 2144 : i32
        %parallel_loop3A_1732 = vector.broadcast %parallel_loop3A_1731 : i32 to vector<16xi32>
        %parallel_loop3A_1733 = arith.addi %parallel_loop3A_621, %parallel_loop3A_1732 : vector<16xi32>
        %parallel_loop3A_1734 = arith.constant 3 : i32
        %parallel_loop3A_1735 = arith.constant 0 : i32
        %parallel_loop3A_1736 = tpu.memref_slice %arg7[%select_n3A_205, %parallel_loop3A_1734, %parallel_loop3A_1735] : memref<2x4x4096xf32, #tpu.memory_space<vmem>> -> memref<1x1x4096xf32, #tpu.memory_space<vmem>>
        %parallel_loop3A_1737 = tpu.memref_squeeze %parallel_loop3A_1736 : memref<1x1x4096xf32, #tpu.memory_space<vmem>> -> memref<4096xf32, #tpu.memory_space<vmem>>
        tpu.vector_store_idx %parallel_loop3A_1737[%parallel_loop3A_1733], %parallel_loop3A_1730 : memref<4096xf32, #tpu.memory_space<vmem>>[vector<16xi32>], vector<16xf32>,
        %parallel_loop3A_1738 = arith.constant 0 : i32
        %parallel_loop3A_1739 = vector.broadcast %parallel_loop3A_1738 : i32 to vector<16xi32>
        %parallel_loop3A_1740 = arith.addi %iota3A, %parallel_loop3A_1739 : vector<16xi32>
        %parallel_loop3A_1741 = arith.constant 496 : i32
        %parallel_loop3A_1742 = vector.broadcast %parallel_loop3A_1741 : i32 to vector<16xi32>
        %parallel_loop3A_1743 = arith.addi %parallel_loop3A_620, %parallel_loop3A_1742 : vector<16xi32>
        %parallel_loop3A_1744 = arith.constant 0 : i32
        %parallel_loop3A_1745 = arith.constant 0 : i32
        %parallel_loop3A_1746 = tpu.memref_slice %arg6[%select_n3A_205, %parallel_loop3A_1744, %parallel_loop3A_1745] : memref<2x512x32xf32, #tpu.memory_space<vmem>> -> memref<1x512x32xf32, #tpu.memory_space<vmem>>
        %parallel_loop3A_1747 = tpu.memref_squeeze %parallel_loop3A_1746 : memref<1x512x32xf32, #tpu.memory_space<vmem>> -> memref<512x32xf32, #tpu.memory_space<vmem>>
        %parallel_loop3A_1748 = tpu.vector_load_idx %parallel_loop3A_1747[%parallel_loop3A_1743, %parallel_loop3A_1740] : memref<512x32xf32, #tpu.memory_space<vmem>>[vector<16xi32>, vector<16xi32>], vector<16xf32>,
        %parallel_loop3A_1749 = arith.constant 112 : i32
        %parallel_loop3A_1750 = vector.broadcast %parallel_loop3A_1749 : i32 to vector<16xi32>
        %parallel_loop3A_1751 = arith.addi %parallel_loop3A_621, %parallel_loop3A_1750 : vector<16xi32>
        %parallel_loop3A_1752 = arith.constant 3 : i32
        %parallel_loop3A_1753 = arith.constant 0 : i32
        %parallel_loop3A_1754 = tpu.memref_slice %arg7[%select_n3A_205, %parallel_loop3A_1752, %parallel_loop3A_1753] : memref<2x4x4096xf32, #tpu.memory_space<vmem>> -> memref<1x1x4096xf32, #tpu.memory_space<vmem>>
        %parallel_loop3A_1755 = tpu.memref_squeeze %parallel_loop3A_1754 : memref<1x1x4096xf32, #tpu.memory_space<vmem>> -> memref<4096xf32, #tpu.memory_space<vmem>>
        tpu.vector_store_idx %parallel_loop3A_1755[%parallel_loop3A_1751], %parallel_loop3A_1748 : memref<4096xf32, #tpu.memory_space<vmem>>[vector<16xi32>], vector<16xf32>,
        %parallel_loop3A_1756 = arith.constant 16 : i32
        %parallel_loop3A_1757 = vector.broadcast %parallel_loop3A_1756 : i32 to vector<16xi32>
        %parallel_loop3A_1758 = arith.addi %iota3A, %parallel_loop3A_1757 : vector<16xi32>
        %parallel_loop3A_1759 = arith.constant 496 : i32
        %parallel_loop3A_1760 = vector.broadcast %parallel_loop3A_1759 : i32 to vector<16xi32>
        %parallel_loop3A_1761 = arith.addi %parallel_loop3A_620, %parallel_loop3A_1760 : vector<16xi32>
        %parallel_loop3A_1762 = arith.constant 0 : i32
        %parallel_loop3A_1763 = arith.constant 0 : i32
        %parallel_loop3A_1764 = tpu.memref_slice %arg6[%select_n3A_205, %parallel_loop3A_1762, %parallel_loop3A_1763] : memref<2x512x32xf32, #tpu.memory_space<vmem>> -> memref<1x512x32xf32, #tpu.memory_space<vmem>>
        %parallel_loop3A_1765 = tpu.memref_squeeze %parallel_loop3A_1764 : memref<1x512x32xf32, #tpu.memory_space<vmem>> -> memref<512x32xf32, #tpu.memory_space<vmem>>
        %parallel_loop3A_1766 = tpu.vector_load_idx %parallel_loop3A_1765[%parallel_loop3A_1761, %parallel_loop3A_1758] : memref<512x32xf32, #tpu.memory_space<vmem>>[vector<16xi32>, vector<16xi32>], vector<16xf32>,
        %parallel_loop3A_1767 = arith.constant 2160 : i32
        %parallel_loop3A_1768 = vector.broadcast %parallel_loop3A_1767 : i32 to vector<16xi32>
        %parallel_loop3A_1769 = arith.addi %parallel_loop3A_621, %parallel_loop3A_1768 : vector<16xi32>
        %parallel_loop3A_1770 = arith.constant 3 : i32
        %parallel_loop3A_1771 = arith.constant 0 : i32
        %parallel_loop3A_1772 = tpu.memref_slice %arg7[%select_n3A_205, %parallel_loop3A_1770, %parallel_loop3A_1771] : memref<2x4x4096xf32, #tpu.memory_space<vmem>> -> memref<1x1x4096xf32, #tpu.memory_space<vmem>>
        %parallel_loop3A_1773 = tpu.memref_squeeze %parallel_loop3A_1772 : memref<1x1x4096xf32, #tpu.memory_space<vmem>> -> memref<4096xf32, #tpu.memory_space<vmem>>
        tpu.vector_store_idx %parallel_loop3A_1773[%parallel_loop3A_1769], %parallel_loop3A_1766 : memref<4096xf32, #tpu.memory_space<vmem>>[vector<16xi32>], vector<16xf32>,
      } {sc.loop_unroll_factor = 2 : i64, sc.parallel_access}
      %add3A_254 = arith.addi %mul3A_2, %scan3A_189 : i32
      %jit3A_255 = arith.constant 32 : i32
      %div3A_256 = arith.divsi %add3A_254, %jit3A_255 : i32
      %sign3A_257 = arith.constant 0 : i32
      %sign3A_258 = arith.cmpi sgt, %add3A_254, %sign3A_257 : i32
      %sign3A_259 = arith.extui %sign3A_258 : i1 to i32
      %sign3A_260 = arith.constant 0 : i32
      %sign3A_261 = arith.cmpi slt, %add3A_254, %sign3A_260 : i32
      %sign3A_262 = arith.extui %sign3A_261 : i1 to i32
      %sign3A_263 = arith.subi %sign3A_259, %sign3A_262 : i32
      %sign3A_264 = arith.constant 0 : i32
      %sign3A_265 = arith.cmpi sgt, %jit3A_255, %sign3A_264 : i32
      %sign3A_266 = arith.extui %sign3A_265 : i1 to i32
      %sign3A_267 = arith.constant 0 : i32
      %sign3A_268 = arith.cmpi slt, %jit3A_255, %sign3A_267 : i32
      %sign3A_269 = arith.extui %sign3A_268 : i1 to i32
      %sign3A_270 = arith.subi %sign3A_266, %sign3A_269 : i32
      %ne3A_271 = arith.cmpi ne, %sign3A_263, %sign3A_270 : i32
      %rem3A_272 = arith.remsi %add3A_254, %jit3A_255 : i32
      %ne3A_273 = arith.constant 0 : i32
      %ne3A_274 = arith.cmpi ne, %rem3A_272, %ne3A_273 : i32
      %and3A_275 = arith.andi %ne3A_271, %ne3A_274 : i1
      %sub3A_276 = arith.constant 1 : i32
      %sub3A_277 = arith.subi %div3A_256, %sub3A_276 : i32
      %select_n3A_278 = arith.select %and3A_275, %sub3A_277, %div3A_256 : i32
      %jit3A_279 = arith.constant 32 : i32
      %eq3A_280 = arith.constant 0 : i32
      %eq3A_281 = arith.cmpi eq, %jit3A_279, %eq3A_280 : i32
      %jit3A_282 = arith.constant 1 : i32
      %select_n3A_283 = arith.select %eq3A_281, %jit3A_282, %jit3A_279 : i32
      %rem3A_284 = arith.remsi %add3A_254, %select_n3A_283 : i32
      %ne3A_285 = arith.constant 0 : i32
      %ne3A_286 = arith.cmpi ne, %rem3A_284, %ne3A_285 : i32
      %lt3A_287 = arith.constant 0 : i32
      %lt3A_288 = arith.cmpi slt, %rem3A_284, %lt3A_287 : i32
      %lt3A_289 = arith.constant 0 : i32
      %lt3A_290 = arith.cmpi slt, %select_n3A_283, %lt3A_289 : i32
      %ne3A_291 = arith.xori %lt3A_288, %lt3A_290 : i1
      %and3A_292 = arith.andi %ne3A_291, %ne3A_286 : i1
      %add3A_293 = arith.addi %rem3A_284, %select_n3A_283 : i32
      %select_n3A_294 = arith.select %and3A_292, %add3A_293, %rem3A_284 : i32
      %mul3A_295 = arith.constant 4 : i32
      %mul3A_296 = arith.muli %select_n3A_294, %mul3A_295 : i32
      %add3A_297 = arith.constant 0 : i32
      %add3A_298 = arith.addi %mul3A_296, %add3A_297 : i32
      %mul3A_299 = arith.constant 1024 : i32
      %mul3A_300 = arith.muli %add3A_298, %mul3A_299 : i32
      %dma_start3A_301 = arith.constant 0 : i32
      %dma_start3A_302 = arith.constant 0 : i32
      %dma_start3A_303 = arith.constant 0 : i32
      %dma_start3A_304 = tpu.memref_slice %arg7[%select_n3A_205, %dma_start3A_301, %dma_start3A_303] : memref<2x4x4096xf32, #tpu.memory_space<vmem>> -> memref<1x1x1024xf32, #tpu.memory_space<vmem>>
      %dma_start3A_305 = tpu.memref_squeeze %dma_start3A_304 : memref<1x1x1024xf32, #tpu.memory_space<vmem>> -> memref<1024xf32, #tpu.memory_space<vmem>>
      %dma_start3A_306 = tpu.memref_slice %arg4[%select_n3A_278, %dma_start3A_302, %mul3A_300] : memref<200x4x131072xf32, #tpu.memory_space<hbm>> -> memref<1x1x1024xf32, #tpu.memory_space<hbm>>
      %dma_start3A_307 = tpu.memref_squeeze %dma_start3A_306 : memref<1x1x1024xf32, #tpu.memory_space<hbm>> -> memref<1024xf32, #tpu.memory_space<hbm>>
      %dma_start3A_308 = tpu.memref_slice %arg10[%select_n3A_205] : memref<2x!tpu.dma_semaphore, #tpu.memory_space<semaphore_mem>> -> memref<1x!tpu.dma_semaphore, #tpu.memory_space<semaphore_mem>>
      %dma_start3A_309 = tpu.memref_squeeze %dma_start3A_308 : memref<1x!tpu.dma_semaphore, #tpu.memory_space<semaphore_mem>> -> memref<!tpu.dma_semaphore, #tpu.memory_space<semaphore_mem>>
      %dma_start3A_310 = tpu.memref_slice %arg4[%select_n3A_278, %dma_start3A_302, %mul3A_300] : memref<200x4x131072xf32, #tpu.memory_space<hbm>> -> memref<1x1x1024xf32, #tpu.memory_space<hbm>>
      %dma_start3A_311 = tpu.memref_squeeze %dma_start3A_310 : memref<1x1x1024xf32, #tpu.memory_space<hbm>> -> memref<1024xf32, #tpu.memory_space<hbm>>
      %dma_start3A_312 = arith.constant 0 : i32
      %dma_start3A_313 = tpu.memref_slice %arg7[%select_n3A_205, %dma_start3A_301, %dma_start3A_312] : memref<2x4x4096xf32, #tpu.memory_space<vmem>> -> memref<1x1x1024xf32, #tpu.memory_space<vmem>>
      %dma_start3A_314 = tpu.memref_squeeze %dma_start3A_313 : memref<1x1x1024xf32, #tpu.memory_space<vmem>> -> memref<1024xf32, #tpu.memory_space<vmem>>
      tpu.enqueue_dma source(%dma_start3A_314 : memref<1024xf32, #tpu.memory_space<vmem>>) target(%dma_start3A_311 : memref<1024xf32, #tpu.memory_space<hbm>>) target_semaphore(%dma_start3A_309 : memref<!tpu.dma_semaphore, #tpu.memory_space<semaphore_mem>>)
      %mul3A_315 = arith.constant 4 : i32
      %mul3A_316 = arith.muli %select_n3A_294, %mul3A_315 : i32
      %add3A_317 = arith.constant 0 : i32
      %add3A_318 = arith.addi %mul3A_316, %add3A_317 : i32
      %mul3A_319 = arith.constant 1024 : i32
      %mul3A_320 = arith.muli %add3A_318, %mul3A_319 : i32
      %dma_start3A_321 = arith.constant 0 : i32
      %dma_start3A_322 = arith.constant 1 : i32
      %dma_start3A_323 = arith.constant 1024 : i32
      %dma_start3A_324 = tpu.memref_slice %arg7[%select_n3A_205, %dma_start3A_321, %dma_start3A_323] : memref<2x4x4096xf32, #tpu.memory_space<vmem>> -> memref<1x1x1024xf32, #tpu.memory_space<vmem>>
      %dma_start3A_325 = tpu.memref_squeeze %dma_start3A_324 : memref<1x1x1024xf32, #tpu.memory_space<vmem>> -> memref<1024xf32, #tpu.memory_space<vmem>>
      %dma_start3A_326 = tpu.memref_slice %arg4[%select_n3A_278, %dma_start3A_322, %mul3A_320] : memref<200x4x131072xf32, #tpu.memory_space<hbm>> -> memref<1x1x1024xf32, #tpu.memory_space<hbm>>
      %dma_start3A_327 = tpu.memref_squeeze %dma_start3A_326 : memref<1x1x1024xf32, #tpu.memory_space<hbm>> -> memref<1024xf32, #tpu.memory_space<hbm>>
      %dma_start3A_328 = tpu.memref_slice %arg10[%select_n3A_205] : memref<2x!tpu.dma_semaphore, #tpu.memory_space<semaphore_mem>> -> memref<1x!tpu.dma_semaphore, #tpu.memory_space<semaphore_mem>>
      %dma_start3A_329 = tpu.memref_squeeze %dma_start3A_328 : memref<1x!tpu.dma_semaphore, #tpu.memory_space<semaphore_mem>> -> memref<!tpu.dma_semaphore, #tpu.memory_space<semaphore_mem>>
      %dma_start3A_330 = tpu.memref_slice %arg4[%select_n3A_278, %dma_start3A_322, %mul3A_320] : memref<200x4x131072xf32, #tpu.memory_space<hbm>> -> memref<1x1x1024xf32, #tpu.memory_space<hbm>>
      %dma_start3A_331 = tpu.memref_squeeze %dma_start3A_330 : memref<1x1x1024xf32, #tpu.memory_space<hbm>> -> memref<1024xf32, #tpu.memory_space<hbm>>
      %dma_start3A_332 = arith.constant 1024 : i32
      %dma_start3A_333 = tpu.memref_slice %arg7[%select_n3A_205, %dma_start3A_321, %dma_start3A_332] : memref<2x4x4096xf32, #tpu.memory_space<vmem>> -> memref<1x1x1024xf32, #tpu.memory_space<vmem>>
      %dma_start3A_334 = tpu.memref_squeeze %dma_start3A_333 : memref<1x1x1024xf32, #tpu.memory_space<vmem>> -> memref<1024xf32, #tpu.memory_space<vmem>>
      tpu.enqueue_dma source(%dma_start3A_334 : memref<1024xf32, #tpu.memory_space<vmem>>) target(%dma_start3A_331 : memref<1024xf32, #tpu.memory_space<hbm>>) target_semaphore(%dma_start3A_329 : memref<!tpu.dma_semaphore, #tpu.memory_space<semaphore_mem>>)
      %mul3A_335 = arith.constant 4 : i32
      %mul3A_336 = arith.muli %select_n3A_294, %mul3A_335 : i32
      %add3A_337 = arith.constant 0 : i32
      %add3A_338 = arith.addi %mul3A_336, %add3A_337 : i32
      %mul3A_339 = arith.constant 1024 : i32
      %mul3A_340 = arith.muli %add3A_338, %mul3A_339 : i32
      %dma_start3A_341 = arith.constant 0 : i32
      %dma_start3A_342 = arith.constant 2 : i32
      %dma_start3A_343 = arith.constant 2048 : i32
      %dma_start3A_344 = tpu.memref_slice %arg7[%select_n3A_205, %dma_start3A_341, %dma_start3A_343] : memref<2x4x4096xf32, #tpu.memory_space<vmem>> -> memref<1x1x1024xf32, #tpu.memory_space<vmem>>
      %dma_start3A_345 = tpu.memref_squeeze %dma_start3A_344 : memref<1x1x1024xf32, #tpu.memory_space<vmem>> -> memref<1024xf32, #tpu.memory_space<vmem>>
      %dma_start3A_346 = tpu.memref_slice %arg4[%select_n3A_278, %dma_start3A_342, %mul3A_340] : memref<200x4x131072xf32, #tpu.memory_space<hbm>> -> memref<1x1x1024xf32, #tpu.memory_space<hbm>>
      %dma_start3A_347 = tpu.memref_squeeze %dma_start3A_346 : memref<1x1x1024xf32, #tpu.memory_space<hbm>> -> memref<1024xf32, #tpu.memory_space<hbm>>
      %dma_start3A_348 = tpu.memref_slice %arg10[%select_n3A_205] : memref<2x!tpu.dma_semaphore, #tpu.memory_space<semaphore_mem>> -> memref<1x!tpu.dma_semaphore, #tpu.memory_space<semaphore_mem>>
      %dma_start3A_349 = tpu.memref_squeeze %dma_start3A_348 : memref<1x!tpu.dma_semaphore, #tpu.memory_space<semaphore_mem>> -> memref<!tpu.dma_semaphore, #tpu.memory_space<semaphore_mem>>
      %dma_start3A_350 = tpu.memref_slice %arg4[%select_n3A_278, %dma_start3A_342, %mul3A_340] : memref<200x4x131072xf32, #tpu.memory_space<hbm>> -> memref<1x1x1024xf32, #tpu.memory_space<hbm>>
      %dma_start3A_351 = tpu.memref_squeeze %dma_start3A_350 : memref<1x1x1024xf32, #tpu.memory_space<hbm>> -> memref<1024xf32, #tpu.memory_space<hbm>>
      %dma_start3A_352 = arith.constant 2048 : i32
      %dma_start3A_353 = tpu.memref_slice %arg7[%select_n3A_205, %dma_start3A_341, %dma_start3A_352] : memref<2x4x4096xf32, #tpu.memory_space<vmem>> -> memref<1x1x1024xf32, #tpu.memory_space<vmem>>
      %dma_start3A_354 = tpu.memref_squeeze %dma_start3A_353 : memref<1x1x1024xf32, #tpu.memory_space<vmem>> -> memref<1024xf32, #tpu.memory_space<vmem>>
      tpu.enqueue_dma source(%dma_start3A_354 : memref<1024xf32, #tpu.memory_space<vmem>>) target(%dma_start3A_351 : memref<1024xf32, #tpu.memory_space<hbm>>) target_semaphore(%dma_start3A_349 : memref<!tpu.dma_semaphore, #tpu.memory_space<semaphore_mem>>)
      %mul3A_355 = arith.constant 4 : i32
      %mul3A_356 = arith.muli %select_n3A_294, %mul3A_355 : i32
      %add3A_357 = arith.constant 0 : i32
      %add3A_358 = arith.addi %mul3A_356, %add3A_357 : i32
      %mul3A_359 = arith.constant 1024 : i32
      %mul3A_360 = arith.muli %add3A_358, %mul3A_359 : i32
      %dma_start3A_361 = arith.constant 0 : i32
      %dma_start3A_362 = arith.constant 3 : i32
      %dma_start3A_363 = arith.constant 3072 : i32
      %dma_start3A_364 = tpu.memref_slice %arg7[%select_n3A_205, %dma_start3A_361, %dma_start3A_363] : memref<2x4x4096xf32, #tpu.memory_space<vmem>> -> memref<1x1x1024xf32, #tpu.memory_space<vmem>>
      %dma_start3A_365 = tpu.memref_squeeze %dma_start3A_364 : memref<1x1x1024xf32, #tpu.memory_space<vmem>> -> memref<1024xf32, #tpu.memory_space<vmem>>
      %dma_start3A_366 = tpu.memref_slice %arg4[%select_n3A_278, %dma_start3A_362, %mul3A_360] : memref<200x4x131072xf32, #tpu.memory_space<hbm>> -> memref<1x1x1024xf32, #tpu.memory_space<hbm>>
      %dma_start3A_367 = tpu.memref_squeeze %dma_start3A_366 : memref<1x1x1024xf32, #tpu.memory_space<hbm>> -> memref<1024xf32, #tpu.memory_space<hbm>>
      %dma_start3A_368 = tpu.memref_slice %arg10[%select_n3A_205] : memref<2x!tpu.dma_semaphore, #tpu.memory_space<semaphore_mem>> -> memref<1x!tpu.dma_semaphore, #tpu.memory_space<semaphore_mem>>
      %dma_start3A_369 = tpu.memref_squeeze %dma_start3A_368 : memref<1x!tpu.dma_semaphore, #tpu.memory_space<semaphore_mem>> -> memref<!tpu.dma_semaphore, #tpu.memory_space<semaphore_mem>>
      %dma_start3A_370 = tpu.memref_slice %arg4[%select_n3A_278, %dma_start3A_362, %mul3A_360] : memref<200x4x131072xf32, #tpu.memory_space<hbm>> -> memref<1x1x1024xf32, #tpu.memory_space<hbm>>
      %dma_start3A_371 = tpu.memref_squeeze %dma_start3A_370 : memref<1x1x1024xf32, #tpu.memory_space<hbm>> -> memref<1024xf32, #tpu.memory_space<hbm>>
      %dma_start3A_372 = arith.constant 3072 : i32
      %dma_start3A_373 = tpu.memref_slice %arg7[%select_n3A_205, %dma_start3A_361, %dma_start3A_372] : memref<2x4x4096xf32, #tpu.memory_space<vmem>> -> memref<1x1x1024xf32, #tpu.memory_space<vmem>>
      %dma_start3A_374 = tpu.memref_squeeze %dma_start3A_373 : memref<1x1x1024xf32, #tpu.memory_space<vmem>> -> memref<1024xf32, #tpu.memory_space<vmem>>
      tpu.enqueue_dma source(%dma_start3A_374 : memref<1024xf32, #tpu.memory_space<vmem>>) target(%dma_start3A_371 : memref<1024xf32, #tpu.memory_space<hbm>>) target_semaphore(%dma_start3A_369 : memref<!tpu.dma_semaphore, #tpu.memory_space<semaphore_mem>>)
      %mul3A_375 = arith.constant 4 : i32
      %mul3A_376 = arith.muli %select_n3A_294, %mul3A_375 : i32
      %add3A_377 = arith.constant 1 : i32
      %add3A_378 = arith.addi %mul3A_376, %add3A_377 : i32
      %mul3A_379 = arith.constant 1024 : i32
      %mul3A_380 = arith.muli %add3A_378, %mul3A_379 : i32
      %dma_start3A_381 = arith.constant 1 : i32
      %dma_start3A_382 = arith.constant 0 : i32
      %dma_start3A_383 = arith.constant 0 : i32
      %dma_start3A_384 = tpu.memref_slice %arg7[%select_n3A_205, %dma_start3A_381, %dma_start3A_383] : memref<2x4x4096xf32, #tpu.memory_space<vmem>> -> memref<1x1x1024xf32, #tpu.memory_space<vmem>>
      %dma_start3A_385 = tpu.memref_squeeze %dma_start3A_384 : memref<1x1x1024xf32, #tpu.memory_space<vmem>> -> memref<1024xf32, #tpu.memory_space<vmem>>
      %dma_start3A_386 = tpu.memref_slice %arg4[%select_n3A_278, %dma_start3A_382, %mul3A_380] : memref<200x4x131072xf32, #tpu.memory_space<hbm>> -> memref<1x1x1024xf32, #tpu.memory_space<hbm>>
      %dma_start3A_387 = tpu.memref_squeeze %dma_start3A_386 : memref<1x1x1024xf32, #tpu.memory_space<hbm>> -> memref<1024xf32, #tpu.memory_space<hbm>>
      %dma_start3A_388 = tpu.memref_slice %arg10[%select_n3A_205] : memref<2x!tpu.dma_semaphore, #tpu.memory_space<semaphore_mem>> -> memref<1x!tpu.dma_semaphore, #tpu.memory_space<semaphore_mem>>
      %dma_start3A_389 = tpu.memref_squeeze %dma_start3A_388 : memref<1x!tpu.dma_semaphore, #tpu.memory_space<semaphore_mem>> -> memref<!tpu.dma_semaphore, #tpu.memory_space<semaphore_mem>>
      %dma_start3A_390 = tpu.memref_slice %arg4[%select_n3A_278, %dma_start3A_382, %mul3A_380] : memref<200x4x131072xf32, #tpu.memory_space<hbm>> -> memref<1x1x1024xf32, #tpu.memory_space<hbm>>
      %dma_start3A_391 = tpu.memref_squeeze %dma_start3A_390 : memref<1x1x1024xf32, #tpu.memory_space<hbm>> -> memref<1024xf32, #tpu.memory_space<hbm>>
      %dma_start3A_392 = arith.constant 0 : i32
      %dma_start3A_393 = tpu.memref_slice %arg7[%select_n3A_205, %dma_start3A_381, %dma_start3A_392] : memref<2x4x4096xf32, #tpu.memory_space<vmem>> -> memref<1x1x1024xf32, #tpu.memory_space<vmem>>
      %dma_start3A_394 = tpu.memref_squeeze %dma_start3A_393 : memref<1x1x1024xf32, #tpu.memory_space<vmem>> -> memref<1024xf32, #tpu.memory_space<vmem>>
      tpu.enqueue_dma source(%dma_start3A_394 : memref<1024xf32, #tpu.memory_space<vmem>>) target(%dma_start3A_391 : memref<1024xf32, #tpu.memory_space<hbm>>) target_semaphore(%dma_start3A_389 : memref<!tpu.dma_semaphore, #tpu.memory_space<semaphore_mem>>)
      %mul3A_395 = arith.constant 4 : i32
      %mul3A_396 = arith.muli %select_n3A_294, %mul3A_395 : i32
      %add3A_397 = arith.constant 1 : i32
      %add3A_398 = arith.addi %mul3A_396, %add3A_397 : i32
      %mul3A_399 = arith.constant 1024 : i32
      %mul3A_400 = arith.muli %add3A_398, %mul3A_399 : i32
      %dma_start3A_401 = arith.constant 1 : i32
      %dma_start3A_402 = arith.constant 1 : i32
      %dma_start3A_403 = arith.constant 1024 : i32
      %dma_start3A_404 = tpu.memref_slice %arg7[%select_n3A_205, %dma_start3A_401, %dma_start3A_403] : memref<2x4x4096xf32, #tpu.memory_space<vmem>> -> memref<1x1x1024xf32, #tpu.memory_space<vmem>>
      %dma_start3A_405 = tpu.memref_squeeze %dma_start3A_404 : memref<1x1x1024xf32, #tpu.memory_space<vmem>> -> memref<1024xf32, #tpu.memory_space<vmem>>
      %dma_start3A_406 = tpu.memref_slice %arg4[%select_n3A_278, %dma_start3A_402, %mul3A_400] : memref<200x4x131072xf32, #tpu.memory_space<hbm>> -> memref<1x1x1024xf32, #tpu.memory_space<hbm>>
      %dma_start3A_407 = tpu.memref_squeeze %dma_start3A_406 : memref<1x1x1024xf32, #tpu.memory_space<hbm>> -> memref<1024xf32, #tpu.memory_space<hbm>>
      %dma_start3A_408 = tpu.memref_slice %arg10[%select_n3A_205] : memref<2x!tpu.dma_semaphore, #tpu.memory_space<semaphore_mem>> -> memref<1x!tpu.dma_semaphore, #tpu.memory_space<semaphore_mem>>
      %dma_start3A_409 = tpu.memref_squeeze %dma_start3A_408 : memref<1x!tpu.dma_semaphore, #tpu.memory_space<semaphore_mem>> -> memref<!tpu.dma_semaphore, #tpu.memory_space<semaphore_mem>>
      %dma_start3A_410 = tpu.memref_slice %arg4[%select_n3A_278, %dma_start3A_402, %mul3A_400] : memref<200x4x131072xf32, #tpu.memory_space<hbm>> -> memref<1x1x1024xf32, #tpu.memory_space<hbm>>
      %dma_start3A_411 = tpu.memref_squeeze %dma_start3A_410 : memref<1x1x1024xf32, #tpu.memory_space<hbm>> -> memref<1024xf32, #tpu.memory_space<hbm>>
      %dma_start3A_412 = arith.constant 1024 : i32
      %dma_start3A_413 = tpu.memref_slice %arg7[%select_n3A_205, %dma_start3A_401, %dma_start3A_412] : memref<2x4x4096xf32, #tpu.memory_space<vmem>> -> memref<1x1x1024xf32, #tpu.memory_space<vmem>>
      %dma_start3A_414 = tpu.memref_squeeze %dma_start3A_413 : memref<1x1x1024xf32, #tpu.memory_space<vmem>> -> memref<1024xf32, #tpu.memory_space<vmem>>
      tpu.enqueue_dma source(%dma_start3A_414 : memref<1024xf32, #tpu.memory_space<vmem>>) target(%dma_start3A_411 : memref<1024xf32, #tpu.memory_space<hbm>>) target_semaphore(%dma_start3A_409 : memref<!tpu.dma_semaphore, #tpu.memory_space<semaphore_mem>>)
      %mul3A_415 = arith.constant 4 : i32
      %mul3A_416 = arith.muli %select_n3A_294, %mul3A_415 : i32
      %add3A_417 = arith.constant 1 : i32
      %add3A_418 = arith.addi %mul3A_416, %add3A_417 : i32
      %mul3A_419 = arith.constant 1024 : i32
      %mul3A_420 = arith.muli %add3A_418, %mul3A_419 : i32
      %dma_start3A_421 = arith.constant 1 : i32
      %dma_start3A_422 = arith.constant 2 : i32
      %dma_start3A_423 = arith.constant 2048 : i32
      %dma_start3A_424 = tpu.memref_slice %arg7[%select_n3A_205, %dma_start3A_421, %dma_start3A_423] : memref<2x4x4096xf32, #tpu.memory_space<vmem>> -> memref<1x1x1024xf32, #tpu.memory_space<vmem>>
      %dma_start3A_425 = tpu.memref_squeeze %dma_start3A_424 : memref<1x1x1024xf32, #tpu.memory_space<vmem>> -> memref<1024xf32, #tpu.memory_space<vmem>>
      %dma_start3A_426 = tpu.memref_slice %arg4[%select_n3A_278, %dma_start3A_422, %mul3A_420] : memref<200x4x131072xf32, #tpu.memory_space<hbm>> -> memref<1x1x1024xf32, #tpu.memory_space<hbm>>
      %dma_start3A_427 = tpu.memref_squeeze %dma_start3A_426 : memref<1x1x1024xf32, #tpu.memory_space<hbm>> -> memref<1024xf32, #tpu.memory_space<hbm>>
      %dma_start3A_428 = tpu.memref_slice %arg10[%select_n3A_205] : memref<2x!tpu.dma_semaphore, #tpu.memory_space<semaphore_mem>> -> memref<1x!tpu.dma_semaphore, #tpu.memory_space<semaphore_mem>>
      %dma_start3A_429 = tpu.memref_squeeze %dma_start3A_428 : memref<1x!tpu.dma_semaphore, #tpu.memory_space<semaphore_mem>> -> memref<!tpu.dma_semaphore, #tpu.memory_space<semaphore_mem>>
      %dma_start3A_430 = tpu.memref_slice %arg4[%select_n3A_278, %dma_start3A_422, %mul3A_420] : memref<200x4x131072xf32, #tpu.memory_space<hbm>> -> memref<1x1x1024xf32, #tpu.memory_space<hbm>>
      %dma_start3A_431 = tpu.memref_squeeze %dma_start3A_430 : memref<1x1x1024xf32, #tpu.memory_space<hbm>> -> memref<1024xf32, #tpu.memory_space<hbm>>
      %dma_start3A_432 = arith.constant 2048 : i32
      %dma_start3A_433 = tpu.memref_slice %arg7[%select_n3A_205, %dma_start3A_421, %dma_start3A_432] : memref<2x4x4096xf32, #tpu.memory_space<vmem>> -> memref<1x1x1024xf32, #tpu.memory_space<vmem>>
      %dma_start3A_434 = tpu.memref_squeeze %dma_start3A_433 : memref<1x1x1024xf32, #tpu.memory_space<vmem>> -> memref<1024xf32, #tpu.memory_space<vmem>>
      tpu.enqueue_dma source(%dma_start3A_434 : memref<1024xf32, #tpu.memory_space<vmem>>) target(%dma_start3A_431 : memref<1024xf32, #tpu.memory_space<hbm>>) target_semaphore(%dma_start3A_429 : memref<!tpu.dma_semaphore, #tpu.memory_space<semaphore_mem>>)
      %mul3A_435 = arith.constant 4 : i32
      %mul3A_436 = arith.muli %select_n3A_294, %mul3A_435 : i32
      %add3A_437 = arith.constant 1 : i32
      %add3A_438 = arith.addi %mul3A_436, %add3A_437 : i32
      %mul3A_439 = arith.constant 1024 : i32
      %mul3A_440 = arith.muli %add3A_438, %mul3A_439 : i32
      %dma_start3A_441 = arith.constant 1 : i32
      %dma_start3A_442 = arith.constant 3 : i32
      %dma_start3A_443 = arith.constant 3072 : i32
      %dma_start3A_444 = tpu.memref_slice %arg7[%select_n3A_205, %dma_start3A_441, %dma_start3A_443] : memref<2x4x4096xf32, #tpu.memory_space<vmem>> -> memref<1x1x1024xf32, #tpu.memory_space<vmem>>
      %dma_start3A_445 = tpu.memref_squeeze %dma_start3A_444 : memref<1x1x1024xf32, #tpu.memory_space<vmem>> -> memref<1024xf32, #tpu.memory_space<vmem>>
      %dma_start3A_446 = tpu.memref_slice %arg4[%select_n3A_278, %dma_start3A_442, %mul3A_440] : memref<200x4x131072xf32, #tpu.memory_space<hbm>> -> memref<1x1x1024xf32, #tpu.memory_space<hbm>>
      %dma_start3A_447 = tpu.memref_squeeze %dma_start3A_446 : memref<1x1x1024xf32, #tpu.memory_space<hbm>> -> memref<1024xf32, #tpu.memory_space<hbm>>
      %dma_start3A_448 = tpu.memref_slice %arg10[%select_n3A_205] : memref<2x!tpu.dma_semaphore, #tpu.memory_space<semaphore_mem>> -> memref<1x!tpu.dma_semaphore, #tpu.memory_space<semaphore_mem>>
      %dma_start3A_449 = tpu.memref_squeeze %dma_start3A_448 : memref<1x!tpu.dma_semaphore, #tpu.memory_space<semaphore_mem>> -> memref<!tpu.dma_semaphore, #tpu.memory_space<semaphore_mem>>
      %dma_start3A_450 = tpu.memref_slice %arg4[%select_n3A_278, %dma_start3A_442, %mul3A_440] : memref<200x4x131072xf32, #tpu.memory_space<hbm>> -> memref<1x1x1024xf32, #tpu.memory_space<hbm>>
      %dma_start3A_451 = tpu.memref_squeeze %dma_start3A_450 : memref<1x1x1024xf32, #tpu.memory_space<hbm>> -> memref<1024xf32, #tpu.memory_space<hbm>>
      %dma_start3A_452 = arith.constant 3072 : i32
      %dma_start3A_453 = tpu.memref_slice %arg7[%select_n3A_205, %dma_start3A_441, %dma_start3A_452] : memref<2x4x4096xf32, #tpu.memory_space<vmem>> -> memref<1x1x1024xf32, #tpu.memory_space<vmem>>
      %dma_start3A_454 = tpu.memref_squeeze %dma_start3A_453 : memref<1x1x1024xf32, #tpu.memory_space<vmem>> -> memref<1024xf32, #tpu.memory_space<vmem>>
      tpu.enqueue_dma source(%dma_start3A_454 : memref<1024xf32, #tpu.memory_space<vmem>>) target(%dma_start3A_451 : memref<1024xf32, #tpu.memory_space<hbm>>) target_semaphore(%dma_start3A_449 : memref<!tpu.dma_semaphore, #tpu.memory_space<semaphore_mem>>)
      %mul3A_455 = arith.constant 4 : i32
      %mul3A_456 = arith.muli %select_n3A_294, %mul3A_455 : i32
      %add3A_457 = arith.constant 2 : i32
      %add3A_458 = arith.addi %mul3A_456, %add3A_457 : i32
      %mul3A_459 = arith.constant 1024 : i32
      %mul3A_460 = arith.muli %add3A_458, %mul3A_459 : i32
      %dma_start3A_461 = arith.constant 2 : i32
      %dma_start3A_462 = arith.constant 0 : i32
      %dma_start3A_463 = arith.constant 0 : i32
      %dma_start3A_464 = tpu.memref_slice %arg7[%select_n3A_205, %dma_start3A_461, %dma_start3A_463] : memref<2x4x4096xf32, #tpu.memory_space<vmem>> -> memref<1x1x1024xf32, #tpu.memory_space<vmem>>
      %dma_start3A_465 = tpu.memref_squeeze %dma_start3A_464 : memref<1x1x1024xf32, #tpu.memory_space<vmem>> -> memref<1024xf32, #tpu.memory_space<vmem>>
      %dma_start3A_466 = tpu.memref_slice %arg4[%select_n3A_278, %dma_start3A_462, %mul3A_460] : memref<200x4x131072xf32, #tpu.memory_space<hbm>> -> memref<1x1x1024xf32, #tpu.memory_space<hbm>>
      %dma_start3A_467 = tpu.memref_squeeze %dma_start3A_466 : memref<1x1x1024xf32, #tpu.memory_space<hbm>> -> memref<1024xf32, #tpu.memory_space<hbm>>
      %dma_start3A_468 = tpu.memref_slice %arg10[%select_n3A_205] : memref<2x!tpu.dma_semaphore, #tpu.memory_space<semaphore_mem>> -> memref<1x!tpu.dma_semaphore, #tpu.memory_space<semaphore_mem>>
      %dma_start3A_469 = tpu.memref_squeeze %dma_start3A_468 : memref<1x!tpu.dma_semaphore, #tpu.memory_space<semaphore_mem>> -> memref<!tpu.dma_semaphore, #tpu.memory_space<semaphore_mem>>
      %dma_start3A_470 = tpu.memref_slice %arg4[%select_n3A_278, %dma_start3A_462, %mul3A_460] : memref<200x4x131072xf32, #tpu.memory_space<hbm>> -> memref<1x1x1024xf32, #tpu.memory_space<hbm>>
      %dma_start3A_471 = tpu.memref_squeeze %dma_start3A_470 : memref<1x1x1024xf32, #tpu.memory_space<hbm>> -> memref<1024xf32, #tpu.memory_space<hbm>>
      %dma_start3A_472 = arith.constant 0 : i32
      %dma_start3A_473 = tpu.memref_slice %arg7[%select_n3A_205, %dma_start3A_461, %dma_start3A_472] : memref<2x4x4096xf32, #tpu.memory_space<vmem>> -> memref<1x1x1024xf32, #tpu.memory_space<vmem>>
      %dma_start3A_474 = tpu.memref_squeeze %dma_start3A_473 : memref<1x1x1024xf32, #tpu.memory_space<vmem>> -> memref<1024xf32, #tpu.memory_space<vmem>>
      tpu.enqueue_dma source(%dma_start3A_474 : memref<1024xf32, #tpu.memory_space<vmem>>) target(%dma_start3A_471 : memref<1024xf32, #tpu.memory_space<hbm>>) target_semaphore(%dma_start3A_469 : memref<!tpu.dma_semaphore, #tpu.memory_space<semaphore_mem>>)
      %mul3A_475 = arith.constant 4 : i32
      %mul3A_476 = arith.muli %select_n3A_294, %mul3A_475 : i32
      %add3A_477 = arith.constant 2 : i32
      %add3A_478 = arith.addi %mul3A_476, %add3A_477 : i32
      %mul3A_479 = arith.constant 1024 : i32
      %mul3A_480 = arith.muli %add3A_478, %mul3A_479 : i32
      %dma_start3A_481 = arith.constant 2 : i32
      %dma_start3A_482 = arith.constant 1 : i32
      %dma_start3A_483 = arith.constant 1024 : i32
      %dma_start3A_484 = tpu.memref_slice %arg7[%select_n3A_205, %dma_start3A_481, %dma_start3A_483] : memref<2x4x4096xf32, #tpu.memory_space<vmem>> -> memref<1x1x1024xf32, #tpu.memory_space<vmem>>
      %dma_start3A_485 = tpu.memref_squeeze %dma_start3A_484 : memref<1x1x1024xf32, #tpu.memory_space<vmem>> -> memref<1024xf32, #tpu.memory_space<vmem>>
      %dma_start3A_486 = tpu.memref_slice %arg4[%select_n3A_278, %dma_start3A_482, %mul3A_480] : memref<200x4x131072xf32, #tpu.memory_space<hbm>> -> memref<1x1x1024xf32, #tpu.memory_space<hbm>>
      %dma_start3A_487 = tpu.memref_squeeze %dma_start3A_486 : memref<1x1x1024xf32, #tpu.memory_space<hbm>> -> memref<1024xf32, #tpu.memory_space<hbm>>
      %dma_start3A_488 = tpu.memref_slice %arg10[%select_n3A_205] : memref<2x!tpu.dma_semaphore, #tpu.memory_space<semaphore_mem>> -> memref<1x!tpu.dma_semaphore, #tpu.memory_space<semaphore_mem>>
      %dma_start3A_489 = tpu.memref_squeeze %dma_start3A_488 : memref<1x!tpu.dma_semaphore, #tpu.memory_space<semaphore_mem>> -> memref<!tpu.dma_semaphore, #tpu.memory_space<semaphore_mem>>
      %dma_start3A_490 = tpu.memref_slice %arg4[%select_n3A_278, %dma_start3A_482, %mul3A_480] : memref<200x4x131072xf32, #tpu.memory_space<hbm>> -> memref<1x1x1024xf32, #tpu.memory_space<hbm>>
      %dma_start3A_491 = tpu.memref_squeeze %dma_start3A_490 : memref<1x1x1024xf32, #tpu.memory_space<hbm>> -> memref<1024xf32, #tpu.memory_space<hbm>>
      %dma_start3A_492 = arith.constant 1024 : i32
      %dma_start3A_493 = tpu.memref_slice %arg7[%select_n3A_205, %dma_start3A_481, %dma_start3A_492] : memref<2x4x4096xf32, #tpu.memory_space<vmem>> -> memref<1x1x1024xf32, #tpu.memory_space<vmem>>
      %dma_start3A_494 = tpu.memref_squeeze %dma_start3A_493 : memref<1x1x1024xf32, #tpu.memory_space<vmem>> -> memref<1024xf32, #tpu.memory_space<vmem>>
      tpu.enqueue_dma source(%dma_start3A_494 : memref<1024xf32, #tpu.memory_space<vmem>>) target(%dma_start3A_491 : memref<1024xf32, #tpu.memory_space<hbm>>) target_semaphore(%dma_start3A_489 : memref<!tpu.dma_semaphore, #tpu.memory_space<semaphore_mem>>)
      %mul3A_495 = arith.constant 4 : i32
      %mul3A_496 = arith.muli %select_n3A_294, %mul3A_495 : i32
      %add3A_497 = arith.constant 2 : i32
      %add3A_498 = arith.addi %mul3A_496, %add3A_497 : i32
      %mul3A_499 = arith.constant 1024 : i32
      %mul3A_500 = arith.muli %add3A_498, %mul3A_499 : i32
      %dma_start3A_501 = arith.constant 2 : i32
      %dma_start3A_502 = arith.constant 2 : i32
      %dma_start3A_503 = arith.constant 2048 : i32
      %dma_start3A_504 = tpu.memref_slice %arg7[%select_n3A_205, %dma_start3A_501, %dma_start3A_503] : memref<2x4x4096xf32, #tpu.memory_space<vmem>> -> memref<1x1x1024xf32, #tpu.memory_space<vmem>>
      %dma_start3A_505 = tpu.memref_squeeze %dma_start3A_504 : memref<1x1x1024xf32, #tpu.memory_space<vmem>> -> memref<1024xf32, #tpu.memory_space<vmem>>
      %dma_start3A_506 = tpu.memref_slice %arg4[%select_n3A_278, %dma_start3A_502, %mul3A_500] : memref<200x4x131072xf32, #tpu.memory_space<hbm>> -> memref<1x1x1024xf32, #tpu.memory_space<hbm>>
      %dma_start3A_507 = tpu.memref_squeeze %dma_start3A_506 : memref<1x1x1024xf32, #tpu.memory_space<hbm>> -> memref<1024xf32, #tpu.memory_space<hbm>>
      %dma_start3A_508 = tpu.memref_slice %arg10[%select_n3A_205] : memref<2x!tpu.dma_semaphore, #tpu.memory_space<semaphore_mem>> -> memref<1x!tpu.dma_semaphore, #tpu.memory_space<semaphore_mem>>
      %dma_start3A_509 = tpu.memref_squeeze %dma_start3A_508 : memref<1x!tpu.dma_semaphore, #tpu.memory_space<semaphore_mem>> -> memref<!tpu.dma_semaphore, #tpu.memory_space<semaphore_mem>>
      %dma_start3A_510 = tpu.memref_slice %arg4[%select_n3A_278, %dma_start3A_502, %mul3A_500] : memref<200x4x131072xf32, #tpu.memory_space<hbm>> -> memref<1x1x1024xf32, #tpu.memory_space<hbm>>
      %dma_start3A_511 = tpu.memref_squeeze %dma_start3A_510 : memref<1x1x1024xf32, #tpu.memory_space<hbm>> -> memref<1024xf32, #tpu.memory_space<hbm>>
      %dma_start3A_512 = arith.constant 2048 : i32
      %dma_start3A_513 = tpu.memref_slice %arg7[%select_n3A_205, %dma_start3A_501, %dma_start3A_512] : memref<2x4x4096xf32, #tpu.memory_space<vmem>> -> memref<1x1x1024xf32, #tpu.memory_space<vmem>>
      %dma_start3A_514 = tpu.memref_squeeze %dma_start3A_513 : memref<1x1x1024xf32, #tpu.memory_space<vmem>> -> memref<1024xf32, #tpu.memory_space<vmem>>
      tpu.enqueue_dma source(%dma_start3A_514 : memref<1024xf32, #tpu.memory_space<vmem>>) target(%dma_start3A_511 : memref<1024xf32, #tpu.memory_space<hbm>>) target_semaphore(%dma_start3A_509 : memref<!tpu.dma_semaphore, #tpu.memory_space<semaphore_mem>>)
      %mul3A_515 = arith.constant 4 : i32
      %mul3A_516 = arith.muli %select_n3A_294, %mul3A_515 : i32
      %add3A_517 = arith.constant 2 : i32
      %add3A_518 = arith.addi %mul3A_516, %add3A_517 : i32
      %mul3A_519 = arith.constant 1024 : i32
      %mul3A_520 = arith.muli %add3A_518, %mul3A_519 : i32
      %dma_start3A_521 = arith.constant 2 : i32
      %dma_start3A_522 = arith.constant 3 : i32
      %dma_start3A_523 = arith.constant 3072 : i32
      %dma_start3A_524 = tpu.memref_slice %arg7[%select_n3A_205, %dma_start3A_521, %dma_start3A_523] : memref<2x4x4096xf32, #tpu.memory_space<vmem>> -> memref<1x1x1024xf32, #tpu.memory_space<vmem>>
      %dma_start3A_525 = tpu.memref_squeeze %dma_start3A_524 : memref<1x1x1024xf32, #tpu.memory_space<vmem>> -> memref<1024xf32, #tpu.memory_space<vmem>>
      %dma_start3A_526 = tpu.memref_slice %arg4[%select_n3A_278, %dma_start3A_522, %mul3A_520] : memref<200x4x131072xf32, #tpu.memory_space<hbm>> -> memref<1x1x1024xf32, #tpu.memory_space<hbm>>
      %dma_start3A_527 = tpu.memref_squeeze %dma_start3A_526 : memref<1x1x1024xf32, #tpu.memory_space<hbm>> -> memref<1024xf32, #tpu.memory_space<hbm>>
      %dma_start3A_528 = tpu.memref_slice %arg10[%select_n3A_205] : memref<2x!tpu.dma_semaphore, #tpu.memory_space<semaphore_mem>> -> memref<1x!tpu.dma_semaphore, #tpu.memory_space<semaphore_mem>>
      %dma_start3A_529 = tpu.memref_squeeze %dma_start3A_528 : memref<1x!tpu.dma_semaphore, #tpu.memory_space<semaphore_mem>> -> memref<!tpu.dma_semaphore, #tpu.memory_space<semaphore_mem>>
      %dma_start3A_530 = tpu.memref_slice %arg4[%select_n3A_278, %dma_start3A_522, %mul3A_520] : memref<200x4x131072xf32, #tpu.memory_space<hbm>> -> memref<1x1x1024xf32, #tpu.memory_space<hbm>>
      %dma_start3A_531 = tpu.memref_squeeze %dma_start3A_530 : memref<1x1x1024xf32, #tpu.memory_space<hbm>> -> memref<1024xf32, #tpu.memory_space<hbm>>
      %dma_start3A_532 = arith.constant 3072 : i32
      %dma_start3A_533 = tpu.memref_slice %arg7[%select_n3A_205, %dma_start3A_521, %dma_start3A_532] : memref<2x4x4096xf32, #tpu.memory_space<vmem>> -> memref<1x1x1024xf32, #tpu.memory_space<vmem>>
      %dma_start3A_534 = tpu.memref_squeeze %dma_start3A_533 : memref<1x1x1024xf32, #tpu.memory_space<vmem>> -> memref<1024xf32, #tpu.memory_space<vmem>>
      tpu.enqueue_dma source(%dma_start3A_534 : memref<1024xf32, #tpu.memory_space<vmem>>) target(%dma_start3A_531 : memref<1024xf32, #tpu.memory_space<hbm>>) target_semaphore(%dma_start3A_529 : memref<!tpu.dma_semaphore, #tpu.memory_space<semaphore_mem>>)
      %mul3A_535 = arith.constant 4 : i32
      %mul3A_536 = arith.muli %select_n3A_294, %mul3A_535 : i32
      %add3A_537 = arith.constant 3 : i32
      %add3A_538 = arith.addi %mul3A_536, %add3A_537 : i32
      %mul3A_539 = arith.constant 1024 : i32
      %mul3A_540 = arith.muli %add3A_538, %mul3A_539 : i32
      %dma_start3A_541 = arith.constant 3 : i32
      %dma_start3A_542 = arith.constant 0 : i32
      %dma_start3A_543 = arith.constant 0 : i32
      %dma_start3A_544 = tpu.memref_slice %arg7[%select_n3A_205, %dma_start3A_541, %dma_start3A_543] : memref<2x4x4096xf32, #tpu.memory_space<vmem>> -> memref<1x1x1024xf32, #tpu.memory_space<vmem>>
      %dma_start3A_545 = tpu.memref_squeeze %dma_start3A_544 : memref<1x1x1024xf32, #tpu.memory_space<vmem>> -> memref<1024xf32, #tpu.memory_space<vmem>>
      %dma_start3A_546 = tpu.memref_slice %arg4[%select_n3A_278, %dma_start3A_542, %mul3A_540] : memref<200x4x131072xf32, #tpu.memory_space<hbm>> -> memref<1x1x1024xf32, #tpu.memory_space<hbm>>
      %dma_start3A_547 = tpu.memref_squeeze %dma_start3A_546 : memref<1x1x1024xf32, #tpu.memory_space<hbm>> -> memref<1024xf32, #tpu.memory_space<hbm>>
      %dma_start3A_548 = tpu.memref_slice %arg10[%select_n3A_205] : memref<2x!tpu.dma_semaphore, #tpu.memory_space<semaphore_mem>> -> memref<1x!tpu.dma_semaphore, #tpu.memory_space<semaphore_mem>>
      %dma_start3A_549 = tpu.memref_squeeze %dma_start3A_548 : memref<1x!tpu.dma_semaphore, #tpu.memory_space<semaphore_mem>> -> memref<!tpu.dma_semaphore, #tpu.memory_space<semaphore_mem>>
      %dma_start3A_550 = tpu.memref_slice %arg4[%select_n3A_278, %dma_start3A_542, %mul3A_540] : memref<200x4x131072xf32, #tpu.memory_space<hbm>> -> memref<1x1x1024xf32, #tpu.memory_space<hbm>>
      %dma_start3A_551 = tpu.memref_squeeze %dma_start3A_550 : memref<1x1x1024xf32, #tpu.memory_space<hbm>> -> memref<1024xf32, #tpu.memory_space<hbm>>
      %dma_start3A_552 = arith.constant 0 : i32
      %dma_start3A_553 = tpu.memref_slice %arg7[%select_n3A_205, %dma_start3A_541, %dma_start3A_552] : memref<2x4x4096xf32, #tpu.memory_space<vmem>> -> memref<1x1x1024xf32, #tpu.memory_space<vmem>>
      %dma_start3A_554 = tpu.memref_squeeze %dma_start3A_553 : memref<1x1x1024xf32, #tpu.memory_space<vmem>> -> memref<1024xf32, #tpu.memory_space<vmem>>
      tpu.enqueue_dma source(%dma_start3A_554 : memref<1024xf32, #tpu.memory_space<vmem>>) target(%dma_start3A_551 : memref<1024xf32, #tpu.memory_space<hbm>>) target_semaphore(%dma_start3A_549 : memref<!tpu.dma_semaphore, #tpu.memory_space<semaphore_mem>>)
      %mul3A_555 = arith.constant 4 : i32
      %mul3A_556 = arith.muli %select_n3A_294, %mul3A_555 : i32
      %add3A_557 = arith.constant 3 : i32
      %add3A_558 = arith.addi %mul3A_556, %add3A_557 : i32
      %mul3A_559 = arith.constant 1024 : i32
      %mul3A_560 = arith.muli %add3A_558, %mul3A_559 : i32
      %dma_start3A_561 = arith.constant 3 : i32
      %dma_start3A_562 = arith.constant 1 : i32
      %dma_start3A_563 = arith.constant 1024 : i32
      %dma_start3A_564 = tpu.memref_slice %arg7[%select_n3A_205, %dma_start3A_561, %dma_start3A_563] : memref<2x4x4096xf32, #tpu.memory_space<vmem>> -> memref<1x1x1024xf32, #tpu.memory_space<vmem>>
      %dma_start3A_565 = tpu.memref_squeeze %dma_start3A_564 : memref<1x1x1024xf32, #tpu.memory_space<vmem>> -> memref<1024xf32, #tpu.memory_space<vmem>>
      %dma_start3A_566 = tpu.memref_slice %arg4[%select_n3A_278, %dma_start3A_562, %mul3A_560] : memref<200x4x131072xf32, #tpu.memory_space<hbm>> -> memref<1x1x1024xf32, #tpu.memory_space<hbm>>
      %dma_start3A_567 = tpu.memref_squeeze %dma_start3A_566 : memref<1x1x1024xf32, #tpu.memory_space<hbm>> -> memref<1024xf32, #tpu.memory_space<hbm>>
      %dma_start3A_568 = tpu.memref_slice %arg10[%select_n3A_205] : memref<2x!tpu.dma_semaphore, #tpu.memory_space<semaphore_mem>> -> memref<1x!tpu.dma_semaphore, #tpu.memory_space<semaphore_mem>>
      %dma_start3A_569 = tpu.memref_squeeze %dma_start3A_568 : memref<1x!tpu.dma_semaphore, #tpu.memory_space<semaphore_mem>> -> memref<!tpu.dma_semaphore, #tpu.memory_space<semaphore_mem>>
      %dma_start3A_570 = tpu.memref_slice %arg4[%select_n3A_278, %dma_start3A_562, %mul3A_560] : memref<200x4x131072xf32, #tpu.memory_space<hbm>> -> memref<1x1x1024xf32, #tpu.memory_space<hbm>>
      %dma_start3A_571 = tpu.memref_squeeze %dma_start3A_570 : memref<1x1x1024xf32, #tpu.memory_space<hbm>> -> memref<1024xf32, #tpu.memory_space<hbm>>
      %dma_start3A_572 = arith.constant 1024 : i32
      %dma_start3A_573 = tpu.memref_slice %arg7[%select_n3A_205, %dma_start3A_561, %dma_start3A_572] : memref<2x4x4096xf32, #tpu.memory_space<vmem>> -> memref<1x1x1024xf32, #tpu.memory_space<vmem>>
      %dma_start3A_574 = tpu.memref_squeeze %dma_start3A_573 : memref<1x1x1024xf32, #tpu.memory_space<vmem>> -> memref<1024xf32, #tpu.memory_space<vmem>>
      tpu.enqueue_dma source(%dma_start3A_574 : memref<1024xf32, #tpu.memory_space<vmem>>) target(%dma_start3A_571 : memref<1024xf32, #tpu.memory_space<hbm>>) target_semaphore(%dma_start3A_569 : memref<!tpu.dma_semaphore, #tpu.memory_space<semaphore_mem>>)
      %mul3A_575 = arith.constant 4 : i32
      %mul3A_576 = arith.muli %select_n3A_294, %mul3A_575 : i32
      %add3A_577 = arith.constant 3 : i32
      %add3A_578 = arith.addi %mul3A_576, %add3A_577 : i32
      %mul3A_579 = arith.constant 1024 : i32
      %mul3A_580 = arith.muli %add3A_578, %mul3A_579 : i32
      %dma_start3A_581 = arith.constant 3 : i32
      %dma_start3A_582 = arith.constant 2 : i32
      %dma_start3A_583 = arith.constant 2048 : i32
      %dma_start3A_584 = tpu.memref_slice %arg7[%select_n3A_205, %dma_start3A_581, %dma_start3A_583] : memref<2x4x4096xf32, #tpu.memory_space<vmem>> -> memref<1x1x1024xf32, #tpu.memory_space<vmem>>
      %dma_start3A_585 = tpu.memref_squeeze %dma_start3A_584 : memref<1x1x1024xf32, #tpu.memory_space<vmem>> -> memref<1024xf32, #tpu.memory_space<vmem>>
      %dma_start3A_586 = tpu.memref_slice %arg4[%select_n3A_278, %dma_start3A_582, %mul3A_580] : memref<200x4x131072xf32, #tpu.memory_space<hbm>> -> memref<1x1x1024xf32, #tpu.memory_space<hbm>>
      %dma_start3A_587 = tpu.memref_squeeze %dma_start3A_586 : memref<1x1x1024xf32, #tpu.memory_space<hbm>> -> memref<1024xf32, #tpu.memory_space<hbm>>
      %dma_start3A_588 = tpu.memref_slice %arg10[%select_n3A_205] : memref<2x!tpu.dma_semaphore, #tpu.memory_space<semaphore_mem>> -> memref<1x!tpu.dma_semaphore, #tpu.memory_space<semaphore_mem>>
      %dma_start3A_589 = tpu.memref_squeeze %dma_start3A_588 : memref<1x!tpu.dma_semaphore, #tpu.memory_space<semaphore_mem>> -> memref<!tpu.dma_semaphore, #tpu.memory_space<semaphore_mem>>
      %dma_start3A_590 = tpu.memref_slice %arg4[%select_n3A_278, %dma_start3A_582, %mul3A_580] : memref<200x4x131072xf32, #tpu.memory_space<hbm>> -> memref<1x1x1024xf32, #tpu.memory_space<hbm>>
      %dma_start3A_591 = tpu.memref_squeeze %dma_start3A_590 : memref<1x1x1024xf32, #tpu.memory_space<hbm>> -> memref<1024xf32, #tpu.memory_space<hbm>>
      %dma_start3A_592 = arith.constant 2048 : i32
      %dma_start3A_593 = tpu.memref_slice %arg7[%select_n3A_205, %dma_start3A_581, %dma_start3A_592] : memref<2x4x4096xf32, #tpu.memory_space<vmem>> -> memref<1x1x1024xf32, #tpu.memory_space<vmem>>
      %dma_start3A_594 = tpu.memref_squeeze %dma_start3A_593 : memref<1x1x1024xf32, #tpu.memory_space<vmem>> -> memref<1024xf32, #tpu.memory_space<vmem>>
      tpu.enqueue_dma source(%dma_start3A_594 : memref<1024xf32, #tpu.memory_space<vmem>>) target(%dma_start3A_591 : memref<1024xf32, #tpu.memory_space<hbm>>) target_semaphore(%dma_start3A_589 : memref<!tpu.dma_semaphore, #tpu.memory_space<semaphore_mem>>)
      %mul3A_595 = arith.constant 4 : i32
      %mul3A_596 = arith.muli %select_n3A_294, %mul3A_595 : i32
      %add3A_597 = arith.constant 3 : i32
      %add3A_598 = arith.addi %mul3A_596, %add3A_597 : i32
      %mul3A_599 = arith.constant 1024 : i32
      %mul3A_600 = arith.muli %add3A_598, %mul3A_599 : i32
      %dma_start3A_601 = arith.constant 3 : i32
      %dma_start3A_602 = arith.constant 3 : i32
      %dma_start3A_603 = arith.constant 3072 : i32
      %dma_start3A_604 = tpu.memref_slice %arg7[%select_n3A_205, %dma_start3A_601, %dma_start3A_603] : memref<2x4x4096xf32, #tpu.memory_space<vmem>> -> memref<1x1x1024xf32, #tpu.memory_space<vmem>>
      %dma_start3A_605 = tpu.memref_squeeze %dma_start3A_604 : memref<1x1x1024xf32, #tpu.memory_space<vmem>> -> memref<1024xf32, #tpu.memory_space<vmem>>
      %dma_start3A_606 = tpu.memref_slice %arg4[%select_n3A_278, %dma_start3A_602, %mul3A_600] : memref<200x4x131072xf32, #tpu.memory_space<hbm>> -> memref<1x1x1024xf32, #tpu.memory_space<hbm>>
      %dma_start3A_607 = tpu.memref_squeeze %dma_start3A_606 : memref<1x1x1024xf32, #tpu.memory_space<hbm>> -> memref<1024xf32, #tpu.memory_space<hbm>>
      %dma_start3A_608 = tpu.memref_slice %arg10[%select_n3A_205] : memref<2x!tpu.dma_semaphore, #tpu.memory_space<semaphore_mem>> -> memref<1x!tpu.dma_semaphore, #tpu.memory_space<semaphore_mem>>
      %dma_start3A_609 = tpu.memref_squeeze %dma_start3A_608 : memref<1x!tpu.dma_semaphore, #tpu.memory_space<semaphore_mem>> -> memref<!tpu.dma_semaphore, #tpu.memory_space<semaphore_mem>>
      %dma_start3A_610 = tpu.memref_slice %arg4[%select_n3A_278, %dma_start3A_602, %mul3A_600] : memref<200x4x131072xf32, #tpu.memory_space<hbm>> -> memref<1x1x1024xf32, #tpu.memory_space<hbm>>
      %dma_start3A_611 = tpu.memref_squeeze %dma_start3A_610 : memref<1x1x1024xf32, #tpu.memory_space<hbm>> -> memref<1024xf32, #tpu.memory_space<hbm>>
      %dma_start3A_612 = arith.constant 3072 : i32
      %dma_start3A_613 = tpu.memref_slice %arg7[%select_n3A_205, %dma_start3A_601, %dma_start3A_612] : memref<2x4x4096xf32, #tpu.memory_space<vmem>> -> memref<1x1x1024xf32, #tpu.memory_space<vmem>>
      %dma_start3A_614 = tpu.memref_squeeze %dma_start3A_613 : memref<1x1x1024xf32, #tpu.memory_space<vmem>> -> memref<1024xf32, #tpu.memory_space<vmem>>
      tpu.enqueue_dma source(%dma_start3A_614 : memref<1024xf32, #tpu.memory_space<vmem>>) target(%dma_start3A_611 : memref<1024xf32, #tpu.memory_space<hbm>>) target_semaphore(%dma_start3A_609 : memref<!tpu.dma_semaphore, #tpu.memory_space<semaphore_mem>>)
    }
    %scan3A_146 = arith.constant 200 : i32
    %dma_wait3A_147 = arith.constant 0 : i32
    %dma_wait3A_148 = arith.constant 0 : i32
    %dma_wait3A_149 = arith.constant 0 : i32
    %dma_wait3A_150 = arith.constant 0 : i32
    %dma_wait3A_151 = arith.constant 0 : i32
    %dma_wait3A_152 = tpu.memref_slice %arg7[%dma_wait3A_147, %dma_wait3A_150, %dma_wait3A_151] : memref<2x4x4096xf32, #tpu.memory_space<vmem>> -> memref<1x4x4096xf32, #tpu.memory_space<vmem>>
    %dma_wait3A_153 = tpu.memref_squeeze %dma_wait3A_152 : memref<1x4x4096xf32, #tpu.memory_space<vmem>> -> memref<4x4096xf32, #tpu.memory_space<vmem>>
    %dma_wait3A_154 = arith.constant 0 : i32
    %dma_wait3A_155 = arith.constant 0 : i32
    %dma_wait3A_156 = tpu.memref_slice %arg4[%dma_wait3A_148, %dma_wait3A_154, %dma_wait3A_155] : memref<200x4x131072xf32, #tpu.memory_space<hbm>> -> memref<1x4x4096xf32, #tpu.memory_space<hbm>>
    %dma_wait3A_157 = tpu.memref_squeeze %dma_wait3A_156 : memref<1x4x4096xf32, #tpu.memory_space<hbm>> -> memref<4x4096xf32, #tpu.memory_space<hbm>>
    %dma_wait3A_158 = tpu.memref_slice %arg10[%dma_wait3A_149] : memref<2x!tpu.dma_semaphore, #tpu.memory_space<semaphore_mem>> -> memref<1x!tpu.dma_semaphore, #tpu.memory_space<semaphore_mem>>
    %dma_wait3A_159 = tpu.memref_squeeze %dma_wait3A_158 : memref<1x!tpu.dma_semaphore, #tpu.memory_space<semaphore_mem>> -> memref<!tpu.dma_semaphore, #tpu.memory_space<semaphore_mem>>
    %dma_wait3A_160 = arith.constant 0 : i32
    %dma_wait3A_161 = arith.constant 0 : i32
    %dma_wait3A_162 = tpu.memref_slice %arg4[%dma_wait3A_148, %dma_wait3A_160, %dma_wait3A_161] : memref<200x4x131072xf32, #tpu.memory_space<hbm>> -> memref<1x4x4096xf32, #tpu.memory_space<hbm>>
    %dma_wait3A_163 = tpu.memref_squeeze %dma_wait3A_162 : memref<1x4x4096xf32, #tpu.memory_space<hbm>> -> memref<4x4096xf32, #tpu.memory_space<hbm>>
    %dma_wait3A_164 = arith.constant 0 : i32
    %dma_wait3A_165 = arith.constant 0 : i32
    %dma_wait3A_166 = tpu.memref_slice %arg7[%dma_wait3A_147, %dma_wait3A_164, %dma_wait3A_165] : memref<2x4x4096xf32, #tpu.memory_space<vmem>> -> memref<1x4x4096xf32, #tpu.memory_space<vmem>>
    %dma_wait3A_167 = tpu.memref_squeeze %dma_wait3A_166 : memref<1x4x4096xf32, #tpu.memory_space<vmem>> -> memref<4x4096xf32, #tpu.memory_space<vmem>>
    tpu.wait_dma2 semaphore(%dma_wait3A_159 : memref<!tpu.dma_semaphore, #tpu.memory_space<semaphore_mem>>) src(%dma_wait3A_167 : memref<4x4096xf32, #tpu.memory_space<vmem>>) dst(%dma_wait3A_163 : memref<4x4096xf32, #tpu.memory_space<hbm>>)
    %dma_wait3A_168 = arith.constant 1 : i32
    %dma_wait3A_169 = arith.constant 0 : i32
    %dma_wait3A_170 = arith.constant 1 : i32
    %dma_wait3A_171 = arith.constant 0 : i32
    %dma_wait3A_172 = arith.constant 0 : i32
    %dma_wait3A_173 = tpu.memref_slice %arg7[%dma_wait3A_168, %dma_wait3A_171, %dma_wait3A_172] : memref<2x4x4096xf32, #tpu.memory_space<vmem>> -> memref<1x4x4096xf32, #tpu.memory_space<vmem>>
    %dma_wait3A_174 = tpu.memref_squeeze %dma_wait3A_173 : memref<1x4x4096xf32, #tpu.memory_space<vmem>> -> memref<4x4096xf32, #tpu.memory_space<vmem>>
    %dma_wait3A_175 = arith.constant 0 : i32
    %dma_wait3A_176 = arith.constant 0 : i32
    %dma_wait3A_177 = tpu.memref_slice %arg4[%dma_wait3A_169, %dma_wait3A_175, %dma_wait3A_176] : memref<200x4x131072xf32, #tpu.memory_space<hbm>> -> memref<1x4x4096xf32, #tpu.memory_space<hbm>>
    %dma_wait3A_178 = tpu.memref_squeeze %dma_wait3A_177 : memref<1x4x4096xf32, #tpu.memory_space<hbm>> -> memref<4x4096xf32, #tpu.memory_space<hbm>>
    %dma_wait3A_179 = tpu.memref_slice %arg10[%dma_wait3A_170] : memref<2x!tpu.dma_semaphore, #tpu.memory_space<semaphore_mem>> -> memref<1x!tpu.dma_semaphore, #tpu.memory_space<semaphore_mem>>
    %dma_wait3A_180 = tpu.memref_squeeze %dma_wait3A_179 : memref<1x!tpu.dma_semaphore, #tpu.memory_space<semaphore_mem>> -> memref<!tpu.dma_semaphore, #tpu.memory_space<semaphore_mem>>
    %dma_wait3A_181 = arith.constant 0 : i32
    %dma_wait3A_182 = arith.constant 0 : i32
    %dma_wait3A_183 = tpu.memref_slice %arg4[%dma_wait3A_169, %dma_wait3A_181, %dma_wait3A_182] : memref<200x4x131072xf32, #tpu.memory_space<hbm>> -> memref<1x4x4096xf32, #tpu.memory_space<hbm>>
    %dma_wait3A_184 = tpu.memref_squeeze %dma_wait3A_183 : memref<1x4x4096xf32, #tpu.memory_space<hbm>> -> memref<4x4096xf32, #tpu.memory_space<hbm>>
    %dma_wait3A_185 = arith.constant 0 : i32
    %dma_wait3A_186 = arith.constant 0 : i32
    %dma_wait3A_187 = tpu.memref_slice %arg7[%dma_wait3A_168, %dma_wait3A_185, %dma_wait3A_186] : memref<2x4x4096xf32, #tpu.memory_space<vmem>> -> memref<1x4x4096xf32, #tpu.memory_space<vmem>>
    %dma_wait3A_188 = tpu.memref_squeeze %dma_wait3A_187 : memref<1x4x4096xf32, #tpu.memory_space<vmem>> -> memref<4x4096xf32, #tpu.memory_space<vmem>>
    tpu.wait_dma2 semaphore(%dma_wait3A_180 : memref<!tpu.dma_semaphore, #tpu.memory_space<semaphore_mem>>) src(%dma_wait3A_188 : memref<4x4096xf32, #tpu.memory_space<vmem>>) dst(%dma_wait3A_184 : memref<4x4096xf32, #tpu.memory_space<hbm>>)
    return
  }
}

</mosaic_0001>

<sc_bundles>
// kernel: kernel.3.cloned.1.call-start
scs
__scs_entry_jumppad:
0x0: {  	(pc) =	sbr.rel $0x88, $3  }
0x1: {  	(tag) =	ssettag $0x0;
	lr =	simm.s32 $0x1  }
0x2: {  	[smem:$0x3F9F] =	sst lr;
	_ =	strace $0xD0000000  }
0x3: {  	_ = 	snop  }
0x4: {  	_ = 	snop  }
0x5: {  	_ = 	snop  }
0x6: {  	_ = 	snop  }
0x7: {  	_ = 	snop  }
__scs_overlays_trampoline_lowered:
0x8: {  	[smem:$0x3FAE] =	sst s0  }
0x9: {  	[smem:$0x3FAF] =	sst s1  }
0xa: {  	[smem:$0x3FB0] =	sst s2  }
0xb: {  	[smem:$0x3FB1] =	sst s3  }
0xc: {  	[smem:$0x3FB2] =	sst s4  }
0xd: {  	[smem:$0x3FB3] =	sst s5  }
0xe: {  	[smem:$0x3FB4] =	sst s6  }
0xf: {  	[smem:$0x3FB5] =	sst s7  }
0x10: {  	[smem:$0x3FB6] =	sst s8  }
0x11: {  	[smem:$0x3FB7] =	sst s9;
	s0 =	simm.s32 @!p0 $0x0  }
0x12: {  	s1 =	sld [smem:$0x3F9D];
	s0 =	simm.s32 @p0 $0x1  }
0x13: {  	[smem:$0x3FB8] =	sst s0;
	s0 =	simm.s32 @!p1 $0x0  }
0x14: {  	s2 =	sld [smem:$0x3F9C];
	s0 =	simm.s32 @p1 $0x1  }
0x15: {  	[smem:$0x3FB9] =	sst s0;
	s0 =	simm.s32 @!p2 $0x0  }
0x16: {  	s3 =	sld [smem:$0x3FDB];
	s0 =	simm.s32 @p2 $0x1  }
0x17: {  	s4 =	simm.s32 $0x1BF5;
	[smem:$0x3FBB] =	sst s0  }
0x18: {  	s0 =	sld [smem:$0x3F9E];
	_ =	swait.ge [sflag:s4], $0x0  }
0x19: {  	s7 =	sld [smem:$0x3F9F]  }
0x1a: {  	s8 =	sadd.s32 $0xFFFFE003, lr  }
0x1b: {  	s9 =	sadd.s32 $0xFFFFFEF7, lr;
	s5 =	simm.s32 $0xFFFFFFFF;
	p2 =	slt.u32 s8, $0xFFFFF086  }
0x1c: {  	p1 =	slt.u32 s9, $0xF7A;
	s5 =	simm.s32 @!p2 $0x0  }
0x1d: {  	s5 =	simm.s32 @p1 $0x1;
	p0 =	seq.s32 s7, s2  }
0x1e: {  	s7 =	smul.u32 @!p0 $0xF7A, s2;
	p2 =	seq.s32 @!p0 s5, $0x0  }
0x1f: {  	s9 =	smul.u32 $0xF7A, s1;
	s8 =	simm.s32 @!p0 $0x1BF5;
	p2 =	por !p2, p0  }
0x20: {  	[sflag:s8] =	ssyncset.s32 @!p0 $0xFFFFF086;
	s6 =	sadd.s32 @!p0 s3, s7;
	s7 =	simm.s32 @!p0 $0x108  }
0x21: {  	s3 =	sadd.s32 s3, s9;
	s6 =	sadd.s32 @!p0 $0x88, s6;
	s7 =	simm.s32 @p2 $0x1082  }
0x22: {  	[simem:s7], [sflag:s8] =	dma.local @!p0 [hbm:s6], $0xF7A  }
0x23: {  	s9 =	sor.u32 $0xD0000000, s2;
	s6 =	simm.s32 $0x108;
	_ =	swait.ge @!p0 [sflag:s8], $0x0  }
0x24: {  	s3 =	sadd.s32 $0x88, s3;
	s6 =	simm.s32 @!p1 $0x1082;
	[sflag:s4] =	ssyncset.s32 $0xFFFFF086  }
0x25: {  	[simem:s6], [sflag:s4] =	dma.local [hbm:s3], $0xF7A  }
0x26: {  	[smem:$0x3F9F] =	sst s1;
	(tag) =	ssettag s2;
	_ =	strace s9  }
0x27: {  	s1 =	sld [smem:$0x3FAF]  }
0x28: {  	s2 =	sld [smem:$0x3FB0]  }
0x29: {  	s4 =	sld [smem:$0x3FB2]  }
0x2a: {  	p0 =	seq.s32 s5, $0x0;
	s5 =	sld [smem:$0x3FB3]  }
0x2b: {  	s6 =	sld [smem:$0x3FB4]  }
0x2c: {  	s7 =	sld [smem:$0x3FB5]  }
0x2d: {  	s3 =	simm.s32 $0x108;
	s8 =	sld [smem:$0x3FB6]  }
0x2e: {  	s3 =	simm.s32 @!p0 $0x1082;
	s9 =	sld [smem:$0x3FB7]  }
0x2f: {  	lr =	sadd.s32 s0, s3;
	s0 =	sld [smem:$0x3FAE]  }
0x30: {  	s3 =	sld [smem:$0x3FB1]  }
0x31: {  	[smem:$0x3FBA] =	sst s10  }
0x32: {  	s10 =	sld [smem:$0x3FB8];
	_ =	sdelay $0x3  }
0x33: {  	p0 =	seq.s32 s10, $0x1;
	s10 =	sld [smem:$0x3FBA];
	_ =	sdelay $0x3  }
0x34: {  	[smem:$0x3FBA] =	sst s10  }
0x35: {  	s10 =	sld [smem:$0x3FB9];
	_ =	sdelay $0x3  }
0x36: {  	p1 =	seq.s32 s10, $0x1;
	s10 =	sld [smem:$0x3FBA];
	_ =	sdelay $0x3  }
0x37: {  	[smem:$0x3FBA] =	sst s10  }
0x38: {  	s10 =	sld [smem:$0x3FBB]  }
0x39: {  	_ = 	snop;
	(pc) =	sbr.ind lr, $3  }
0x3a: {  	_ = 	snop  }
0x3b: {  	_ = 	snop  }
0x3c: {  	p2 =	seq.s32 s10, $0x1;
	s10 =	sld [smem:$0x3FBA]  }
0x3d: {  	_ =	shalt  }
0x3e: {  	_ =	shalt  }
0x3f: {  	_ =	shalt  }
0x40: {  	_ =	shalt  }
0x41: {  	_ =	shalt  }
0x42: {  	_ =	shalt  }
0x43: {  	_ =	shalt  }
0x44: {  	_ =	shalt  }
0x45: {  	_ =	shalt  }
0x46: {  	_ =	shalt  }
0x47: {  	_ =	shalt  }
0x48: {  	_ =	shalt  }
0x49: {  	_ =	shalt  }
0x4a: {  	_ =	shalt  }
0x4b: {  	_ =	shalt  }
0x4c: {  	_ =	shalt  }
0x4d: {  	_ =	shalt  }
0x4e: {  	_ =	shalt  }
0x4f: {  	_ =	shalt  }
0x50: {  	_ =	shalt  }
0x51: {  	_ =	shalt  }
0x52: {  	_ =	shalt  }
0x53: {  	_ =	shalt  }
0x54: {  	_ =	shalt  }
0x55: {  	_ =	shalt  }
0x56: {  	_ =	shalt  }
0x57: {  	_ =	shalt  }
0x58: {  	_ =	shalt  }
0x59: {  	_ =	shalt  }
0x5a: {  	_ =	shalt  }
0x5b: {  	_ =	shalt  }
0x5c: {  	_ =	shalt  }
0x5d: {  	_ =	shalt  }
0x5e: {  	_ =	shalt  }
0x5f: {  	_ =	shalt  }
0x60: {  	_ =	shalt  }
0x61: {  	_ =	shalt  }
0x62: {  	_ =	shalt  }
0x63: {  	_ =	shalt  }
0x64: {  	_ =	shalt  }
0x65: {  	_ =	shalt  }
0x66: {  	_ =	shalt  }
0x67: {  	_ =	shalt  }
0x68: {  	_ =	shalt  }
0x69: {  	_ =	shalt  }
0x6a: {  	_ =	shalt  }
0x6b: {  	_ =	shalt  }
0x6c: {  	_ =	shalt  }
0x6d: {  	_ =	shalt  }
0x6e: {  	_ =	shalt  }
0x6f: {  	_ =	shalt  }
0x70: {  	_ =	shalt  }
0x71: {  	_ =	shalt  }
0x72: {  	_ =	shalt  }
0x73: {  	_ =	shalt  }
0x74: {  	_ =	shalt  }
0x75: {  	_ =	shalt  }
0x76: {  	_ =	shalt  }
0x77: {  	_ =	shalt  }
0x78: {  	_ =	shalt  }
0x79: {  	_ =	shalt  }
0x7a: {  	_ =	shalt  }
0x7b: {  	_ =	shalt  }
0x7c: {  	_ =	shalt  }
0x7d: {  	_ =	shalt  }
0x7e: {  	_ =	shalt  }
0x7f: {  	_ =	shalt  }
0x80: {  	_ =	shalt  }
0x81: {  	_ =	shalt  }
0x82: {  	_ =	shalt  }
0x83: {  	_ =	shalt  }
0x84: {  	_ =	shalt  }
0x85: {  	_ =	shalt  }
0x86: {  	_ =	shalt  }
0x87: {  	_ =	shalt  }
.Lfunc_end0:
.L_simem_size_0:
called_computation_lowered:
.L_overlay_start_0:
0x88: {  	s2 =	sld [smem:$0x3FD9]  }
0x89: {  	s3 =	sld [smem:$0x3FFE];
	_ =	sdelay $0x1  }
0x8a: {  	s1 =	srdreg.scid  }
0x8b: {  	s0 =	sand.u32 $0x1, s1  }
0x8c: {  	s17 =	sshll.u32 s0, $0xA;
	s2 =	sadd.s32 s3, s2  }
0x8d: {  	s2 =	sadd.s32 s2, s17  }
0x8e: {  	[smem:$0x3FC6] =	sst s2  }
0x8f: {  	_ = 	snop  }
0x90: {  	s2 =	sld [smem:$0x3FD0];
	(tm) =	ssettm $0x1  }
0x91: {  	s18 =	sld [smem:$0x3FFB];
	_ =	sdelay $0x3  }
0x92: {  	_ =	strace s18  }
0x93: {  	s3 =	sld [smem:$0x3FFC];
	_ =	sdelay $0x3  }
0x94: {  	_ =	strace s3  }
0x95: {  	s3 =	sld [smem:$0x3FFD];
	_ =	sdelay $0x3  }
0x96: {  	_ =	strace s3  }
0x97: {  	_ =	strace $0x8FFFFFFF  }
0x98: {  	s19 =	sld [smem:$0x3FDB];
	_ =	sdelay $0x1  }
0x99: {  	s4 =	simm.s32 $_scs_section_size  }
0x9a: {  	s5 =	simm.s32 $_size__tile_overlayer_lowered;
	s6 =	simm.s32 $_tile_overlayer_lowered  }
0x9b: {  	s22 =	simm.s32 $0x1BFF;
	s21 =	sshll.u32 s6, $0x1;
	s3 =	sadd.s32 s4, s19  }
0x9c: {  	s7 =	simm.s32 $0x0;
	s20 =	sshll.u32 s5, $0x1;
	s5 =	sadd.s32 s21, s3  }
0x9d: {  	[timem:s7], [sflag:s22] =	dma.local [hbm:s5], s20  }
0x9e: {  	_ =	swait.ge [sflag:s22], s20  }
0x9f: {  	s4 =	ssub.s32 $0x0, s20;
	[sflag:s22] =	ssyncset.done $0x0  }
0xa0: {  	[sflag:s22] =	ssyncadd.s32 s4;
	_ =	sdelay $0x1  }
0xa1: {  	s23 =	simm.s32 $0x1B8B  }
0xa2: {  	_ =	swait.ge [sflag:s23], $0x1  }
0xa3: {  	[sflag:s23] =	ssyncset.done $0x0  }
0xa4: {  	s25 =	simm.s32 $0x1B8E;
	s24 =	sld [smem:$0x3FFE];
	[sflag:s23] =	ssyncadd.s32 $0xFFFFFFFF  }
0xa5: {  	s26 =	simm.s32 $execute0_lowered;
	[smem:$0x3FD2] =	sst s25  }
0xa6: {  	s5 =	sshll.u32 s26, $0x1;
	_ =	strace $0x80000046;
	[dreg:$0x1] =	wrdreg $0xFFFFFFFF  }
0xa7: {  	s28 =	simm.s32 $_size_execute0_lowered;
	s3 =	sadd.s32 s3, s5;
	[dreg:$0x0] =	wrdreg $0x0  }
0xa8: {  	s5 =	sshll.u32 s28, $0x1;
	[dreg:$0x2] =	wrdreg s3  }
0xa9: {  	[dreg:$0x3] =	wrdreg s5  }
0xaa: {  	[dreg:$0x4] =	wrdreg $0xC0  }
0xab: {  	_ =	task [dreg:s7], $0x5FFFF  }
0xac: {  	[dreg:$0x1] =	wrdreg $0xFFFFFFFF  }
0xad: {  	[dreg:$0x0] =	wrdreg $0x60  }
0xae: {  	[dreg:$0x2] =	wrdreg s24  }
0xaf: {  	[dreg:$0x3] =	wrdreg s2  }
0xb0: {  	[dreg:$0x4] =	wrdreg $0x9  }
0xb1: {  	_ =	task.clear_ibuf [dreg:s7], $0x5FFFF;
	_ =	strace $0x90000046  }
0xb2: {  	s29 =	simm.s32 $0x9;
	_ =	strace $0x80000048  }
0xb3: {  	_ =	swait.ge [sflag:s29], $0x1  }
0xb4: {  	[sflag:s29] =	ssyncadd.s32 $0xFFFFFFFF  }
0xb5: {  	_ =	strace $0x90000048  }
0xb6: {  	_ =	sfence  }
0xb7: {  	s30 =	sld [smem:$0x0];
	_ =	sdelay $0x2  }
0xb8: {  	s31 =	sshll.u32 s1, $0xD;
	s1 =	sshrl.u32 s1, $0x2  }
0xb9: {  	s3 =	sand.u32 $0x4000, s31;
	s1 =	sadd.s32 s1, s30  }
0xba: {  	s0 =	sor.u32 s3, s0;
	s1 =	sshll.u32 s1, $0x11  }
0xbb: {  	s0 =	sor.u32 s1, s0  }
0xbc: {  	s0 =	sadd.s32 $0x8F2B, s0  }
0xbd: {  	[sflag:s0] =	ssyncadd.remote.s32 $0x1  }
0xbe: {  	_ =	sfence.sel $0xFFFF  }
0xbf: {  	[dreg:$0x0] =	wrdreg $0xFFFFFFFF;
	(pc) =	sbr.abs _section_cstart, $3  }
0xc0: {  	[dreg:$0x1] =	wrdreg $0xFFFFFFFF  }
0xc1: {  	_ =	task.clear_ibuf [dreg:s7], $0x2FFFF;
	_ =	strace $0x9FFFFFFF  }
0xc2: {  	(tm) =	ssettm $0x7FFFFFFF  }
0xc3: {  	_ =	shalt  }
tec
execute0_lowered:
.L_overlay_start_1:
0x0: {  	(tag) =	ssettag $0x1  }
0x1: {  	s3 =	srdreg.scid  }
0x2: {  	v22 =	vlaneseq.u32;
	s1 =	rddreg [dreg:$0x0];
	s5 =	sand.u32 $0x1, s3;
	s3 =	simm.s32 $0x0  }
0x3: {  	v0 =	vor.u32 $0x1000, v22;
	[smem:$0x7FF] =	sst s3  }
0x4: {  	s2 =	rddreg [dreg:$0x1];
	v12 =	vor.u32 $0x800, v22;
	_ =	strace $0x80000047;
	[tilespmem:$0x1FC10] =	vst v0  }
0x5: {  	v26 =	vor.u32 $0xA00, v22;
	[tilespmem:$0x1FD90] =	vst v12  }
0x6: {  	v30 =	vor.u32 $0xA10, v22;
	[tilespmem:$0x1FDB0] =	vst v26  }
0x7: {  	v34 =	vor.u32 $0xC00, v22;
	[tilespmem:$0x1FDD0] =	vst v30  }
0x8: {  	v38 =	vor.u32 $0xC10, v22;
	[tilespmem:$0x1FDF0] =	vst v34  }
0x9: {  	v42 =	vor.u32 $0xE00, v22;
	[tilespmem:$0x1FE20] =	vst v38  }
0xa: {  	v45 =	vor.u32 $0xE10, v22;
	[tilespmem:$0x1FE40] =	vst v42  }
0xb: {  	v55 =	vor.u32 $0x810, v22;
	[tilespmem:$0x1FE70] =	vst v45  }
0xc: {  	v43 =	vor.u32 $0x200, v22;
	[tilespmem:$0x1FEB0] =	vst v55  }
0xd: {  	v25 =	vor.u32 $0x210, v22;
	[tilespmem:$0x1FEF0] =	vst v43  }
0xe: {  	v58 =	vor.u32 $0x610, v22;
	[tilespmem:$0x1FF10] =	vst v25  }
0xf: {  	v19 =	vor.u32 $0x410, v22;
	[tilespmem:$0x1FF40] =	vst v58  }
0x10: {  	v17 =	vor.u32 $0x600, v22;
	[tilespmem:$0x1FF60] =	vst v19  }
0x11: {  	v10 =	vmul.u32 $0x81, v22;
	v14 =	vor.u32 $0x400, v22;
	[tilespmem:$0x1FF90] =	vst v17  }
0x12: {  	v1 =	vmul.u32 $0x80, v22;
	[tilespmem:$0x1FFB0] =	vst v14  }
0x13: {  	[tilespmem:$0x1FFC0] =	vst v10  }
0x14: {  	v7 =	vor.u32 $0x10, v22;
	[tilespmem:$0x1FFD0] =	vst v1  }
0x15: {  	v0 =	vor.u32 $0x1010, v22;
	[tilespmem:$0x1FFE0] =	vst v7  }
0x16: {  	v16 =	vor.u32 $0x840, v1;
	[tilespmem:$0x1FC20] =	vst v0  }
0x17: {  	v29 =	vor.u32 $0x50, v1;
	[tilespmem:$0x1FDA0] =	vst v16  }
0x18: {  	v33 =	vor.u32 $0x850, v1;
	[tilespmem:$0x1FDC0] =	vst v29  }
0x19: {  	v59 =	vadd.s32 $0x60, v10;
	[tilespmem:$0x1FDE0] =	vst v33  }
0x1a: {  	v37 =	vor.u32 $0x60, v1;
	[tilespmem:$0x1FE00] =	vst v59  }
0x1b: {  	v2 =	vadd.s32 $0x860, v10;
	[tilespmem:$0x1FE10] =	vst v37  }
0x1c: {  	v3 =	vor.u32 $0x860, v1;
	[tilespmem:$0x1FE30] =	vst v2  }
0x1d: {  	v44 =	vor.u32 $0x70, v1;
	[tilespmem:$0x1FE50] =	vst v3  }
0x1e: {  	v8 =	vor.u32 $0x800, v1;
	[tilespmem:$0x1FE60] =	vst v44  }
0x1f: {  	v40 =	vor.u32 $0x20, v1;
	[tilespmem:$0x1FE80] =	vst v8  }
0x20: {  	v50 =	vor.u32 $0x870, v1;
	[tilespmem:$0x1FE90] =	vst v40  }
0x21: {  	v39 =	vor.u32 $0x820, v1;
	[tilespmem:$0x1FEA0] =	vst v50  }
0x22: {  	v53 =	vadd.s32 $0x40, v10;
	[tilespmem:$0x1FEC0] =	vst v39  }
0x23: {  	v56 =	vor.u32 $0x40, v1;
	[tilespmem:$0x1FED0] =	vst v53  }
0x24: {  	v27 =	vor.u32 $0x10, v1;
	[tilespmem:$0x1FEE0] =	vst v56  }
0x25: {  	v20 =	vor.u32 $0x810, v1;
	[tilespmem:$0x1FF00] =	vst v27  }
0x26: {  	v57 =	vadd.s32 $0x840, v10;
	[tilespmem:$0x1FF20] =	vst v20  }
0x27: {  	v23 =	vadd.s32 $0x820, v10;
	[tilespmem:$0x1FF30] =	vst v57  }
0x28: {  	v41 =	vor.u32 $0x30, v1;
	[tilespmem:$0x1FF50] =	vst v23  }
0x29: {  	v15 =	vadd.s32 $0x20, v10;
	[tilespmem:$0x1FF70] =	vst v41  }
0x2a: {  	v18 =	vor.u32 $0x830, v1;
	[tilespmem:$0x1FF80] =	vst v15  }
0x2b: {  	v36 =	vor.u32 $0x800, v10;
	[tilespmem:$0x1FFA0] =	vst v18  }
0x2c: {  	v0 =	vor.u32 $0x1200, v22;
	[tilespmem:$0x1FFF0] =	vst v36  }
0x2d: {  	[tilespmem:$0x1FC30] =	vst v0;
	v0 =	vor.u32 $0x1210, v22  }
0x2e: {  	[tilespmem:$0x1FC40] =	vst v0;
	v0 =	vor.u32 $0x1400, v22  }
0x2f: {  	[tilespmem:$0x1FC50] =	vst v0;
	v0 =	vor.u32 $0x1410, v22  }
0x30: {  	[tilespmem:$0x1FC60] =	vst v0;
	v0 =	vor.u32 $0x1600, v22  }
0x31: {  	[tilespmem:$0x1FC70] =	vst v0;
	v0 =	vor.u32 $0x1610, v22  }
0x32: {  	[tilespmem:$0x1FC80] =	vst v0;
	v0 =	vor.u32 $0x1800, v22  }
0x33: {  	[tilespmem:$0x1FC90] =	vst v0;
	v0 =	vor.u32 $0x1810, v22  }
0x34: {  	[tilespmem:$0x1FCA0] =	vst v0;
	v0 =	vor.u32 $0x1A00, v22  }
0x35: {  	[tilespmem:$0x1FCB0] =	vst v0;
	v0 =	vor.u32 $0x1A10, v22  }
0x36: {  	[tilespmem:$0x1FCC0] =	vst v0;
	v0 =	vor.u32 $0x1C00, v22  }
0x37: {  	[tilespmem:$0x1FCD0] =	vst v0;
	v0 =	vor.u32 $0x1C10, v22  }
0x38: {  	[tilespmem:$0x1FCE0] =	vst v0;
	v0 =	vor.u32 $0x1E00, v22  }
0x39: {  	s0 =	stileid.u32;
	[tilespmem:$0x1FCF0] =	vst v0;
	v0 =	vor.u32 $0x1E10, v22  }
0x3a: {  	s14 =	simm.s32 $0x200;
	s15 =	simm.s32 $0x1;
	s4 =	sshll.u32 s0, $0x1;
	[tilespmem:$0x1FD00] =	vst v0;
	v0 =	vor.u32 $0x2000, v22  }
0x3b: {  	s16 =	simm.s32 $0x400;
	s17 =	simm.s32 $0x5;
	s6 =	sor.u32 s5, s4;
	[tilespmem:$0x1FD10] =	vst v0;
	v0 =	vor.u32 $0x2010, v22  }
0x3c: {  	s18 =	simm.s32 $0x6;
	s19 =	simm.s32 $0x0;
	s4 =	smul.u32 $0x19000, s6;
	[tilespmem:$0x1FD20] =	vst v0;
	v0 =	vor.u32 $0x2200, v22  }
0x3d: {  	s10 =	sadd.s32 $0x4000, s2;
	s11 =	sadd.s32 $0x8000, s2;
	s7 =	sshll.u32 s6, $0xC;
	[tilespmem:$0x1FD30] =	vst v0;
	v0 =	vor.u32 $0x2210, v22  }
0x3e: {  	s9 =	ssub.s32 $0x2, s5;
	s7 =	sand.u32 $0x3000, s7;
	s8 =	sand.u32 $0x3FC000, s4;
	[tilespmem:$0x1FD40] =	vst v0;
	v0 =	vor.u32 $0x2400, v22  }
0x3f: {  	s12 =	sadd.s32 $0xC000, s2;
	s30 =	sshrl.u32 s9, $0x1;
	s7 =	sor.u32 s7, s8;
	[tilespmem:$0x1FD50] =	vst v0;
	v0 =	vor.u32 $0x2410, v22  }
0x40: {  	s5 =	smul.u32 $0xC8, s6;
	s4 =	sadd.s32 $0x600, s1;
	s7 =	sshrl.u32 s7, $0x3;
	[tilespmem:$0x1FD60] =	vst v0;
	v0 =	vor.u32 $0x2600, v22  }
0x41: {  	s6 =	sadd.s32 $0xF42A00, s1;
	s31 =	ssub.s32 s9, s30;
	s7 =	sadd.s32 s4, s7;
	[tilespmem:$0x1FD70] =	vst v0;
	v0 =	vor.u32 $0x2610, v22  }
0x42: {  	s9 =	sor.u32 $0x2, s5;
	s13 =	smax.u32 s31, $0x1;
	s8 =	sadd.s32 $0x40, s7;
	[tilespmem:$0x1FD80] =	vst v0  }
.LBB2_1:
0x43: {  	[tilespmem:s3], [sflag:$0x1] =	stream.linear.gather [hbm4b:s7+s3], $0x200, $0x38;
	[tilespmem:$0x10400] =	vst v63  }
0x44: {  	_ = 	snop  }
0x45: {  	[tilespmem:s14], [sflag:$0x2] =	stream.linear.gather [hbm4b:s8+s3], $0x200, $0x38;
	[tilespmem:$0x10400] =	vst v63  }
0x46: {  	_ =	swait.ge [sflag:s15], $0x200  }
0x47: {  	[sflag:s15] =	ssyncset.done $0x0  }
0x48: {  	s23 =	simm.s32 $0x0;
	[sflag:s15] =	ssyncadd.s32 $0xFFFFFE00  }
0x49: {  	[tilespmem:s16], [sflag:$0x3] =	stream.indirect.gather [hbm4b:s6+s14], $0x20, s3, s14, $0xb8;
	[tilespmem:$0x10400] =	vst v63  }
.LBB2_2:
0x4a: {  	s20 =	sadd.s32 $0x1, s23;
	p0 =	seq.s32 s23, $0xC7  }
0x4b: {  	s1 =	sand.u32 @!p0 $0x1, s20  }
0x4c: {  	s21 =	sadd.s32 @!p0 $0x1, s1  }
0x4d: {  	_ =	swait.ge @!p0 [sflag:s21], $0x200  }
0x4e: {  	s22 =	sand.u32 $0x1, s23;
	[sflag:s21] =	ssyncset.done @!p0 $0x0  }
0x4f: {  	s25 =	simm.s32 @!p0 $0x200;
	[sflag:s21] =	ssyncadd.s32 @!p0 $0xFFFFFE00;
	s21 =	sshll.u32 @!p0 s1, $0xE  }
0x50: {  	s24 =	sshll.u32 @!p0 s1, $0x9;
	s1 =	sadd.s32 @!p0 $0x3, s1;
	s21 =	sor.u32 @!p0 $0x400, s21  }
0x51: {  	[tilespmem:s21], [sflag:s1] =	stream.indirect.gather @!p0 [hbm4b:s6+s25], $0x20, s24, s25, $0xb8;
	[tilespmem:$0x10400] =	vst v63  }
0x52: {  	s25 =	sadd.s32 $0x3, s22;
	p0 =	sgt.u32 s23, $0xC5  }
0x53: {  	s26 =	simm.s32 $0x1;
	_ =	swait.ge [sflag:s25], $0x4000;
	s21 =	sadd.s32 @!p0 s23, s9  }
0x54: {  	v2 =	vadd.s32 s26, v22;
	s24 =	sadd.s32 @!p0 $0x1, s22;
	[sflag:s25] =	ssyncset.done $0x0;
	s21 =	sshll.u32 @!p0 s21, $0x6  }
0x55: {  	v3 =	vand.u32 $0xF, v2;
	p1 =	slt.u32 @!p0 s23, $0x2;
	[sflag:s25] =	ssyncadd.s32 $0xFFFFC000;
	s1 =	sand.u32 @!p0 $0xFFFFFC0, s21  }
0x56: {  	v5 =	vshll.u32 v3, $0x5;
	s21 =	sshll.u32 @!p0 s22, $0x9;
	s25 =	simm.s32 @!p0 $0x0;
	s1 =	sadd.s32 @!p0 s4, s1  }
0x57: {  	v0 =	vor.u32 v22, v5;
	[tilespmem:s21], [sflag:s24] =	stream.linear.gather @!p0 [hbm4b:s1+s25], $0x200, $0x38;
	[tilespmem:$0x10400] =	vst v63  }
0x58: {  	p0 =	por p0, !p1;
	s21 =	sadd.s32 $0x5, s22  }
0x59: {  	_ =	swait.ge @p0 [sflag:s21], $0x4000  }
0x5a: {  	v4 =	vor.u32 v1, v3;
	s22 =	sshll.u32 s22, $0xE;
	[sflag:s21] =	ssyncset.done @p0 $0x0  }
0x5b: {  	v9 =	vand.u32 $0x7, v2;
	v4 =	vand.u32 $0x788, v4;
	s25 =	sor.u32 $0x400, s22;
	[sflag:s21] =	ssyncadd.s32 @p0 $0xFFFFC000  }
0x5c: {  	s26 =	simm.s32 $0x0;
	v13 =	vor.u32 v9, v4;
	v0 =	vld.idx.msk [tilespmem:v0+s25+$0x0], $0xffff  }
0x5d: {  	v1 =	vadd.s32 s26, v22  }
0x5e: {  	v11 =	vshll.u32 v1, $0x5;
	v4 =	vor.u32 v7, v5  }
0x5f: {  	v6 =	vand.u32 $0x1E0, v11  }
0x60: {  	v21 =	vmov v7;
	v7 =	vor.u32 v22, v6;
	s24 =	sor.u32 $0x8400, s22  }
0x61: {  	v8 =	vor.u32 v8, v3;
	[tilespmem:v13+s24+$0x0] =	vst.idx.msk $0xffff, v0  }
0x62: {  	v0 =	vand.u32 $0xF88, v8;
	[tilespmem:$0x1F8A0] =	vst v13  }
0x63: {  	v63 =	vor.u32 v9, v0;
	v4 =	vld.idx.msk [tilespmem:v4+s25+$0x0], $0xffff  }
0x64: {  	v8 =	vadd.s32 s26, v10  }
0x65: {  	v24 =	vand.u32 $0x78F, v8;
	v0 =	vld.idx.msk [tilespmem:v7+s25+$0x0], $0xffff;
	v7 =	vor.u32 v43, v5;
	_ =	sdelay $0x1  }
0x66: {  	v8 =	vor.u32 v21, v6;
	[tilespmem:$0x1F910] =	vst v24  }
0x67: {  	[tilespmem:v63+s24+$0x0] =	vst.idx.msk $0xffff, v4  }
0x68: {  	[tilespmem:$0x1F920] =	vst v63  }
0x69: {  	v60 =	vor.u32 v27, v2;
	[tilespmem:v24+s24+$0x0] =	vst.idx.msk $0xffff, v0;
	v0 =	vld.idx.msk [tilespmem:v7+s25+$0x0], $0xffff  }
0x6a: {  	v4 =	vadd.s32 s26, v36  }
0x6b: {  	v62 =	vand.u32 $0xF8F, v4;
	v7 =	vld.idx.msk [tilespmem:v8+s25+$0x0], $0xffff;
	_ =	sdelay $0x1  }
0x6c: {  	v4 =	vor.u32 v25, v5  }
0x6d: {  	[tilespmem:v60+s24+$0x0] =	vst.idx.msk $0xffff, v0  }
0x6e: {  	v8 =	vor.u32 v43, v11;
	[tilespmem:$0x1F9C0] =	vst v60  }
0x6f: {  	[tilespmem:v62+s24+$0x0] =	vst.idx.msk $0xffff, v7  }
0x70: {  	[tilespmem:$0x1F960] =	vst v62  }
0x71: {  	v49 =	vor.u32 v20, v2;
	v0 =	vld.idx.msk [tilespmem:v4+s25+$0x0], $0xffff;
	_ =	sdelay $0x1  }
0x72: {  	v47 =	vor.u32 v27, v1;
	v4 =	vld.idx.msk [tilespmem:v8+s25+$0x0], $0xffff;
	_ =	sdelay $0x1  }
0x73: {  	v7 =	vor.u32 v14, v5  }
0x74: {  	[tilespmem:v49+s24+$0x0] =	vst.idx.msk $0xffff, v0  }
0x75: {  	v8 =	vor.u32 v25, v11;
	[tilespmem:$0x1FA70] =	vst v49  }
0x76: {  	v35 =	vmov v10;
	v10 =	vor.u32 v40, v3;
	[tilespmem:v47+s24+$0x0] =	vst.idx.msk $0xffff, v4  }
0x77: {  	v0 =	vand.u32 $0x7A8, v10;
	[tilespmem:$0x1FA10] =	vst v47  }
0x78: {  	v51 =	vor.u32 v9, v0;
	v4 =	vld.idx.msk [tilespmem:v7+s25+$0x0], $0xffff;
	_ =	sdelay $0x1  }
0x79: {  	v52 =	vor.u32 v20, v1;
	v0 =	vld.idx.msk [tilespmem:v8+s25+$0x0], $0xffff;
	_ =	sdelay $0x1  }
0x7a: {  	v7 =	vor.u32 v19, v5  }
0x7b: {  	[tilespmem:v51+s24+$0x0] =	vst.idx.msk $0xffff, v4  }
0x7c: {  	v8 =	vor.u32 v14, v6;
	[tilespmem:$0x1FB40] =	vst v51  }
0x7d: {  	v10 =	vor.u32 v39, v3;
	[tilespmem:v52+s24+$0x0] =	vst.idx.msk $0xffff, v0  }
0x7e: {  	v4 =	vand.u32 $0xFA8, v10;
	[tilespmem:$0x1FAC0] =	vst v52  }
0x7f: {  	v32 =	vor.u32 v9, v4;
	v7 =	vld.idx.msk [tilespmem:v7+s25+$0x0], $0xffff  }
0x80: {  	v0 =	vadd.s32 s26, v15  }
0x81: {  	v48 =	vand.u32 $0x7AF, v0;
	v4 =	vld.idx.msk [tilespmem:v8+s25+$0x0], $0xffff;
	_ =	sdelay $0x1  }
0x82: {  	v0 =	vor.u32 v17, v5  }
0x83: {  	[tilespmem:v32+s24+$0x0] =	vst.idx.msk $0xffff, v7  }
0x84: {  	v8 =	vor.u32 v19, v6;
	[tilespmem:$0x1F5A0] =	vst v32  }
0x85: {  	[tilespmem:v48+s24+$0x0] =	vst.idx.msk $0xffff, v4  }
0x86: {  	[tilespmem:$0x1FBA0] =	vst v48  }
0x87: {  	v21 =	vor.u32 v41, v2;
	v0 =	vld.idx.msk [tilespmem:v0+s25+$0x0], $0xffff  }
0x88: {  	v7 =	vadd.s32 s26, v23  }
0x89: {  	v54 =	vand.u32 $0xFAF, v7;
	v4 =	vld.idx.msk [tilespmem:v8+s25+$0x0], $0xffff;
	_ =	sdelay $0x1  }
0x8a: {  	v7 =	vor.u32 v58, v5  }
0x8b: {  	[tilespmem:v21+s24+$0x0] =	vst.idx.msk $0xffff, v0  }
0x8c: {  	v8 =	vor.u32 v17, v11;
	[tilespmem:$0x1F5B0] =	vst v21  }
0x8d: {  	[tilespmem:v54+s24+$0x0] =	vst.idx.msk $0xffff, v4  }
0x8e: {  	[tilespmem:$0x1F5C0] =	vst v54  }
0x8f: {  	v28 =	vor.u32 v18, v2;
	v0 =	vld.idx.msk [tilespmem:v7+s25+$0x0], $0xffff;
	_ =	sdelay $0x1  }
0x90: {  	v4 =	vld.idx.msk [tilespmem:v8+s25+$0x0], $0xffff;
	v8 =	vor.u32 v41, v1;
	_ =	sdelay $0x1  }
0x91: {  	v7 =	vor.u32 v12, v5  }
0x92: {  	[tilespmem:v28+s24+$0x0] =	vst.idx.msk $0xffff, v0  }
0x93: {  	v24 =	vmov v12;
	v12 =	vor.u32 v58, v11;
	[tilespmem:$0x1F5D0] =	vst v28  }
0x94: {  	v14 =	vor.u32 v56, v3;
	[tilespmem:v8+s24+$0x0] =	vst.idx.msk $0xffff, v4  }
0x95: {  	v0 =	vand.u32 $0x7C8, v14;
	[tilespmem:$0x1F5E0] =	vst v8  }
0x96: {  	v19 =	vor.u32 v9, v0;
	v4 =	vld.idx.msk [tilespmem:v7+s25+$0x0], $0xffff;
	_ =	sdelay $0x1  }
0x97: {  	v61 =	vor.u32 v18, v1;
	v0 =	vld.idx.msk [tilespmem:v12+s25+$0x0], $0xffff;
	_ =	sdelay $0x1  }
0x98: {  	v12 =	vor.u32 v55, v5  }
0x99: {  	[tilespmem:v19+s24+$0x0] =	vst.idx.msk $0xffff, v4  }
0x9a: {  	v14 =	vor.u32 v24, v6;
	[tilespmem:$0x1F600] =	vst v19  }
0x9b: {  	v56 =	vmov v15;
	v15 =	vor.u32 v16, v3;
	[tilespmem:v61+s24+$0x0] =	vst.idx.msk $0xffff, v0  }
0x9c: {  	v4 =	vand.u32 $0xFC8, v15;
	[tilespmem:$0x1F610] =	vst v61  }
0x9d: {  	v31 =	vor.u32 v9, v4;
	v12 =	vld.idx.msk [tilespmem:v12+s25+$0x0], $0xffff  }
0x9e: {  	v0 =	vadd.s32 s26, v53  }
0x9f: {  	v24 =	vand.u32 $0x7CF, v0;
	v4 =	vld.idx.msk [tilespmem:v14+s25+$0x0], $0xffff;
	_ =	sdelay $0x1  }
0xa0: {  	v0 =	vor.u32 v26, v5  }
0xa1: {  	[tilespmem:v31+s24+$0x0] =	vst.idx.msk $0xffff, v12  }
0xa2: {  	v14 =	vor.u32 v55, v6;
	[tilespmem:$0x1F630] =	vst v31  }
0xa3: {  	[tilespmem:v24+s24+$0x0] =	vst.idx.msk $0xffff, v4  }
0xa4: {  	[tilespmem:$0x1F640] =	vst v24  }
0xa5: {  	v25 =	vor.u32 v29, v2;
	v0 =	vld.idx.msk [tilespmem:v0+s25+$0x0], $0xffff  }
0xa6: {  	v4 =	vadd.s32 s26, v57  }
0xa7: {  	v15 =	vand.u32 $0xFCF, v4;
	v12 =	vld.idx.msk [tilespmem:v14+s25+$0x0], $0xffff;
	_ =	sdelay $0x1  }
0xa8: {  	v4 =	vor.u32 v30, v5  }
0xa9: {  	[tilespmem:v25+s24+$0x0] =	vst.idx.msk $0xffff, v0  }
0xaa: {  	v16 =	vor.u32 v26, v11;
	[tilespmem:$0x1F670] =	vst v25  }
0xab: {  	[tilespmem:v15+s24+$0x0] =	vst.idx.msk $0xffff, v12  }
0xac: {  	[tilespmem:$0x1F680] =	vst v15  }
0xad: {  	v39 =	vor.u32 v33, v2;
	v0 =	vld.idx.msk [tilespmem:v4+s25+$0x0], $0xffff;
	_ =	sdelay $0x1  }
0xae: {  	v10 =	vmov v41;
	v41 =	vor.u32 v29, v1;
	v4 =	vld.idx.msk [tilespmem:v16+s25+$0x0], $0xffff;
	_ =	sdelay $0x1  }
0xaf: {  	v12 =	vor.u32 v34, v5  }
0xb0: {  	[tilespmem:v39+s24+$0x0] =	vst.idx.msk $0xffff, v0  }
0xb1: {  	v16 =	vor.u32 v30, v11;
	[tilespmem:$0x1F6B0] =	vst v39  }
0xb2: {  	v26 =	vor.u32 v37, v3;
	[tilespmem:v41+s24+$0x0] =	vst.idx.msk $0xffff, v4  }
0xb3: {  	v0 =	vand.u32 $0x7E8, v26;
	[tilespmem:$0x1F6C0] =	vst v41  }
0xb4: {  	v46 =	vor.u32 v9, v0;
	v4 =	vld.idx.msk [tilespmem:v12+s25+$0x0], $0xffff  }
0xb5: {  	v26 =	vld [tilespmem:$0x1FE50]  }
0xb6: {  	v40 =	vor.u32 v33, v1;
	v0 =	vld.idx.msk [tilespmem:v16+s25+$0x0], $0xffff;
	_ =	sdelay $0x1  }
0xb7: {  	v12 =	vor.u32 v38, v5  }
0xb8: {  	[tilespmem:v46+s24+$0x0] =	vst.idx.msk $0xffff, v4  }
0xb9: {  	v16 =	vor.u32 v34, v6;
	[tilespmem:$0x1F700] =	vst v46  }
0xba: {  	v3 =	vor.u32 v26, v3;
	[tilespmem:v40+s24+$0x0] =	vst.idx.msk $0xffff, v0  }
0xbb: {  	v3 =	vand.u32 $0xFE8, v3;
	[tilespmem:$0x1F710] =	vst v40  }
0xbc: {  	v55 =	vor.u32 v9, v3;
	v4 =	vld.idx.msk [tilespmem:v12+s25+$0x0], $0xffff  }
0xbd: {  	v0 =	vadd.s32 s26, v59  }
0xbe: {  	v7 =	vand.u32 $0x7EF, v0;
	v3 =	vld.idx.msk [tilespmem:v16+s25+$0x0], $0xffff;
	_ =	sdelay $0x2  }
0xbf: {  	[tilespmem:v55+s24+$0x0] =	vst.idx.msk $0xffff, v4  }
0xc0: {  	[tilespmem:$0x1F750] =	vst v55  }
0xc1: {  	[tilespmem:v7+s24+$0x0] =	vst.idx.msk $0xffff, v3  }
0xc2: {  	v0 =	vor.u32 v42, v5;
	v3 =	vld [tilespmem:$0x1FE30]  }
0xc3: {  	v9 =	vor.u32 v38, v6;
	_ =	sdelay $0x2  }
0xc4: {  	v12 =	vor.u32 v44, v2;
	[tilespmem:$0x1F760] =	vst v7  }
0xc5: {  	v0 =	vld.idx.msk [tilespmem:v0+s25+$0x0], $0xffff;
	[tilespmem:$0x1F7C0] =	vst v12;
	v3 =	vadd.s32 s26, v3  }
0xc6: {  	v14 =	vmovc v42;
	v42 =	vmov v7;
	v4 =	vld.idx.msk [tilespmem:v9+s25+$0x0], $0xffff;
	v7 =	vand.u32 $0xFEF, v3;
	v3 =	vor.u32 v45, v5;
	_ =	sdelay $0x1  }
0xc7: {  	v9 =	vor.u32 v14, v11  }
0xc8: {  	[tilespmem:$0x1F7D0] =	vst v7  }
0xc9: {  	[tilespmem:v12+s24+$0x0] =	vst.idx.msk $0xffff, v0  }
0xca: {  	v12 =	vor.u32 v50, v2;
	[tilespmem:v7+s24+$0x0] =	vst.idx.msk $0xffff, v4;
	v0 =	vld.idx.msk [tilespmem:v3+s25+$0x0], $0xffff  }
0xcb: {  	[tilespmem:$0x1F830] =	vst v12;
	v14 =	vld [tilespmem:$0x1FC10]  }
0xcc: {  	v7 =	vor.u32 v44, v1;
	v2 =	vld.idx.msk [tilespmem:v9+s25+$0x0], $0xffff;
	_ =	sdelay $0x2  }
0xcd: {  	v4 =	vor.u32 v45, v11;
	[tilespmem:$0x1F840] =	vst v7  }
0xce: {  	[tilespmem:v12+s24+$0x0] =	vst.idx.msk $0xffff, v0;
	v3 =	vor.u32 v14, v5  }
0xcf: {  	[tilespmem:v7+s24+$0x0] =	vst.idx.msk $0xffff, v2  }
0xd0: {  	v9 =	vld [tilespmem:$0x1FC20];
	_ =	sdelay $0x1  }
0xd1: {  	v45 =	vor.u32 v50, v1;
	v2 =	vld.idx.msk [tilespmem:v4+s25+$0x0], $0xffff  }
0xd2: {  	v0 =	vld.idx.msk [tilespmem:v3+s25+$0x0], $0xffff;
	_ =	sdelay $0x1  }
0xd3: {  	v1 =	vor.u32 v9, v5;
	_ =	sdelay $0x1  }
0xd4: {  	s26 =	sor.u32 $0x9400, s22;
	[tilespmem:v45+s24+$0x0] =	vst.idx.msk $0xffff, v2  }
0xd5: {  	[tilespmem:v13+s26+$0x0] =	vst.idx.msk $0xffff, v0  }
0xd6: {  	[tilespmem:$0x1F8B0] =	vst v45  }
0xd7: {  	v0 =	vld.idx.msk [tilespmem:v1+s25+$0x0], $0xffff;
	_ =	sdelay $0x3  }
0xd8: {  	v3 =	vor.u32 v14, v6  }
0xd9: {  	v13 =	vld [tilespmem:$0x1FC30];
	[tilespmem:v63+s26+$0x0] =	vst.idx.msk $0xffff, v0  }
0xda: {  	v63 =	vld [tilespmem:$0x1F910];
	_ =	sdelay $0x2  }
0xdb: {  	v1 =	vld.idx.msk [tilespmem:v3+s25+$0x0], $0xffff;
	_ =	sdelay $0x2  }
0xdc: {  	v3 =	vor.u32 v9, v6  }
0xdd: {  	v2 =	vor.u32 v13, v5  }
0xde: {  	[tilespmem:v63+s26+$0x0] =	vst.idx.msk $0xffff, v1  }
0xdf: {  	v14 =	vmov v17;
	v17 =	vld [tilespmem:$0x1FC40];
	_ =	sdelay $0x1  }
0xe0: {  	v1 =	vld.idx.msk [tilespmem:v3+s25+$0x0], $0xffff  }
0xe1: {  	v0 =	vld.idx.msk [tilespmem:v2+s25+$0x0], $0xffff;
	v3 =	vor.u32 v13, v11;
	_ =	sdelay $0x1  }
0xe2: {  	v2 =	vor.u32 v17, v5;
	_ =	sdelay $0x1  }
0xe3: {  	[tilespmem:v62+s26+$0x0] =	vst.idx.msk $0xffff, v1  }
0xe4: {  	[tilespmem:v60+s26+$0x0] =	vst.idx.msk $0xffff, v0;
	v1 =	vld.idx.msk [tilespmem:v3+s25+$0x0], $0xffff  }
0xe5: {  	v18 =	vld [tilespmem:$0x1FC50]  }
0xe6: {  	v0 =	vld.idx.msk [tilespmem:v2+s25+$0x0], $0xffff;
	_ =	sdelay $0x3  }
0xe7: {  	v3 =	vor.u32 v17, v11;
	[tilespmem:v47+s26+$0x0] =	vst.idx.msk $0xffff, v1  }
0xe8: {  	v2 =	vor.u32 v18, v5;
	[tilespmem:v49+s26+$0x0] =	vst.idx.msk $0xffff, v0  }
0xe9: {  	v44 =	vld [tilespmem:$0x1FC60];
	_ =	sdelay $0x2  }
0xea: {  	v1 =	vld.idx.msk [tilespmem:v3+s25+$0x0], $0xffff  }
0xeb: {  	v4 =	vor.u32 v18, v6;
	v0 =	vld.idx.msk [tilespmem:v2+s25+$0x0], $0xffff  }
0xec: {  	v2 =	vor.u32 v44, v5;
	_ =	sdelay $0x2  }
0xed: {  	[tilespmem:v52+s26+$0x0] =	vst.idx.msk $0xffff, v1  }
0xee: {  	v12 =	vld.idx.msk [tilespmem:v4+s25+$0x0], $0xffff;
	[tilespmem:v51+s26+$0x0] =	vst.idx.msk $0xffff, v0  }
0xef: {  	v0 =	vld.idx.msk [tilespmem:v2+s25+$0x0], $0xffff  }
0xf0: {  	v1 =	vmov v27;
	v27 =	vld [tilespmem:$0x1FC70];
	_ =	sdelay $0x2  }
0xf1: {  	[tilespmem:v48+s26+$0x0] =	vst.idx.msk $0xffff, v12  }
0xf2: {  	s1 =	simm.s32 $0x3;
	[tilespmem:v32+s26+$0x0] =	vst.idx.msk $0xffff, v0  }
0xf3: {  	s29 =	simm.s32 $0x2;
	v3 =	vadd.s32 s1, v22;
	v26 =	vor.u32 v27, v5;
	v2 =	vld [tilespmem:$0x1FFD0]  }
0xf4: {  	v9 =	vadd.s32 s29, v22;
	v16 =	vand.u32 $0xF, v3;
	v29 =	vor.u32 v44, v6  }
0xf5: {  	v60 =	vshll.u32 v9, $0x5;
	v50 =	vshll.u32 v16, $0x5  }
0xf6: {  	v30 =	vor.u32 v22, v50;
	v4 =	vand.u32 $0x1E0, v60  }
0xf7: {  	v33 =	vor.u32 v22, v4  }
0xf8: {  	v0 =	vld.idx.msk [tilespmem:v26+s25+$0x0], $0xffff;
	v12 =	vor.u32 v2, v16  }
0xf9: {  	v29 =	vld.idx.msk [tilespmem:v29+s25+$0x0], $0xffff;
	v26 =	vand.u32 $0x7, v3;
	v12 =	vand.u32 $0x788, v12  }
0xfa: {  	v47 =	vadd.s32 s29, v35;
	v53 =	vld [tilespmem:$0x1FC80];
	v48 =	vor.u32 v26, v12  }
0xfb: {  	v30 =	vld.idx.msk [tilespmem:v30+s25+$0x0], $0xffff;
	v2 =	vand.u32 $0x78F, v47;
	[tilespmem:$0x1FAF0] =	vst v48  }
0xfc: {  	v12 =	vld.idx.msk [tilespmem:v33+s25+$0x0], $0xffff;
	[tilespmem:$0x1FB10] =	vst v2  }
0xfd: {  	v32 =	vld [tilespmem:$0x1FFE0];
	[tilespmem:v21+s26+$0x0] =	vst.idx.msk $0xffff, v0  }
0xfe: {  	[tilespmem:v54+s26+$0x0] =	vst.idx.msk $0xffff, v29  }
0xff: {  	v34 =	vor.u32 v53, v5;
	v29 =	vld [tilespmem:$0x1FE80]  }
0x100: {  	v62 =	vor.u32 v27, v11;
	_ =	sdelay $0x1  }
0x101: {  	v51 =	vor.u32 v32, v50;
	v52 =	vor.u32 v32, v4;
	v32 =	vld [tilespmem:$0x1FC90];
	_ =	sdelay $0x1  }
0x102: {  	v0 =	vld.idx.msk [tilespmem:v34+s25+$0x0], $0xffff;
	v29 =	vor.u32 v29, v16  }
0x103: {  	v7 =	vmov v36;
	v54 =	vld.idx.msk [tilespmem:v62+s25+$0x0], $0xffff;
	[tilespmem:v48+s24+$0x0] =	vst.idx.msk $0xffff, v30;
	v29 =	vand.u32 $0xF88, v29  }
0x104: {  	v35 =	vadd.s32 s29, v7;
	[tilespmem:v2+s24+$0x0] =	vst.idx.msk $0xffff, v12;
	v7 =	vor.u32 v26, v29  }
0x105: {  	v12 =	vld.idx.msk [tilespmem:v51+s25+$0x0], $0xffff;
	v2 =	vand.u32 $0xF8F, v35;
	v62 =	vor.u32 v32, v5;
	[tilespmem:$0x1FB50] =	vst v7  }
0x106: {  	v30 =	vor.u32 v53, v11;
	v29 =	vld.idx.msk [tilespmem:v52+s25+$0x0], $0xffff;
	[tilespmem:$0x1FB60] =	vst v2  }
0x107: {  	[tilespmem:v28+s26+$0x0] =	vst.idx.msk $0xffff, v0  }
0x108: {  	[tilespmem:v8+s26+$0x0] =	vst.idx.msk $0xffff, v54  }
0x109: {  	v47 =	vor.u32 v43, v50;
	v52 =	vld [tilespmem:$0x1FCA0]  }
0x10a: {  	v48 =	vor.u32 v43, v60;
	v0 =	vld.idx.msk [tilespmem:v62+s25+$0x0], $0xffff;
	[tilespmem:v7+s24+$0x0] =	vst.idx.msk $0xffff, v12  }
0x10b: {  	v30 =	vld.idx.msk [tilespmem:v30+s25+$0x0], $0xffff;
	[tilespmem:v2+s24+$0x0] =	vst.idx.msk $0xffff, v29  }
0x10c: {  	v7 =	vor.u32 v1, v3;
	v2 =	vor.u32 v1, v9;
	v1 =	vld [tilespmem:$0x1FF10];
	_ =	sdelay $0x1  }
0x10d: {  	v29 =	vld.idx.msk [tilespmem:v47+s25+$0x0], $0xffff;
	[tilespmem:$0x1FBC0] =	vst v7;
	v62 =	vor.u32 v52, v5  }
0x10e: {  	v12 =	vor.u32 v32, v6;
	v47 =	vld.idx.msk [tilespmem:v48+s25+$0x0], $0xffff;
	[tilespmem:$0x1FBD0] =	vst v2  }
0x10f: {  	[tilespmem:v19+s26+$0x0] =	vst.idx.msk $0xffff, v0  }
0x110: {  	[tilespmem:v61+s26+$0x0] =	vst.idx.msk $0xffff, v30;
	v48 =	vor.u32 v1, v50  }
0x111: {  	v35 =	vld [tilespmem:$0x1FCB0];
	v51 =	vor.u32 v1, v60  }
0x112: {  	[tilespmem:v7+s24+$0x0] =	vst.idx.msk $0xffff, v29;
	v0 =	vld.idx.msk [tilespmem:v62+s25+$0x0], $0xffff  }
0x113: {  	v12 =	vld.idx.msk [tilespmem:v12+s25+$0x0], $0xffff;
	[tilespmem:v2+s24+$0x0] =	vst.idx.msk $0xffff, v47  }
0x114: {  	v2 =	vld [tilespmem:$0x1FFB0]  }
0x115: {  	v7 =	vor.u32 v20, v9;
	v54 =	vld.idx.msk [tilespmem:v48+s25+$0x0], $0xffff  }
0x116: {  	v61 =	vld.idx.msk [tilespmem:v51+s25+$0x0], $0xffff;
	[tilespmem:$0x1F660] =	vst v7  }
0x117: {  	[tilespmem:v31+s26+$0x0] =	vst.idx.msk $0xffff, v0  }
0x118: {  	v1 =	vmov v10;
	v10 =	vor.u32 v20, v3;
	[tilespmem:v24+s26+$0x0] =	vst.idx.msk $0xffff, v12  }
0x119: {  	v30 =	vor.u32 v35, v5;
	v62 =	vor.u32 v2, v50;
	v47 =	vor.u32 v2, v4;
	v2 =	vld [tilespmem:$0x1FE90]  }
0x11a: {  	v29 =	vor.u32 v52, v6;
	_ =	sdelay $0x2  }
0x11b: {  	v51 =	vld [tilespmem:$0x1FCC0]  }
0x11c: {  	v0 =	vld.idx.msk [tilespmem:v30+s25+$0x0], $0xffff;
	[tilespmem:v10+s24+$0x0] =	vst.idx.msk $0xffff, v54;
	v12 =	vor.u32 v2, v16  }
0x11d: {  	v29 =	vld.idx.msk [tilespmem:v29+s25+$0x0], $0xffff;
	[tilespmem:v7+s24+$0x0] =	vst.idx.msk $0xffff, v61;
	v12 =	vand.u32 $0x7A8, v12  }
0x11e: {  	v54 =	vadd.s32 s29, v56;
	v7 =	vld [tilespmem:$0x1FF60];
	v8 =	vor.u32 v26, v12  }
0x11f: {  	v36 =	vld.idx.msk [tilespmem:v62+s25+$0x0], $0xffff;
	v2 =	vand.u32 $0x7AF, v54;
	[tilespmem:$0x1F690] =	vst v8  }
0x120: {  	v12 =	vld.idx.msk [tilespmem:v47+s25+$0x0], $0xffff;
	[tilespmem:$0x1FAE0] =	vst v2  }
0x121: {  	v30 =	vor.u32 v51, v5;
	[tilespmem:v25+s26+$0x0] =	vst.idx.msk $0xffff, v0  }
0x122: {  	v48 =	vor.u32 v35, v11;
	[tilespmem:v15+s26+$0x0] =	vst.idx.msk $0xffff, v29  }
0x123: {  	v34 =	vor.u32 v7, v50;
	v56 =	vor.u32 v7, v4;
	v7 =	vld [tilespmem:$0x1FEC0];
	_ =	sdelay $0x1  }
0x124: {  	v62 =	vld [tilespmem:$0x1FCD0]  }
0x125: {  	v0 =	vld.idx.msk [tilespmem:v30+s25+$0x0], $0xffff  }
0x126: {  	v30 =	vld.idx.msk [tilespmem:v48+s25+$0x0], $0xffff  }
0x127: {  	v48 =	vor.u32 v51, v11;
	v29 =	vor.u32 v7, v16  }
0x128: {  	v54 =	vadd.s32 s29, v23;
	[tilespmem:v8+s24+$0x0] =	vst.idx.msk $0xffff, v36;
	v29 =	vand.u32 $0xFA8, v29  }
0x129: {  	[tilespmem:v2+s24+$0x0] =	vst.idx.msk $0xffff, v12;
	v12 =	vld.idx.msk [tilespmem:v34+s25+$0x0], $0xffff;
	v47 =	vor.u32 v62, v5;
	v2 =	vor.u32 v26, v29  }
0x12a: {  	v8 =	vand.u32 $0xFAF, v54;
	v29 =	vld.idx.msk [tilespmem:v56+s25+$0x0], $0xffff;
	v56 =	vor.u32 v14, v50  }
0x12b: {  	v61 =	vor.u32 v14, v60;
	v15 =	vld [tilespmem:$0x1FED0];
	[tilespmem:v41+s26+$0x0] =	vst.idx.msk $0xffff, v30  }
0x12c: {  	[tilespmem:v39+s26+$0x0] =	vst.idx.msk $0xffff, v0;
	v30 =	vld.idx.msk [tilespmem:v48+s25+$0x0], $0xffff  }
0x12d: {  	v24 =	vld [tilespmem:$0x1FCE0]  }
0x12e: {  	v0 =	vld.idx.msk [tilespmem:v47+s25+$0x0], $0xffff;
	[tilespmem:v2+s24+$0x0] =	vst.idx.msk $0xffff, v12  }
0x12f: {  	v23 =	vor.u32 v1, v3;
	[tilespmem:v8+s24+$0x0] =	vst.idx.msk $0xffff, v29;
	v29 =	vld.idx.msk [tilespmem:v56+s25+$0x0], $0xffff  }
0x130: {  	v48 =	vor.u32 v1, v9;
	v47 =	vld.idx.msk [tilespmem:v61+s25+$0x0], $0xffff;
	_ =	sdelay $0x1  }
0x131: {  	[tilespmem:v40+s26+$0x0] =	vst.idx.msk $0xffff, v30  }
0x132: {  	v54 =	vor.u32 v58, v50;
	[tilespmem:v46+s26+$0x0] =	vst.idx.msk $0xffff, v0  }
0x133: {  	v41 =	vor.u32 v24, v5;
	v61 =	vor.u32 v58, v60;
	v58 =	vld [tilespmem:$0x1FCF0];
	[tilespmem:v23+s24+$0x0] =	vst.idx.msk $0xffff, v29  }
0x134: {  	v12 =	vor.u32 v62, v6;
	[tilespmem:v48+s24+$0x0] =	vst.idx.msk $0xffff, v47  }
0x135: {  	v7 =	vld [tilespmem:$0x1FFA0];
	_ =	sdelay $0x2  }
0x136: {  	v0 =	vld.idx.msk [tilespmem:v41+s25+$0x0], $0xffff  }
0x137: {  	v12 =	vld.idx.msk [tilespmem:v12+s25+$0x0], $0xffff  }
0x138: {  	v40 =	vld.idx.msk [tilespmem:v54+s25+$0x0], $0xffff;
	v54 =	vor.u32 v7, v3  }
0x139: {  	v34 =	vld.idx.msk [tilespmem:v61+s25+$0x0], $0xffff;
	v28 =	vor.u32 v7, v9  }
0x13a: {  	v7 =	vld [tilespmem:$0x1FD90]  }
0x13b: {  	v1 =	vld [tilespmem:$0x1FEE0];
	[tilespmem:v55+s26+$0x0] =	vst.idx.msk $0xffff, v0  }
0x13c: {  	[tilespmem:v42+s26+$0x0] =	vst.idx.msk $0xffff, v12  }
0x13d: {  	v31 =	vmov v10;
	v30 =	vor.u32 v58, v5;
	v10 =	vld [tilespmem:$0x1FD00];
	[tilespmem:v54+s24+$0x0] =	vst.idx.msk $0xffff, v40  }
0x13e: {  	[tilespmem:v28+s24+$0x0] =	vst.idx.msk $0xffff, v34  }
0x13f: {  	v41 =	vor.u32 v7, v50;
	v0 =	vor.u32 v7, v4;
	v7 =	vld [tilespmem:$0x1F7C0]  }
0x140: {  	v29 =	vor.u32 v24, v6;
	_ =	sdelay $0x1  }
0x141: {  	v12 =	vld.idx.msk [tilespmem:v30+s25+$0x0], $0xffff  }
0x142: {  	v30 =	vor.u32 v1, v16;
	v1 =	vld [tilespmem:$0x1FEB0];
	_ =	sdelay $0x1  }
0x143: {  	v29 =	vld.idx.msk [tilespmem:v29+s25+$0x0], $0xffff  }
0x144: {  	v30 =	vand.u32 $0x7C8, v30;
	v56 =	vld.idx.msk [tilespmem:v41+s25+$0x0], $0xffff  }
0x145: {  	v47 =	vor.u32 v26, v30;
	v30 =	vadd.s32 s29, v15;
	v0 =	vld.idx.msk [tilespmem:v0+s25+$0x0], $0xffff;
	[tilespmem:v7+s26+$0x0] =	vst.idx.msk $0xffff, v12  }
0x146: {  	v61 =	vand.u32 $0x7CF, v30;
	v30 =	vor.u32 v1, v50;
	v12 =	vor.u32 v1, v4;
	v1 =	vld [tilespmem:$0x1F7D0];
	_ =	sdelay $0x5  }
0x147: {  	v46 =	vmov v43;
	v43 =	vor.u32 v10, v5;
	_ =	sdelay $0x1  }
0x148: {  	[tilespmem:v1+s26+$0x0] =	vst.idx.msk $0xffff, v29  }
0x149: {  	v1 =	vld [tilespmem:$0x1FDA0]  }
0x14a: {  	v7 =	vld [tilespmem:$0x1FD10];
	[tilespmem:v47+s24+$0x0] =	vst.idx.msk $0xffff, v56  }
0x14b: {  	v29 =	vld.idx.msk [tilespmem:v43+s25+$0x0], $0xffff;
	[tilespmem:v61+s24+$0x0] =	vst.idx.msk $0xffff, v0  }
0x14c: {  	v43 =	vor.u32 v10, v11;
	v10 =	vld [tilespmem:$0x1F830]  }
0x14d: {  	v55 =	vor.u32 v58, v11;
	_ =	sdelay $0x2  }
0x14e: {  	v40 =	vor.u32 v1, v16;
	v1 =	vld [tilespmem:$0x1FDB0]  }
0x14f: {  	v0 =	vld.idx.msk [tilespmem:v30+s25+$0x0], $0xffff;
	v30 =	vadd.s32 s29, v57  }
0x150: {  	v33 =	vld.idx.msk [tilespmem:v55+s25+$0x0], $0xffff;
	v15 =	vand.u32 $0xFCF, v30  }
0x151: {  	v12 =	vld.idx.msk [tilespmem:v12+s25+$0x0], $0xffff;
	[tilespmem:$0x1F880] =	vst v15  }
0x152: {  	[tilespmem:v10+s26+$0x0] =	vst.idx.msk $0xffff, v29  }
0x153: {  	v30 =	vor.u32 v1, v50;
	v29 =	vor.u32 v1, v60;
	v1 =	vld [tilespmem:$0x1F840];
	_ =	sdelay $0x2  }
0x154: {  	v42 =	vand.u32 $0xFC8, v40  }
0x155: {  	v21 =	vor.u32 v26, v42;
	_ =	sdelay $0x3  }
0x156: {  	[tilespmem:v1+s26+$0x0] =	vst.idx.msk $0xffff, v33  }
0x157: {  	v14 =	vld [tilespmem:$0x1FD20];
	[tilespmem:v21+s24+$0x0] =	vst.idx.msk $0xffff, v0  }
0x158: {  	v41 =	vor.u32 v7, v5;
	[tilespmem:v15+s24+$0x0] =	vst.idx.msk $0xffff, v12  }
0x159: {  	v1 =	vld [tilespmem:$0x1FDC0]  }
0x15a: {  	v0 =	vor.u32 v7, v6;
	v7 =	vld [tilespmem:$0x1F8A0];
	_ =	sdelay $0x2  }
0x15b: {  	v55 =	vld.idx.msk [tilespmem:v41+s25+$0x0], $0xffff  }
0x15c: {  	v56 =	vld.idx.msk [tilespmem:v43+s25+$0x0], $0xffff;
	v19 =	vor.u32 v1, v3  }
0x15d: {  	v12 =	vld.idx.msk [tilespmem:v30+s25+$0x0], $0xffff;
	[tilespmem:$0x1F8D0] =	vst v19  }
0x15e: {  	v15 =	vor.u32 v1, v9;
	v29 =	vld.idx.msk [tilespmem:v29+s25+$0x0], $0xffff  }
0x15f: {  	s28 =	sor.u32 $0xA400, s22;
	v1 =	vld [tilespmem:$0x1FDD0];
	[tilespmem:$0x1F8F0] =	vst v15  }
0x160: {  	[tilespmem:v7+s28+$0x0] =	vst.idx.msk $0xffff, v55  }
0x161: {  	[tilespmem:v45+s26+$0x0] =	vst.idx.msk $0xffff, v56  }
0x162: {  	v10 =	vld [tilespmem:$0x1FD30];
	[tilespmem:v19+s24+$0x0] =	vst.idx.msk $0xffff, v12  }
0x163: {  	v57 =	vor.u32 v14, v5;
	[tilespmem:v15+s24+$0x0] =	vst.idx.msk $0xffff, v29  }
0x164: {  	v30 =	vor.u32 v1, v50;
	v40 =	vor.u32 v1, v60;
	v1 =	vld [tilespmem:$0x1FDE0]  }
0x165: {  	v7 =	vld [tilespmem:$0x1F920];
	_ =	sdelay $0x2  }
0x166: {  	v41 =	vld.idx.msk [tilespmem:v57+s25+$0x0], $0xffff  }
0x167: {  	v0 =	vld.idx.msk [tilespmem:v0+s25+$0x0], $0xffff;
	v15 =	vor.u32 v1, v3  }
0x168: {  	v29 =	vld.idx.msk [tilespmem:v30+s25+$0x0], $0xffff;
	[tilespmem:$0x1F930] =	vst v15  }
0x169: {  	v12 =	vor.u32 v14, v6;
	v14 =	vor.u32 v1, v9;
	v30 =	vld.idx.msk [tilespmem:v40+s25+$0x0], $0xffff  }
0x16a: {  	[tilespmem:$0x1F940] =	vst v14  }
0x16b: {  	v1 =	vld [tilespmem:$0x1FDF0];
	[tilespmem:v7+s28+$0x0] =	vst.idx.msk $0xffff, v41  }
0x16c: {  	[tilespmem:v63+s28+$0x0] =	vst.idx.msk $0xffff, v0  }
0x16d: {  	v42 =	vor.u32 v10, v5;
	v63 =	vld [tilespmem:$0x1FD40];
	[tilespmem:v15+s24+$0x0] =	vst.idx.msk $0xffff, v29  }
0x16e: {  	[tilespmem:v14+s24+$0x0] =	vst.idx.msk $0xffff, v30  }
0x16f: {  	v7 =	vld [tilespmem:$0x1F9C0]  }
0x170: {  	v43 =	vor.u32 v1, v50  }
0x171: {  	v49 =	vmov v37;
	v45 =	vor.u32 v1, v4  }
0x172: {  	v55 =	vor.u32 v49, v16;
	v0 =	vld.idx.msk [tilespmem:v42+s25+$0x0], $0xffff  }
0x173: {  	v29 =	vand.u32 $0x7E8, v55;
	v1 =	vld [tilespmem:$0x1FE20]  }
0x174: {  	v57 =	vor.u32 v10, v11;
	v12 =	vld.idx.msk [tilespmem:v12+s25+$0x0], $0xffff;
	v10 =	vor.u32 v26, v29;
	v29 =	vadd.s32 s29, v59  }
0x175: {  	v15 =	vand.u32 $0x7EF, v29;
	v30 =	vld.idx.msk [tilespmem:v43+s25+$0x0], $0xffff;
	[tilespmem:$0x1F980] =	vst v10  }
0x176: {  	v40 =	vld.idx.msk [tilespmem:v45+s25+$0x0], $0xffff;
	[tilespmem:$0x1F990] =	vst v15  }
0x177: {  	[tilespmem:v7+s28+$0x0] =	vst.idx.msk $0xffff, v0  }
0x178: {  	v29 =	vor.u32 v1, v50;
	v0 =	vor.u32 v1, v4;
	v1 =	vld [tilespmem:$0x1F960];
	_ =	sdelay $0x7  }
0x179: {  	[tilespmem:v1+s28+$0x0] =	vst.idx.msk $0xffff, v12  }
0x17a: {  	v1 =	vld [tilespmem:$0x1FE50];
	_ =	sdelay $0x2  }
0x17b: {  	v14 =	vld [tilespmem:$0x1FD50];
	[tilespmem:v10+s24+$0x0] =	vst.idx.msk $0xffff, v30  }
0x17c: {  	[tilespmem:v15+s24+$0x0] =	vst.idx.msk $0xffff, v40  }
0x17d: {  	v16 =	vor.u32 v1, v16;
	v1 =	vld [tilespmem:$0x1FE30];
	_ =	sdelay $0x2  }
0x17e: {  	v56 =	vor.u32 v63, v5  }
0x17f: {  	v16 =	vand.u32 $0xFE8, v16  }
0x180: {  	v7 =	vor.u32 v26, v16;
	v26 =	vadd.s32 s29, v1;
	v1 =	vld [tilespmem:$0x1FA70];
	_ =	sdelay $0x2  }
0x181: {  	v12 =	vld.idx.msk [tilespmem:v56+s25+$0x0], $0xffff;
	_ =	sdelay $0x1  }
0x182: {  	v41 =	vld.idx.msk [tilespmem:v57+s25+$0x0], $0xffff;
	[tilespmem:$0x1F9E0] =	vst v7  }
0x183: {  	v16 =	vld.idx.msk [tilespmem:v29+s25+$0x0], $0xffff;
	v10 =	vand.u32 $0xFEF, v26  }
0x184: {  	v0 =	vld.idx.msk [tilespmem:v0+s25+$0x0], $0xffff;
	[tilespmem:$0x1F9F0] =	vst v10  }
0x185: {  	v15 =	vld [tilespmem:$0x1FE40];
	[tilespmem:v1+s28+$0x0] =	vst.idx.msk $0xffff, v12  }
0x186: {  	v1 =	vld [tilespmem:$0x1FA10];
	_ =	sdelay $0x7  }
0x187: {  	[tilespmem:v1+s28+$0x0] =	vst.idx.msk $0xffff, v41  }
0x188: {  	v1 =	vld [tilespmem:$0x1FD60];
	[tilespmem:v7+s24+$0x0] =	vst.idx.msk $0xffff, v16  }
0x189: {  	v42 =	vor.u32 v14, v5;
	[tilespmem:v10+s24+$0x0] =	vst.idx.msk $0xffff, v0  }
0x18a: {  	v7 =	vld [tilespmem:$0x1FE60]  }
0x18b: {  	v30 =	vor.u32 v63, v11;
	v10 =	vld [tilespmem:$0x1FB40]  }
0x18c: {  	v26 =	vor.u32 v15, v50  }
0x18d: {  	v12 =	vor.u32 v15, v60  }
0x18e: {  	v29 =	vld.idx.msk [tilespmem:v42+s25+$0x0], $0xffff;
	_ =	sdelay $0x1  }
0x18f: {  	v30 =	vld.idx.msk [tilespmem:v30+s25+$0x0], $0xffff;
	v15 =	vor.u32 v7, v3  }
0x190: {  	v0 =	vld.idx.msk [tilespmem:v26+s25+$0x0], $0xffff;
	v7 =	vor.u32 v7, v9;
	[tilespmem:$0x1FA30] =	vst v15  }
0x191: {  	v12 =	vld.idx.msk [tilespmem:v12+s25+$0x0], $0xffff;
	[tilespmem:$0x1FA40] =	vst v7  }
0x192: {  	v25 =	vld [tilespmem:$0x1FE70];
	[tilespmem:v10+s28+$0x0] =	vst.idx.msk $0xffff, v29  }
0x193: {  	v10 =	vld [tilespmem:$0x1FAC0];
	_ =	sdelay $0x7  }
0x194: {  	[tilespmem:v10+s28+$0x0] =	vst.idx.msk $0xffff, v30  }
0x195: {  	v34 =	vld [tilespmem:$0x1FD70];
	[tilespmem:v15+s24+$0x0] =	vst.idx.msk $0xffff, v0  }
0x196: {  	v43 =	vor.u32 v1, v5;
	[tilespmem:v7+s24+$0x0] =	vst.idx.msk $0xffff, v12  }
0x197: {  	v0 =	vor.u32 v1, v6;
	v1 =	vld [tilespmem:$0x1FEA0]  }
0x198: {  	v16 =	vor.u32 v14, v6;
	v7 =	vld [tilespmem:$0x1F5A0]  }
0x199: {  	v26 =	vor.u32 v25, v50  }
0x19a: {  	v29 =	vor.u32 v25, v60  }
0x19b: {  	v30 =	vld.idx.msk [tilespmem:v43+s25+$0x0], $0xffff  }
0x19c: {  	v15 =	vor.u32 v1, v3;
	v10 =	vor.u32 v1, v9;
	v1 =	vld [tilespmem:$0x1FC10]  }
0x19d: {  	v16 =	vld.idx.msk [tilespmem:v16+s25+$0x0], $0xffff  }
0x19e: {  	v12 =	vld.idx.msk [tilespmem:v26+s25+$0x0], $0xffff;
	[tilespmem:$0x1FA90] =	vst v15  }
0x19f: {  	v3 =	vld.idx.msk [tilespmem:v29+s25+$0x0], $0xffff;
	[tilespmem:$0x1FAA0] =	vst v10  }
0x1a0: {  	[tilespmem:v7+s28+$0x0] =	vst.idx.msk $0xffff, v30  }
0x1a1: {  	v9 =	vor.u32 v1, v50;
	v26 =	vor.u32 v1, v4;
	v1 =	vld [tilespmem:$0x1FBA0];
	_ =	sdelay $0x7  }
0x1a2: {  	[tilespmem:v1+s28+$0x0] =	vst.idx.msk $0xffff, v16  }
0x1a3: {  	v45 =	vor.u32 v34, v5;
	v25 =	vld [tilespmem:$0x1FD80];
	[tilespmem:v15+s24+$0x0] =	vst.idx.msk $0xffff, v12  }
0x1a4: {  	[tilespmem:v10+s24+$0x0] =	vst.idx.msk $0xffff, v3  }
0x1a5: {  	v7 =	vld [tilespmem:$0x1F5B0];
	_ =	sdelay $0x2  }
0x1a6: {  	v16 =	vld.idx.msk [tilespmem:v45+s25+$0x0], $0xffff  }
0x1a7: {  	v1 =	vld [tilespmem:$0x1FC20];
	_ =	sdelay $0x2  }
0x1a8: {  	v3 =	vld.idx.msk [tilespmem:v9+s25+$0x0], $0xffff  }
0x1a9: {  	v9 =	vld.idx.msk [tilespmem:v26+s25+$0x0], $0xffff;
	[tilespmem:v7+s28+$0x0] =	vst.idx.msk $0xffff, v16  }
0x1aa: {  	v26 =	vor.u32 v1, v50;
	v16 =	vor.u32 v1, v4;
	v1 =	vld [tilespmem:$0x1F5C0];
	_ =	sdelay $0x2  }
0x1ab: {  	v0 =	vld.idx.msk [tilespmem:v0+s25+$0x0], $0xffff;
	_ =	sdelay $0x4  }
0x1ac: {  	[tilespmem:v1+s28+$0x0] =	vst.idx.msk $0xffff, v0  }
0x1ad: {  	v7 =	vld [tilespmem:$0x1FAF0];
	_ =	sdelay $0x7  }
0x1ae: {  	[tilespmem:v7+s26+$0x0] =	vst.idx.msk $0xffff, v3  }
0x1af: {  	v7 =	vld [tilespmem:$0x1FB10];
	_ =	sdelay $0x6  }
0x1b0: {  	v29 =	vor.u32 v25, v5  }
0x1b1: {  	[tilespmem:v7+s26+$0x0] =	vst.idx.msk $0xffff, v9  }
0x1b2: {  	v7 =	vld [tilespmem:$0x1F5D0];
	_ =	sdelay $0x2  }
0x1b3: {  	v0 =	vld.idx.msk [tilespmem:v29+s25+$0x0], $0xffff;
	_ =	sdelay $0x3  }
0x1b4: {  	v12 =	vor.u32 v34, v11  }
0x1b5: {  	[tilespmem:v7+s28+$0x0] =	vst.idx.msk $0xffff, v0  }
0x1b6: {  	v7 =	vld [tilespmem:$0x1F5E0];
	_ =	sdelay $0x2  }
0x1b7: {  	v12 =	vld.idx.msk [tilespmem:v12+s25+$0x0], $0xffff;
	_ =	sdelay $0x4  }
0x1b8: {  	s31 =	simm.s32 $0x4;
	v1 =	vor.u32 $0x2800, v22;
	[tilespmem:v7+s28+$0x0] =	vst.idx.msk $0xffff, v12  }
0x1b9: {  	v34 =	vadd.s32 s31, v22;
	v30 =	vor.u32 v1, v5;
	v10 =	vld [tilespmem:$0x1FB50]  }
0x1ba: {  	v39 =	vshll.u32 v34, $0x5;
	v3 =	vor.u32 v25, v11  }
0x1bb: {  	v41 =	vand.u32 $0x1E0, v39  }
0x1bc: {  	v9 =	vld.idx.msk [tilespmem:v26+s25+$0x0], $0xffff;
	v26 =	vor.u32 v22, v41  }
0x1bd: {  	v16 =	vld.idx.msk [tilespmem:v16+s25+$0x0], $0xffff  }
0x1be: {  	v12 =	vld.idx.msk [tilespmem:v30+s25+$0x0], $0xffff  }
0x1bf: {  	v3 =	vld.idx.msk [tilespmem:v3+s25+$0x0], $0xffff  }
0x1c0: {  	v57 =	vld [tilespmem:$0x1FFC0]  }
0x1c1: {  	[tilespmem:v10+s26+$0x0] =	vst.idx.msk $0xffff, v9;
	v9 =	vld.idx.msk [tilespmem:v26+s25+$0x0], $0xffff  }
0x1c2: {  	v26 =	vor.u32 v1, v6;
	[tilespmem:$0x1F5F0] =	vst v1;
	v1 =	vld [tilespmem:$0x1FB60];
	_ =	sdelay $0x4  }
0x1c3: {  	v55 =	vadd.s32 s31, v57  }
0x1c4: {  	v7 =	vand.u32 $0x78F, v55  }
0x1c5: {  	[tilespmem:$0x1FBB0] =	vst v7  }
0x1c6: {  	[tilespmem:v1+s26+$0x0] =	vst.idx.msk $0xffff, v16  }
0x1c7: {  	v1 =	vld [tilespmem:$0x1FFD0];
	_ =	sdelay $0x1  }
0x1c8: {  	s1 =	simm.s32 $0x5  }
0x1c9: {  	v37 =	vadd.s32 s1, v22  }
0x1ca: {  	v29 =	vand.u32 $0xF, v37  }
0x1cb: {  	v45 =	vor.u32 v1, v29;
	v1 =	vld [tilespmem:$0x1F600];
	_ =	sdelay $0x7  }
0x1cc: {  	v49 =	vor.u32 v13, v50;
	v10 =	vld [tilespmem:$0x1FFE0];
	[tilespmem:v1+s28+$0x0] =	vst.idx.msk $0xffff, v12  }
0x1cd: {  	v40 =	vshll.u32 v29, $0x5;
	v0 =	vor.u32 v13, v60;
	v1 =	vld [tilespmem:$0x1F610]  }
0x1ce: {  	v30 =	vor.u32 v22, v40;
	_ =	sdelay $0x2  }
0x1cf: {  	v38 =	vand.u32 $0x7, v37;
	v16 =	vld.idx.msk [tilespmem:v49+s25+$0x0], $0xffff;
	v36 =	vand.u32 $0x788, v45  }
0x1d0: {  	v0 =	vld.idx.msk [tilespmem:v0+s25+$0x0], $0xffff;
	v15 =	vor.u32 v38, v36  }
0x1d1: {  	v12 =	vld.idx.msk [tilespmem:v30+s25+$0x0], $0xffff;
	[tilespmem:$0x1FBE0] =	vst v15  }
0x1d2: {  	[tilespmem:v7+s24+$0x0] =	vst.idx.msk $0xffff, v9  }
0x1d3: {  	[tilespmem:v1+s28+$0x0] =	vst.idx.msk $0xffff, v3  }
0x1d4: {  	v1 =	vld [tilespmem:$0x1FBC0];
	_ =	sdelay $0x7  }
0x1d5: {  	v13 =	vor.u32 $0x2810, v22;
	v59 =	vor.u32 v10, v41;
	v36 =	vor.u32 v10, v40;
	v10 =	vld [tilespmem:$0x1FFF0];
	[tilespmem:v1+s26+$0x0] =	vst.idx.msk $0xffff, v16  }
0x1d6: {  	v56 =	vor.u32 v13, v5;
	v1 =	vld [tilespmem:$0x1FBD0];
	_ =	sdelay $0x4  }
0x1d7: {  	v3 =	vld.idx.msk [tilespmem:v56+s25+$0x0], $0xffff  }
0x1d8: {  	v9 =	vld.idx.msk [tilespmem:v26+s25+$0x0], $0xffff  }
0x1d9: {  	v16 =	vld.idx.msk [tilespmem:v59+s25+$0x0], $0xffff;
	[tilespmem:$0x1F620] =	vst v13  }
0x1da: {  	[tilespmem:v1+s26+$0x0] =	vst.idx.msk $0xffff, v0  }
0x1db: {  	v7 =	vld [tilespmem:$0x1FE80];
	[tilespmem:v15+s24+$0x0] =	vst.idx.msk $0xffff, v12  }
0x1dc: {  	v1 =	vld [tilespmem:$0x1F630];
	_ =	sdelay $0x5  }
0x1dd: {  	v49 =	vor.u32 v17, v50;
	_ =	sdelay $0x1  }
0x1de: {  	v26 =	vadd.s32 s31, v10;
	[tilespmem:v1+s28+$0x0] =	vst.idx.msk $0xffff, v3  }
0x1df: {  	v56 =	vand.u32 $0xF8F, v26;
	v26 =	vor.u32 v13, v6;
	v13 =	vld [tilespmem:$0x1F640];
	_ =	sdelay $0x1  }
0x1e0: {  	v0 =	vld.idx.msk [tilespmem:v49+s25+$0x0], $0xffff  }
0x1e1: {  	v30 =	vor.u32 v17, v60;
	_ =	sdelay $0x2  }
0x1e2: {  	[tilespmem:v56+s24+$0x0] =	vst.idx.msk $0xffff, v16  }
0x1e3: {  	[tilespmem:v31+s26+$0x0] =	vst.idx.msk $0xffff, v0  }
0x1e4: {  	v12 =	vld.idx.msk [tilespmem:v30+s25+$0x0], $0xffff;
	v45 =	vor.u32 v7, v29;
	[tilespmem:v13+s28+$0x0] =	vst.idx.msk $0xffff, v9  }
0x1e5: {  	v55 =	vor.u32 v46, v39;
	v17 =	vor.u32 $0x2A00, v22;
	v30 =	vand.u32 $0xF88, v45;
	v45 =	vld [tilespmem:$0x1F660]  }
0x1e6: {  	v42 =	vor.u32 v17, v5;
	_ =	sdelay $0x2  }
0x1e7: {  	v3 =	vld.idx.msk [tilespmem:v36+s25+$0x0], $0xffff;
	v1 =	vor.u32 v38, v30  }
0x1e8: {  	v0 =	vld.idx.msk [tilespmem:v55+s25+$0x0], $0xffff  }
0x1e9: {  	v9 =	vld.idx.msk [tilespmem:v42+s25+$0x0], $0xffff  }
0x1ea: {  	v16 =	vld.idx.msk [tilespmem:v26+s25+$0x0], $0xffff;
	[tilespmem:$0x1F650] =	vst v17  }
0x1eb: {  	v15 =	vld [tilespmem:$0x1FF00];
	[tilespmem:v45+s26+$0x0] =	vst.idx.msk $0xffff, v12  }
0x1ec: {  	v13 =	vld [tilespmem:$0x1FF10];
	[tilespmem:v1+s24+$0x0] =	vst.idx.msk $0xffff, v3  }
0x1ed: {  	v33 =	vor.u32 v17, v11;
	v17 =	vmov v1;
	v1 =	vld [tilespmem:$0x1F670];
	_ =	sdelay $0x7  }
0x1ee: {  	[tilespmem:v1+s28+$0x0] =	vst.idx.msk $0xffff, v9  }
0x1ef: {  	v19 =	vld [tilespmem:$0x1F680];
	_ =	sdelay $0x1  }
0x1f0: {  	v55 =	vor.u32 v15, v34;
	_ =	sdelay $0x4  }
0x1f1: {  	v49 =	vor.u32 v18, v50;
	[tilespmem:v55+s24+$0x0] =	vst.idx.msk $0xffff, v0  }
0x1f2: {  	v30 =	vor.u32 v18, v4;
	[tilespmem:v19+s28+$0x0] =	vst.idx.msk $0xffff, v16  }
0x1f3: {  	v59 =	vor.u32 v46, v40;
	v18 =	vor.u32 $0x2A10, v22;
	v1 =	vld [tilespmem:$0x1F690]  }
0x1f4: {  	v26 =	vor.u32 v18, v5;
	_ =	sdelay $0x1  }
0x1f5: {  	v12 =	vld.idx.msk [tilespmem:v49+s25+$0x0], $0xffff;
	v46 =	vor.u32 v13, v39  }
0x1f6: {  	v3 =	vld.idx.msk [tilespmem:v30+s25+$0x0], $0xffff  }
0x1f7: {  	v9 =	vld.idx.msk [tilespmem:v59+s25+$0x0], $0xffff  }
0x1f8: {  	v16 =	vld.idx.msk [tilespmem:v26+s25+$0x0], $0xffff  }
0x1f9: {  	v0 =	vld.idx.msk [tilespmem:v33+s25+$0x0], $0xffff  }
0x1fa: {  	[tilespmem:v1+s26+$0x0] =	vst.idx.msk $0xffff, v12;
	v12 =	vld.idx.msk [tilespmem:v46+s25+$0x0], $0xffff  }
0x1fb: {  	v26 =	vor.u32 v13, v40;
	v13 =	vmov v55;
	v55 =	vor.u32 v18, v11;
	[tilespmem:$0x1F6A0] =	vst v18;
	v18 =	vld [tilespmem:$0x1FAE0];
	_ =	sdelay $0x3  }
0x1fc: {  	v15 =	vor.u32 v15, v37;
	_ =	sdelay $0x3  }
0x1fd: {  	[tilespmem:v18+s26+$0x0] =	vst.idx.msk $0xffff, v3  }
0x1fe: {  	v18 =	vld [tilespmem:$0x1FFB0];
	[tilespmem:v15+s24+$0x0] =	vst.idx.msk $0xffff, v9  }
0x1ff: {  	v19 =	vld [tilespmem:$0x1F6B0];
	_ =	sdelay $0x7  }
0x200: {  	[tilespmem:v19+s28+$0x0] =	vst.idx.msk $0xffff, v16  }
0x201: {  	v30 =	vor.u32 v44, v50;
	v19 =	vld [tilespmem:$0x1F6C0]  }
0x202: {  	v59 =	vor.u32 v44, v4  }
0x203: {  	v49 =	vor.u32 $0x2C00, v22;
	v46 =	vor.u32 v20, v34  }
0x204: {  	v33 =	vor.u32 v49, v5;
	_ =	sdelay $0x1  }
0x205: {  	v3 =	vld.idx.msk [tilespmem:v30+s25+$0x0], $0xffff  }
0x206: {  	v9 =	vld.idx.msk [tilespmem:v59+s25+$0x0], $0xffff;
	v30 =	vor.u32 v18, v41  }
0x207: {  	v16 =	vld.idx.msk [tilespmem:v26+s25+$0x0], $0xffff;
	[tilespmem:v46+s24+$0x0] =	vst.idx.msk $0xffff, v12  }
0x208: {  	[tilespmem:v19+s28+$0x0] =	vst.idx.msk $0xffff, v0;
	v0 =	vld.idx.msk [tilespmem:v33+s25+$0x0], $0xffff  }
0x209: {  	v12 =	vld.idx.msk [tilespmem:v55+s25+$0x0], $0xffff;
	[tilespmem:$0x1F6D0] =	vst v2  }
0x20a: {  	v20 =	vor.u32 v20, v37;
	v25 =	vld [tilespmem:$0x1FF80];
	[tilespmem:v2+s26+$0x0] =	vst.idx.msk $0xffff, v3  }
0x20b: {  	v3 =	vld.idx.msk [tilespmem:v30+s25+$0x0], $0xffff;
	[tilespmem:$0x1F6E0] =	vst v49  }
0x20c: {  	[tilespmem:$0x1F6F0] =	vst v8  }
0x20d: {  	[tilespmem:v8+s26+$0x0] =	vst.idx.msk $0xffff, v9  }
0x20e: {  	v8 =	vld [tilespmem:$0x1FF60]  }
0x20f: {  	v55 =	vld [tilespmem:$0x1FE90];
	[tilespmem:v20+s24+$0x0] =	vst.idx.msk $0xffff, v16  }
0x210: {  	v2 =	vld [tilespmem:$0x1F700];
	_ =	sdelay $0x7  }
0x211: {  	[tilespmem:v2+s28+$0x0] =	vst.idx.msk $0xffff, v0  }
0x212: {  	v59 =	vor.u32 v27, v50;
	v2 =	vld [tilespmem:$0x1F710]  }
0x213: {  	v26 =	vor.u32 v27, v60;
	v33 =	vor.u32 v18, v40;
	v18 =	vmovc v46;
	v46 =	vadd.s32 s31, v25  }
0x214: {  	v19 =	vor.u32 $0x2C10, v22;
	v44 =	vand.u32 $0x7AF, v46  }
0x215: {  	v43 =	vor.u32 v19, v5  }
0x216: {  	v30 =	vor.u32 v49, v6  }
0x217: {  	v9 =	vld.idx.msk [tilespmem:v59+s25+$0x0], $0xffff  }
0x218: {  	v16 =	vld.idx.msk [tilespmem:v26+s25+$0x0], $0xffff;
	v36 =	vor.u32 v8, v41  }
0x219: {  	v0 =	vld.idx.msk [tilespmem:v33+s25+$0x0], $0xffff;
	[tilespmem:v44+s24+$0x0] =	vst.idx.msk $0xffff, v3  }
0x21a: {  	v46 =	vor.u32 v53, v50;
	v59 =	vor.u32 v55, v29;
	[tilespmem:v2+s28+$0x0] =	vst.idx.msk $0xffff, v12;
	v12 =	vld.idx.msk [tilespmem:v43+s25+$0x0], $0xffff  }
0x21b: {  	v26 =	vand.u32 $0x7A8, v59;
	v30 =	vld.idx.msk [tilespmem:v30+s25+$0x0], $0xffff;
	[tilespmem:$0x1F720] =	vst v23  }
0x21c: {  	v55 =	vor.u32 v38, v26;
	v25 =	vld [tilespmem:$0x1FF50];
	[tilespmem:v23+s26+$0x0] =	vst.idx.msk $0xffff, v9  }
0x21d: {  	v9 =	vld.idx.msk [tilespmem:v36+s25+$0x0], $0xffff;
	[tilespmem:$0x1F730] =	vst v19  }
0x21e: {  	[tilespmem:$0x1F740] =	vst v48  }
0x21f: {  	[tilespmem:v48+s26+$0x0] =	vst.idx.msk $0xffff, v16;
	v16 =	vld.idx.msk [tilespmem:v46+s25+$0x0], $0xffff  }
0x220: {  	v36 =	vor.u32 v19, v6;
	v19 =	vld [tilespmem:$0x1FF90]  }
0x221: {  	v46 =	vld [tilespmem:$0x1FEC0];
	[tilespmem:v55+s24+$0x0] =	vst.idx.msk $0xffff, v0  }
0x222: {  	v2 =	vld [tilespmem:$0x1F750];
	_ =	sdelay $0x3  }
0x223: {  	v3 =	vadd.s32 s31, v25  }
0x224: {  	v33 =	vor.u32 v8, v40;
	v8 =	vand.u32 $0xFAF, v3;
	v3 =	vor.u32 v46, v29  }
0x225: {  	v3 =	vand.u32 $0xFA8, v3;
	_ =	sdelay $0x1  }
0x226: {  	[tilespmem:v2+s28+$0x0] =	vst.idx.msk $0xffff, v12  }
0x227: {  	v2 =	vor.u32 v38, v3;
	v3 =	vmov v31;
	v31 =	vld [tilespmem:$0x1F760];
	_ =	sdelay $0x1  }
0x228: {  	v26 =	vor.u32 v53, v60  }
0x229: {  	v49 =	vor.u32 $0x2E00, v22  }
0x22a: {  	v43 =	vor.u32 v49, v5;
	_ =	sdelay $0x2  }
0x22b: {  	v0 =	vld.idx.msk [tilespmem:v26+s25+$0x0], $0xffff  }
0x22c: {  	v59 =	vor.u32 v19, v39;
	v12 =	vld.idx.msk [tilespmem:v33+s25+$0x0], $0xffff;
	[tilespmem:v31+s28+$0x0] =	vst.idx.msk $0xffff, v30  }
0x22d: {  	v30 =	vld.idx.msk [tilespmem:v43+s25+$0x0], $0xffff;
	[tilespmem:$0x1F770] =	vst v8  }
0x22e: {  	[tilespmem:v8+s24+$0x0] =	vst.idx.msk $0xffff, v9  }
0x22f: {  	v26 =	vor.u32 v32, v50;
	v36 =	vld.idx.msk [tilespmem:v36+s25+$0x0], $0xffff;
	[tilespmem:$0x1F780] =	vst v54  }
0x230: {  	[tilespmem:v54+s26+$0x0] =	vst.idx.msk $0xffff, v16  }
0x231: {  	v16 =	vld.idx.msk [tilespmem:v59+s25+$0x0], $0xffff;
	[tilespmem:$0x1F790] =	vst v49  }
0x232: {  	[tilespmem:$0x1F7A0] =	vst v28  }
0x233: {  	v7 =	vld [tilespmem:$0x1FF70];
	[tilespmem:v28+s26+$0x0] =	vst.idx.msk $0xffff, v0  }
0x234: {  	v0 =	vld.idx.msk [tilespmem:v26+s25+$0x0], $0xffff;
	[tilespmem:$0x1F7B0] =	vst v2  }
0x235: {  	v23 =	vmov v55;
	v55 =	vld [tilespmem:$0x1FF40];
	[tilespmem:v2+s24+$0x0] =	vst.idx.msk $0xffff, v12  }
0x236: {  	v2 =	vld [tilespmem:$0x1F7C0];
	_ =	sdelay $0x7  }
0x237: {  	[tilespmem:v2+s28+$0x0] =	vst.idx.msk $0xffff, v30  }
0x238: {  	v2 =	vld [tilespmem:$0x1F7D0];
	_ =	sdelay $0x1  }
0x239: {  	v48 =	vor.u32 v32, v4  }
0x23a: {  	v43 =	vor.u32 v19, v40;
	v19 =	vor.u32 $0x2E10, v22  }
0x23b: {  	v27 =	vmov v20;
	v20 =	vmov v44;
	v44 =	vor.u32 v19, v5  }
0x23c: {  	v8 =	vor.u32 v7, v34  }
0x23d: {  	v59 =	vor.u32 v49, v11  }
0x23e: {  	v12 =	vld.idx.msk [tilespmem:v48+s25+$0x0], $0xffff  }
0x23f: {  	v26 =	vor.u32 v55, v39;
	v30 =	vld.idx.msk [tilespmem:v43+s25+$0x0], $0xffff;
	[tilespmem:v2+s28+$0x0] =	vst.idx.msk $0xffff, v36  }
0x240: {  	v49 =	vor.u32 v52, v4;
	v48 =	vor.u32 v52, v50;
	v52 =	vld.idx.msk [tilespmem:v44+s25+$0x0], $0xffff;
	[tilespmem:$0x1F7E0] =	vst v8  }
0x241: {  	[tilespmem:v8+s24+$0x0] =	vst.idx.msk $0xffff, v16  }
0x242: {  	v42 =	vld.idx.msk [tilespmem:v59+s25+$0x0], $0xffff;
	[tilespmem:$0x1F7F0] =	vst v47  }
0x243: {  	v31 =	vor.u32 v7, v37;
	[tilespmem:v47+s26+$0x0] =	vst.idx.msk $0xffff, v0  }
0x244: {  	v0 =	vld.idx.msk [tilespmem:v26+s25+$0x0], $0xffff;
	[tilespmem:$0x1F800] =	vst v19  }
0x245: {  	[tilespmem:$0x1F810] =	vst v61  }
0x246: {  	v2 =	vld [tilespmem:$0x1FFA0];
	[tilespmem:v61+s26+$0x0] =	vst.idx.msk $0xffff, v12  }
0x247: {  	v12 =	vld.idx.msk [tilespmem:v48+s25+$0x0], $0xffff;
	[tilespmem:$0x1F820] =	vst v31  }
0x248: {  	v59 =	vld [tilespmem:$0x1FD90];
	[tilespmem:v31+s24+$0x0] =	vst.idx.msk $0xffff, v30  }
0x249: {  	v7 =	vld [tilespmem:$0x1F830];
	_ =	sdelay $0x7  }
0x24a: {  	[tilespmem:v7+s28+$0x0] =	vst.idx.msk $0xffff, v52  }
0x24b: {  	v8 =	vor.u32 v2, v34;
	v16 =	vor.u32 v2, v37;
	v2 =	vld [tilespmem:$0x1F840];
	_ =	sdelay $0x2  }
0x24c: {  	v28 =	vor.u32 $0x3000, v22;
	v53 =	vor.u32 v55, v40  }
0x24d: {  	v54 =	vor.u32 v28, v5;
	_ =	sdelay $0x1  }
0x24e: {  	v26 =	vor.u32 v19, v11  }
0x24f: {  	v30 =	vld.idx.msk [tilespmem:v49+s25+$0x0], $0xffff  }
0x250: {  	v49 =	vld.idx.msk [tilespmem:v53+s25+$0x0], $0xffff;
	[tilespmem:v2+s28+$0x0] =	vst.idx.msk $0xffff, v42  }
0x251: {  	v53 =	vld.idx.msk [tilespmem:v54+s25+$0x0], $0xffff;
	[tilespmem:$0x1F850] =	vst v8  }
0x252: {  	[tilespmem:v8+s24+$0x0] =	vst.idx.msk $0xffff, v0  }
0x253: {  	v0 =	vld.idx.msk [tilespmem:v26+s25+$0x0], $0xffff;
	[tilespmem:$0x1F860] =	vst v21  }
0x254: {  	v31 =	vld [tilespmem:$0x1FED0];
	[tilespmem:v21+s26+$0x0] =	vst.idx.msk $0xffff, v12  }
0x255: {  	v21 =	vld [tilespmem:$0x1F880];
	_ =	sdelay $0x1  }
0x256: {  	v61 =	vor.u32 v59, v41;
	_ =	sdelay $0x1  }
0x257: {  	v48 =	vor.u32 v35, v50;
	_ =	sdelay $0x2  }
0x258: {  	v12 =	vld.idx.msk [tilespmem:v61+s25+$0x0], $0xffff;
	[tilespmem:$0x1F870] =	vst v28  }
0x259: {  	[tilespmem:v21+s26+$0x0] =	vst.idx.msk $0xffff, v30  }
0x25a: {  	v30 =	vld.idx.msk [tilespmem:v48+s25+$0x0], $0xffff;
	[tilespmem:$0x1F890] =	vst v16  }
0x25b: {  	v33 =	vor.u32 v28, v6;
	v28 =	vld [tilespmem:$0x1FEE0];
	[tilespmem:v16+s24+$0x0] =	vst.idx.msk $0xffff, v49  }
0x25c: {  	v2 =	vld [tilespmem:$0x1F8A0];
	_ =	sdelay $0x6  }
0x25d: {  	s29 =	sor.u32 $0xB400, s22  }
0x25e: {  	[tilespmem:v2+s29+$0x0] =	vst.idx.msk $0xffff, v53  }
0x25f: {  	v2 =	vld [tilespmem:$0x1F8B0];
	_ =	sdelay $0x2  }
0x260: {  	v52 =	vor.u32 v35, v60  }
0x261: {  	v54 =	vor.u32 v59, v40;
	v26 =	vadd.s32 s31, v31  }
0x262: {  	v8 =	vand.u32 $0x7CF, v26;
	_ =	sdelay $0x2  }
0x263: {  	v36 =	vld.idx.msk [tilespmem:v52+s25+$0x0], $0xffff;
	[tilespmem:v2+s28+$0x0] =	vst.idx.msk $0xffff, v0  }
0x264: {  	v48 =	vld.idx.msk [tilespmem:v54+s25+$0x0], $0xffff;
	[tilespmem:$0x1F8C0] =	vst v8  }
0x265: {  	v2 =	vld [tilespmem:$0x1FEB0];
	[tilespmem:v8+s24+$0x0] =	vst.idx.msk $0xffff, v12  }
0x266: {  	v7 =	vld [tilespmem:$0x1F8D0];
	_ =	sdelay $0x7  }
0x267: {  	v8 =	vld [tilespmem:$0x1FEA0];
	[tilespmem:v7+s26+$0x0] =	vst.idx.msk $0xffff, v30  }
0x268: {  	v7 =	vld [tilespmem:$0x1F8F0]  }
0x269: {  	v19 =	vor.u32 $0x3010, v22  }
0x26a: {  	v43 =	vor.u32 v19, v5  }
0x26b: {  	v26 =	vor.u32 v28, v29  }
0x26c: {  	v61 =	vor.u32 v51, v50;
	v26 =	vand.u32 $0x7C8, v26  }
0x26d: {  	v21 =	vor.u32 v38, v26  }
0x26e: {  	v12 =	vld.idx.msk [tilespmem:v33+s25+$0x0], $0xffff  }
0x26f: {  	v30 =	vld.idx.msk [tilespmem:v43+s25+$0x0], $0xffff;
	[tilespmem:$0x1F8E0] =	vst v19  }
0x270: {  	[tilespmem:v7+s26+$0x0] =	vst.idx.msk $0xffff, v36  }
0x271: {  	v44 =	vld.idx.msk [tilespmem:v61+s25+$0x0], $0xffff;
	[tilespmem:$0x1F900] =	vst v21  }
0x272: {  	v43 =	vor.u32 v19, v6;
	v19 =	vld [tilespmem:$0x1FDA0];
	[tilespmem:v21+s24+$0x0] =	vst.idx.msk $0xffff, v48  }
0x273: {  	v7 =	vmov v1;
	v1 =	vld [tilespmem:$0x1F910];
	_ =	sdelay $0x7  }
0x274: {  	v53 =	vld [tilespmem:$0x1FF30];
	[tilespmem:v1+s29+$0x0] =	vst.idx.msk $0xffff, v12  }
0x275: {  	v49 =	vor.u32 v51, v60;
	v51 =	vor.u32 v19, v29;
	v19 =	vld [tilespmem:$0x1F920];
	_ =	sdelay $0x3  }
0x276: {  	v1 =	vld [tilespmem:$0x1FDB0];
	_ =	sdelay $0x3  }
0x277: {  	[tilespmem:v19+s29+$0x0] =	vst.idx.msk $0xffff, v30  }
0x278: {  	v26 =	vmovc v56;
	v36 =	vand.u32 $0xFC8, v51;
	v51 =	vor.u32 v1, v40;
	v56 =	vor.u32 v1, v39;
	v1 =	vld [tilespmem:$0x1F930];
	_ =	sdelay $0x6  }
0x279: {  	s30 =	simm.s32 $0x6  }
0x27a: {  	v54 =	vadd.s32 s30, v22;
	v0 =	vor.u32 v2, v40;
	[tilespmem:v1+s26+$0x0] =	vst.idx.msk $0xffff, v44  }
0x27b: {  	v16 =	vshll.u32 v54, $0x5;
	v33 =	vor.u32 v2, v41;
	v1 =	vld [tilespmem:$0x1F940]  }
0x27c: {  	v2 =	vand.u32 $0x1E0, v16  }
0x27d: {  	v46 =	vor.u32 v22, v2  }
0x27e: {  	v52 =	vor.u32 v62, v50;
	v42 =	vld.idx.msk [tilespmem:v49+s25+$0x0], $0xffff  }
0x27f: {  	v0 =	vld.idx.msk [tilespmem:v0+s25+$0x0], $0xffff;
	v36 =	vor.u32 v38, v36  }
0x280: {  	v62 =	vor.u32 v62, v4;
	v61 =	vadd.s32 s31, v53;
	v12 =	vld.idx.msk [tilespmem:v33+s25+$0x0], $0xffff  }
0x281: {  	v31 =	vand.u32 $0xFCF, v61;
	v28 =	vld.idx.msk [tilespmem:v43+s25+$0x0], $0xffff  }
0x282: {  	v30 =	vadd.s32 s30, v57;
	v57 =	vld.idx.msk [tilespmem:v46+s25+$0x0], $0xffff  }
0x283: {  	[tilespmem:v1+s26+$0x0] =	vst.idx.msk $0xffff, v42;
	v42 =	vld.idx.msk [tilespmem:v52+s25+$0x0], $0xffff  }
0x284: {  	v1 =	vld [tilespmem:$0x1FFE0];
	[tilespmem:v36+s24+$0x0] =	vst.idx.msk $0xffff, v0  }
0x285: {  	v0 =	vld.idx.msk [tilespmem:v62+s25+$0x0], $0xffff;
	[tilespmem:$0x1F950] =	vst v31  }
0x286: {  	[tilespmem:v31+s24+$0x0] =	vst.idx.msk $0xffff, v12  }
0x287: {  	v61 =	vld [tilespmem:$0x1F960];
	_ =	sdelay $0x7  }
0x288: {  	v21 =	vand.u32 $0x78F, v30;
	v31 =	vld [tilespmem:$0x1FDC0];
	[tilespmem:v61+s29+$0x0] =	vst.idx.msk $0xffff, v28  }
0x289: {  	v52 =	vor.u32 v1, v2;
	v1 =	vld [tilespmem:$0x1FDD0];
	_ =	sdelay $0x1  }
0x28a: {  	v12 =	vld.idx.msk [tilespmem:v51+s25+$0x0], $0xffff  }
0x28b: {  	v28 =	vld.idx.msk [tilespmem:v56+s25+$0x0], $0xffff;
	[tilespmem:$0x1F970] =	vst v21  }
0x28c: {  	[tilespmem:v21+s24+$0x0] =	vst.idx.msk $0xffff, v57  }
0x28d: {  	v62 =	vor.u32 v1, v40;
	v57 =	vor.u32 v1, v39;
	v1 =	vld [tilespmem:$0x1F980];
	_ =	sdelay $0x7  }
0x28e: {  	[tilespmem:v1+s26+$0x0] =	vst.idx.msk $0xffff, v42  }
0x28f: {  	v1 =	vld [tilespmem:$0x1F990]  }
0x290: {  	v19 =	vor.u32 $0x3200, v22  }
0x291: {  	v30 =	vor.u32 v19, v5;
	_ =	sdelay $0x1  }
0x292: {  	v53 =	vor.u32 v24, v50  }
0x293: {  	v49 =	vor.u32 v31, v37  }
0x294: {  	v47 =	vor.u32 v24, v4  }
0x295: {  	v31 =	vor.u32 v31, v34;
	v56 =	vld.idx.msk [tilespmem:v30+s25+$0x0], $0xffff  }
0x296: {  	v52 =	vld.idx.msk [tilespmem:v52+s25+$0x0], $0xffff;
	[tilespmem:v1+s26+$0x0] =	vst.idx.msk $0xffff, v0  }
0x297: {  	v0 =	vld.idx.msk [tilespmem:v53+s25+$0x0], $0xffff;
	[tilespmem:$0x1F9A0] =	vst v19  }
0x298: {  	[tilespmem:v49+s24+$0x0] =	vst.idx.msk $0xffff, v12  }
0x299: {  	v12 =	vld.idx.msk [tilespmem:v47+s25+$0x0], $0xffff;
	[tilespmem:$0x1F9B0] =	vst v31  }
0x29a: {  	v24 =	vld [tilespmem:$0x1FEF0];
	[tilespmem:v31+s24+$0x0] =	vst.idx.msk $0xffff, v28  }
0x29b: {  	v30 =	vadd.s32 s30, v10;
	v10 =	vld [tilespmem:$0x1F9C0];
	_ =	sdelay $0x4  }
0x29c: {  	v21 =	vand.u32 $0xF8F, v30  }
0x29d: {  	v1 =	vmov v15;
	v15 =	vld [tilespmem:$0x1FDE0];
	_ =	sdelay $0x1  }
0x29e: {  	v28 =	vld.idx.msk [tilespmem:v62+s25+$0x0], $0xffff;
	[tilespmem:v10+s29+$0x0] =	vst.idx.msk $0xffff, v56  }
0x29f: {  	v56 =	vld.idx.msk [tilespmem:v57+s25+$0x0], $0xffff;
	[tilespmem:$0x1F9D0] =	vst v21  }
0x2a0: {  	[tilespmem:v21+s24+$0x0] =	vst.idx.msk $0xffff, v52  }
0x2a1: {  	v53 =	vor.u32 v19, v11;
	v62 =	vor.u32 v15, v37;
	v19 =	vor.u32 v15, v34;
	v15 =	vld [tilespmem:$0x1F9E0];
	_ =	sdelay $0x3  }
0x2a2: {  	v10 =	vld [tilespmem:$0x1FDF0];
	_ =	sdelay $0x3  }
0x2a3: {  	v43 =	vor.u32 v58, v50;
	[tilespmem:v15+s26+$0x0] =	vst.idx.msk $0xffff, v0  }
0x2a4: {  	v9 =	vmovc v45;
	v57 =	vor.u32 v58, v60;
	v58 =	vor.u32 v10, v40;
	v45 =	vor.u32 v10, v41;
	v10 =	vld [tilespmem:$0x1F9F0];
	_ =	sdelay $0x2  }
0x2a5: {  	v61 =	vor.u32 v24, v16;
	_ =	sdelay $0x4  }
0x2a6: {  	[tilespmem:v10+s26+$0x0] =	vst.idx.msk $0xffff, v12;
	v12 =	vld.idx.msk [tilespmem:v61+s25+$0x0], $0xffff  }
0x2a7: {  	v61 =	vld [tilespmem:$0x1FF00];
	[tilespmem:v62+s24+$0x0] =	vst.idx.msk $0xffff, v28  }
0x2a8: {  	v10 =	vld [tilespmem:$0x1FE10];
	_ =	sdelay $0x1  }
0x2a9: {  	v0 =	vld.idx.msk [tilespmem:v53+s25+$0x0], $0xffff  }
0x2aa: {  	v43 =	vld.idx.msk [tilespmem:v43+s25+$0x0], $0xffff;
	[tilespmem:$0x1FA00] =	vst v19  }
0x2ab: {  	[tilespmem:v19+s24+$0x0] =	vst.idx.msk $0xffff, v56  }
0x2ac: {  	v28 =	vor.u32 v10, v29;
	v10 =	vld [tilespmem:$0x1FE00];
	_ =	sdelay $0x2  }
0x2ad: {  	v44 =	vld.idx.msk [tilespmem:v57+s25+$0x0], $0xffff  }
0x2ae: {  	v57 =	vld.idx.msk [tilespmem:v58+s25+$0x0], $0xffff;
	v28 =	vand.u32 $0x7E8, v28  }
0x2af: {  	v58 =	vor.u32 v38, v28;
	v28 =	vadd.s32 s31, v10;
	v10 =	vld [tilespmem:$0x1FA10];
	_ =	sdelay $0x4  }
0x2b0: {  	v21 =	vor.u32 v61, v54  }
0x2b1: {  	v15 =	vld [tilespmem:$0x1FD00];
	_ =	sdelay $0x1  }
0x2b2: {  	v33 =	vmov v49;
	v49 =	vld [tilespmem:$0x1FF10];
	[tilespmem:v10+s29+$0x0] =	vst.idx.msk $0xffff, v0  }
0x2b3: {  	v0 =	vld.idx.msk [tilespmem:v45+s25+$0x0], $0xffff;
	[tilespmem:$0x1FA20] =	vst v21  }
0x2b4: {  	[tilespmem:v21+s24+$0x0] =	vst.idx.msk $0xffff, v12  }
0x2b5: {  	v61 =	vor.u32 v15, v50;
	v19 =	vor.u32 v15, v60;
	v15 =	vld [tilespmem:$0x1FA30];
	_ =	sdelay $0x1  }
0x2b6: {  	v31 =	vor.u32 $0x3210, v22  }
0x2b7: {  	v30 =	vmov v62;
	v62 =	vor.u32 v31, v5  }
0x2b8: {  	v10 =	vld [tilespmem:$0x1FE20];
	_ =	sdelay $0x3  }
0x2b9: {  	v45 =	vld.idx.msk [tilespmem:v62+s25+$0x0], $0xffff;
	[tilespmem:v15+s26+$0x0] =	vst.idx.msk $0xffff, v43  }
0x2ba: {  	v12 =	vor.u32 v10, v40;
	v62 =	vor.u32 v10, v41;
	v10 =	vld [tilespmem:$0x1FA40];
	_ =	sdelay $0x3  }
0x2bb: {  	v56 =	vor.u32 v49, v16;
	_ =	sdelay $0x3  }
0x2bc: {  	[tilespmem:v10+s26+$0x0] =	vst.idx.msk $0xffff, v44  }
0x2bd: {  	v44 =	vld.idx.msk [tilespmem:v56+s25+$0x0], $0xffff;
	[tilespmem:$0x1FA50] =	vst v31  }
0x2be: {  	v28 =	vand.u32 $0x7EF, v28;
	v47 =	vld [tilespmem:$0x1FF20];
	[tilespmem:v58+s24+$0x0] =	vst.idx.msk $0xffff, v57  }
0x2bf: {  	v15 =	vld [tilespmem:$0x1FE50];
	_ =	sdelay $0x2  }
0x2c0: {  	v56 =	vld.idx.msk [tilespmem:v61+s25+$0x0], $0xffff;
	[tilespmem:$0x1FA60] =	vst v28  }
0x2c1: {  	v57 =	vld [tilespmem:$0x1FFB0];
	[tilespmem:v28+s24+$0x0] =	vst.idx.msk $0xffff, v0  }
0x2c2: {  	v29 =	vor.u32 v15, v29;
	v15 =	vld [tilespmem:$0x1FD10];
	_ =	sdelay $0x3  }
0x2c3: {  	v0 =	vld.idx.msk [tilespmem:v19+s25+$0x0], $0xffff  }
0x2c4: {  	v19 =	vand.u32 $0xFE8, v29;
	v29 =	vor.u32 v15, v50;
	v61 =	vor.u32 v15, v4;
	v15 =	vld [tilespmem:$0x1FA70];
	_ =	sdelay $0x4  }
0x2c5: {  	v10 =	vor.u32 v47, v54;
	_ =	sdelay $0x1  }
0x2c6: {  	v12 =	vld.idx.msk [tilespmem:v12+s25+$0x0], $0xffff  }
0x2c7: {  	v28 =	vor.u32 v38, v19;
	v19 =	vld [tilespmem:$0x1FE30];
	[tilespmem:v15+s29+$0x0] =	vst.idx.msk $0xffff, v45  }
0x2c8: {  	v62 =	vld.idx.msk [tilespmem:v62+s25+$0x0], $0xffff;
	[tilespmem:$0x1FA80] =	vst v10  }
0x2c9: {  	v21 =	vld [tilespmem:$0x1FE40];
	[tilespmem:v10+s24+$0x0] =	vst.idx.msk $0xffff, v44  }
0x2ca: {  	v10 =	vld [tilespmem:$0x1FA90];
	_ =	sdelay $0x7  }
0x2cb: {  	v35 =	vld [tilespmem:$0x1FF80];
	[tilespmem:v10+s26+$0x0] =	vst.idx.msk $0xffff, v56  }
0x2cc: {  	v24 =	vld [tilespmem:$0x1FAA0]  }
0x2cd: {  	v53 =	vor.u32 v31, v11  }
0x2ce: {  	v42 =	vmov v58;
	v58 =	vor.u32 v57, v2;
	_ =	sdelay $0x2  }
0x2cf: {  	v19 =	vadd.s32 s31, v19  }
0x2d0: {  	v15 =	vand.u32 $0xFEF, v19;
	v44 =	vld.idx.msk [tilespmem:v53+s25+$0x0], $0xffff  }
0x2d1: {  	v48 =	vld.idx.msk [tilespmem:v58+s25+$0x0], $0xffff  }
0x2d2: {  	[tilespmem:v24+s26+$0x0] =	vst.idx.msk $0xffff, v0;
	v0 =	vld.idx.msk [tilespmem:v29+s25+$0x0], $0xffff  }
0x2d3: {  	v53 =	vld [tilespmem:$0x1FF60];
	[tilespmem:v28+s24+$0x0] =	vst.idx.msk $0xffff, v12  }
0x2d4: {  	v12 =	vld.idx.msk [tilespmem:v61+s25+$0x0], $0xffff;
	[tilespmem:$0x1FAB0] =	vst v15  }
0x2d5: {  	v24 =	vld [tilespmem:$0x1FD20];
	[tilespmem:v15+s24+$0x0] =	vst.idx.msk $0xffff, v62  }
0x2d6: {  	v15 =	vld [tilespmem:$0x1FAC0];
	_ =	sdelay $0x1  }
0x2d7: {  	v19 =	vor.u32 v21, v40;
	_ =	sdelay $0x1  }
0x2d8: {  	v32 =	vadd.s32 s30, v35;
	v35 =	vor.u32 v21, v39  }
0x2d9: {  	v10 =	vand.u32 $0x7AF, v32;
	_ =	sdelay $0x1  }
0x2da: {  	v61 =	vld.idx.msk [tilespmem:v19+s25+$0x0], $0xffff  }
0x2db: {  	v19 =	vld [tilespmem:$0x1FE60];
	[tilespmem:v15+s29+$0x0] =	vst.idx.msk $0xffff, v44  }
0x2dc: {  	v32 =	vld.idx.msk [tilespmem:v35+s25+$0x0], $0xffff;
	[tilespmem:$0x1FAD0] =	vst v10  }
0x2dd: {  	v29 =	vld [tilespmem:$0x1FE70];
	[tilespmem:v10+s24+$0x0] =	vst.idx.msk $0xffff, v48  }
0x2de: {  	v10 =	vld [tilespmem:$0x1FAF0];
	_ =	sdelay $0x6  }
0x2df: {  	v43 =	vmov v28  }
0x2e0: {  	v28 =	vor.u32 v19, v37;
	v15 =	vor.u32 v19, v34;
	v19 =	vadd.s32 s30, v25;
	v25 =	vld [tilespmem:$0x1FAE0];
	[tilespmem:v10+s28+$0x0] =	vst.idx.msk $0xffff, v0  }
0x2e1: {  	v21 =	vor.u32 $0x3400, v22;
	v10 =	vld [tilespmem:$0x1FB10]  }
0x2e2: {  	v46 =	vor.u32 v21, v5  }
0x2e3: {  	v57 =	vor.u32 v53, v2;
	_ =	sdelay $0x1  }
0x2e4: {  	v58 =	vor.u32 v24, v50;
	_ =	sdelay $0x1  }
0x2e5: {  	v62 =	vor.u32 v24, v4;
	v46 =	vld.idx.msk [tilespmem:v46+s25+$0x0], $0xffff  }
0x2e6: {  	v0 =	vld.idx.msk [tilespmem:v57+s25+$0x0], $0xffff;
	[tilespmem:$0x1FB00] =	vst v21  }
0x2e7: {  	[tilespmem:v10+s28+$0x0] =	vst.idx.msk $0xffff, v12  }
0x2e8: {  	v12 =	vld.idx.msk [tilespmem:v58+s25+$0x0], $0xffff;
	[tilespmem:$0x1FB20] =	vst v28  }
0x2e9: {  	v57 =	vld [tilespmem:$0x1FF90];
	[tilespmem:v28+s24+$0x0] =	vst.idx.msk $0xffff, v61  }
0x2ea: {  	v58 =	vld.idx.msk [tilespmem:v62+s25+$0x0], $0xffff;
	[tilespmem:$0x1FB30] =	vst v15  }
0x2eb: {  	v49 =	vor.u32 v21, v6;
	v21 =	vld [tilespmem:$0x1FD30];
	[tilespmem:v15+s24+$0x0] =	vst.idx.msk $0xffff, v32  }
0x2ec: {  	v15 =	vld [tilespmem:$0x1FB40];
	_ =	sdelay $0x7  }
0x2ed: {  	v19 =	vand.u32 $0xFAF, v19;
	v56 =	vor.u32 v29, v39;
	[tilespmem:v15+s29+$0x0] =	vst.idx.msk $0xffff, v46  }
0x2ee: {  	v15 =	vld [tilespmem:$0x1FC10];
	_ =	sdelay $0x3  }
0x2ef: {  	v31 =	vld.idx.msk [tilespmem:v56+s25+$0x0], $0xffff;
	[tilespmem:v19+s24+$0x0] =	vst.idx.msk $0xffff, v0  }
0x2f0: {  	v52 =	vor.u32 v57, v16;
	v56 =	vor.u32 v15, v40;
	v57 =	vor.u32 v15, v41;
	v15 =	vld [tilespmem:$0x1FB50];
	_ =	sdelay $0x7  }
0x2f1: {  	[tilespmem:v15+s28+$0x0] =	vst.idx.msk $0xffff, v12  }
0x2f2: {  	v35 =	vor.u32 v29, v40;
	v15 =	vld [tilespmem:$0x1FB60];
	_ =	sdelay $0x3  }
0x2f3: {  	v61 =	vor.u32 v21, v50  }
0x2f4: {  	v10 =	vor.u32 v8, v37;
	v62 =	vld.idx.msk [tilespmem:v35+s25+$0x0], $0xffff  }
0x2f5: {  	v38 =	vor.u32 v21, v60;
	v0 =	vld.idx.msk [tilespmem:v49+s25+$0x0], $0xffff  }
0x2f6: {  	v8 =	vor.u32 v8, v34;
	v12 =	vld.idx.msk [tilespmem:v52+s25+$0x0], $0xffff  }
0x2f7: {  	v21 =	vld [tilespmem:$0x1FF70];
	[tilespmem:v15+s28+$0x0] =	vst.idx.msk $0xffff, v58  }
0x2f8: {  	v58 =	vld.idx.msk [tilespmem:v61+s25+$0x0], $0xffff;
	[tilespmem:$0x1FB70] =	vst v10  }
0x2f9: {  	[tilespmem:v10+s24+$0x0] =	vst.idx.msk $0xffff, v62  }
0x2fa: {  	v62 =	vld.idx.msk [tilespmem:v38+s25+$0x0], $0xffff;
	[tilespmem:$0x1FB80] =	vst v8  }
0x2fb: {  	[tilespmem:v8+s24+$0x0] =	vst.idx.msk $0xffff, v31  }
0x2fc: {  	v8 =	vld [tilespmem:$0x1FBA0];
	_ =	sdelay $0x3  }
0x2fd: {  	v51 =	vor.u32 v21, v54;
	_ =	sdelay $0x1  }
0x2fe: {  	v15 =	vor.u32 $0x3410, v22  }
0x2ff: {  	v31 =	vld.idx.msk [tilespmem:v56+s25+$0x0], $0xffff;
	[tilespmem:$0x1FB90] =	vst v15  }
0x300: {  	[tilespmem:v8+s29+$0x0] =	vst.idx.msk $0xffff, v0  }
0x301: {  	v46 =	vld [tilespmem:$0x1FBB0];
	[tilespmem:v51+s24+$0x0] =	vst.idx.msk $0xffff, v12  }
0x302: {  	v8 =	vld [tilespmem:$0x1FBC0];
	_ =	sdelay $0x7  }
0x303: {  	[tilespmem:v8+s28+$0x0] =	vst.idx.msk $0xffff, v58  }
0x304: {  	v8 =	vld [tilespmem:$0x1FBD0];
	_ =	sdelay $0x7  }
0x305: {  	v37 =	vor.u32 v15, v5;
	v38 =	vor.u32 v15, v6;
	v15 =	vld [tilespmem:$0x1FC20];
	[tilespmem:v8+s28+$0x0] =	vst.idx.msk $0xffff, v62  }
0x306: {  	v8 =	vld [tilespmem:$0x1FBE0];
	_ =	sdelay $0x1  }
0x307: {  	v0 =	vld.idx.msk [tilespmem:v57+s25+$0x0], $0xffff  }
0x308: {  	v10 =	vor.u32 v63, v50;
	_ =	sdelay $0x2  }
0x309: {  	v61 =	vor.u32 v55, v16  }
0x30a: {  	[tilespmem:v46+s26+$0x0] =	vst.idx.msk $0xffff, v0  }
0x30b: {  	v12 =	vor.u32 v63, v60;
	v57 =	vld.idx.msk [tilespmem:v10+s25+$0x0], $0xffff;
	[tilespmem:v8+s26+$0x0] =	vst.idx.msk $0xffff, v31  }
0x30c: {  	v49 =	vor.u32 v15, v40;
	v10 =	vld [tilespmem:$0x1FFA0]  }
0x30d: {  	v63 =	vld.idx.msk [tilespmem:v37+s25+$0x0], $0xffff  }
0x30e: {  	v53 =	vld.idx.msk [tilespmem:v61+s25+$0x0], $0xffff  }
0x30f: {  	v59 =	vor.u32 v59, v2;
	v29 =	vmov v16;
	v61 =	vld.idx.msk [tilespmem:v38+s25+$0x0], $0xffff;
	v8 =	vor.u32 $0x3600, v22;
	[tilespmem:$0x1FBF0] =	vst v54  }
0x310: {  	v55 =	vor.u32 v15, v41;
	v62 =	vor.u32 v14, v50;
	v0 =	vor.u32 v8, v11;
	v56 =	vld.idx.msk [tilespmem:v12+s25+$0x0], $0xffff  }
0x311: {  	s1 =	simm.s32 $0x7;
	s31 =	simm.s32 $0x8;
	v28 =	vmov v2;
	v58 =	vld.idx.msk [tilespmem:v49+s25+$0x0], $0xffff;
	[tilespmem:$0x1FC00] =	vst v8;
	v12 =	vor.u32 v8, v5;
	v52 =	vor.u32 v10, v54  }
.LBB2_3:
0x312: {  	v8 =	vld [tilespmem:$0x1FED0];
	_ =	sdelay $0x4  }
0x313: {  	v10 =	vadd.s32 s30, v8;
	v8 =	vld [tilespmem:$0x1FC30];
	_ =	sdelay $0x3  }
0x314: {  	[tilespmem:$0x1F520] =	vst v26;
	v34 =	vor.u32 v14, v4;
	v14 =	vld [tilespmem:$0x1F5A0]  }
0x315: {  	[tilespmem:$0x1FAE0] =	vst v25;
	v38 =	vor.u32 v8, v40;
	v47 =	vor.u32 v8, v39;
	v8 =	vld [tilespmem:$0x1F5C0]  }
0x316: {  	[tilespmem:$0x1F530] =	vst v1  }
0x317: {  	[tilespmem:$0x1FBB0] =	vst v46  }
0x318: {  	[tilespmem:$0x1F660] =	vst v9  }
0x319: {  	[tilespmem:$0x1F690] =	vst v7  }
0x31a: {  	[tilespmem:v52+s24+$0x0] =	vst.idx.msk $0xffff, v53  }
0x31b: {  	[tilespmem:$0x1F550] =	vst v3;
	v31 =	vld.idx.msk [tilespmem:v55+s25+$0x0], $0xffff  }
0x31c: {  	v45 =	vld.idx.msk [tilespmem:v59+s25+$0x0], $0xffff;
	[tilespmem:v14+s29+$0x0] =	vst.idx.msk $0xffff, v63  }
0x31d: {  	v12 =	vld.idx.msk [tilespmem:v12+s25+$0x0], $0xffff;
	[tilespmem:v8+s29+$0x0] =	vst.idx.msk $0xffff, v61  }
0x31e: {  	[tilespmem:v3+s28+$0x0] =	vst.idx.msk $0xffff, v57;
	v0 =	vld.idx.msk [tilespmem:v0+s25+$0x0], $0xffff  }
0x31f: {  	v3 =	vld [tilespmem:$0x1F6D0];
	_ =	sdelay $0x4  }
0x320: {  	v16 =	vmov v3;
	v3 =	vld [tilespmem:$0x1F7B0];
	_ =	sdelay $0x4  }
0x321: {  	v44 =	vmov v3;
	v3 =	vld [tilespmem:$0x1F6F0];
	_ =	sdelay $0x1  }
0x322: {  	v15 =	vld [tilespmem:$0x1FD60];
	_ =	sdelay $0x1  }
0x323: {  	v14 =	vld [tilespmem:$0x1FFD0]  }
0x324: {  	v53 =	vadd.s32 s1, v22;
	[tilespmem:v9+s28+$0x0] =	vst.idx.msk $0xffff, v56;
	v21 =	vmov v3;
	v3 =	vld [tilespmem:$0x1F770]  }
0x325: {  	v54 =	vand.u32 $0xF, v53;
	v34 =	vld.idx.msk [tilespmem:v34+s25+$0x0], $0xffff  }
0x326: {  	v59 =	vshll.u32 v54, $0x5;
	[tilespmem:v26+s26+$0x0] =	vst.idx.msk $0xffff, v31;
	v31 =	vor.u32 v15, v50;
	v63 =	vor.u32 v15, v4;
	v15 =	vld [tilespmem:$0x1F5B0]  }
0x327: {  	v48 =	vor.u32 v22, v59;
	_ =	sdelay $0x1  }
0x328: {  	v8 =	vmov v3;
	v3 =	vmov v19;
	v19 =	vor.u32 v14, v54;
	v14 =	vld [tilespmem:$0x1FC40];
	_ =	sdelay $0x1  }
0x329: {  	v49 =	vld.idx.msk [tilespmem:v62+s25+$0x0], $0xffff;
	[tilespmem:v17+s26+$0x0] =	vst.idx.msk $0xffff, v58  }
0x32a: {  	v48 =	vld.idx.msk [tilespmem:v48+s25+$0x0], $0xffff  }
0x32b: {  	[tilespmem:$0x1F770] =	vst v3;
	v3 =	vld.idx.msk [tilespmem:v38+s25+$0x0], $0xffff  }
0x32c: {  	[tilespmem:v15+s29+$0x0] =	vst.idx.msk $0xffff, v12;
	v58 =	vor.u32 v14, v40;
	v12 =	vor.u32 v14, v39;
	v14 =	vld [tilespmem:$0x1F5E0]  }
0x32d: {  	v10 =	vand.u32 $0x7CF, v10;
	_ =	sdelay $0x1  }
0x32e: {  	v2 =	vor.u32 $0x3610, v22  }
0x32f: {  	v62 =	vor.u32 v2, v5;
	_ =	sdelay $0x1  }
0x330: {  	v61 =	vor.u32 v2, v11;
	[tilespmem:v10+s24+$0x0] =	vst.idx.msk $0xffff, v45  }
0x331: {  	v46 =	vld.idx.msk [tilespmem:v47+s25+$0x0], $0xffff  }
0x332: {  	[tilespmem:v14+s29+$0x0] =	vst.idx.msk $0xffff, v0;
	v14 =	vld [tilespmem:$0x1F720]  }
0x333: {  	v0 =	vld.idx.msk [tilespmem:v62+s25+$0x0], $0xffff  }
0x334: {  	[tilespmem:v7+s28+$0x0] =	vst.idx.msk $0xffff, v49;
	v7 =	vld [tilespmem:$0x1F740]  }
0x335: {  	[tilespmem:$0x1F500] =	vst v17;
	v49 =	vld.idx.msk [tilespmem:v61+s25+$0x0], $0xffff  }
0x336: {  	[tilespmem:$0x1F540] =	vst v13;
	v31 =	vld.idx.msk [tilespmem:v31+s25+$0x0], $0xffff  }
0x337: {  	[tilespmem:v25+s28+$0x0] =	vst.idx.msk $0xffff, v34;
	v17 =	vmov v14;
	v14 =	vld [tilespmem:$0x1F820]  }
0x338: {  	[tilespmem:v1+s26+$0x0] =	vst.idx.msk $0xffff, v3;
	v3 =	vld.idx.msk [tilespmem:v63+s25+$0x0], $0xffff  }
0x339: {  	[tilespmem:v13+s26+$0x0] =	vst.idx.msk $0xffff, v46;
	v13 =	vld [tilespmem:$0x1FD70];
	_ =	sdelay $0x1  }
0x33a: {  	v37 =	vld [tilespmem:$0x1FFE0]  }
0x33b: {  	v62 =	vmov v14;
	v14 =	vmov v7;
	v7 =	vld [tilespmem:$0x1F7E0]  }
0x33c: {  	v32 =	vand.u32 $0x788, v19  }
0x33d: {  	v19 =	vand.u32 $0x7, v53;
	v38 =	vor.u32 v13, v50;
	v63 =	vor.u32 v13, v60;
	v13 =	vld [tilespmem:$0x1F5D0]  }
0x33e: {  	v57 =	vor.u32 v19, v32  }
0x33f: {  	v56 =	vor.u32 v37, v59  }
0x340: {  	v24 =	vmov v7;
	v7 =	vmov v51  }
0x341: {  	[tilespmem:$0x1F7E0] =	vst v7;
	v7 =	vld [tilespmem:$0x1FE80];
	_ =	sdelay $0x1  }
0x342: {  	v9 =	vld.idx.msk [tilespmem:v58+s25+$0x0], $0xffff;
	[tilespmem:v57+s24+$0x0] =	vst.idx.msk $0xffff, v48  }
0x343: {  	v51 =	vld.idx.msk [tilespmem:v56+s25+$0x0], $0xffff  }
0x344: {  	[tilespmem:v13+s29+$0x0] =	vst.idx.msk $0xffff, v0;
	v0 =	vld [tilespmem:$0x1F780]  }
0x345: {  	v61 =	vor.u32 v7, v54;
	v7 =	vld [tilespmem:$0x1FC50];
	_ =	sdelay $0x4  }
0x346: {  	v45 =	vmov v0;
	v58 =	vor.u32 v7, v40;
	v0 =	vor.u32 v7, v41;
	v7 =	vld [tilespmem:$0x1F610];
	_ =	sdelay $0x6  }
0x347: {  	v12 =	vld.idx.msk [tilespmem:v12+s25+$0x0], $0xffff  }
0x348: {  	[tilespmem:v7+s29+$0x0] =	vst.idx.msk $0xffff, v49;
	v7 =	vld [tilespmem:$0x1F890];
	_ =	sdelay $0x4  }
0x349: {  	v32 =	vmov v7;
	v7 =	vld [tilespmem:$0x1F7A0];
	_ =	sdelay $0x4  }
0x34a: {  	v46 =	vand.u32 $0xF88, v61;
	v61 =	vmov v7;
	v7 =	vld [tilespmem:$0x1F850];
	_ =	sdelay $0x1  }
0x34b: {  	v15 =	vor.u32 $0x3800, v22;
	_ =	sdelay $0x2  }
0x34c: {  	[tilespmem:$0x1F480] =	vst v15;
	v35 =	vor.u32 v15, v5;
	v34 =	vor.u32 v15, v6;
	v15 =	vmovc v7;
	v7 =	vmov v52  }
0x34d: {  	[tilespmem:$0x1F850] =	vst v7;
	v7 =	vld [tilespmem:$0x1FD80];
	_ =	sdelay $0x1  }
0x34e: {  	v56 =	vld [tilespmem:$0x1FEF0];
	_ =	sdelay $0x2  }
0x34f: {  	v48 =	vor.u32 v7, v50;
	v52 =	vor.u32 v7, v60;
	v7 =	vld [tilespmem:$0x1F600]  }
0x350: {  	v1 =	vor.u32 v19, v46  }
0x351: {  	v46 =	vor.u32 v56, v59;
	v49 =	vld.idx.msk [tilespmem:v35+s25+$0x0], $0xffff;
	[tilespmem:v16+s28+$0x0] =	vst.idx.msk $0xffff, v31  }
0x352: {  	v31 =	vld.idx.msk [tilespmem:v34+s25+$0x0], $0xffff;
	[tilespmem:v21+s28+$0x0] =	vst.idx.msk $0xffff, v3  }
0x353: {  	v3 =	vld.idx.msk [tilespmem:v38+s25+$0x0], $0xffff;
	[tilespmem:v27+s26+$0x0] =	vst.idx.msk $0xffff, v9  }
0x354: {  	v9 =	vld.idx.msk [tilespmem:v63+s25+$0x0], $0xffff;
	[tilespmem:v18+s26+$0x0] =	vst.idx.msk $0xffff, v12  }
0x355: {  	v12 =	vld.idx.msk [tilespmem:v58+s25+$0x0], $0xffff;
	[tilespmem:v1+s24+$0x0] =	vst.idx.msk $0xffff, v51  }
0x356: {  	v55 =	vld.idx.msk [tilespmem:v46+s25+$0x0], $0xffff  }
0x357: {  	[tilespmem:v7+s29+$0x0] =	vst.idx.msk $0xffff, v49;
	v7 =	vld [tilespmem:$0x1F7F0];
	_ =	sdelay $0x4  }
0x358: {  	[tilespmem:$0x1F560] =	vst v27;
	v27 =	vmov v7;
	v7 =	vld [tilespmem:$0x1F900];
	_ =	sdelay $0x4  }
0x359: {  	[tilespmem:$0x1F5C0] =	vst v21;
	v21 =	vmov v7;
	v7 =	vld [tilespmem:$0x1F640];
	_ =	sdelay $0x5  }
0x35a: {  	v13 =	vor.u32 $0x3810, v22  }
0x35b: {  	v38 =	vor.u32 v13, v5;
	v0 =	vld.idx.msk [tilespmem:v0+s25+$0x0], $0xffff  }
0x35c: {  	[tilespmem:v7+s29+$0x0] =	vst.idx.msk $0xffff, v31;
	v7 =	vld [tilespmem:$0x1F810];
	_ =	sdelay $0x3  }
0x35d: {  	v31 =	vld.idx.msk [tilespmem:v38+s25+$0x0], $0xffff  }
0x35e: {  	v38 =	vmov v7;
	v7 =	vld [tilespmem:$0x1F8C0];
	_ =	sdelay $0x4  }
0x35f: {  	v47 =	vld [tilespmem:$0x1FF00];
	[tilespmem:$0x1F5A0] =	vst v16;
	v35 =	vmov v7;
	v7 =	vmov v10  }
0x360: {  	[tilespmem:$0x1F8C0] =	vst v7;
	v7 =	vld [tilespmem:$0x1F5F0]  }
0x361: {  	[tilespmem:$0x1F490] =	vst v13;
	v16 =	vor.u32 v13, v6;
	v13 =	vld [tilespmem:$0x1FC60]  }
0x362: {  	[tilespmem:$0x1F510] =	vst v1;
	v1 =	vld [tilespmem:$0x1FF10];
	_ =	sdelay $0x2  }
0x363: {  	v10 =	vor.u32 v7, v4;
	v49 =	vor.u32 v7, v50;
	v7 =	vld [tilespmem:$0x1F630]  }
0x364: {  	v51 =	vor.u32 v47, v53;
	v58 =	vor.u32 v13, v40  }
0x365: {  	v63 =	vor.u32 v1, v59;
	[tilespmem:v17+s28+$0x0] =	vst.idx.msk $0xffff, v3  }
0x366: {  	v3 =	vld.idx.msk [tilespmem:v16+s25+$0x0], $0xffff;
	[tilespmem:v14+s28+$0x0] =	vst.idx.msk $0xffff, v9  }
0x367: {  	v9 =	vld.idx.msk [tilespmem:v48+s25+$0x0], $0xffff;
	[tilespmem:v23+s26+$0x0] =	vst.idx.msk $0xffff, v12  }
0x368: {  	v12 =	vld.idx.msk [tilespmem:v52+s25+$0x0], $0xffff;
	[tilespmem:v20+s26+$0x0] =	vst.idx.msk $0xffff, v0  }
0x369: {  	v0 =	vld.idx.msk [tilespmem:v58+s25+$0x0], $0xffff;
	[tilespmem:v51+s24+$0x0] =	vst.idx.msk $0xffff, v55  }
0x36a: {  	v34 =	vld.idx.msk [tilespmem:v63+s25+$0x0], $0xffff  }
0x36b: {  	[tilespmem:v7+s29+$0x0] =	vst.idx.msk $0xffff, v31;
	v7 =	vld [tilespmem:$0x1F860];
	_ =	sdelay $0x4  }
0x36c: {  	v63 =	vmov v7;
	v7 =	vld [tilespmem:$0x1F680];
	_ =	sdelay $0x1  }
0x36d: {  	v26 =	vor.u32 v13, v41;
	_ =	sdelay $0x3  }
0x36e: {  	v13 =	vor.u32 $0x3A00, v22  }
0x36f: {  	v46 =	vor.u32 v13, v5;
	v26 =	vld.idx.msk [tilespmem:v26+s25+$0x0], $0xffff  }
0x370: {  	[tilespmem:v7+s29+$0x0] =	vst.idx.msk $0xffff, v3;
	v7 =	vld [tilespmem:$0x1F880];
	_ =	sdelay $0x1  }
0x371: {  	[tilespmem:$0x1F4A0] =	vst v13;
	v16 =	vor.u32 v13, v11;
	v13 =	vld [tilespmem:$0x1FF20]  }
0x372: {  	[tilespmem:$0x1F590] =	vst v20;
	v20 =	vld [tilespmem:$0x1FC70]  }
0x373: {  	v3 =	vld.idx.msk [tilespmem:v46+s25+$0x0], $0xffff  }
0x374: {  	v48 =	vmov v7;
	v7 =	vld [tilespmem:$0x1F950]  }
0x375: {  	[tilespmem:$0x1F6F0] =	vst v8;
	v46 =	vld [tilespmem:$0x1FFB0]  }
0x376: {  	[tilespmem:v45+s28+$0x0] =	vst.idx.msk $0xffff, v9;
	v9 =	vld.idx.msk [tilespmem:v16+s25+$0x0], $0xffff  }
0x377: {  	[tilespmem:v61+s28+$0x0] =	vst.idx.msk $0xffff, v12;
	v12 =	vld.idx.msk [tilespmem:v49+s25+$0x0], $0xffff  }
0x378: {  	[tilespmem:v44+s26+$0x0] =	vst.idx.msk $0xffff, v0;
	v0 =	vld.idx.msk [tilespmem:v10+s25+$0x0], $0xffff  }
0x379: {  	[tilespmem:$0x1F610] =	vst v61;
	v61 =	vmov v7;
	v7 =	vld [tilespmem:$0x1F620]  }
0x37a: {  	[tilespmem:v8+s26+$0x0] =	vst.idx.msk $0xffff, v26;
	v8 =	vld [tilespmem:$0x1F670]  }
0x37b: {  	v52 =	vor.u32 v13, v53;
	v55 =	vor.u32 v20, v40  }
0x37c: {  	v58 =	vor.u32 v46, v59;
	_ =	sdelay $0x1  }
0x37d: {  	[tilespmem:$0x1F580] =	vst v23;
	v23 =	vor.u32 v7, v4;
	v26 =	vor.u32 v7, v50;
	v7 =	vld [tilespmem:$0x1FE90];
	_ =	sdelay $0x1  }
0x37e: {  	v10 =	vld.idx.msk [tilespmem:v55+s25+$0x0], $0xffff;
	[tilespmem:v52+s24+$0x0] =	vst.idx.msk $0xffff, v34  }
0x37f: {  	[tilespmem:$0x1F5E0] =	vst v14;
	v14 =	vmov v36;
	v36 =	vld.idx.msk [tilespmem:v58+s25+$0x0], $0xffff  }
0x380: {  	[tilespmem:v8+s29+$0x0] =	vst.idx.msk $0xffff, v3;
	v3 =	vld [tilespmem:$0x1F8D0]  }
0x381: {  	[tilespmem:$0x1F6D0] =	vst v44;
	v44 =	vor.u32 v7, v54;
	v7 =	vld [tilespmem:$0x1FC80];
	_ =	sdelay $0x4  }
0x382: {  	[tilespmem:$0x1F5B0] =	vst v17;
	v17 =	vmovc v60;
	v60 =	vmov v3;
	v55 =	vor.u32 v7, v40;
	v3 =	vor.u32 v7, v39;
	v7 =	vld [tilespmem:$0x1F6C0]  }
0x383: {  	v31 =	vor.u32 v20, v39  }
0x384: {  	v20 =	vor.u32 $0x3A10, v22  }
0x385: {  	[tilespmem:$0x1F5D0] =	vst v45;
	v45 =	vor.u32 v20, v5  }
0x386: {  	v16 =	vor.u32 v20, v11;
	_ =	sdelay $0x1  }
0x387: {  	v31 =	vld.idx.msk [tilespmem:v31+s25+$0x0], $0xffff  }
0x388: {  	v8 =	vld [tilespmem:$0x1F9B0]  }
0x389: {  	[tilespmem:v7+s29+$0x0] =	vst.idx.msk $0xffff, v9;
	v9 =	vld.idx.msk [tilespmem:v45+s25+$0x0], $0xffff  }
0x38a: {  	[tilespmem:v27+s28+$0x0] =	vst.idx.msk $0xffff, v12;
	v12 =	vld.idx.msk [tilespmem:v16+s25+$0x0], $0xffff  }
0x38b: {  	v7 =	vor.u32 $0x3C00, v22;
	[tilespmem:v38+s28+$0x0] =	vst.idx.msk $0xffff, v0;
	v0 =	vld.idx.msk [tilespmem:v26+s25+$0x0], $0xffff  }
0x38c: {  	v16 =	vor.u32 v7, v6;
	[tilespmem:$0x1F4C0] =	vst v7;
	v26 =	vor.u32 v7, v5;
	v7 =	vld [tilespmem:$0x1F8F0];
	_ =	sdelay $0x4  }
0x38d: {  	[tilespmem:$0x1F640] =	vst v38;
	v38 =	vmov v7;
	v7 =	vmov v8;
	v8 =	vld [tilespmem:$0x1F650]  }
0x38e: {  	v34 =	vand.u32 $0x7A8, v44;
	v44 =	vld [tilespmem:$0x1FF60];
	_ =	sdelay $0x2  }
0x38f: {  	v25 =	vmov v33;
	[tilespmem:$0x1F4B0] =	vst v20;
	v20 =	vld [tilespmem:$0x1F6B0]  }
0x390: {  	[tilespmem:$0x1F600] =	vst v27;
	v58 =	vor.u32 v19, v34;
	v27 =	vor.u32 v8, v17;
	v33 =	vor.u32 v8, v50;
	v8 =	vld [tilespmem:$0x1FEC0]  }
0x391: {  	v45 =	vor.u32 v44, v59;
	_ =	sdelay $0x1  }
0x392: {  	[tilespmem:v62+s26+$0x0] =	vst.idx.msk $0xffff, v10;
	v10 =	vld.idx.msk [tilespmem:v23+s25+$0x0], $0xffff  }
0x393: {  	[tilespmem:v24+s26+$0x0] =	vst.idx.msk $0xffff, v31;
	v23 =	vld.idx.msk [tilespmem:v55+s25+$0x0], $0xffff  }
0x394: {  	[tilespmem:v58+s24+$0x0] =	vst.idx.msk $0xffff, v36;
	v36 =	vld.idx.msk [tilespmem:v3+s25+$0x0], $0xffff;
	v31 =	vor.u32 v8, v54  }
0x395: {  	v34 =	vld.idx.msk [tilespmem:v45+s25+$0x0], $0xffff;
	v3 =	vand.u32 $0xFA8, v31  }
0x396: {  	[tilespmem:v20+s29+$0x0] =	vst.idx.msk $0xffff, v9;
	v20 =	vor.u32 v19, v3;
	v3 =	vld [tilespmem:$0x1F710];
	_ =	sdelay $0x6  }
0x397: {  	[tilespmem:$0x1F630] =	vst v63  }
0x398: {  	[tilespmem:v3+s29+$0x0] =	vst.idx.msk $0xffff, v12;
	v12 =	vld.idx.msk [tilespmem:v26+s25+$0x0], $0xffff  }
0x399: {  	[tilespmem:v63+s28+$0x0] =	vst.idx.msk $0xffff, v0;
	v3 =	vor.u32 $0x3C10, v22;
	v0 =	vld.idx.msk [tilespmem:v16+s25+$0x0], $0xffff  }
0x39a: {  	v63 =	vmov v30;
	v16 =	vor.u32 v3, v6;
	[tilespmem:$0x1F4D0] =	vst v3;
	v30 =	vor.u32 v3, v5;
	v3 =	vld [tilespmem:$0x1F6A0];
	_ =	sdelay $0x2  }
0x39b: {  	[tilespmem:v48+s28+$0x0] =	vst.idx.msk $0xffff, v10;
	v10 =	vld.idx.msk [tilespmem:v33+s25+$0x0], $0xffff  }
0x39c: {  	[tilespmem:v32+s26+$0x0] =	vst.idx.msk $0xffff, v23;
	v23 =	vld.idx.msk [tilespmem:v27+s25+$0x0], $0xffff  }
0x39d: {  	[tilespmem:v15+s26+$0x0] =	vst.idx.msk $0xffff, v36;
	v33 =	vor.u32 v3, v17;
	v36 =	vor.u32 v3, v50;
	v3 =	vld [tilespmem:$0x1F940];
	_ =	sdelay $0x4  }
0x39e: {  	[tilespmem:$0x1F680] =	vst v48;
	v48 =	vmov v3;
	v3 =	vld [tilespmem:$0x1FA00]  }
0x39f: {  	v8 =	vld [tilespmem:$0x1FC90]  }
0x3a0: {  	v45 =	vld [tilespmem:$0x1FF90];
	_ =	sdelay $0x2  }
0x3a1: {  	[tilespmem:$0x1F740] =	vst v24;
	v24 =	vmov v3;
	v3 =	vld [tilespmem:$0x1F700]  }
0x3a2: {  	v49 =	vor.u32 v8, v40  }
0x3a3: {  	v9 =	vld [tilespmem:$0x1F930];
	v26 =	vor.u32 v45, v59;
	_ =	sdelay $0x2  }
0x3a4: {  	[tilespmem:$0x1F570] =	vst v18  }
0x3a5: {  	v27 =	vld.idx.msk [tilespmem:v49+s25+$0x0], $0xffff;
	[tilespmem:v20+s24+$0x0] =	vst.idx.msk $0xffff, v34  }
0x3a6: {  	v18 =	vmov v39;
	v39 =	vmov v9;
	[tilespmem:$0x1F7B0] =	vst v20;
	v9 =	vor.u32 v8, v41;
	v20 =	vld.idx.msk [tilespmem:v26+s25+$0x0], $0xffff  }
0x3a7: {  	[tilespmem:v3+s29+$0x0] =	vst.idx.msk $0xffff, v12;
	v3 =	vld [tilespmem:$0x1F980];
	_ =	sdelay $0x3  }
0x3a8: {  	v55 =	vld.idx.msk [tilespmem:v9+s25+$0x0], $0xffff  }
0x3a9: {  	v9 =	vmov v3;
	v3 =	vld [tilespmem:$0x1F760];
	_ =	sdelay $0x7  }
0x3aa: {  	[tilespmem:v3+s29+$0x0] =	vst.idx.msk $0xffff, v0;
	v3 =	vld [tilespmem:$0x1F990];
	_ =	sdelay $0x4  }
0x3ab: {  	[tilespmem:$0x1F720] =	vst v62;
	v62 =	vmov v3;
	v3 =	vld [tilespmem:$0x1FA60];
	_ =	sdelay $0x1  }
0x3ac: {  	v31 =	vld [tilespmem:$0x1FF70]  }
0x3ad: {  	v8 =	vld [tilespmem:$0x1FCA0]  }
0x3ae: {  	v49 =	vld [tilespmem:$0x1FF40]  }
0x3af: {  	[tilespmem:$0x1F780] =	vst v32;
	v32 =	vmov v3;
	v3 =	vld [tilespmem:$0x1F6E0]  }
0x3b0: {  	v0 =	vld.idx.msk [tilespmem:v30+s25+$0x0], $0xffff  }
0x3b1: {  	[tilespmem:v60+s28+$0x0] =	vst.idx.msk $0xffff, v10;
	v10 =	vld.idx.msk [tilespmem:v16+s25+$0x0], $0xffff  }
0x3b2: {  	[tilespmem:v38+s28+$0x0] =	vst.idx.msk $0xffff, v23;
	v23 =	vld.idx.msk [tilespmem:v36+s25+$0x0], $0xffff  }
0x3b3: {  	v6 =	vmov v4;
	v4 =	vmov v41;
	[tilespmem:v21+s26+$0x0] =	vst.idx.msk $0xffff, v27;
	v27 =	vld.idx.msk [tilespmem:v33+s25+$0x0], $0xffff  }
0x3b4: {  	v41 =	vmov v28;
	[tilespmem:v35+s26+$0x0] =	vst.idx.msk $0xffff, v55;
	v28 =	vor.u32 v3, v6;
	v55 =	vor.u32 v3, v50;
	v3 =	vld [tilespmem:$0x1F750]  }
0x3b5: {  	v34 =	vor.u32 v31, v53;
	v26 =	vor.u32 v8, v40  }
0x3b6: {  	v30 =	vor.u32 v49, v59;
	_ =	sdelay $0x3  }
0x3b7: {  	v26 =	vld.idx.msk [tilespmem:v26+s25+$0x0], $0xffff;
	[tilespmem:v34+s24+$0x0] =	vst.idx.msk $0xffff, v20  }
0x3b8: {  	v20 =	vld.idx.msk [tilespmem:v30+s25+$0x0], $0xffff  }
0x3b9: {  	[tilespmem:v3+s29+$0x0] =	vst.idx.msk $0xffff, v0;
	v3 =	vld [tilespmem:$0x1F7D0]  }
0x3ba: {  	v12 =	vor.u32 v8, v4;
	_ =	sdelay $0x3  }
0x3bb: {  	v16 =	vld [tilespmem:$0x1FCB0]  }
0x3bc: {  	v8 =	vor.u32 $0x3E00, v22;
	v12 =	vld.idx.msk [tilespmem:v12+s25+$0x0], $0xffff  }
0x3bd: {  	[tilespmem:$0x1F7A0] =	vst v15;
	v15 =	vmov v42;
	v42 =	vor.u32 v8, v5;
	v0 =	vld [tilespmem:$0x1F9E0]  }
0x3be: {  	[tilespmem:v3+s29+$0x0] =	vst.idx.msk $0xffff, v10;
	v3 =	vld [tilespmem:$0x1F9F0]  }
0x3bf: {  	v36 =	vor.u32 v8, v11;
	_ =	sdelay $0x1  }
0x3c0: {  	[tilespmem:$0x1F820] =	vst v34;
	v34 =	vld [tilespmem:$0x1FFA0]  }
0x3c1: {  	v30 =	vor.u32 v16, v40;
	v42 =	vld.idx.msk [tilespmem:v42+s25+$0x0], $0xffff  }
0x3c2: {  	[tilespmem:$0x1F4E0] =	vst v8;
	v8 =	vmov v0;
	v0 =	vor.u32 v16, v18;
	v16 =	vmov v3;
	v3 =	vld [tilespmem:$0x1F730]  }
0x3c3: {  	[tilespmem:v39+s28+$0x0] =	vst.idx.msk $0xffff, v23;
	v23 =	vld.idx.msk [tilespmem:v36+s25+$0x0], $0xffff  }
0x3c4: {  	[tilespmem:v48+s28+$0x0] =	vst.idx.msk $0xffff, v27;
	v27 =	vld.idx.msk [tilespmem:v55+s25+$0x0], $0xffff  }
0x3c5: {  	v10 =	vor.u32 $0x3E10, v22;
	[tilespmem:v14+s26+$0x0] =	vst.idx.msk $0xffff, v26;
	v28 =	vld.idx.msk [tilespmem:v28+s25+$0x0], $0xffff  }
0x3c6: {  	v36 =	vor.u32 v10, v5;
	v5 =	vmov v50;
	[tilespmem:v61+s26+$0x0] =	vst.idx.msk $0xffff, v12;
	v12 =	vld.idx.msk [tilespmem:v30+s25+$0x0], $0xffff  }
0x3c7: {  	[tilespmem:$0x1F670] =	vst v60;
	v60 =	vor.u32 v34, v53;
	v30 =	vor.u32 v3, v6;
	v55 =	vor.u32 v3, v5;
	v3 =	vld [tilespmem:$0x1FEE0];
	_ =	sdelay $0x1  }
0x3c8: {  	[tilespmem:$0x1F810] =	vst v35;
	v35 =	vld [tilespmem:$0x1FD90];
	_ =	sdelay $0x2  }
0x3c9: {  	[tilespmem:v60+s24+$0x0] =	vst.idx.msk $0xffff, v20;
	v20 =	vor.u32 v3, v54;
	v3 =	vld [tilespmem:$0x1F7C0];
	_ =	sdelay $0x1  }
0x3ca: {  	[tilespmem:$0x1F7F0] =	vst v21;
	v21 =	vmov v43;
	v43 =	vor.u32 v35, v59;
	_ =	sdelay $0x4  }
0x3cb: {  	v43 =	vld.idx.msk [tilespmem:v43+s25+$0x0], $0xffff  }
0x3cc: {  	[tilespmem:v3+s29+$0x0] =	vst.idx.msk $0xffff, v42;
	v3 =	vld [tilespmem:$0x1F840];
	_ =	sdelay $0x6  }
0x3cd: {  	v33 =	vor.u32 v10, v11;
	v0 =	vld.idx.msk [tilespmem:v0+s25+$0x0], $0xffff  }
0x3ce: {  	[tilespmem:v3+s29+$0x0] =	vst.idx.msk $0xffff, v23;
	v3 =	vld [tilespmem:$0x1FEB0];
	_ =	sdelay $0x2  }
0x3cf: {  	v23 =	vld.idx.msk [tilespmem:v36+s25+$0x0], $0xffff  }
0x3d0: {  	v50 =	vmov v40;
	v40 =	vmov v59;
	[tilespmem:v9+s28+$0x0] =	vst.idx.msk $0xffff, v27;
	v27 =	vld.idx.msk [tilespmem:v33+s25+$0x0], $0xffff  }
0x3d1: {  	v36 =	vor.u32 v3, v40;
	v33 =	vor.u32 v3, v41;
	v3 =	vld [tilespmem:$0x1FAB0];
	_ =	sdelay $0x2  }
0x3d2: {  	[tilespmem:$0x1F4F0] =	vst v10;
	v10 =	vld [tilespmem:$0x1FCC0];
	_ =	sdelay $0x1  }
0x3d3: {  	[tilespmem:$0x1F700] =	vst v9;
	v9 =	vmov v3;
	v3 =	vld [tilespmem:$0x1FA30]  }
0x3d4: {  	[tilespmem:$0x1F880] =	vst v61  }
0x3d5: {  	[tilespmem:$0x1F710] =	vst v48;
	v59 =	vadd.s32 s31, v22  }
0x3d6: {  	[tilespmem:$0x1F890] =	vst v60;
	v60 =	vmovc v18;
	v48 =	vshll.u32 v59, $0x5;
	v61 =	vor.u32 v10, v50;
	v20 =	vand.u32 $0x7C8, v20  }
0x3d7: {  	[tilespmem:$0x1F860] =	vst v14;
	v14 =	vor.u32 v19, v20;
	v20 =	vor.u32 v10, v60;
	v10 =	vand.u32 $0x1E0, v48  }
0x3d8: {  	v11 =	vmov v17;
	v17 =	vor.u32 v22, v10;
	v22 =	vmov v3;
	v3 =	vld [tilespmem:$0x1F790];
	_ =	sdelay $0x2  }
0x3d9: {  	[tilespmem:v62+s28+$0x0] =	vst.idx.msk $0xffff, v28;
	v28 =	vld.idx.msk [tilespmem:v55+s25+$0x0], $0xffff  }
0x3da: {  	[tilespmem:v25+s26+$0x0] =	vst.idx.msk $0xffff, v12;
	v12 =	vld.idx.msk [tilespmem:v30+s25+$0x0], $0xffff  }
0x3db: {  	v30 =	vor.u32 v3, v11;
	v42 =	vor.u32 v3, v5;
	v3 =	vld [tilespmem:$0x1FB20];
	_ =	sdelay $0x4  }
0x3dc: {  	[tilespmem:$0x1F8D0] =	vst v25;
	v25 =	vmov v3;
	v3 =	vld [tilespmem:$0x1FA40];
	_ =	sdelay $0x4  }
0x3dd: {  	v26 =	vmov v3;
	v3 =	vld [tilespmem:$0x1FF30];
	_ =	sdelay $0x4  }
0x3de: {  	[tilespmem:$0x1F6B0] =	vst v39;
	v39 =	vmov v29;
	v29 =	vadd.s32 s30, v3;
	v3 =	vld [tilespmem:$0x1F830];
	_ =	sdelay $0x4  }
0x3df: {  	[tilespmem:v7+s26+$0x0] =	vst.idx.msk $0xffff, v0  }
0x3e0: {  	v0 =	vld.idx.msk [tilespmem:v61+s25+$0x0], $0xffff;
	[tilespmem:v14+s24+$0x0] =	vst.idx.msk $0xffff, v43  }
0x3e1: {  	v55 =	vld.idx.msk [tilespmem:v36+s25+$0x0], $0xffff  }
0x3e2: {  	[tilespmem:v3+s29+$0x0] =	vst.idx.msk $0xffff, v23;
	v3 =	vld [tilespmem:$0x1F8B0];
	_ =	sdelay $0x5  }
0x3e3: {  	v20 =	vld.idx.msk [tilespmem:v20+s25+$0x0], $0xffff  }
0x3e4: {  	v33 =	vld.idx.msk [tilespmem:v33+s25+$0x0], $0xffff  }
0x3e5: {  	[tilespmem:v3+s29+$0x0] =	vst.idx.msk $0xffff, v27;
	v3 =	vld [tilespmem:$0x1FFC0];
	_ =	sdelay $0x4  }
0x3e6: {  	v27 =	vadd.s32 s31, v3;
	v3 =	vld [tilespmem:$0x1FB30];
	_ =	sdelay $0x3  }
0x3e7: {  	[tilespmem:$0x1F750] =	vst v8  }
0x3e8: {  	[tilespmem:v8+s28+$0x0] =	vst.idx.msk $0xffff, v28;
	v8 =	vmov v3;
	v3 =	vld [tilespmem:$0x1FA90];
	_ =	sdelay $0x1  }
0x3e9: {  	[tilespmem:$0x1F900] =	vst v14;
	v14 =	vld [tilespmem:$0x1FDA0];
	_ =	sdelay $0x1  }
0x3ea: {  	[tilespmem:$0x1F7D0] =	vst v16;
	v17 =	vld.idx.msk [tilespmem:v17+s25+$0x0], $0xffff  }
0x3eb: {  	[tilespmem:v16+s28+$0x0] =	vst.idx.msk $0xffff, v12;
	v16 =	vmov v3;
	v3 =	vld [tilespmem:$0x1F800]  }
0x3ec: {  	[tilespmem:$0x1F8F0] =	vst v7;
	v7 =	vld [tilespmem:$0x1FCD0]  }
0x3ed: {  	v61 =	vor.u32 v14, v54;
	v14 =	vld [tilespmem:$0x1FDB0]  }
0x3ee: {  	v12 =	vld.idx.msk [tilespmem:v42+s25+$0x0], $0xffff  }
0x3ef: {  	[tilespmem:v63+s26+$0x0] =	vst.idx.msk $0xffff, v0;
	v0 =	vld.idx.msk [tilespmem:v30+s25+$0x0], $0xffff  }
0x3f0: {  	v28 =	vor.u32 v3, v11;
	v30 =	vor.u32 v3, v5;
	v3 =	vld [tilespmem:$0x1FB70];
	_ =	sdelay $0x1  }
0x3f1: {  	[tilespmem:$0x1F760] =	vst v62;
	v62 =	vand.u32 $0xFC8, v61  }
0x3f2: {  	[tilespmem:$0x1F470] =	vst v2;
	v2 =	vor.u32 v19, v62;
	v62 =	vor.u32 v14, v40  }
0x3f3: {  	v23 =	vand.u32 $0xFCF, v29;
	v29 =	vand.u32 $0x78F, v27;
	v27 =	vor.u32 v14, v39;
	v14 =	vld [tilespmem:$0x1FB80]  }
0x3f4: {  	[tilespmem:$0x1F6C0] =	vst v38;
	v43 =	vor.u32 v7, v50;
	v38 =	vor.u32 v7, v4;
	v7 =	vmov v3;
	v3 =	vld [tilespmem:$0x1FAA0];
	_ =	sdelay $0x3  }
0x3f5: {  	[tilespmem:$0x1F940] =	vst v24  }
0x3f6: {  	[tilespmem:v24+s26+$0x0] =	vst.idx.msk $0xffff, v20;
	v24 =	vmov v3;
	v3 =	vmov v14;
	v14 =	vld [tilespmem:$0x1FFF0];
	_ =	sdelay $0x1  }
0x3f7: {  	v36 =	vld [tilespmem:$0x1FBF0]  }
0x3f8: {  	[tilespmem:$0x1F950] =	vst v23;
	v42 =	vld.idx.msk [tilespmem:v38+s25+$0x0], $0xffff  }
0x3f9: {  	[tilespmem:v23+s24+$0x0] =	vst.idx.msk $0xffff, v33;
	v23 =	vld [tilespmem:$0x1FCE0]  }
0x3fa: {  	v18 =	vor.u32 v37, v10;
	v37 =	vadd.s32 s31, v14;
	v14 =	vld [tilespmem:$0x1FDC0];
	_ =	sdelay $0x2  }
0x3fb: {  	v20 =	vld.idx.msk [tilespmem:v43+s25+$0x0], $0xffff;
	[tilespmem:v29+s24+$0x0] =	vst.idx.msk $0xffff, v17  }
0x3fc: {  	[tilespmem:v2+s24+$0x0] =	vst.idx.msk $0xffff, v55;
	v33 =	vor.u32 v23, v50;
	v17 =	vld.idx.msk [tilespmem:v27+s25+$0x0], $0xffff  }
0x3fd: {  	v55 =	vor.u32 v23, v4;
	v27 =	vor.u32 v14, v53;
	v23 =	vor.u32 v14, v36;
	v14 =	vld [tilespmem:$0x1FDD0];
	_ =	sdelay $0x1  }
0x3fe: {  	[tilespmem:$0x1F930] =	vst v63;
	v38 =	vld.idx.msk [tilespmem:v62+s25+$0x0], $0xffff  }
0x3ff: {  	[tilespmem:v22+s28+$0x0] =	vst.idx.msk $0xffff, v12;
	v18 =	vld.idx.msk [tilespmem:v18+s25+$0x0], $0xffff  }
0x400: {  	[tilespmem:v26+s28+$0x0] =	vst.idx.msk $0xffff, v0;
	v0 =	vld.idx.msk [tilespmem:v30+s25+$0x0], $0xffff  }
0x401: {  	[tilespmem:$0x1F980] =	vst v15;
	v12 =	vand.u32 $0xF8F, v37;
	v61 =	vor.u32 v14, v40;
	v37 =	vor.u32 v14, v39;
	v14 =	vld [tilespmem:$0x1F870]  }
0x402: {  	v62 =	vor.u32 v56, v48;
	[tilespmem:v15+s26+$0x0] =	vst.idx.msk $0xffff, v20;
	v28 =	vld.idx.msk [tilespmem:v28+s25+$0x0], $0xffff  }
0x403: {  	[tilespmem:v32+s26+$0x0] =	vst.idx.msk $0xffff, v42;
	v15 =	vld [tilespmem:$0x1FCF0]  }
0x404: {  	v42 =	vld.idx.msk [tilespmem:v33+s25+$0x0], $0xffff;
	[tilespmem:v27+s24+$0x0] =	vst.idx.msk $0xffff, v38  }
0x405: {  	v38 =	vld.idx.msk [tilespmem:v55+s25+$0x0], $0xffff;
	[tilespmem:v23+s24+$0x0] =	vst.idx.msk $0xffff, v17  }
0x406: {  	[tilespmem:v12+s24+$0x0] =	vst.idx.msk $0xffff, v18;
	v43 =	vor.u32 v14, v6;
	v63 =	vor.u32 v14, v5;
	v14 =	vld [tilespmem:$0x1FDE0]  }
0x407: {  	v62 =	vld.idx.msk [tilespmem:v62+s25+$0x0], $0xffff  }
0x408: {  	[tilespmem:$0x1F990] =	vst v32;
	v17 =	vld.idx.msk [tilespmem:v61+s25+$0x0], $0xffff  }
0x409: {  	[tilespmem:$0x1F7C0] =	vst v22;
	v18 =	vld.idx.msk [tilespmem:v37+s25+$0x0], $0xffff  }
0x40a: {  	[tilespmem:$0x1F830] =	vst v16;
	v32 =	vor.u32 v15, v50;
	v61 =	vor.u32 v15, v60;
	v15 =	vld [tilespmem:$0x1FDF0]  }
0x40b: {  	[tilespmem:v24+s28+$0x0] =	vst.idx.msk $0xffff, v28;
	v28 =	vor.u32 v1, v48;
	v1 =	vld [tilespmem:$0x1F8E0];
	v22 =	vor.u32 v14, v53  }
0x40c: {  	[tilespmem:v16+s28+$0x0] =	vst.idx.msk $0xffff, v0;
	v16 =	vld [tilespmem:$0x1FBE0]  }
0x40d: {  	v63 =	vld.idx.msk [tilespmem:v63+s25+$0x0], $0xffff  }
0x40e: {  	[tilespmem:v21+s26+$0x0] =	vst.idx.msk $0xffff, v42;
	v43 =	vld.idx.msk [tilespmem:v43+s25+$0x0], $0xffff  }
0x40f: {  	v37 =	vor.u32 v47, v59;
	v42 =	vld.idx.msk [tilespmem:v32+s25+$0x0], $0xffff  }
0x410: {  	v20 =	vor.u32 v14, v36;
	v14 =	vor.u32 v15, v40;
	[tilespmem:v22+s24+$0x0] =	vst.idx.msk $0xffff, v17;
	v17 =	vld [tilespmem:$0x1FE10]  }
0x411: {  	[tilespmem:$0x1F9F0] =	vst v9;
	v0 =	vor.u32 v15, v41;
	v47 =	vor.u32 v1, v6;
	v15 =	vor.u32 v1, v5;
	v1 =	vld [tilespmem:$0x1FD00]  }
0x412: {  	[tilespmem:v9+s26+$0x0] =	vst.idx.msk $0xffff, v38;
	v9 =	vmov v16;
	v16 =	vld [tilespmem:$0x1FB10];
	_ =	sdelay $0x2  }
0x413: {  	[tilespmem:$0x1F9E0] =	vst v21;
	v17 =	vor.u32 v17, v54  }
0x414: {  	v61 =	vld.idx.msk [tilespmem:v61+s25+$0x0], $0xffff;
	[tilespmem:v20+s24+$0x0] =	vst.idx.msk $0xffff, v18;
	v17 =	vand.u32 $0x7E8, v17  }
0x415: {  	[tilespmem:$0x1F9B0] =	vst v23;
	v21 =	vor.u32 v1, v50;
	v23 =	vor.u32 v19, v17;
	v17 =	vor.u32 v1, v60;
	v1 =	vld [tilespmem:$0x1F9A0]  }
0x416: {  	[tilespmem:v37+s24+$0x0] =	vst.idx.msk $0xffff, v62;
	v62 =	vld [tilespmem:$0x1FAF0]  }
0x417: {  	v0 =	vld.idx.msk [tilespmem:v0+s25+$0x0], $0xffff  }
0x418: {  	v30 =	vmov v22;
	v22 =	vld.idx.msk [tilespmem:v28+s25+$0x0], $0xffff;
	[tilespmem:v16+s29+$0x0] =	vst.idx.msk $0xffff, v43  }
0x419: {  	v38 =	vld.idx.msk [tilespmem:v47+s25+$0x0], $0xffff  }
0x41a: {  	v47 =	vmov v57;
	v55 =	vor.u32 v1, v11;
	v57 =	vor.u32 v1, v5;
	v1 =	vld [tilespmem:$0x1FBB0];
	_ =	sdelay $0x1  }
0x41b: {  	v18 =	vld [tilespmem:$0x1FE00]  }
0x41c: {  	v14 =	vld.idx.msk [tilespmem:v14+s25+$0x0], $0xffff  }
0x41d: {  	[tilespmem:$0x1F8B0] =	vst v24;
	v24 =	vld [tilespmem:$0x1FE20]  }
0x41e: {  	[tilespmem:v62+s29+$0x0] =	vst.idx.msk $0xffff, v63;
	v16 =	vmov v1;
	v1 =	vld [tilespmem:$0x1F970]  }
0x41f: {  	v15 =	vld.idx.msk [tilespmem:v15+s25+$0x0], $0xffff;
	[tilespmem:v25+s26+$0x0] =	vst.idx.msk $0xffff, v42  }
0x420: {  	v21 =	vld.idx.msk [tilespmem:v21+s25+$0x0], $0xffff  }
0x421: {  	v18 =	vadd.s32 s30, v18;
	[tilespmem:v23+s24+$0x0] =	vst.idx.msk $0xffff, v14;
	v14 =	vld [tilespmem:$0x1FE50]  }
0x422: {  	[tilespmem:$0x1FA00] =	vst v20;
	v20 =	vand.u32 $0x7EF, v18  }
0x423: {  	v32 =	vor.u32 v24, v41;
	v18 =	vor.u32 v24, v40;
	v24 =	vor.u32 v46, v10;
	v46 =	vmovc v1;
	v1 =	vld [tilespmem:$0x1FD10];
	_ =	sdelay $0x1  }
0x424: {  	[tilespmem:$0x1FA30] =	vst v25  }
0x425: {  	[tilespmem:v8+s26+$0x0] =	vst.idx.msk $0xffff, v61;
	v62 =	vor.u32 v13, v59;
	v14 =	vor.u32 v14, v54  }
0x426: {  	v61 =	vld.idx.msk [tilespmem:v17+s25+$0x0], $0xffff;
	[tilespmem:v20+s24+$0x0] =	vst.idx.msk $0xffff, v0;
	v14 =	vand.u32 $0xFE8, v14  }
0x427: {  	[tilespmem:$0x1FA60] =	vst v20;
	v20 =	vor.u32 v19, v14;
	v25 =	vor.u32 v1, v50;
	v14 =	vor.u32 v1, v4;
	v1 =	vld [tilespmem:$0x1FF80]  }
0x428: {  	[tilespmem:$0x1FA40] =	vst v8;
	v8 =	vld [tilespmem:$0x1FB50]  }
0x429: {  	v63 =	vld [tilespmem:$0x1FE40]  }
0x42a: {  	v0 =	vld [tilespmem:$0x1FE30];
	[tilespmem:v62+s24+$0x0] =	vst.idx.msk $0xffff, v22  }
0x42b: {  	v19 =	vld.idx.msk [tilespmem:v24+s25+$0x0], $0xffff  }
0x42c: {  	v24 =	vadd.s32 s31, v1;
	v1 =	vld [tilespmem:$0x1F500];
	_ =	sdelay $0x2  }
0x42d: {  	v18 =	vld.idx.msk [tilespmem:v18+s25+$0x0], $0xffff  }
0x42e: {  	[tilespmem:v8+s29+$0x0] =	vst.idx.msk $0xffff, v15;
	v8 =	vld [tilespmem:$0x1FB60];
	v0 =	vadd.s32 s30, v0  }
0x42f: {  	v15 =	vor.u32 v63, v39;
	v13 =	vand.u32 $0xFEF, v0;
	v0 =	vor.u32 v63, v40;
	v63 =	vmovc v1;
	v1 =	vld [tilespmem:$0x1F510];
	_ =	sdelay $0x4  }
0x430: {  	v17 =	vmov v1;
	v1 =	vld [tilespmem:$0x1FA50];
	_ =	sdelay $0x2  }
0x431: {  	v22 =	vld.idx.msk [tilespmem:v32+s25+$0x0], $0xffff;
	[tilespmem:v8+s29+$0x0] =	vst.idx.msk $0xffff, v38  }
0x432: {  	v54 =	vand.u32 $0x7AF, v24;
	v24 =	vld.idx.msk [tilespmem:v57+s25+$0x0], $0xffff;
	[tilespmem:v7+s26+$0x0] =	vst.idx.msk $0xffff, v21  }
0x433: {  	v21 =	vld.idx.msk [tilespmem:v55+s25+$0x0], $0xffff;
	v55 =	vor.u32 v1, v11;
	v56 =	vor.u32 v1, v5;
	v1 =	vmov v29  }
0x434: {  	[tilespmem:$0x1F970] =	vst v1;
	v1 =	vld [tilespmem:$0x1F520];
	_ =	sdelay $0x3  }
0x435: {  	[tilespmem:$0x1FA90] =	vst v7  }
0x436: {  	[tilespmem:$0x1FAA0] =	vst v3;
	v7 =	vmov v1;
	v1 =	vld [tilespmem:$0x1F9D0]  }
0x437: {  	[tilespmem:v3+s26+$0x0] =	vst.idx.msk $0xffff, v61;
	v3 =	vld [tilespmem:$0x1FBC0];
	_ =	sdelay $0x3  }
0x438: {  	[tilespmem:$0x1F840] =	vst v26;
	v26 =	vmov v1;
	v1 =	vmov v12  }
0x439: {  	[tilespmem:$0x1F9D0] =	vst v1;
	v1 =	vld [tilespmem:$0x1FF50]  }
0x43a: {  	v25 =	vld.idx.msk [tilespmem:v25+s25+$0x0], $0xffff;
	[tilespmem:v20+s24+$0x0] =	vst.idx.msk $0xffff, v18  }
0x43b: {  	v0 =	vld.idx.msk [tilespmem:v0+s25+$0x0], $0xffff  }
0x43c: {  	[tilespmem:v3+s29+$0x0] =	vst.idx.msk $0xffff, v24;
	v3 =	vld [tilespmem:$0x1FBD0];
	_ =	sdelay $0x1  }
0x43d: {  	v32 =	vor.u32 v44, v10;
	v12 =	vadd.s32 s31, v1;
	v1 =	vld [tilespmem:$0x1FD20];
	_ =	sdelay $0x1  }
0x43e: {  	v14 =	vld.idx.msk [tilespmem:v14+s25+$0x0], $0xffff;
	[tilespmem:v13+s24+$0x0] =	vst.idx.msk $0xffff, v22  }
0x43f: {  	[tilespmem:v54+s24+$0x0] =	vst.idx.msk $0xffff, v19  }
0x440: {  	v15 =	vld.idx.msk [tilespmem:v15+s25+$0x0], $0xffff  }
0x441: {  	v38 =	vld.idx.msk [tilespmem:v32+s25+$0x0], $0xffff;
	v22 =	vor.u32 v1, v50  }
0x442: {  	[tilespmem:v3+s29+$0x0] =	vst.idx.msk $0xffff, v21;
	v3 =	vld [tilespmem:$0x1FB00]  }
0x443: {  	v18 =	vld [tilespmem:$0x1FE60]  }
0x444: {  	v21 =	vld.idx.msk [tilespmem:v56+s25+$0x0], $0xffff  }
0x445: {  	[tilespmem:v9+s28+$0x0] =	vst.idx.msk $0xffff, v25;
	v25 =	vld.idx.msk [tilespmem:v55+s25+$0x0], $0xffff  }
0x446: {  	[tilespmem:v16+s28+$0x0] =	vst.idx.msk $0xffff, v14;
	v14 =	vld.idx.msk [tilespmem:v22+s25+$0x0], $0xffff  }
0x447: {  	v24 =	vor.u32 v45, v48;
	v45 =	vor.u32 v3, v5;
	v22 =	vor.u32 v3, v6;
	v3 =	vld [tilespmem:$0x1F540];
	_ =	sdelay $0x3  }
0x448: {  	[tilespmem:$0x1FB10] =	vst v16  }
0x449: {  	[tilespmem:$0x1FAB0] =	vst v13;
	v13 =	vor.u32 v18, v53;
	v16 =	vmov v3;
	v3 =	vld [tilespmem:$0x1FA20];
	_ =	sdelay $0x3  }
0x44a: {  	[tilespmem:$0x1FB20] =	vst v13  }
0x44b: {  	[tilespmem:v13+s24+$0x0] =	vst.idx.msk $0xffff, v0;
	v13 =	vmov v3;
	v3 =	vmov v37  }
0x44c: {  	[tilespmem:$0x1FA20] =	vst v3;
	v3 =	vld [tilespmem:$0x1FEA0];
	_ =	sdelay $0x1  }
0x44d: {  	v32 =	vld [tilespmem:$0x1FE70];
	_ =	sdelay $0x2  }
0x44e: {  	v43 =	vmovc v20;
	v18 =	vor.u32 v18, v36;
	v20 =	vor.u32 v3, v36;
	v36 =	vmov v2;
	v2 =	vld [tilespmem:$0x1F550]  }
0x44f: {  	v57 =	vor.u32 v1, v4  }
0x450: {  	v44 =	vor.u32 v32, v40;
	_ =	sdelay $0x3  }
0x451: {  	v0 =	vld.idx.msk [tilespmem:v57+s25+$0x0], $0xffff  }
0x452: {  	v19 =	vand.u32 $0xFAF, v12;
	[tilespmem:v18+s24+$0x0] =	vst.idx.msk $0xffff, v15;
	v15 =	vld.idx.msk [tilespmem:v44+s25+$0x0], $0xffff  }
0x453: {  	v12 =	vor.u32 v32, v39;
	[tilespmem:v2+s29+$0x0] =	vst.idx.msk $0xffff, v21;
	v2 =	vld [tilespmem:$0x1F660];
	_ =	sdelay $0x3  }
0x454: {  	[tilespmem:v19+s24+$0x0] =	vst.idx.msk $0xffff, v38  }
0x455: {  	v12 =	vld.idx.msk [tilespmem:v12+s25+$0x0], $0xffff  }
0x456: {  	v24 =	vld.idx.msk [tilespmem:v24+s25+$0x0], $0xffff  }
0x457: {  	[tilespmem:$0x1FB30] =	vst v18;
	v18 =	vor.u32 v3, v53;
	v3 =	vld [tilespmem:$0x1FC10]  }
0x458: {  	[tilespmem:v2+s29+$0x0] =	vst.idx.msk $0xffff, v25;
	v2 =	vld [tilespmem:$0x1F560];
	_ =	sdelay $0x2  }
0x459: {  	[tilespmem:$0x1FAF0] =	vst v9;
	v9 =	vld [tilespmem:$0x1FD30]  }
0x45a: {  	v25 =	vld.idx.msk [tilespmem:v45+s25+$0x0], $0xffff  }
0x45b: {  	[tilespmem:$0x1FB60] =	vst v7;
	v38 =	vor.u32 v3, v40;
	v21 =	vor.u32 v3, v41;
	v3 =	vmov v2;
	v2 =	vld [tilespmem:$0x1F570]  }
0x45c: {  	[tilespmem:v63+s28+$0x0] =	vst.idx.msk $0xffff, v14;
	v14 =	vld.idx.msk [tilespmem:v22+s25+$0x0], $0xffff  }
0x45d: {  	[tilespmem:v7+s28+$0x0] =	vst.idx.msk $0xffff, v0;
	v7 =	vld [tilespmem:$0x1FB90];
	_ =	sdelay $0x2  }
0x45e: {  	v61 =	vor.u32 v9, v50;
	v32 =	vor.u32 v9, v60;
	v9 =	vmov v2;
	v2 =	vld [tilespmem:$0x1F690]  }
0x45f: {  	v1 =	vld [tilespmem:$0x1F530]  }
0x460: {  	v22 =	vor.u32 v7, v6;
	v45 =	vor.u32 v7, v5;
	v7 =	vld [tilespmem:$0x1FA80];
	_ =	sdelay $0x2  }
0x461: {  	v0 =	vld.idx.msk [tilespmem:v61+s25+$0x0], $0xffff;
	[tilespmem:v18+s24+$0x0] =	vst.idx.msk $0xffff, v15  }
0x462: {  	[tilespmem:$0x1FB50] =	vst v63;
	v29 =	vmov v48;
	v8 =	vmov v1;
	v44 =	vor.u32 v49, v48;
	v48 =	vld.idx.msk [tilespmem:v38+s25+$0x0], $0xffff  }
0x463: {  	[tilespmem:$0x1FB70] =	vst v18;
	v18 =	vmov v7;
	v7 =	vld [tilespmem:$0x1FD40]  }
0x464: {  	v1 =	vmov v51;
	v51 =	vor.u32 v31, v59;
	[tilespmem:v2+s29+$0x0] =	vst.idx.msk $0xffff, v25;
	v2 =	vld [tilespmem:$0x1F580]  }
0x465: {  	[tilespmem:$0x1FBC0] =	vst v8;
	v15 =	vld.idx.msk [tilespmem:v32+s25+$0x0], $0xffff  }
0x466: {  	[tilespmem:$0x1FB80] =	vst v20;
	v63 =	vld.idx.msk [tilespmem:v45+s25+$0x0], $0xffff  }
0x467: {  	[tilespmem:v8+s28+$0x0] =	vst.idx.msk $0xffff, v0;
	v0 =	vld [tilespmem:$0x1F590]  }
0x468: {  	[tilespmem:v20+s24+$0x0] =	vst.idx.msk $0xffff, v12;
	v12 =	vor.u32 v7, v50;
	v8 =	vld [tilespmem:$0x1FC00]  }
0x469: {  	v20 =	vmov v62;
	[tilespmem:v51+s24+$0x0] =	vst.idx.msk $0xffff, v24;
	v24 =	vor.u32 v7, v60;
	v7 =	vmov v2;
	v2 =	vld [tilespmem:$0x1FAE0]  }
0x46a: {  	[tilespmem:$0x1FA80] =	vst v20;
	v20 =	vld [tilespmem:$0x1FC20];
	_ =	sdelay $0x2  }
0x46b: {  	v57 =	vld.idx.msk [tilespmem:v12+s25+$0x0], $0xffff  }
0x46c: {  	v28 =	vmovc v59;
	v25 =	vmov v0;
	v0 =	vor.u32 v8, v11;
	v12 =	vor.u32 v8, v5;
	v8 =	vld [tilespmem:$0x1FAD0]  }
0x46d: {  	[tilespmem:$0x1FBF0] =	vst v28;
	v21 =	vld.idx.msk [tilespmem:v21+s25+$0x0], $0xffff;
	v49 =	vor.u32 v20, v40  }
0x46e: {  	[tilespmem:$0x1FBE0] =	vst v47;
	v53 =	vld.idx.msk [tilespmem:v44+s25+$0x0], $0xffff  }
0x46f: {  	p0 =	slt.u32 s31, $0xE;
	[tilespmem:v2+s29+$0x0] =	vst.idx.msk $0xffff, v14;
	v14 =	vld [tilespmem:$0x1FD50]  }
.Ltmp0:
0x470: {  	[tilespmem:$0x1FBD0] =	vst v16;
	(pc) =	sbr.rel @p0 .LBB2_3-.Ltmp0, $4  }
0x471: {  	v55 =	vor.u32 v20, v41;
	[tilespmem:v47+s26+$0x0] =	vst.idx.msk $0xffff, v48;
	v20 =	vmov v8;
	v8 =	vmov v54  }
0x472: {  	v33 =	vmov v27;
	v42 =	vmov v23;
	v23 =	vmov v58;
	v58 =	vld.idx.msk [tilespmem:v49+s25+$0x0], $0xffff;
	[tilespmem:$0x1FAD0] =	vst v8  }
0x473: {  	v27 =	vmov v52;
	v52 =	vor.u32 v34, v28;
	v28 =	vmov v10;
	s30 =	smov.u32 s31;
	v61 =	vld.idx.msk [tilespmem:v22+s25+$0x0], $0xffff;
	[tilespmem:v16+s28+$0x0] =	vst.idx.msk $0xffff, v15  }
0x474: {  	s1 =	sadd.s32 $0x1, s30;
	s31 =	sadd.s32 $0x2, s31;
	v59 =	vor.u32 v35, v10;
	v22 =	vlaneseq.u32;
	v56 =	vld.idx.msk [tilespmem:v24+s25+$0x0], $0xffff;
	[tilespmem:v46+s26+$0x0] =	vst.idx.msk $0xffff, v21;
	v62 =	vor.u32 v14, v50  }
0x475: {  	v8 =	vld [tilespmem:$0x1F5A0];
	_ =	sdelay $0x7  }
0x476: {  	[tilespmem:v8+s29+$0x0] =	vst.idx.msk $0xffff, v63  }
0x477: {  	v8 =	vld [tilespmem:$0x1F5C0];
	_ =	sdelay $0x7  }
0x478: {  	v2 =	vld [tilespmem:$0x1F470];
	[tilespmem:v8+s29+$0x0] =	vst.idx.msk $0xffff, v61  }
0x479: {  	v8 =	vld [tilespmem:$0x1F5B0];
	_ =	sdelay $0x2  }
0x47a: {  	v12 =	vld.idx.msk [tilespmem:v12+s25+$0x0], $0xffff;
	_ =	sdelay $0x4  }
0x47b: {  	[tilespmem:v8+s29+$0x0] =	vst.idx.msk $0xffff, v12  }
0x47c: {  	v8 =	vld [tilespmem:$0x1F5E0];
	_ =	sdelay $0x1  }
0x47d: {  	v10 =	vmov v14;
	v14 =	vor.u32 v2, v5  }
0x47e: {  	v0 =	vld.idx.msk [tilespmem:v0+s25+$0x0], $0xffff;
	_ =	sdelay $0x3  }
0x47f: {  	v12 =	vld.idx.msk [tilespmem:v14+s25+$0x0], $0xffff  }
0x480: {  	v14 =	vor.u32 v2, v11;
	v2 =	vld [tilespmem:$0x1F480];
	[tilespmem:v8+s29+$0x0] =	vst.idx.msk $0xffff, v0  }
0x481: {  	v0 =	vld [tilespmem:$0x1F5D0];
	_ =	sdelay $0x7  }
0x482: {  	[tilespmem:v0+s29+$0x0] =	vst.idx.msk $0xffff, v12;
	v0 =	vld.idx.msk [tilespmem:v14+s25+$0x0], $0xffff  }
0x483: {  	v15 =	vor.u32 v2, v5;
	v14 =	vor.u32 v2, v6;
	v2 =	vld [tilespmem:$0x1F490];
	[tilespmem:v52+s24+$0x0] =	vst.idx.msk $0xffff, v53  }
0x484: {  	v8 =	vld [tilespmem:$0x1F610];
	_ =	sdelay $0x7  }
0x485: {  	[tilespmem:v8+s29+$0x0] =	vst.idx.msk $0xffff, v0  }
0x486: {  	v8 =	vld [tilespmem:$0x1F600];
	_ =	sdelay $0x2  }
0x487: {  	v12 =	vld.idx.msk [tilespmem:v15+s25+$0x0], $0xffff;
	_ =	sdelay $0x2  }
0x488: {  	v21 =	vld.idx.msk [tilespmem:v55+s25+$0x0], $0xffff;
	v15 =	vor.u32 v2, v5  }
0x489: {  	v32 =	vld.idx.msk [tilespmem:v59+s25+$0x0], $0xffff;
	[tilespmem:$0x1FAE0] =	vst v25  }
0x48a: {  	v16 =	vld [tilespmem:$0x1FC30];
	[tilespmem:v8+s29+$0x0] =	vst.idx.msk $0xffff, v12  }
0x48b: {  	v12 =	vld.idx.msk [tilespmem:v14+s25+$0x0], $0xffff;
	[tilespmem:$0x1F690] =	vst v7  }
0x48c: {  	[tilespmem:v3+s28+$0x0] =	vst.idx.msk $0xffff, v57  }
0x48d: {  	v54 =	vadd.s32 s1, v22;
	v15 =	vld.idx.msk [tilespmem:v15+s25+$0x0], $0xffff;
	[tilespmem:v9+s28+$0x0] =	vst.idx.msk $0xffff, v56  }
0x48e: {  	v22 =	vor.u32 v10, v4;
	v10 =	vmov v25;
	v25 =	vand.u32 $0xF, v54;
	v35 =	vld.idx.msk [tilespmem:v62+s25+$0x0], $0xffff;
	[tilespmem:$0x1F500] =	vst v17  }
0x48f: {  	v34 =	vmov v7;
	v8 =	vlaneseq.u32;
	v7 =	vshll.u32 v25, $0x5;
	[tilespmem:v17+s26+$0x0] =	vst.idx.msk $0xffff, v58  }
0x490: {  	v24 =	vor.u32 v8, v7;
	v8 =	vld [tilespmem:$0x1FD60];
	_ =	sdelay $0x3  }
0x491: {  	[tilespmem:v26+s26+$0x0] =	vst.idx.msk $0xffff, v21  }
0x492: {  	v61 =	vor.u32 v8, v50;
	v62 =	vor.u32 v8, v4;
	v8 =	vld [tilespmem:$0x1F640];
	_ =	sdelay $0x7  }
0x493: {  	v49 =	vor.u32 v2, v6;
	v2 =	vld [tilespmem:$0x1FFD0];
	[tilespmem:v8+s29+$0x0] =	vst.idx.msk $0xffff, v12  }
0x494: {  	v0 =	vor.u32 v16, v40;
	v8 =	vld [tilespmem:$0x1F630]  }
0x495: {  	v14 =	vor.u32 v16, v39;
	_ =	sdelay $0x2  }
0x496: {  	v22 =	vld.idx.msk [tilespmem:v22+s25+$0x0], $0xffff  }
0x497: {  	v0 =	vld.idx.msk [tilespmem:v0+s25+$0x0], $0xffff  }
0x498: {  	v12 =	vld.idx.msk [tilespmem:v14+s25+$0x0], $0xffff  }
0x499: {  	v31 =	vld [tilespmem:$0x1FC40]  }
0x49a: {  	v21 =	vor.u32 v2, v25;
	[tilespmem:v8+s29+$0x0] =	vst.idx.msk $0xffff, v15;
	v15 =	vld.idx.msk [tilespmem:v24+s25+$0x0], $0xffff  }
0x49b: {  	v14 =	vand.u32 $0x788, v21;
	v21 =	vand.u32 $0x7, v54;
	[tilespmem:v34+s28+$0x0] =	vst.idx.msk $0xffff, v35;
	v24 =	vld.idx.msk [tilespmem:v49+s25+$0x0], $0xffff  }
0x49c: {  	v17 =	vor.u32 v21, v14;
	v2 =	vld [tilespmem:$0x1FFE0]  }
0x49d: {  	[tilespmem:v10+s28+$0x0] =	vst.idx.msk $0xffff, v22;
	v22 =	vld.idx.msk [tilespmem:v61+s25+$0x0], $0xffff  }
0x49e: {  	v10 =	vld [tilespmem:$0x1F4A0];
	[tilespmem:v1+s26+$0x0] =	vst.idx.msk $0xffff, v0  }
0x49f: {  	v0 =	vld.idx.msk [tilespmem:v62+s25+$0x0], $0xffff;
	[tilespmem:$0x1F540] =	vst v13  }
0x4a0: {  	v44 =	vld [tilespmem:$0x1FD70];
	[tilespmem:v13+s26+$0x0] =	vst.idx.msk $0xffff, v12  }
0x4a1: {  	v37 =	vor.u32 v2, v7;
	v2 =	vld [tilespmem:$0x1FE80];
	[tilespmem:v17+s24+$0x0] =	vst.idx.msk $0xffff, v15  }
0x4a2: {  	v8 =	vld [tilespmem:$0x1F680];
	_ =	sdelay $0x7  }
0x4a3: {  	v13 =	vld [tilespmem:$0x1FC50];
	[tilespmem:v8+s29+$0x0] =	vst.idx.msk $0xffff, v24  }
0x4a4: {  	v63 =	vor.u32 v31, v40;
	v48 =	vor.u32 v2, v25;
	v2 =	vld [tilespmem:$0x1F6D0]  }
0x4a5: {  	v14 =	vor.u32 v31, v39;
	_ =	sdelay $0x3  }
0x4a6: {  	v12 =	vld.idx.msk [tilespmem:v63+s25+$0x0], $0xffff;
	v15 =	vand.u32 $0xF88, v48  }
0x4a7: {  	v14 =	vld.idx.msk [tilespmem:v14+s25+$0x0], $0xffff;
	v8 =	vor.u32 v21, v15  }
0x4a8: {  	v35 =	vld.idx.msk [tilespmem:v37+s25+$0x0], $0xffff;
	[tilespmem:$0x1F370] =	vst v8  }
0x4a9: {  	[tilespmem:v2+s28+$0x0] =	vst.idx.msk $0xffff, v22  }
0x4aa: {  	v2 =	vld [tilespmem:$0x1FEF0];
	_ =	sdelay $0x4  }
0x4ab: {  	v62 =	vor.u32 v2, v7;
	v2 =	vld [tilespmem:$0x1F6F0];
	_ =	sdelay $0x1  }
0x4ac: {  	v38 =	vor.u32 v10, v5;
	_ =	sdelay $0x1  }
0x4ad: {  	v47 =	vor.u32 v44, v50;
	_ =	sdelay $0x1  }
0x4ae: {  	v49 =	vor.u32 v44, v60  }
0x4af: {  	v22 =	vld.idx.msk [tilespmem:v38+s25+$0x0], $0xffff;
	[tilespmem:$0x1F550] =	vst v3  }
0x4b0: {  	[tilespmem:v2+s28+$0x0] =	vst.idx.msk $0xffff, v0  }
0x4b1: {  	v0 =	vld.idx.msk [tilespmem:v47+s25+$0x0], $0xffff;
	[tilespmem:$0x1F560] =	vst v27  }
0x4b2: {  	[tilespmem:v27+s26+$0x0] =	vst.idx.msk $0xffff, v12  }
0x4b3: {  	v12 =	vld.idx.msk [tilespmem:v49+s25+$0x0], $0xffff;
	[tilespmem:$0x1F570] =	vst v18  }
0x4b4: {  	v45 =	vld [tilespmem:$0x1FD80];
	[tilespmem:v18+s26+$0x0] =	vst.idx.msk $0xffff, v14  }
0x4b5: {  	[tilespmem:v8+s24+$0x0] =	vst.idx.msk $0xffff, v35  }
0x4b6: {  	v3 =	vld [tilespmem:$0x1F670];
	_ =	sdelay $0x7  }
0x4b7: {  	v49 =	vld [tilespmem:$0x1FC60];
	[tilespmem:v3+s29+$0x0] =	vst.idx.msk $0xffff, v22  }
0x4b8: {  	v2 =	vld [tilespmem:$0x1FF00];
	_ =	sdelay $0x4  }
0x4b9: {  	v61 =	vor.u32 v13, v40;
	v3 =	vor.u32 v2, v54;
	v2 =	vld [tilespmem:$0x1F720]  }
0x4ba: {  	v15 =	vor.u32 v13, v41;
	_ =	sdelay $0x3  }
0x4bb: {  	v14 =	vld.idx.msk [tilespmem:v61+s25+$0x0], $0xffff  }
0x4bc: {  	v15 =	vld.idx.msk [tilespmem:v15+s25+$0x0], $0xffff  }
0x4bd: {  	v53 =	vld.idx.msk [tilespmem:v62+s25+$0x0], $0xffff;
	[tilespmem:$0x1F380] =	vst v3  }
0x4be: {  	[tilespmem:v2+s28+$0x0] =	vst.idx.msk $0xffff, v0  }
0x4bf: {  	v2 =	vld [tilespmem:$0x1FF10];
	_ =	sdelay $0x4  }
0x4c0: {  	v61 =	vor.u32 v2, v7;
	v2 =	vld [tilespmem:$0x1F740];
	_ =	sdelay $0x2  }
0x4c1: {  	v63 =	vor.u32 v10, v11  }
0x4c2: {  	v37 =	vor.u32 v45, v50;
	_ =	sdelay $0x1  }
0x4c3: {  	v38 =	vor.u32 v45, v60;
	_ =	sdelay $0x1  }
0x4c4: {  	v0 =	vld.idx.msk [tilespmem:v63+s25+$0x0], $0xffff;
	[tilespmem:v2+s28+$0x0] =	vst.idx.msk $0xffff, v12  }
0x4c5: {  	v12 =	vld.idx.msk [tilespmem:v37+s25+$0x0], $0xffff;
	[tilespmem:$0x1F580] =	vst v23  }
0x4c6: {  	v2 =	vld [tilespmem:$0x1F4B0];
	[tilespmem:v23+s26+$0x0] =	vst.idx.msk $0xffff, v14  }
0x4c7: {  	v14 =	vld.idx.msk [tilespmem:v38+s25+$0x0], $0xffff;
	[tilespmem:$0x1F530] =	vst v1  }
0x4c8: {  	[tilespmem:$0x1F590] =	vst v20  }
0x4c9: {  	v27 =	vld [tilespmem:$0x1F5F0];
	[tilespmem:v20+s26+$0x0] =	vst.idx.msk $0xffff, v15  }
0x4ca: {  	[tilespmem:v3+s24+$0x0] =	vst.idx.msk $0xffff, v53  }
0x4cb: {  	v1 =	vld [tilespmem:$0x1F6C0];
	_ =	sdelay $0x7  }
0x4cc: {  	v23 =	vld [tilespmem:$0x1FC70];
	[tilespmem:v1+s29+$0x0] =	vst.idx.msk $0xffff, v0  }
0x4cd: {  	v1 =	vld [tilespmem:$0x1FF20];
	_ =	sdelay $0x4  }
0x4ce: {  	v47 =	vor.u32 v49, v40;
	v3 =	vor.u32 v1, v54;
	v1 =	vld [tilespmem:$0x1F780]  }
0x4cf: {  	v48 =	vor.u32 v49, v41;
	_ =	sdelay $0x3  }
0x4d0: {  	v35 =	vld.idx.msk [tilespmem:v47+s25+$0x0], $0xffff  }
0x4d1: {  	v53 =	vld.idx.msk [tilespmem:v48+s25+$0x0], $0xffff  }
0x4d2: {  	v0 =	vld.idx.msk [tilespmem:v61+s25+$0x0], $0xffff;
	[tilespmem:$0x1F390] =	vst v3  }
0x4d3: {  	[tilespmem:v1+s28+$0x0] =	vst.idx.msk $0xffff, v12  }
0x4d4: {  	v1 =	vld [tilespmem:$0x1FFB0];
	_ =	sdelay $0x4  }
0x4d5: {  	v37 =	vor.u32 v1, v7;
	v1 =	vld [tilespmem:$0x1F7A0];
	_ =	sdelay $0x7  }
0x4d6: {  	[tilespmem:v1+s28+$0x0] =	vst.idx.msk $0xffff, v14  }
0x4d7: {  	v1 =	vld [tilespmem:$0x1F7B0];
	_ =	sdelay $0x7  }
0x4d8: {  	[tilespmem:v1+s26+$0x0] =	vst.idx.msk $0xffff, v35  }
0x4d9: {  	v1 =	vld [tilespmem:$0x1F770];
	_ =	sdelay $0x7  }
0x4da: {  	v24 =	vld [tilespmem:$0x1F620];
	[tilespmem:v1+s26+$0x0] =	vst.idx.msk $0xffff, v53  }
0x4db: {  	v1 =	vld [tilespmem:$0x1FE90];
	_ =	sdelay $0x2  }
0x4dc: {  	v62 =	vor.u32 v2, v5  }
0x4dd: {  	[tilespmem:v3+s24+$0x0] =	vst.idx.msk $0xffff, v0  }
0x4de: {  	v14 =	vor.u32 v1, v25;
	v1 =	vld [tilespmem:$0x1F6B0];
	_ =	sdelay $0x1  }
0x4df: {  	v34 =	vor.u32 v27, v4  }
0x4e0: {  	v12 =	vld.idx.msk [tilespmem:v62+s25+$0x0], $0xffff;
	_ =	sdelay $0x3  }
0x4e1: {  	v63 =	vor.u32 v27, v50;
	v35 =	vld.idx.msk [tilespmem:v34+s25+$0x0], $0xffff  }
0x4e2: {  	v34 =	vld [tilespmem:$0x1FC80];
	[tilespmem:v1+s29+$0x0] =	vst.idx.msk $0xffff, v12  }
0x4e3: {  	v1 =	vld [tilespmem:$0x1F7F0];
	_ =	sdelay $0x2  }
0x4e4: {  	v56 =	vld.idx.msk [tilespmem:v63+s25+$0x0], $0xffff;
	_ =	sdelay $0x4  }
0x4e5: {  	[tilespmem:v1+s28+$0x0] =	vst.idx.msk $0xffff, v56  }
0x4e6: {  	v1 =	vld [tilespmem:$0x1FED0];
	_ =	sdelay $0x3  }
0x4e7: {  	v38 =	vor.u32 v2, v11;
	v12 =	vld.idx.msk [tilespmem:v37+s25+$0x0], $0xffff  }
0x4e8: {  	v37 =	vadd.s32 s30, v1;
	v1 =	vld [tilespmem:$0x1FF60];
	_ =	sdelay $0x3  }
0x4e9: {  	v56 =	vld.idx.msk [tilespmem:v38+s25+$0x0], $0xffff  }
0x4ea: {  	v38 =	vor.u32 v1, v7;
	v1 =	vld [tilespmem:$0x1F810];
	_ =	sdelay $0x6  }
0x4eb: {  	v47 =	vor.u32 v23, v40  }
0x4ec: {  	[tilespmem:v1+s28+$0x0] =	vst.idx.msk $0xffff, v35  }
0x4ed: {  	v1 =	vld [tilespmem:$0x1F820];
	_ =	sdelay $0x1  }
0x4ee: {  	v48 =	vor.u32 v23, v39  }
0x4ef: {  	v53 =	vld.idx.msk [tilespmem:v47+s25+$0x0], $0xffff;
	_ =	sdelay $0x2  }
0x4f0: {  	v3 =	vand.u32 $0x7CF, v37  }
0x4f1: {  	v0 =	vld.idx.msk [tilespmem:v48+s25+$0x0], $0xffff;
	[tilespmem:$0x1F3F0] =	vst v3  }
0x4f2: {  	v2 =	vld [tilespmem:$0x1F4C0];
	[tilespmem:v1+s26+$0x0] =	vst.idx.msk $0xffff, v53  }
0x4f3: {  	v1 =	vld [tilespmem:$0x1F7E0];
	_ =	sdelay $0x2  }
0x4f4: {  	v14 =	vand.u32 $0x7A8, v14  }
0x4f5: {  	v48 =	vor.u32 v21, v14;
	_ =	sdelay $0x3  }
0x4f6: {  	[tilespmem:v1+s26+$0x0] =	vst.idx.msk $0xffff, v0  }
0x4f7: {  	v20 =	vld [tilespmem:$0x1F650];
	[tilespmem:v48+s24+$0x0] =	vst.idx.msk $0xffff, v12  }
0x4f8: {  	v1 =	vld [tilespmem:$0x1FEC0];
	_ =	sdelay $0x2  }
0x4f9: {  	v59 =	vor.u32 v24, v50;
	_ =	sdelay $0x1  }
0x4fa: {  	v12 =	vor.u32 v1, v25;
	v1 =	vld [tilespmem:$0x1F710];
	_ =	sdelay $0x1  }
0x4fb: {  	v47 =	vor.u32 v24, v4  }
0x4fc: {  	v35 =	vld.idx.msk [tilespmem:v59+s25+$0x0], $0xffff;
	v59 =	vor.u32 v2, v5  }
0x4fd: {  	v55 =	vor.u32 v34, v40  }
0x4fe: {  	v57 =	vor.u32 v34, v39;
	_ =	sdelay $0x1  }
0x4ff: {  	v53 =	vld.idx.msk [tilespmem:v47+s25+$0x0], $0xffff  }
0x500: {  	[tilespmem:v1+s29+$0x0] =	vst.idx.msk $0xffff, v56;
	v1 =	vld.idx.msk [tilespmem:v59+s25+$0x0], $0xffff  }
0x501: {  	v0 =	vld.idx.msk [tilespmem:v55+s25+$0x0], $0xffff  }
0x502: {  	v57 =	vld.idx.msk [tilespmem:v57+s25+$0x0], $0xffff  }
0x503: {  	v56 =	vld.idx.msk [tilespmem:v38+s25+$0x0], $0xffff  }
0x504: {  	v37 =	vld [tilespmem:$0x1FC90];
	[tilespmem:v3+s24+$0x0] =	vst.idx.msk $0xffff, v32  }
0x505: {  	[tilespmem:$0x1F310] =	vst v1;
	v1 =	vld [tilespmem:$0x1F860];
	_ =	sdelay $0x2  }
0x506: {  	v47 =	vor.u32 v2, v6;
	_ =	sdelay $0x4  }
0x507: {  	[tilespmem:v1+s28+$0x0] =	vst.idx.msk $0xffff, v35;
	v1 =	vld.idx.msk [tilespmem:v47+s25+$0x0], $0xffff;
	_ =	sdelay $0x4  }
0x508: {  	[tilespmem:$0x1F320] =	vst v1;
	v1 =	vld [tilespmem:$0x1FF90];
	_ =	sdelay $0x4  }
0x509: {  	v47 =	vor.u32 v1, v7;
	v1 =	vld [tilespmem:$0x1F880];
	_ =	sdelay $0x2  }
0x50a: {  	v55 =	vor.u32 v20, v50;
	_ =	sdelay $0x4  }
0x50b: {  	[tilespmem:v1+s28+$0x0] =	vst.idx.msk $0xffff, v53;
	v1 =	vld.idx.msk [tilespmem:v55+s25+$0x0], $0xffff;
	_ =	sdelay $0x4  }
0x50c: {  	[tilespmem:$0x1F330] =	vst v1;
	v1 =	vld [tilespmem:$0x1F890];
	_ =	sdelay $0x2  }
0x50d: {  	v61 =	vor.u32 v20, v60;
	_ =	sdelay $0x4  }
0x50e: {  	[tilespmem:v1+s26+$0x0] =	vst.idx.msk $0xffff, v0;
	v0 =	vld.idx.msk [tilespmem:v61+s25+$0x0], $0xffff;
	_ =	sdelay $0x4  }
0x50f: {  	[tilespmem:$0x1F340] =	vst v0;
	v0 =	vld [tilespmem:$0x1F850];
	_ =	sdelay $0x2  }
0x510: {  	v62 =	vor.u32 v37, v40;
	_ =	sdelay $0x4  }
0x511: {  	[tilespmem:v0+s26+$0x0] =	vst.idx.msk $0xffff, v57;
	v0 =	vld.idx.msk [tilespmem:v62+s25+$0x0], $0xffff  }
0x512: {  	v38 =	vor.u32 v37, v41;
	_ =	sdelay $0x2  }
0x513: {  	v12 =	vand.u32 $0xFA8, v12  }
0x514: {  	v15 =	vor.u32 v21, v12;
	[tilespmem:$0x1F2F0] =	vst v0  }
0x515: {  	v0 =	vld.idx.msk [tilespmem:v38+s25+$0x0], $0xffff;
	_ =	sdelay $0x3  }
0x516: {  	[tilespmem:v15+s24+$0x0] =	vst.idx.msk $0xffff, v56  }
0x517: {  	[tilespmem:$0x1F300] =	vst v0;
	v0 =	vld [tilespmem:$0x1FF70];
	_ =	sdelay $0x4  }
0x518: {  	v58 =	vld.idx.msk [tilespmem:v47+s25+$0x0], $0xffff;
	v38 =	vor.u32 v0, v54  }
0x519: {  	v0 =	vld [tilespmem:$0x1FF40];
	_ =	sdelay $0x3  }
0x51a: {  	[tilespmem:v38+s24+$0x0] =	vst.idx.msk $0xffff, v58  }
0x51b: {  	v59 =	vor.u32 v0, v7;
	v0 =	vld [tilespmem:$0x1FFA0];
	_ =	sdelay $0x4  }
0x51c: {  	v47 =	vor.u32 v0, v54;
	v0 =	vld [tilespmem:$0x1FD90];
	_ =	sdelay $0x3  }
0x51d: {  	v35 =	vld.idx.msk [tilespmem:v59+s25+$0x0], $0xffff  }
0x51e: {  	v61 =	vor.u32 v0, v7;
	v0 =	vld [tilespmem:$0x1FEE0];
	_ =	sdelay $0x3  }
0x51f: {  	[tilespmem:v47+s24+$0x0] =	vst.idx.msk $0xffff, v35  }
0x520: {  	v62 =	vor.u32 v0, v25;
	v0 =	vld [tilespmem:$0x1FEB0];
	_ =	sdelay $0x2  }
0x521: {  	v63 =	vand.u32 $0x7C8, v62  }
0x522: {  	v55 =	vld.idx.msk [tilespmem:v61+s25+$0x0], $0xffff;
	v62 =	vor.u32 v21, v63  }
0x523: {  	v32 =	vor.u32 v0, v7;
	v35 =	vor.u32 v0, v28;
	v0 =	vld [tilespmem:$0x1FDA0];
	_ =	sdelay $0x2  }
0x524: {  	[tilespmem:$0x1F520] =	vst v26  }
0x525: {  	[tilespmem:v62+s24+$0x0] =	vst.idx.msk $0xffff, v55  }
0x526: {  	v53 =	vor.u32 v0, v25;
	v0 =	vld [tilespmem:$0x1FF30];
	_ =	sdelay $0x2  }
0x527: {  	v59 =	vand.u32 $0xFC8, v53  }
0x528: {  	v61 =	vld.idx.msk [tilespmem:v32+s25+$0x0], $0xffff;
	v2 =	vor.u32 v21, v59  }
0x529: {  	v32 =	vadd.s32 s30, v0  }
0x52a: {  	v57 =	vld.idx.msk [tilespmem:v35+s25+$0x0], $0xffff;
	v3 =	vand.u32 $0xFCF, v32  }
0x52b: {  	v0 =	vld [tilespmem:$0x1FDB0];
	_ =	sdelay $0x1  }
0x52c: {  	[tilespmem:v2+s24+$0x0] =	vst.idx.msk $0xffff, v61  }
0x52d: {  	[tilespmem:$0x1F400] =	vst v2  }
0x52e: {  	[tilespmem:v3+s24+$0x0] =	vst.idx.msk $0xffff, v57  }
0x52f: {  	v35 =	vor.u32 v0, v7;
	v53 =	vor.u32 v0, v29;
	v0 =	vld [tilespmem:$0x1FDC0]  }
0x530: {  	v18 =	vmov v29;
	v29 =	vmov v3;
	v3 =	vld [tilespmem:$0x1FBF0]  }
0x531: {  	v8 =	vld [tilespmem:$0x1FDD0];
	_ =	sdelay $0x2  }
0x532: {  	v55 =	vld.idx.msk [tilespmem:v35+s25+$0x0], $0xffff;
	v10 =	vor.u32 v0, v54;
	_ =	sdelay $0x1  }
0x533: {  	v63 =	vld.idx.msk [tilespmem:v53+s25+$0x0], $0xffff;
	v12 =	vor.u32 v0, v3;
	v0 =	vor.u32 v8, v7;
	_ =	sdelay $0x1  }
0x534: {  	[tilespmem:$0x1F430] =	vst v12  }
0x535: {  	[tilespmem:v10+s24+$0x0] =	vst.idx.msk $0xffff, v55  }
0x536: {  	[tilespmem:$0x1F420] =	vst v10  }
0x537: {  	[tilespmem:v12+s24+$0x0] =	vst.idx.msk $0xffff, v63;
	v12 =	vld.idx.msk [tilespmem:v0+s25+$0x0], $0xffff  }
0x538: {  	v0 =	vld [tilespmem:$0x1FDE0];
	_ =	sdelay $0x4  }
0x539: {  	v26 =	vor.u32 v0, v54;
	v22 =	vor.u32 v0, v3;
	v0 =	vld [tilespmem:$0x1FDF0]  }
0x53a: {  	v8 =	vor.u32 v8, v18;
	_ =	sdelay $0x3  }
0x53b: {  	[tilespmem:$0x1F440] =	vst v26;
	v59 =	vor.u32 v0, v7;
	v14 =	vor.u32 v0, v28;
	v0 =	vld [tilespmem:$0x1FE10]  }
0x53c: {  	v8 =	vld.idx.msk [tilespmem:v8+s25+$0x0], $0xffff;
	_ =	sdelay $0x2  }
0x53d: {  	[tilespmem:$0x1F450] =	vst v22  }
0x53e: {  	[tilespmem:v26+s24+$0x0] =	vst.idx.msk $0xffff, v12;
	v0 =	vor.u32 v0, v25  }
0x53f: {  	[tilespmem:v22+s24+$0x0] =	vst.idx.msk $0xffff, v8;
	v8 =	vld.idx.msk [tilespmem:v59+s25+$0x0], $0xffff;
	v0 =	vand.u32 $0x7E8, v0  }
0x540: {  	v59 =	vor.u32 v21, v0;
	v0 =	vld [tilespmem:$0x1FE00];
	_ =	sdelay $0x2  }
0x541: {  	v12 =	vld.idx.msk [tilespmem:v14+s25+$0x0], $0xffff  }
0x542: {  	v14 =	vld [tilespmem:$0x1FE20]  }
0x543: {  	v22 =	vld [tilespmem:$0x1FE50];
	v0 =	vadd.s32 s30, v0  }
0x544: {  	v57 =	vand.u32 $0x7EF, v0;
	_ =	sdelay $0x2  }
0x545: {  	v0 =	vor.u32 v14, v7;
	v14 =	vor.u32 v14, v28  }
0x546: {  	v25 =	vor.u32 v22, v25;
	[tilespmem:v59+s24+$0x0] =	vst.idx.msk $0xffff, v8  }
0x547: {  	v8 =	vand.u32 $0xFE8, v25;
	[tilespmem:v57+s24+$0x0] =	vst.idx.msk $0xffff, v12  }
0x548: {  	v56 =	vor.u32 v21, v8;
	v8 =	vld [tilespmem:$0x1FE30];
	_ =	sdelay $0x1  }
0x549: {  	v12 =	vld.idx.msk [tilespmem:v14+s25+$0x0], $0xffff  }
0x54a: {  	v14 =	vld [tilespmem:$0x1FE40];
	_ =	sdelay $0x1  }
0x54b: {  	v0 =	vld.idx.msk [tilespmem:v0+s25+$0x0], $0xffff;
	v8 =	vadd.s32 s30, v8  }
0x54c: {  	v55 =	vand.u32 $0xFEF, v8;
	_ =	sdelay $0x1  }
0x54d: {  	v8 =	vor.u32 v14, v7  }
0x54e: {  	v14 =	vor.u32 v14, v18  }
0x54f: {  	[tilespmem:v56+s24+$0x0] =	vst.idx.msk $0xffff, v0  }
0x550: {  	[tilespmem:v55+s24+$0x0] =	vst.idx.msk $0xffff, v12  }
0x551: {  	v12 =	vld [tilespmem:$0x1FE60]  }
0x552: {  	v0 =	vld.idx.msk [tilespmem:v8+s25+$0x0], $0xffff  }
0x553: {  	v8 =	vld.idx.msk [tilespmem:v14+s25+$0x0], $0xffff  }
0x554: {  	v14 =	vld [tilespmem:$0x1FE70];
	_ =	sdelay $0x1  }
0x555: {  	v53 =	vor.u32 v12, v54  }
0x556: {  	v35 =	vor.u32 v12, v3;
	_ =	sdelay $0x1  }
0x557: {  	v12 =	vor.u32 v14, v7;
	_ =	sdelay $0x1  }
0x558: {  	[tilespmem:v53+s24+$0x0] =	vst.idx.msk $0xffff, v0  }
0x559: {  	[tilespmem:v35+s24+$0x0] =	vst.idx.msk $0xffff, v8  }
0x55a: {  	[tilespmem:$0x1F350] =	vst v35  }
0x55b: {  	v0 =	vld.idx.msk [tilespmem:v12+s25+$0x0], $0xffff  }
0x55c: {  	v12 =	vld [tilespmem:$0x1FEA0];
	_ =	sdelay $0x4  }
0x55d: {  	v22 =	vor.u32 v12, v3;
	v3 =	vld [tilespmem:$0x1FC10];
	_ =	sdelay $0x2  }
0x55e: {  	v14 =	vor.u32 v14, v18  }
0x55f: {  	v32 =	vor.u32 v12, v54  }
0x560: {  	v12 =	vor.u32 v3, v7;
	_ =	sdelay $0x2  }
0x561: {  	v8 =	vld.idx.msk [tilespmem:v14+s25+$0x0], $0xffff  }
0x562: {  	v14 =	vor.u32 v3, v28;
	[tilespmem:v32+s24+$0x0] =	vst.idx.msk $0xffff, v0  }
0x563: {  	v0 =	vld.idx.msk [tilespmem:v12+s25+$0x0], $0xffff;
	_ =	sdelay $0x2  }
0x564: {  	[tilespmem:v22+s24+$0x0] =	vst.idx.msk $0xffff, v8  }
0x565: {  	v8 =	vld.idx.msk [tilespmem:v14+s25+$0x0], $0xffff;
	[tilespmem:$0x1F360] =	vst v17  }
0x566: {  	v3 =	vld [tilespmem:$0x1FC20];
	[tilespmem:v17+s26+$0x0] =	vst.idx.msk $0xffff, v0  }
0x567: {  	v26 =	vmov v17;
	v17 =	vld [tilespmem:$0x1F970];
	_ =	sdelay $0x6  }
0x568: {  	v12 =	vor.u32 v3, v7  }
0x569: {  	[tilespmem:v17+s26+$0x0] =	vst.idx.msk $0xffff, v8  }
0x56a: {  	v1 =	vmov v28;
	v14 =	vor.u32 v3, v28;
	v28 =	vld [tilespmem:$0x1F370];
	_ =	sdelay $0x2  }
0x56b: {  	v0 =	vld.idx.msk [tilespmem:v12+s25+$0x0], $0xffff;
	_ =	sdelay $0x4  }
0x56c: {  	[tilespmem:v28+s26+$0x0] =	vst.idx.msk $0xffff, v0  }
0x56d: {  	v58 =	vld [tilespmem:$0x1F9D0];
	_ =	sdelay $0x2  }
0x56e: {  	v12 =	vor.u32 v16, v7;
	v8 =	vld.idx.msk [tilespmem:v14+s25+$0x0], $0xffff  }
0x56f: {  	v14 =	vor.u32 v16, v18;
	_ =	sdelay $0x3  }
0x570: {  	v0 =	vld.idx.msk [tilespmem:v12+s25+$0x0], $0xffff;
	[tilespmem:v58+s26+$0x0] =	vst.idx.msk $0xffff, v8  }
0x571: {  	v8 =	vld.idx.msk [tilespmem:v14+s25+$0x0], $0xffff  }
0x572: {  	v12 =	vor.u32 v31, v7;
	v14 =	vor.u32 v31, v18;
	v31 =	vld [tilespmem:$0x1F380];
	_ =	sdelay $0x7  }
0x573: {  	[tilespmem:v31+s26+$0x0] =	vst.idx.msk $0xffff, v0  }
0x574: {  	v61 =	vld [tilespmem:$0x1FA20];
	_ =	sdelay $0x7  }
0x575: {  	v0 =	vld.idx.msk [tilespmem:v12+s25+$0x0], $0xffff;
	[tilespmem:v61+s26+$0x0] =	vst.idx.msk $0xffff, v8  }
0x576: {  	v8 =	vld.idx.msk [tilespmem:v14+s25+$0x0], $0xffff  }
0x577: {  	v12 =	vor.u32 v13, v7;
	v14 =	vor.u32 v13, v1;
	v13 =	vld [tilespmem:$0x1F390];
	_ =	sdelay $0x7  }
0x578: {  	[tilespmem:v13+s26+$0x0] =	vst.idx.msk $0xffff, v0  }
0x579: {  	v63 =	vld [tilespmem:$0x1FA80];
	_ =	sdelay $0x4  }
0x57a: {  	v0 =	vld.idx.msk [tilespmem:v12+s25+$0x0], $0xffff;
	_ =	sdelay $0x2  }
0x57b: {  	[tilespmem:v63+s26+$0x0] =	vst.idx.msk $0xffff, v8  }
0x57c: {  	v8 =	vld.idx.msk [tilespmem:v14+s25+$0x0], $0xffff;
	[tilespmem:$0x1F3A0] =	vst v48  }
0x57d: {  	[tilespmem:v48+s26+$0x0] =	vst.idx.msk $0xffff, v0  }
0x57e: {  	v12 =	vor.u32 v49, v7;
	v14 =	vor.u32 v49, v1;
	v49 =	vld [tilespmem:$0x1FAD0];
	_ =	sdelay $0x7  }
0x57f: {  	v0 =	vld.idx.msk [tilespmem:v12+s25+$0x0], $0xffff;
	[tilespmem:v49+s26+$0x0] =	vst.idx.msk $0xffff, v8  }
0x580: {  	v12 =	vor.u32 v23, v7;
	v8 =	vld.idx.msk [tilespmem:v14+s25+$0x0], $0xffff  }
0x581: {  	v14 =	vor.u32 v23, v18;
	_ =	sdelay $0x1  }
0x582: {  	[tilespmem:$0x1F3B0] =	vst v15  }
0x583: {  	[tilespmem:v15+s26+$0x0] =	vst.idx.msk $0xffff, v0  }
0x584: {  	v0 =	vld.idx.msk [tilespmem:v12+s25+$0x0], $0xffff;
	[tilespmem:v19+s26+$0x0] =	vst.idx.msk $0xffff, v8  }
0x585: {  	v12 =	vor.u32 v34, v7;
	v8 =	vld.idx.msk [tilespmem:v14+s25+$0x0], $0xffff  }
0x586: {  	v14 =	vor.u32 v34, v18;
	_ =	sdelay $0x1  }
0x587: {  	[tilespmem:$0x1F3C0] =	vst v38  }
0x588: {  	[tilespmem:v38+s26+$0x0] =	vst.idx.msk $0xffff, v0  }
0x589: {  	v0 =	vld.idx.msk [tilespmem:v12+s25+$0x0], $0xffff;
	[tilespmem:v51+s26+$0x0] =	vst.idx.msk $0xffff, v8  }
0x58a: {  	v8 =	vld.idx.msk [tilespmem:v14+s25+$0x0], $0xffff;
	_ =	sdelay $0x2  }
0x58b: {  	[tilespmem:$0x1F3D0] =	vst v47  }
0x58c: {  	[tilespmem:v47+s26+$0x0] =	vst.idx.msk $0xffff, v0  }
0x58d: {  	v3 =	vld [tilespmem:$0x1FCA0];
	[tilespmem:v52+s26+$0x0] =	vst.idx.msk $0xffff, v8  }
0x58e: {  	v23 =	vld [tilespmem:$0x1F900];
	_ =	sdelay $0x2  }
0x58f: {  	v16 =	vmov v15;
	v12 =	vor.u32 v37, v7;
	v15 =	vld [tilespmem:$0x1F2F0];
	_ =	sdelay $0x4  }
0x590: {  	v8 =	vld.idx.msk [tilespmem:v12+s25+$0x0], $0xffff;
	v0 =	vor.u32 v3, v40;
	[tilespmem:v23+s26+$0x0] =	vst.idx.msk $0xffff, v15  }
0x591: {  	v12 =	vor.u32 v3, v41;
	v21 =	vor.u32 v3, v7;
	v25 =	vor.u32 v3, v1;
	v3 =	vld [tilespmem:$0x1F8C0];
	_ =	sdelay $0x2  }
0x592: {  	v14 =	vor.u32 v37, v1;
	v15 =	vld [tilespmem:$0x1F300];
	_ =	sdelay $0x4  }
0x593: {  	v14 =	vld.idx.msk [tilespmem:v14+s25+$0x0], $0xffff;
	[tilespmem:v3+s26+$0x0] =	vst.idx.msk $0xffff, v15  }
0x594: {  	v0 =	vld.idx.msk [tilespmem:v0+s25+$0x0], $0xffff;
	[tilespmem:$0x1F3E0] =	vst v62  }
0x595: {  	[tilespmem:v62+s26+$0x0] =	vst.idx.msk $0xffff, v8  }
0x596: {  	v37 =	vld [tilespmem:$0x1F3F0];
	_ =	sdelay $0x6  }
0x597: {  	v3 =	vld [tilespmem:$0x1FCB0];
	[tilespmem:v36+s26+$0x0] =	vst.idx.msk $0xffff, v0  }
0x598: {  	[tilespmem:v37+s26+$0x0] =	vst.idx.msk $0xffff, v14  }
0x599: {  	v0 =	vld [tilespmem:$0x1F950];
	_ =	sdelay $0x2  }
0x59a: {  	v8 =	vld.idx.msk [tilespmem:v12+s25+$0x0], $0xffff;
	v12 =	vor.u32 v3, v40;
	_ =	sdelay $0x1  }
0x59b: {  	v14 =	vld.idx.msk [tilespmem:v21+s25+$0x0], $0xffff  }
0x59c: {  	v21 =	vld.idx.msk [tilespmem:v25+s25+$0x0], $0xffff  }
0x59d: {  	v15 =	vor.u32 v3, v39  }
0x59e: {  	[tilespmem:v0+s26+$0x0] =	vst.idx.msk $0xffff, v8;
	v0 =	vld.idx.msk [tilespmem:v12+s25+$0x0], $0xffff;
	_ =	sdelay $0x1  }
0x59f: {  	v34 =	vmov v38;
	[tilespmem:v2+s26+$0x0] =	vst.idx.msk $0xffff, v14  }
0x5a0: {  	v38 =	vmov v62;
	v62 =	vor.u32 v3, v18;
	v25 =	vor.u32 v3, v7;
	v3 =	vld [tilespmem:$0x1FCC0];
	[tilespmem:v29+s26+$0x0] =	vst.idx.msk $0xffff, v21  }
0x5a1: {  	v8 =	vld.idx.msk [tilespmem:v15+s25+$0x0], $0xffff;
	[tilespmem:$0x1F410] =	vst v29  }
0x5a2: {  	[tilespmem:v33+s26+$0x0] =	vst.idx.msk $0xffff, v0  }
0x5a3: {  	v0 =	vld [tilespmem:$0x1F9B0];
	_ =	sdelay $0x1  }
0x5a4: {  	v14 =	vld.idx.msk [tilespmem:v25+s25+$0x0], $0xffff;
	_ =	sdelay $0x3  }
0x5a5: {  	v12 =	vor.u32 v3, v40  }
0x5a6: {  	[tilespmem:v10+s26+$0x0] =	vst.idx.msk $0xffff, v14  }
0x5a7: {  	v21 =	vld.idx.msk [tilespmem:v62+s25+$0x0], $0xffff;
	[tilespmem:v0+s26+$0x0] =	vst.idx.msk $0xffff, v8  }
0x5a8: {  	v62 =	vld [tilespmem:$0x1F430];
	_ =	sdelay $0x1  }
0x5a9: {  	v0 =	vld.idx.msk [tilespmem:v12+s25+$0x0], $0xffff;
	_ =	sdelay $0x3  }
0x5aa: {  	v15 =	vor.u32 v3, v39  }
0x5ab: {  	v25 =	vor.u32 v3, v7;
	v54 =	vor.u32 v3, v18;
	v3 =	vld [tilespmem:$0x1FCD0];
	[tilespmem:v30+s26+$0x0] =	vst.idx.msk $0xffff, v0  }
0x5ac: {  	[tilespmem:v62+s26+$0x0] =	vst.idx.msk $0xffff, v21  }
0x5ad: {  	v0 =	vld [tilespmem:$0x1FA00];
	_ =	sdelay $0x2  }
0x5ae: {  	v8 =	vld.idx.msk [tilespmem:v15+s25+$0x0], $0xffff;
	_ =	sdelay $0x4  }
0x5af: {  	[tilespmem:v0+s26+$0x0] =	vst.idx.msk $0xffff, v8  }
0x5b0: {  	v10 =	vld [tilespmem:$0x1F440];
	_ =	sdelay $0x2  }
0x5b1: {  	v14 =	vld.idx.msk [tilespmem:v25+s25+$0x0], $0xffff;
	_ =	sdelay $0x2  }
0x5b2: {  	v12 =	vor.u32 v3, v40;
	_ =	sdelay $0x1  }
0x5b3: {  	[tilespmem:v10+s26+$0x0] =	vst.idx.msk $0xffff, v14  }
0x5b4: {  	v2 =	vld [tilespmem:$0x1F450];
	_ =	sdelay $0x1  }
0x5b5: {  	v0 =	vld.idx.msk [tilespmem:v12+s25+$0x0], $0xffff  }
0x5b6: {  	v21 =	vld.idx.msk [tilespmem:v54+s25+$0x0], $0xffff;
	_ =	sdelay $0x2  }
0x5b7: {  	v15 =	vor.u32 v3, v41  }
0x5b8: {  	v25 =	vor.u32 v3, v7;
	v54 =	vor.u32 v3, v1;
	v3 =	vld [tilespmem:$0x1FCE0];
	[tilespmem:v42+s26+$0x0] =	vst.idx.msk $0xffff, v0  }
0x5b9: {  	[tilespmem:v2+s26+$0x0] =	vst.idx.msk $0xffff, v21  }
0x5ba: {  	v0 =	vld [tilespmem:$0x1FA60];
	_ =	sdelay $0x2  }
0x5bb: {  	v8 =	vld.idx.msk [tilespmem:v15+s25+$0x0], $0xffff;
	v12 =	vor.u32 v3, v40;
	_ =	sdelay $0x1  }
0x5bc: {  	v14 =	vld.idx.msk [tilespmem:v25+s25+$0x0], $0xffff;
	_ =	sdelay $0x1  }
0x5bd: {  	v21 =	vld.idx.msk [tilespmem:v54+s25+$0x0], $0xffff  }
0x5be: {  	[tilespmem:v0+s26+$0x0] =	vst.idx.msk $0xffff, v8;
	v0 =	vld.idx.msk [tilespmem:v12+s25+$0x0], $0xffff;
	_ =	sdelay $0x1  }
0x5bf: {  	[tilespmem:v59+s26+$0x0] =	vst.idx.msk $0xffff, v14  }
0x5c0: {  	v25 =	vor.u32 v3, v7;
	[tilespmem:$0x1F460] =	vst v59  }
0x5c1: {  	v15 =	vor.u32 v3, v41;
	v54 =	vor.u32 v3, v1;
	v3 =	vld [tilespmem:$0x1FCF0];
	[tilespmem:v57+s26+$0x0] =	vst.idx.msk $0xffff, v21  }
0x5c2: {  	[tilespmem:v43+s26+$0x0] =	vst.idx.msk $0xffff, v0  }
0x5c3: {  	v0 =	vld [tilespmem:$0x1FAB0];
	_ =	sdelay $0x1  }
0x5c4: {  	v14 =	vld.idx.msk [tilespmem:v25+s25+$0x0], $0xffff  }
0x5c5: {  	v8 =	vld.idx.msk [tilespmem:v15+s25+$0x0], $0xffff;
	_ =	sdelay $0x2  }
0x5c6: {  	v25 =	vor.u32 v3, v7  }
0x5c7: {  	v12 =	vor.u32 v3, v40;
	[tilespmem:v56+s26+$0x0] =	vst.idx.msk $0xffff, v14  }
0x5c8: {  	v21 =	vld.idx.msk [tilespmem:v54+s25+$0x0], $0xffff;
	v15 =	vor.u32 v3, v39;
	[tilespmem:v0+s26+$0x0] =	vst.idx.msk $0xffff, v8  }
0x5c9: {  	v54 =	vor.u32 v3, v18;
	v3 =	vld [tilespmem:$0x1FD00];
	_ =	sdelay $0x1  }
0x5ca: {  	v14 =	vld.idx.msk [tilespmem:v25+s25+$0x0], $0xffff  }
0x5cb: {  	v0 =	vld.idx.msk [tilespmem:v12+s25+$0x0], $0xffff  }
0x5cc: {  	v8 =	vld.idx.msk [tilespmem:v15+s25+$0x0], $0xffff;
	[tilespmem:v55+s26+$0x0] =	vst.idx.msk $0xffff, v21  }
0x5cd: {  	v21 =	vld.idx.msk [tilespmem:v54+s25+$0x0], $0xffff;
	v12 =	vor.u32 v3, v40  }
0x5ce: {  	v15 =	vor.u32 v3, v39;
	v25 =	vor.u32 v3, v7;
	v54 =	vor.u32 v3, v18;
	v3 =	vld [tilespmem:$0x1FB20];
	_ =	sdelay $0x7  }
0x5cf: {  	[tilespmem:v3+s26+$0x0] =	vst.idx.msk $0xffff, v0  }
0x5d0: {  	v0 =	vld [tilespmem:$0x1FB30];
	_ =	sdelay $0x6  }
0x5d1: {  	[tilespmem:v53+s26+$0x0] =	vst.idx.msk $0xffff, v14  }
0x5d2: {  	[tilespmem:v0+s26+$0x0] =	vst.idx.msk $0xffff, v8  }
0x5d3: {  	v3 =	vld [tilespmem:$0x1FD10];
	[tilespmem:v35+s26+$0x0] =	vst.idx.msk $0xffff, v21  }
0x5d4: {  	v35 =	vld [tilespmem:$0x1FB70];
	_ =	sdelay $0x2  }
0x5d5: {  	v0 =	vld.idx.msk [tilespmem:v12+s25+$0x0], $0xffff;
	_ =	sdelay $0x4  }
0x5d6: {  	[tilespmem:v35+s26+$0x0] =	vst.idx.msk $0xffff, v0  }
0x5d7: {  	v0 =	vld [tilespmem:$0x1FB80];
	_ =	sdelay $0x1  }
0x5d8: {  	v14 =	vld.idx.msk [tilespmem:v25+s25+$0x0], $0xffff  }
0x5d9: {  	v8 =	vld.idx.msk [tilespmem:v15+s25+$0x0], $0xffff;
	_ =	sdelay $0x2  }
0x5da: {  	v25 =	vor.u32 v3, v7  }
0x5db: {  	v12 =	vor.u32 v3, v40;
	[tilespmem:v32+s26+$0x0] =	vst.idx.msk $0xffff, v14  }
0x5dc: {  	v21 =	vld.idx.msk [tilespmem:v54+s25+$0x0], $0xffff;
	v15 =	vor.u32 v3, v41;
	[tilespmem:v0+s26+$0x0] =	vst.idx.msk $0xffff, v8  }
0x5dd: {  	v54 =	vor.u32 v3, v1;
	v3 =	vld [tilespmem:$0x1FD20];
	_ =	sdelay $0x1  }
0x5de: {  	v14 =	vld.idx.msk [tilespmem:v25+s25+$0x0], $0xffff  }
0x5df: {  	v0 =	vld.idx.msk [tilespmem:v12+s25+$0x0], $0xffff  }
0x5e0: {  	v8 =	vld.idx.msk [tilespmem:v15+s25+$0x0], $0xffff;
	[tilespmem:v22+s26+$0x0] =	vst.idx.msk $0xffff, v21  }
0x5e1: {  	v21 =	vld.idx.msk [tilespmem:v54+s25+$0x0], $0xffff;
	v12 =	vor.u32 v3, v40  }
0x5e2: {  	v15 =	vor.u32 v3, v41;
	v25 =	vor.u32 v3, v7;
	v54 =	vor.u32 v3, v1;
	v3 =	vld [tilespmem:$0x1FBE0];
	_ =	sdelay $0x5  }
0x5e3: {  	[tilespmem:v46+s28+$0x0] =	vst.idx.msk $0xffff, v8  }
0x5e4: {  	[tilespmem:v26+s28+$0x0] =	vst.idx.msk $0xffff, v14  }
0x5e5: {  	[tilespmem:v3+s28+$0x0] =	vst.idx.msk $0xffff, v0  }
0x5e6: {  	v3 =	vld [tilespmem:$0x1FD30];
	[tilespmem:v17+s28+$0x0] =	vst.idx.msk $0xffff, v21  }
0x5e7: {  	v26 =	vld [tilespmem:$0x1F500];
	_ =	sdelay $0x2  }
0x5e8: {  	v0 =	vld.idx.msk [tilespmem:v12+s25+$0x0], $0xffff;
	_ =	sdelay $0x4  }
0x5e9: {  	[tilespmem:v26+s28+$0x0] =	vst.idx.msk $0xffff, v0  }
0x5ea: {  	v0 =	vld [tilespmem:$0x1F520];
	_ =	sdelay $0x1  }
0x5eb: {  	v14 =	vld.idx.msk [tilespmem:v25+s25+$0x0], $0xffff  }
0x5ec: {  	v8 =	vld.idx.msk [tilespmem:v15+s25+$0x0], $0xffff  }
0x5ed: {  	v21 =	vld.idx.msk [tilespmem:v54+s25+$0x0], $0xffff;
	_ =	sdelay $0x2  }
0x5ee: {  	[tilespmem:v28+s28+$0x0] =	vst.idx.msk $0xffff, v14  }
0x5ef: {  	v12 =	vor.u32 v3, v40;
	v15 =	vor.u32 v3, v39;
	[tilespmem:v0+s28+$0x0] =	vst.idx.msk $0xffff, v8  }
0x5f0: {  	v25 =	vor.u32 v3, v7;
	v54 =	vor.u32 v3, v18;
	v3 =	vld [tilespmem:$0x1FD40];
	[tilespmem:v58+s28+$0x0] =	vst.idx.msk $0xffff, v21  }
0x5f1: {  	v28 =	vld [tilespmem:$0x1F530];
	_ =	sdelay $0x2  }
0x5f2: {  	v0 =	vld.idx.msk [tilespmem:v12+s25+$0x0], $0xffff;
	_ =	sdelay $0x4  }
0x5f3: {  	[tilespmem:v28+s28+$0x0] =	vst.idx.msk $0xffff, v0  }
0x5f4: {  	v0 =	vld [tilespmem:$0x1F540];
	_ =	sdelay $0x1  }
0x5f5: {  	v14 =	vld.idx.msk [tilespmem:v25+s25+$0x0], $0xffff  }
0x5f6: {  	v8 =	vld.idx.msk [tilespmem:v15+s25+$0x0], $0xffff  }
0x5f7: {  	v21 =	vld.idx.msk [tilespmem:v54+s25+$0x0], $0xffff;
	_ =	sdelay $0x2  }
0x5f8: {  	[tilespmem:v31+s28+$0x0] =	vst.idx.msk $0xffff, v14  }
0x5f9: {  	v12 =	vor.u32 v3, v40;
	v15 =	vor.u32 v3, v39;
	[tilespmem:v0+s28+$0x0] =	vst.idx.msk $0xffff, v8  }
0x5fa: {  	v25 =	vor.u32 v3, v7;
	v58 =	vor.u32 v3, v18;
	v3 =	vld [tilespmem:$0x1FD50];
	[tilespmem:v61+s28+$0x0] =	vst.idx.msk $0xffff, v21  }
0x5fb: {  	v31 =	vld [tilespmem:$0x1F560];
	_ =	sdelay $0x2  }
0x5fc: {  	v0 =	vld.idx.msk [tilespmem:v12+s25+$0x0], $0xffff;
	_ =	sdelay $0x4  }
0x5fd: {  	[tilespmem:v31+s28+$0x0] =	vst.idx.msk $0xffff, v0  }
0x5fe: {  	v0 =	vld [tilespmem:$0x1F570];
	_ =	sdelay $0x2  }
0x5ff: {  	v8 =	vld.idx.msk [tilespmem:v15+s25+$0x0], $0xffff;
	v12 =	vor.u32 v3, v40  }
0x600: {  	v14 =	vld.idx.msk [tilespmem:v25+s25+$0x0], $0xffff;
	v15 =	vor.u32 v3, v41  }
0x601: {  	v21 =	vld.idx.msk [tilespmem:v58+s25+$0x0], $0xffff;
	_ =	sdelay $0x2  }
0x602: {  	[tilespmem:v0+s28+$0x0] =	vst.idx.msk $0xffff, v8;
	v0 =	vld.idx.msk [tilespmem:v12+s25+$0x0], $0xffff  }
0x603: {  	[tilespmem:v13+s28+$0x0] =	vst.idx.msk $0xffff, v14;
	v8 =	vld.idx.msk [tilespmem:v15+s25+$0x0], $0xffff  }
0x604: {  	v25 =	vor.u32 v3, v7;
	v61 =	vor.u32 v3, v1;
	v3 =	vld [tilespmem:$0x1FD60];
	[tilespmem:v63+s28+$0x0] =	vst.idx.msk $0xffff, v21  }
0x605: {  	v13 =	vld [tilespmem:$0x1F580];
	_ =	sdelay $0x7  }
0x606: {  	[tilespmem:v13+s28+$0x0] =	vst.idx.msk $0xffff, v0  }
0x607: {  	v0 =	vld [tilespmem:$0x1F590]  }
0x608: {  	v14 =	vld.idx.msk [tilespmem:v25+s25+$0x0], $0xffff  }
0x609: {  	v21 =	vld.idx.msk [tilespmem:v61+s25+$0x0], $0xffff;
	_ =	sdelay $0x3  }
0x60a: {  	[tilespmem:v48+s28+$0x0] =	vst.idx.msk $0xffff, v14  }
0x60b: {  	v12 =	vor.u32 v3, v40;
	[tilespmem:v49+s28+$0x0] =	vst.idx.msk $0xffff, v21  }
0x60c: {  	[tilespmem:v0+s28+$0x0] =	vst.idx.msk $0xffff, v8  }
0x60d: {  	v48 =	vld [tilespmem:$0x1F7B0];
	_ =	sdelay $0x2  }
0x60e: {  	v0 =	vld.idx.msk [tilespmem:v12+s25+$0x0], $0xffff;
	_ =	sdelay $0x1  }
0x60f: {  	v25 =	vor.u32 v3, v7  }
0x610: {  	v58 =	vor.u32 v3, v1  }
0x611: {  	v15 =	vor.u32 v3, v41  }
0x612: {  	[tilespmem:v48+s28+$0x0] =	vst.idx.msk $0xffff, v0  }
0x613: {  	v3 =	vld [tilespmem:$0x1F770]  }
0x614: {  	v14 =	vld.idx.msk [tilespmem:v25+s25+$0x0], $0xffff  }
0x615: {  	v21 =	vld.idx.msk [tilespmem:v58+s25+$0x0], $0xffff  }
0x616: {  	v8 =	vld.idx.msk [tilespmem:v15+s25+$0x0], $0xffff;
	_ =	sdelay $0x1  }
0x617: {  	v61 =	vor.u32 v44, v18;
	v25 =	vor.u32 v44, v7  }
0x618: {  	v12 =	vor.u32 v44, v40;
	v15 =	vor.u32 v44, v39;
	v44 =	vld [tilespmem:$0x1F4D0];
	[tilespmem:v16+s28+$0x0] =	vst.idx.msk $0xffff, v14  }
0x619: {  	[tilespmem:v19+s28+$0x0] =	vst.idx.msk $0xffff, v21  }
0x61a: {  	[tilespmem:v3+s28+$0x0] =	vst.idx.msk $0xffff, v8  }
0x61b: {  	v3 =	vld [tilespmem:$0x1F700];
	_ =	sdelay $0x2  }
0x61c: {  	v16 =	vld [tilespmem:$0x1F310];
	_ =	sdelay $0x4  }
0x61d: {  	[tilespmem:v3+s29+$0x0] =	vst.idx.msk $0xffff, v16  }
0x61e: {  	v3 =	vld [tilespmem:$0x1F760];
	_ =	sdelay $0x2  }
0x61f: {  	v16 =	vld [tilespmem:$0x1F320];
	_ =	sdelay $0x4  }
0x620: {  	[tilespmem:v3+s29+$0x0] =	vst.idx.msk $0xffff, v16  }
0x621: {  	v3 =	vld [tilespmem:$0x1F820];
	_ =	sdelay $0x2  }
0x622: {  	v8 =	vld.idx.msk [tilespmem:v12+s25+$0x0], $0xffff;
	_ =	sdelay $0x2  }
0x623: {  	v12 =	vld.idx.msk [tilespmem:v15+s25+$0x0], $0xffff  }
0x624: {  	v15 =	vld.idx.msk [tilespmem:v25+s25+$0x0], $0xffff  }
0x625: {  	v25 =	vld.idx.msk [tilespmem:v61+s25+$0x0], $0xffff;
	[tilespmem:v3+s28+$0x0] =	vst.idx.msk $0xffff, v8  }
0x626: {  	v61 =	vld [tilespmem:$0x1F7E0];
	_ =	sdelay $0x4  }
0x627: {  	v54 =	vor.u32 v45, v7;
	v58 =	vor.u32 v45, v18  }
0x628: {  	v14 =	vor.u32 v45, v40;
	v21 =	vor.u32 v45, v39;
	v45 =	vld [tilespmem:$0x1F4E0];
	[tilespmem:v34+s28+$0x0] =	vst.idx.msk $0xffff, v15  }
0x629: {  	v0 =	vor.u32 v44, v5;
	[tilespmem:v51+s28+$0x0] =	vst.idx.msk $0xffff, v25  }
0x62a: {  	[tilespmem:v61+s28+$0x0] =	vst.idx.msk $0xffff, v12  }
0x62b: {  	v3 =	vld [tilespmem:$0x1F750];
	_ =	sdelay $0x2  }
0x62c: {  	v0 =	vld.idx.msk [tilespmem:v0+s25+$0x0], $0xffff;
	_ =	sdelay $0x3  }
0x62d: {  	v6 =	vor.u32 v44, v6  }
0x62e: {  	[tilespmem:v3+s29+$0x0] =	vst.idx.msk $0xffff, v0  }
0x62f: {  	v3 =	vld [tilespmem:$0x1F7D0];
	_ =	sdelay $0x2  }
0x630: {  	v6 =	vld.idx.msk [tilespmem:v6+s25+$0x0], $0xffff;
	_ =	sdelay $0x4  }
0x631: {  	[tilespmem:v3+s29+$0x0] =	vst.idx.msk $0xffff, v6  }
0x632: {  	v34 =	vld [tilespmem:$0x1F890];
	_ =	sdelay $0x2  }
0x633: {  	v12 =	vld.idx.msk [tilespmem:v14+s25+$0x0], $0xffff;
	_ =	sdelay $0x4  }
0x634: {  	[tilespmem:v34+s28+$0x0] =	vst.idx.msk $0xffff, v12  }
0x635: {  	v3 =	vld [tilespmem:$0x1F850]  }
0x636: {  	v25 =	vld.idx.msk [tilespmem:v54+s25+$0x0], $0xffff  }
0x637: {  	v0 =	vld.idx.msk [tilespmem:v58+s25+$0x0], $0xffff  }
0x638: {  	v15 =	vld.idx.msk [tilespmem:v21+s25+$0x0], $0xffff;
	_ =	sdelay $0x2  }
0x639: {  	v17 =	vld [tilespmem:$0x1F4F0];
	[tilespmem:v47+s28+$0x0] =	vst.idx.msk $0xffff, v25  }
0x63a: {  	v8 =	vor.u32 v45, v5;
	[tilespmem:v52+s28+$0x0] =	vst.idx.msk $0xffff, v0  }
0x63b: {  	[tilespmem:v3+s28+$0x0] =	vst.idx.msk $0xffff, v15  }
0x63c: {  	v3 =	vld [tilespmem:$0x1F7C0];
	_ =	sdelay $0x2  }
0x63d: {  	v6 =	vld.idx.msk [tilespmem:v8+s25+$0x0], $0xffff;
	_ =	sdelay $0x1  }
0x63e: {  	v14 =	vor.u32 v45, v11  }
0x63f: {  	v21 =	vor.u32 v27, v40;
	_ =	sdelay $0x1  }
0x640: {  	[tilespmem:v3+s29+$0x0] =	vst.idx.msk $0xffff, v6  }
0x641: {  	v3 =	vld [tilespmem:$0x1F840]  }
0x642: {  	v12 =	vld.idx.msk [tilespmem:v14+s25+$0x0], $0xffff  }
0x643: {  	v14 =	vld.idx.msk [tilespmem:v21+s25+$0x0], $0xffff;
	_ =	sdelay $0x2  }
0x644: {  	v63 =	vor.u32 v27, v7  }
0x645: {  	v8 =	vor.u32 v27, v1  }
0x646: {  	v54 =	vor.u32 v27, v41;
	[tilespmem:v23+s28+$0x0] =	vst.idx.msk $0xffff, v14  }
0x647: {  	[tilespmem:v3+s29+$0x0] =	vst.idx.msk $0xffff, v12  }
0x648: {  	v3 =	vld [tilespmem:$0x1F8C0]  }
0x649: {  	v0 =	vld.idx.msk [tilespmem:v63+s25+$0x0], $0xffff  }
0x64a: {  	v6 =	vld.idx.msk [tilespmem:v8+s25+$0x0], $0xffff  }
0x64b: {  	v15 =	vld.idx.msk [tilespmem:v54+s25+$0x0], $0xffff;
	_ =	sdelay $0x2  }
0x64c: {  	[tilespmem:v38+s28+$0x0] =	vst.idx.msk $0xffff, v0  }
0x64d: {  	v5 =	vor.u32 v17, v5;
	[tilespmem:v37+s28+$0x0] =	vst.idx.msk $0xffff, v6  }
0x64e: {  	[tilespmem:v3+s28+$0x0] =	vst.idx.msk $0xffff, v15  }
0x64f: {  	v3 =	vld [tilespmem:$0x1F830];
	_ =	sdelay $0x2  }
0x650: {  	v5 =	vld.idx.msk [tilespmem:v5+s25+$0x0], $0xffff;
	_ =	sdelay $0x2  }
0x651: {  	v21 =	vor.u32 v24, v40  }
0x652: {  	v11 =	vor.u32 v17, v11  }
0x653: {  	[tilespmem:v3+s29+$0x0] =	vst.idx.msk $0xffff, v5  }
0x654: {  	v3 =	vld [tilespmem:$0x1F8B0];
	_ =	sdelay $0x1  }
0x655: {  	v14 =	vld.idx.msk [tilespmem:v21+s25+$0x0], $0xffff  }
0x656: {  	v11 =	vld.idx.msk [tilespmem:v11+s25+$0x0], $0xffff;
	_ =	sdelay $0x3  }
0x657: {  	v25 =	vor.u32 v24, v41;
	[tilespmem:v36+s28+$0x0] =	vst.idx.msk $0xffff, v14  }
0x658: {  	[tilespmem:v3+s29+$0x0] =	vst.idx.msk $0xffff, v11  }
0x659: {  	v16 =	vld [tilespmem:$0x1F950];
	_ =	sdelay $0x2  }
0x65a: {  	v0 =	vld.idx.msk [tilespmem:v25+s25+$0x0], $0xffff;
	_ =	sdelay $0x2  }
0x65b: {  	v12 =	vor.u32 v24, v1  }
0x65c: {  	v8 =	vor.u32 v24, v7  }
0x65d: {  	v3 =	vld [tilespmem:$0x1F6A0];
	[tilespmem:v16+s28+$0x0] =	vst.idx.msk $0xffff, v0  }
0x65e: {  	v16 =	vld [tilespmem:$0x1F400];
	_ =	sdelay $0x1  }
0x65f: {  	v5 =	vld.idx.msk [tilespmem:v12+s25+$0x0], $0xffff  }
0x660: {  	v6 =	vld.idx.msk [tilespmem:v8+s25+$0x0], $0xffff;
	_ =	sdelay $0x3  }
0x661: {  	[tilespmem:v29+s28+$0x0] =	vst.idx.msk $0xffff, v5  }
0x662: {  	v8 =	vor.u32 v20, v39;
	[tilespmem:v16+s28+$0x0] =	vst.idx.msk $0xffff, v6  }
0x663: {  	v15 =	vor.u32 v20, v40;
	v12 =	vor.u32 v20, v7;
	v11 =	vor.u32 v20, v18;
	v20 =	vld [tilespmem:$0x1F8D0];
	_ =	sdelay $0x2  }
0x664: {  	v16 =	vld [tilespmem:$0x1F330];
	_ =	sdelay $0x4  }
0x665: {  	[tilespmem:v20+s28+$0x0] =	vst.idx.msk $0xffff, v16  }
0x666: {  	v37 =	vld [tilespmem:$0x1F8F0];
	_ =	sdelay $0x1  }
0x667: {  	v0 =	vld.idx.msk [tilespmem:v15+s25+$0x0], $0xffff  }
0x668: {  	v16 =	vld [tilespmem:$0x1F340];
	_ =	sdelay $0x3  }
0x669: {  	[tilespmem:v33+s28+$0x0] =	vst.idx.msk $0xffff, v0  }
0x66a: {  	[tilespmem:v37+s28+$0x0] =	vst.idx.msk $0xffff, v16  }
0x66b: {  	v16 =	vld [tilespmem:$0x1F9B0];
	_ =	sdelay $0x2  }
0x66c: {  	v6 =	vld.idx.msk [tilespmem:v8+s25+$0x0], $0xffff;
	_ =	sdelay $0x2  }
0x66d: {  	v14 =	vor.u32 v3, v50  }
0x66e: {  	v21 =	vor.u32 v3, v7;
	v25 =	vor.u32 v3, v18;
	v15 =	vor.u32 v3, v60;
	v5 =	vld.idx.msk [tilespmem:v12+s25+$0x0], $0xffff  }
0x66f: {  	v8 =	vor.u32 v3, v40;
	v12 =	vor.u32 v3, v39;
	v3 =	vld [tilespmem:$0x1F6E0];
	[tilespmem:v16+s28+$0x0] =	vst.idx.msk $0xffff, v6  }
0x670: {  	v16 =	vld [tilespmem:$0x1F420];
	_ =	sdelay $0x1  }
0x671: {  	v11 =	vld.idx.msk [tilespmem:v11+s25+$0x0], $0xffff;
	_ =	sdelay $0x4  }
0x672: {  	[tilespmem:v62+s28+$0x0] =	vst.idx.msk $0xffff, v11  }
0x673: {  	[tilespmem:v16+s28+$0x0] =	vst.idx.msk $0xffff, v5  }
0x674: {  	v63 =	vld [tilespmem:$0x1F930];
	_ =	sdelay $0x2  }
0x675: {  	v14 =	vld.idx.msk [tilespmem:v14+s25+$0x0], $0xffff;
	_ =	sdelay $0x4  }
0x676: {  	[tilespmem:v63+s28+$0x0] =	vst.idx.msk $0xffff, v14  }
0x677: {  	v20 =	vld [tilespmem:$0x1F940];
	_ =	sdelay $0x1  }
0x678: {  	v6 =	vld.idx.msk [tilespmem:v8+s25+$0x0], $0xffff  }
0x679: {  	v0 =	vld.idx.msk [tilespmem:v15+s25+$0x0], $0xffff;
	_ =	sdelay $0x3  }
0x67a: {  	[tilespmem:v30+s28+$0x0] =	vst.idx.msk $0xffff, v6  }
0x67b: {  	[tilespmem:v20+s28+$0x0] =	vst.idx.msk $0xffff, v0  }
0x67c: {  	v15 =	vor.u32 v3, v50;
	v16 =	vld [tilespmem:$0x1FA00]  }
0x67d: {  	v11 =	vld.idx.msk [tilespmem:v21+s25+$0x0], $0xffff  }
0x67e: {  	v14 =	vld.idx.msk [tilespmem:v25+s25+$0x0], $0xffff  }
0x67f: {  	v5 =	vld.idx.msk [tilespmem:v12+s25+$0x0], $0xffff;
	_ =	sdelay $0x1  }
0x680: {  	v8 =	vor.u32 v3, v4;
	v12 =	vor.u32 v3, v40;
	v21 =	vor.u32 v3, v41;
	v0 =	vld.idx.msk [tilespmem:v15+s25+$0x0], $0xffff  }
0x681: {  	v25 =	vor.u32 v3, v7;
	v15 =	vor.u32 v3, v1;
	v3 =	vld [tilespmem:$0x1F730];
	[tilespmem:v10+s28+$0x0] =	vst.idx.msk $0xffff, v11  }
0x682: {  	[tilespmem:v2+s28+$0x0] =	vst.idx.msk $0xffff, v14  }
0x683: {  	[tilespmem:v16+s28+$0x0] =	vst.idx.msk $0xffff, v5  }
0x684: {  	v62 =	vld [tilespmem:$0x1F980];
	_ =	sdelay $0x7  }
0x685: {  	[tilespmem:v62+s28+$0x0] =	vst.idx.msk $0xffff, v0  }
0x686: {  	v27 =	vld [tilespmem:$0x1F990];
	_ =	sdelay $0x1  }
0x687: {  	v5 =	vld.idx.msk [tilespmem:v12+s25+$0x0], $0xffff  }
0x688: {  	v6 =	vld.idx.msk [tilespmem:v8+s25+$0x0], $0xffff;
	_ =	sdelay $0x3  }
0x689: {  	[tilespmem:v42+s28+$0x0] =	vst.idx.msk $0xffff, v5  }
0x68a: {  	[tilespmem:v27+s28+$0x0] =	vst.idx.msk $0xffff, v6  }
0x68b: {  	v8 =	vor.u32 v3, v50;
	v2 =	vld [tilespmem:$0x1FA60]  }
0x68c: {  	v14 =	vld.idx.msk [tilespmem:v25+s25+$0x0], $0xffff  }
0x68d: {  	v0 =	vld.idx.msk [tilespmem:v15+s25+$0x0], $0xffff  }
0x68e: {  	v11 =	vld.idx.msk [tilespmem:v21+s25+$0x0], $0xffff;
	_ =	sdelay $0x1  }
0x68f: {  	v25 =	vor.u32 v3, v41;
	v12 =	vor.u32 v3, v4;
	v21 =	vor.u32 v3, v40;
	v6 =	vld.idx.msk [tilespmem:v8+s25+$0x0], $0xffff  }
0x690: {  	v15 =	vor.u32 v3, v7;
	v8 =	vor.u32 v3, v1;
	v3 =	vld [tilespmem:$0x1F790];
	[tilespmem:v59+s28+$0x0] =	vst.idx.msk $0xffff, v14  }
0x691: {  	[tilespmem:v57+s28+$0x0] =	vst.idx.msk $0xffff, v0  }
0x692: {  	[tilespmem:v2+s28+$0x0] =	vst.idx.msk $0xffff, v11  }
0x693: {  	v58 =	vld [tilespmem:$0x1F9E0];
	_ =	sdelay $0x7  }
0x694: {  	[tilespmem:v58+s28+$0x0] =	vst.idx.msk $0xffff, v6  }
0x695: {  	v38 =	vld [tilespmem:$0x1F9F0];
	_ =	sdelay $0x1  }
0x696: {  	v11 =	vld.idx.msk [tilespmem:v21+s25+$0x0], $0xffff  }
0x697: {  	v5 =	vld.idx.msk [tilespmem:v12+s25+$0x0], $0xffff;
	_ =	sdelay $0x3  }
0x698: {  	[tilespmem:v43+s28+$0x0] =	vst.idx.msk $0xffff, v11  }
0x699: {  	[tilespmem:v38+s28+$0x0] =	vst.idx.msk $0xffff, v5  }
0x69a: {  	v12 =	vor.u32 v3, v50;
	v2 =	vld [tilespmem:$0x1FAB0]  }
0x69b: {  	v0 =	vld.idx.msk [tilespmem:v15+s25+$0x0], $0xffff  }
0x69c: {  	v6 =	vld.idx.msk [tilespmem:v8+s25+$0x0], $0xffff  }
0x69d: {  	v14 =	vld.idx.msk [tilespmem:v25+s25+$0x0], $0xffff;
	_ =	sdelay $0x1  }
0x69e: {  	v15 =	vor.u32 v3, v39;
	v21 =	vor.u32 v3, v60;
	v25 =	vor.u32 v3, v40;
	v5 =	vld.idx.msk [tilespmem:v12+s25+$0x0], $0xffff  }
0x69f: {  	v8 =	vor.u32 v3, v7;
	v12 =	vor.u32 v3, v18;
	v3 =	vld [tilespmem:$0x1F800];
	[tilespmem:v56+s28+$0x0] =	vst.idx.msk $0xffff, v0  }
0x6a0: {  	[tilespmem:v55+s28+$0x0] =	vst.idx.msk $0xffff, v6  }
0x6a1: {  	[tilespmem:v2+s28+$0x0] =	vst.idx.msk $0xffff, v14  }
0x6a2: {  	v47 =	vld [tilespmem:$0x1FA30];
	_ =	sdelay $0x7  }
0x6a3: {  	[tilespmem:v47+s28+$0x0] =	vst.idx.msk $0xffff, v5  }
0x6a4: {  	v59 =	vld [tilespmem:$0x1FA40];
	_ =	sdelay $0x2  }
0x6a5: {  	v11 =	vld.idx.msk [tilespmem:v21+s25+$0x0], $0xffff;
	_ =	sdelay $0x4  }
0x6a6: {  	[tilespmem:v59+s28+$0x0] =	vst.idx.msk $0xffff, v11  }
0x6a7: {  	v2 =	vld [tilespmem:$0x1FB20];
	_ =	sdelay $0x2  }
0x6a8: {  	v14 =	vld.idx.msk [tilespmem:v25+s25+$0x0], $0xffff;
	_ =	sdelay $0x4  }
0x6a9: {  	[tilespmem:v2+s28+$0x0] =	vst.idx.msk $0xffff, v14  }
0x6aa: {  	v2 =	vld [tilespmem:$0x1FB30]  }
0x6ab: {  	v21 =	vor.u32 v3, v50  }
0x6ac: {  	v6 =	vld.idx.msk [tilespmem:v8+s25+$0x0], $0xffff  }
0x6ad: {  	v0 =	vld.idx.msk [tilespmem:v15+s25+$0x0], $0xffff;
	_ =	sdelay $0x1  }
0x6ae: {  	v5 =	vld.idx.msk [tilespmem:v12+s25+$0x0], $0xffff  }
0x6af: {  	v8 =	vor.u32 v3, v39;
	v25 =	vor.u32 v3, v60;
	v15 =	vor.u32 v3, v40;
	v11 =	vld.idx.msk [tilespmem:v21+s25+$0x0], $0xffff  }
0x6b0: {  	v12 =	vor.u32 v3, v7;
	v21 =	vor.u32 v3, v18;
	v3 =	vld [tilespmem:$0x1F870];
	[tilespmem:v53+s28+$0x0] =	vst.idx.msk $0xffff, v6  }
0x6b1: {  	[tilespmem:v2+s28+$0x0] =	vst.idx.msk $0xffff, v0  }
0x6b2: {  	v29 =	vld [tilespmem:$0x1F350];
	_ =	sdelay $0x7  }
0x6b3: {  	[tilespmem:v29+s28+$0x0] =	vst.idx.msk $0xffff, v5  }
0x6b4: {  	v16 =	vld [tilespmem:$0x1FA90];
	_ =	sdelay $0x7  }
0x6b5: {  	[tilespmem:v16+s28+$0x0] =	vst.idx.msk $0xffff, v11  }
0x6b6: {  	v54 =	vld [tilespmem:$0x1FAA0];
	_ =	sdelay $0x1  }
0x6b7: {  	v0 =	vld.idx.msk [tilespmem:v15+s25+$0x0], $0xffff  }
0x6b8: {  	v14 =	vld.idx.msk [tilespmem:v25+s25+$0x0], $0xffff;
	_ =	sdelay $0x3  }
0x6b9: {  	[tilespmem:v35+s28+$0x0] =	vst.idx.msk $0xffff, v0  }
0x6ba: {  	[tilespmem:v54+s28+$0x0] =	vst.idx.msk $0xffff, v14  }
0x6bb: {  	v2 =	vld [tilespmem:$0x1FB80]  }
0x6bc: {  	v5 =	vld.idx.msk [tilespmem:v12+s25+$0x0], $0xffff  }
0x6bd: {  	v11 =	vld.idx.msk [tilespmem:v21+s25+$0x0], $0xffff  }
0x6be: {  	v25 =	vor.u32 v3, v50;
	v6 =	vld.idx.msk [tilespmem:v8+s25+$0x0], $0xffff;
	_ =	sdelay $0x2  }
0x6bf: {  	v10 =	vld [tilespmem:$0x1F8E0];
	[tilespmem:v32+s28+$0x0] =	vst.idx.msk $0xffff, v5  }
0x6c0: {  	[tilespmem:v22+s28+$0x0] =	vst.idx.msk $0xffff, v11  }
0x6c1: {  	v15 =	vor.u32 v3, v4;
	v8 =	vor.u32 v3, v40;
	v14 =	vld.idx.msk [tilespmem:v25+s25+$0x0], $0xffff;
	[tilespmem:v2+s28+$0x0] =	vst.idx.msk $0xffff, v6  }
0x6c2: {  	v12 =	vor.u32 v3, v41;
	v21 =	vor.u32 v3, v7;
	v25 =	vor.u32 v3, v1;
	v3 =	vld [tilespmem:$0x1FAF0];
	_ =	sdelay $0x7  }
0x6c3: {  	[tilespmem:v3+s29+$0x0] =	vst.idx.msk $0xffff, v14  }
0x6c4: {  	v3 =	vld [tilespmem:$0x1FB10];
	_ =	sdelay $0x2  }
0x6c5: {  	v0 =	vld.idx.msk [tilespmem:v15+s25+$0x0], $0xffff;
	_ =	sdelay $0x4  }
0x6c6: {  	[tilespmem:v3+s29+$0x0] =	vst.idx.msk $0xffff, v0  }
0x6c7: {  	v2 =	vld [tilespmem:$0x1FBE0];
	_ =	sdelay $0x2  }
0x6c8: {  	v15 =	vor.u32 v10, v50;
	v6 =	vld.idx.msk [tilespmem:v8+s25+$0x0], $0xffff  }
0x6c9: {  	v5 =	vld.idx.msk [tilespmem:v12+s25+$0x0], $0xffff;
	_ =	sdelay $0x1  }
0x6ca: {  	v11 =	vld.idx.msk [tilespmem:v21+s25+$0x0], $0xffff  }
0x6cb: {  	v21 =	vor.u32 v10, v41;
	v14 =	vld.idx.msk [tilespmem:v25+s25+$0x0], $0xffff  }
0x6cc: {  	v8 =	vor.u32 v10, v4;
	v12 =	vor.u32 v10, v40;
	v0 =	vld.idx.msk [tilespmem:v15+s25+$0x0], $0xffff;
	[tilespmem:v2+s29+$0x0] =	vst.idx.msk $0xffff, v6  }
0x6cd: {  	v25 =	vor.u32 v10, v7;
	v15 =	vor.u32 v10, v1;
	v10 =	vld [tilespmem:$0x1F9A0];
	[tilespmem:v46+s29+$0x0] =	vst.idx.msk $0xffff, v5  }
0x6ce: {  	v2 =	vld [tilespmem:$0x1F360];
	_ =	sdelay $0x7  }
0x6cf: {  	[tilespmem:v2+s29+$0x0] =	vst.idx.msk $0xffff, v11  }
0x6d0: {  	v2 =	vld [tilespmem:$0x1F970];
	_ =	sdelay $0x7  }
0x6d1: {  	[tilespmem:v2+s29+$0x0] =	vst.idx.msk $0xffff, v14  }
0x6d2: {  	v3 =	vld [tilespmem:$0x1FB50];
	_ =	sdelay $0x7  }
0x6d3: {  	[tilespmem:v3+s29+$0x0] =	vst.idx.msk $0xffff, v0  }
0x6d4: {  	v3 =	vld [tilespmem:$0x1FB60];
	_ =	sdelay $0x1  }
0x6d5: {  	v5 =	vld.idx.msk [tilespmem:v12+s25+$0x0], $0xffff  }
0x6d6: {  	v6 =	vld.idx.msk [tilespmem:v8+s25+$0x0], $0xffff;
	_ =	sdelay $0x3  }
0x6d7: {  	[tilespmem:v26+s29+$0x0] =	vst.idx.msk $0xffff, v5  }
0x6d8: {  	[tilespmem:v3+s29+$0x0] =	vst.idx.msk $0xffff, v6  }
0x6d9: {  	v2 =	vld [tilespmem:$0x1F520];
	_ =	sdelay $0x1  }
0x6da: {  	v8 =	vor.u32 v10, v50  }
0x6db: {  	v11 =	vld.idx.msk [tilespmem:v21+s25+$0x0], $0xffff;
	_ =	sdelay $0x1  }
0x6dc: {  	v14 =	vld.idx.msk [tilespmem:v25+s25+$0x0], $0xffff  }
0x6dd: {  	v0 =	vld.idx.msk [tilespmem:v15+s25+$0x0], $0xffff  }
0x6de: {  	v12 =	vor.u32 v10, v60;
	v21 =	vor.u32 v10, v40;
	v25 =	vor.u32 v10, v39;
	v6 =	vld.idx.msk [tilespmem:v8+s25+$0x0], $0xffff  }
0x6df: {  	v15 =	vor.u32 v10, v7;
	v8 =	vor.u32 v10, v18;
	v10 =	vld [tilespmem:$0x1FA50];
	[tilespmem:v2+s29+$0x0] =	vst.idx.msk $0xffff, v11  }
0x6e0: {  	v2 =	vld [tilespmem:$0x1F370];
	_ =	sdelay $0x7  }
0x6e1: {  	[tilespmem:v2+s29+$0x0] =	vst.idx.msk $0xffff, v14  }
0x6e2: {  	v2 =	vld [tilespmem:$0x1F9D0];
	_ =	sdelay $0x7  }
0x6e3: {  	[tilespmem:v2+s29+$0x0] =	vst.idx.msk $0xffff, v0  }
0x6e4: {  	v3 =	vld [tilespmem:$0x1FBC0];
	_ =	sdelay $0x7  }
0x6e5: {  	[tilespmem:v3+s29+$0x0] =	vst.idx.msk $0xffff, v6  }
0x6e6: {  	v3 =	vld [tilespmem:$0x1FBD0];
	_ =	sdelay $0x1  }
0x6e7: {  	v11 =	vld.idx.msk [tilespmem:v21+s25+$0x0], $0xffff  }
0x6e8: {  	v5 =	vld.idx.msk [tilespmem:v12+s25+$0x0], $0xffff;
	_ =	sdelay $0x3  }
0x6e9: {  	[tilespmem:v28+s29+$0x0] =	vst.idx.msk $0xffff, v11  }
0x6ea: {  	[tilespmem:v3+s29+$0x0] =	vst.idx.msk $0xffff, v5  }
0x6eb: {  	v2 =	vld [tilespmem:$0x1F540];
	_ =	sdelay $0x2  }
0x6ec: {  	v14 =	vld.idx.msk [tilespmem:v25+s25+$0x0], $0xffff;
	_ =	sdelay $0x4  }
0x6ed: {  	v3 =	vld [tilespmem:$0x1FB00];
	[tilespmem:v2+s29+$0x0] =	vst.idx.msk $0xffff, v14  }
0x6ee: {  	v2 =	vld [tilespmem:$0x1F380];
	_ =	sdelay $0x2  }
0x6ef: {  	v0 =	vld.idx.msk [tilespmem:v15+s25+$0x0], $0xffff;
	_ =	sdelay $0x4  }
0x6f0: {  	[tilespmem:v2+s29+$0x0] =	vst.idx.msk $0xffff, v0  }
0x6f1: {  	v2 =	vld [tilespmem:$0x1FA20];
	_ =	sdelay $0x2  }
0x6f2: {  	v6 =	vld.idx.msk [tilespmem:v8+s25+$0x0], $0xffff;
	_ =	sdelay $0x1  }
0x6f3: {  	v21 =	vor.u32 v10, v60  }
0x6f4: {  	v25 =	vor.u32 v10, v40  }
0x6f5: {  	v12 =	vor.u32 v10, v50  }
0x6f6: {  	[tilespmem:v2+s29+$0x0] =	vst.idx.msk $0xffff, v6  }
0x6f7: {  	v2 =	vld [tilespmem:$0x1F550]  }
0x6f8: {  	v11 =	vld.idx.msk [tilespmem:v21+s25+$0x0], $0xffff  }
0x6f9: {  	v14 =	vld.idx.msk [tilespmem:v25+s25+$0x0], $0xffff  }
0x6fa: {  	v5 =	vld.idx.msk [tilespmem:v12+s25+$0x0], $0xffff;
	_ =	sdelay $0x2  }
0x6fb: {  	[tilespmem:v9+s29+$0x0] =	vst.idx.msk $0xffff, v11  }
0x6fc: {  	v15 =	vor.u32 v10, v39;
	[tilespmem:v31+s29+$0x0] =	vst.idx.msk $0xffff, v14  }
0x6fd: {  	[tilespmem:v2+s29+$0x0] =	vst.idx.msk $0xffff, v5  }
0x6fe: {  	v8 =	vor.u32 v10, v7;
	v2 =	vld [tilespmem:$0x1F570]  }
0x6ff: {  	v12 =	vor.u32 v10, v18  }
0x700: {  	v21 =	vor.u32 v3, v50  }
0x701: {  	v0 =	vld.idx.msk [tilespmem:v15+s25+$0x0], $0xffff;
	_ =	sdelay $0x1  }
0x702: {  	v6 =	vld.idx.msk [tilespmem:v8+s25+$0x0], $0xffff  }
0x703: {  	v5 =	vld.idx.msk [tilespmem:v12+s25+$0x0], $0xffff  }
0x704: {  	v25 =	vor.u32 v3, v4;
	v15 =	vor.u32 v3, v40;
	v8 =	vor.u32 v3, v41;
	v11 =	vld.idx.msk [tilespmem:v21+s25+$0x0], $0xffff  }
0x705: {  	v12 =	vor.u32 v3, v7;
	v21 =	vor.u32 v3, v1;
	v3 =	vld [tilespmem:$0x1FB90];
	[tilespmem:v2+s29+$0x0] =	vst.idx.msk $0xffff, v0  }
0x706: {  	v2 =	vld [tilespmem:$0x1F390];
	_ =	sdelay $0x7  }
0x707: {  	[tilespmem:v2+s29+$0x0] =	vst.idx.msk $0xffff, v6  }
0x708: {  	v2 =	vld [tilespmem:$0x1FA80];
	_ =	sdelay $0x7  }
0x709: {  	[tilespmem:v2+s29+$0x0] =	vst.idx.msk $0xffff, v5  }
0x70a: {  	v2 =	vld [tilespmem:$0x1F690];
	_ =	sdelay $0x7  }
0x70b: {  	[tilespmem:v2+s29+$0x0] =	vst.idx.msk $0xffff, v11  }
0x70c: {  	v2 =	vld [tilespmem:$0x1FAE0];
	_ =	sdelay $0x1  }
0x70d: {  	v0 =	vld.idx.msk [tilespmem:v15+s25+$0x0], $0xffff  }
0x70e: {  	v14 =	vld.idx.msk [tilespmem:v25+s25+$0x0], $0xffff;
	_ =	sdelay $0x3  }
0x70f: {  	[tilespmem:v13+s29+$0x0] =	vst.idx.msk $0xffff, v0  }
0x710: {  	[tilespmem:v2+s29+$0x0] =	vst.idx.msk $0xffff, v14  }
0x711: {  	v2 =	vld [tilespmem:$0x1F590];
	_ =	sdelay $0x1  }
0x712: {  	v25 =	vor.u32 v3, v50  }
0x713: {  	v6 =	vld.idx.msk [tilespmem:v8+s25+$0x0], $0xffff;
	_ =	sdelay $0x1  }
0x714: {  	v5 =	vld.idx.msk [tilespmem:v12+s25+$0x0], $0xffff  }
0x715: {  	v11 =	vld.idx.msk [tilespmem:v21+s25+$0x0], $0xffff  }
0x716: {  	v15 =	vor.u32 v3, v4;
	v8 =	vor.u32 v3, v40;
	v12 =	vor.u32 v3, v41;
	v14 =	vld.idx.msk [tilespmem:v25+s25+$0x0], $0xffff  }
0x717: {  	v21 =	vor.u32 v3, v7;
	v25 =	vor.u32 v3, v1;
	v3 =	vld [tilespmem:$0x1FC00];
	[tilespmem:v2+s29+$0x0] =	vst.idx.msk $0xffff, v6  }
0x718: {  	v2 =	vld [tilespmem:$0x1F3A0];
	_ =	sdelay $0x6  }
0x719: {  	[tilespmem:v49+s29+$0x0] =	vst.idx.msk $0xffff, v11  }
0x71a: {  	[tilespmem:v2+s29+$0x0] =	vst.idx.msk $0xffff, v5  }
0x71b: {  	v2 =	vld [tilespmem:$0x1F6D0];
	_ =	sdelay $0x7  }
0x71c: {  	[tilespmem:v2+s29+$0x0] =	vst.idx.msk $0xffff, v14  }
0x71d: {  	v2 =	vld [tilespmem:$0x1F6F0];
	_ =	sdelay $0x1  }
0x71e: {  	v6 =	vld.idx.msk [tilespmem:v8+s25+$0x0], $0xffff  }
0x71f: {  	v0 =	vld.idx.msk [tilespmem:v15+s25+$0x0], $0xffff;
	_ =	sdelay $0x3  }
0x720: {  	[tilespmem:v48+s29+$0x0] =	vst.idx.msk $0xffff, v6  }
0x721: {  	[tilespmem:v2+s29+$0x0] =	vst.idx.msk $0xffff, v0  }
0x722: {  	v2 =	vld [tilespmem:$0x1F770];
	_ =	sdelay $0x2  }
0x723: {  	v5 =	vld.idx.msk [tilespmem:v12+s25+$0x0], $0xffff;
	_ =	sdelay $0x4  }
0x724: {  	v9 =	vld [tilespmem:$0x1F470];
	[tilespmem:v2+s29+$0x0] =	vst.idx.msk $0xffff, v5  }
0x725: {  	v2 =	vld [tilespmem:$0x1F3B0];
	_ =	sdelay $0x1  }
0x726: {  	v14 =	vld.idx.msk [tilespmem:v25+s25+$0x0], $0xffff  }
0x727: {  	v11 =	vld.idx.msk [tilespmem:v21+s25+$0x0], $0xffff;
	_ =	sdelay $0x3  }
0x728: {  	v15 =	vor.u32 v3, v50;
	[tilespmem:v19+s29+$0x0] =	vst.idx.msk $0xffff, v14  }
0x729: {  	[tilespmem:v2+s29+$0x0] =	vst.idx.msk $0xffff, v11  }
0x72a: {  	v2 =	vld [tilespmem:$0x1F720];
	_ =	sdelay $0x2  }
0x72b: {  	v0 =	vld.idx.msk [tilespmem:v15+s25+$0x0], $0xffff;
	_ =	sdelay $0x3  }
0x72c: {  	v8 =	vor.u32 v3, v60  }
0x72d: {  	[tilespmem:v2+s29+$0x0] =	vst.idx.msk $0xffff, v0  }
0x72e: {  	v2 =	vld [tilespmem:$0x1F740];
	_ =	sdelay $0x1  }
0x72f: {  	v24 =	vor.u32 v3, v7  }
0x730: {  	v12 =	vor.u32 v3, v40;
	v21 =	vor.u32 v3, v39;
	v15 =	vor.u32 v3, v18;
	v3 =	vld.idx.msk [tilespmem:v8+s25+$0x0], $0xffff;
	_ =	sdelay $0x4  }
0x731: {  	[tilespmem:v2+s29+$0x0] =	vst.idx.msk $0xffff, v3  }
0x732: {  	v2 =	vld [tilespmem:$0x1F820];
	_ =	sdelay $0x2  }
0x733: {  	v5 =	vld.idx.msk [tilespmem:v12+s25+$0x0], $0xffff  }
0x734: {  	v11 =	vld.idx.msk [tilespmem:v21+s25+$0x0], $0xffff;
	_ =	sdelay $0x3  }
0x735: {  	[tilespmem:v2+s29+$0x0] =	vst.idx.msk $0xffff, v5  }
0x736: {  	v10 =	vld [tilespmem:$0x1F480];
	[tilespmem:v61+s29+$0x0] =	vst.idx.msk $0xffff, v11  }
0x737: {  	v2 =	vld [tilespmem:$0x1F3C0];
	_ =	sdelay $0x1  }
0x738: {  	v0 =	vld.idx.msk [tilespmem:v15+s25+$0x0], $0xffff  }
0x739: {  	v14 =	vld.idx.msk [tilespmem:v24+s25+$0x0], $0xffff;
	_ =	sdelay $0x3  }
0x73a: {  	v6 =	vor.u32 v9, v50;
	[tilespmem:v51+s29+$0x0] =	vst.idx.msk $0xffff, v0  }
0x73b: {  	[tilespmem:v2+s29+$0x0] =	vst.idx.msk $0xffff, v14  }
0x73c: {  	v2 =	vld [tilespmem:$0x1F780];
	_ =	sdelay $0x2  }
0x73d: {  	v3 =	vld.idx.msk [tilespmem:v6+s25+$0x0], $0xffff;
	_ =	sdelay $0x2  }
0x73e: {  	v12 =	vor.u32 v9, v40  }
0x73f: {  	v8 =	vor.u32 v9, v60  }
0x740: {  	[tilespmem:v2+s29+$0x0] =	vst.idx.msk $0xffff, v3  }
0x741: {  	v2 =	vld [tilespmem:$0x1F7A0]  }
0x742: {  	v15 =	vor.u32 v9, v7  }
0x743: {  	v19 =	vor.u32 v9, v39;
	v6 =	vor.u32 v9, v18;
	v9 =	vld.idx.msk [tilespmem:v12+s25+$0x0], $0xffff  }
0x744: {  	v5 =	vld.idx.msk [tilespmem:v8+s25+$0x0], $0xffff;
	v8 =	vor.u32 v10, v50;
	_ =	sdelay $0x2  }
0x745: {  	v0 =	vld.idx.msk [tilespmem:v15+s25+$0x0], $0xffff  }
0x746: {  	v3 =	vld.idx.msk [tilespmem:v6+s25+$0x0], $0xffff;
	[tilespmem:v34+s29+$0x0] =	vst.idx.msk $0xffff, v9  }
0x747: {  	v11 =	vor.u32 v10, v4;
	v14 =	vor.u32 v10, v40;
	[tilespmem:v2+s29+$0x0] =	vst.idx.msk $0xffff, v5;
	v5 =	vld.idx.msk [tilespmem:v8+s25+$0x0], $0xffff  }
0x748: {  	v15 =	vor.u32 v10, v41;
	v6 =	vor.u32 v10, v7;
	v8 =	vor.u32 v10, v1;
	v10 =	vld [tilespmem:$0x1F850];
	_ =	sdelay $0x2  }
0x749: {  	v12 =	vld.idx.msk [tilespmem:v19+s25+$0x0], $0xffff;
	_ =	sdelay $0x4  }
0x74a: {  	v2 =	vld [tilespmem:$0x1F490];
	[tilespmem:v10+s29+$0x0] =	vst.idx.msk $0xffff, v12  }
0x74b: {  	v10 =	vld [tilespmem:$0x1F3D0];
	_ =	sdelay $0x6  }
0x74c: {  	[tilespmem:v52+s29+$0x0] =	vst.idx.msk $0xffff, v3  }
0x74d: {  	[tilespmem:v10+s29+$0x0] =	vst.idx.msk $0xffff, v0  }
0x74e: {  	v10 =	vld [tilespmem:$0x1F7F0];
	_ =	sdelay $0x7  }
0x74f: {  	[tilespmem:v10+s29+$0x0] =	vst.idx.msk $0xffff, v5  }
0x750: {  	v10 =	vld [tilespmem:$0x1F810];
	_ =	sdelay $0x2  }
0x751: {  	v9 =	vld.idx.msk [tilespmem:v11+s25+$0x0], $0xffff;
	v11 =	vor.u32 v2, v50  }
0x752: {  	v12 =	vld.idx.msk [tilespmem:v14+s25+$0x0], $0xffff  }
0x753: {  	v0 =	vld.idx.msk [tilespmem:v15+s25+$0x0], $0xffff  }
0x754: {  	v3 =	vld.idx.msk [tilespmem:v6+s25+$0x0], $0xffff  }
0x755: {  	v5 =	vld.idx.msk [tilespmem:v8+s25+$0x0], $0xffff  }
0x756: {  	v14 =	vor.u32 v2, v4;
	v15 =	vor.u32 v2, v40;
	[tilespmem:v10+s29+$0x0] =	vst.idx.msk $0xffff, v9;
	v9 =	vld.idx.msk [tilespmem:v11+s25+$0x0], $0xffff  }
0x757: {  	v6 =	vor.u32 v2, v41;
	v8 =	vor.u32 v2, v7;
	v11 =	vor.u32 v2, v1;
	v2 =	vld [tilespmem:$0x1F900];
	_ =	sdelay $0x7  }
0x758: {  	[tilespmem:v2+s29+$0x0] =	vst.idx.msk $0xffff, v12  }
0x759: {  	v2 =	vld [tilespmem:$0x1F8C0];
	_ =	sdelay $0x7  }
0x75a: {  	v10 =	vld [tilespmem:$0x1F4A0];
	[tilespmem:v2+s29+$0x0] =	vst.idx.msk $0xffff, v0  }
0x75b: {  	v2 =	vld [tilespmem:$0x1F3E0];
	_ =	sdelay $0x7  }
0x75c: {  	[tilespmem:v2+s29+$0x0] =	vst.idx.msk $0xffff, v3  }
0x75d: {  	v2 =	vld [tilespmem:$0x1F3F0];
	_ =	sdelay $0x7  }
0x75e: {  	[tilespmem:v2+s29+$0x0] =	vst.idx.msk $0xffff, v5  }
0x75f: {  	v2 =	vld [tilespmem:$0x1F860];
	_ =	sdelay $0x7  }
0x760: {  	[tilespmem:v2+s29+$0x0] =	vst.idx.msk $0xffff, v9  }
0x761: {  	v2 =	vld [tilespmem:$0x1F880];
	_ =	sdelay $0x1  }
0x762: {  	v0 =	vld.idx.msk [tilespmem:v15+s25+$0x0], $0xffff  }
0x763: {  	v12 =	vld.idx.msk [tilespmem:v14+s25+$0x0], $0xffff;
	v14 =	vor.u32 v10, v50;
	_ =	sdelay $0x1  }
0x764: {  	v3 =	vld.idx.msk [tilespmem:v6+s25+$0x0], $0xffff  }
0x765: {  	v5 =	vld.idx.msk [tilespmem:v8+s25+$0x0], $0xffff  }
0x766: {  	v9 =	vld.idx.msk [tilespmem:v11+s25+$0x0], $0xffff;
	[tilespmem:v36+s29+$0x0] =	vst.idx.msk $0xffff, v0  }
0x767: {  	v15 =	vor.u32 v10, v60;
	v6 =	vor.u32 v10, v40;
	[tilespmem:v2+s29+$0x0] =	vst.idx.msk $0xffff, v12;
	v12 =	vld.idx.msk [tilespmem:v14+s25+$0x0], $0xffff  }
0x768: {  	v8 =	vor.u32 v10, v39;
	v11 =	vor.u32 v10, v7;
	v14 =	vor.u32 v10, v18;
	v10 =	vld [tilespmem:$0x1F950];
	_ =	sdelay $0x7  }
0x769: {  	v2 =	vld [tilespmem:$0x1F4B0];
	[tilespmem:v10+s29+$0x0] =	vst.idx.msk $0xffff, v3  }
0x76a: {  	v10 =	vld [tilespmem:$0x1F400];
	_ =	sdelay $0x7  }
0x76b: {  	[tilespmem:v10+s29+$0x0] =	vst.idx.msk $0xffff, v5  }
0x76c: {  	v10 =	vld [tilespmem:$0x1F410];
	_ =	sdelay $0x7  }
0x76d: {  	[tilespmem:v10+s29+$0x0] =	vst.idx.msk $0xffff, v9  }
0x76e: {  	v10 =	vld [tilespmem:$0x1F8D0]  }
0x76f: {  	v0 =	vld.idx.msk [tilespmem:v15+s25+$0x0], $0xffff  }
0x770: {  	v6 =	vld.idx.msk [tilespmem:v6+s25+$0x0], $0xffff;
	_ =	sdelay $0x3  }
0x771: {  	[tilespmem:v37+s29+$0x0] =	vst.idx.msk $0xffff, v0  }
0x772: {  	[tilespmem:v33+s29+$0x0] =	vst.idx.msk $0xffff, v6  }
0x773: {  	[tilespmem:v10+s29+$0x0] =	vst.idx.msk $0xffff, v12  }
0x774: {  	v10 =	vld [tilespmem:$0x1F9B0];
	_ =	sdelay $0x1  }
0x775: {  	v15 =	vor.u32 v2, v50  }
0x776: {  	v5 =	vld.idx.msk [tilespmem:v8+s25+$0x0], $0xffff;
	_ =	sdelay $0x2  }
0x777: {  	v12 =	vld.idx.msk [tilespmem:v14+s25+$0x0], $0xffff  }
0x778: {  	v3 =	vor.u32 v2, v60;
	v8 =	vor.u32 v2, v40;
	v9 =	vor.u32 v2, v39;
	v0 =	vld.idx.msk [tilespmem:v15+s25+$0x0], $0xffff  }
0x779: {  	v14 =	vor.u32 v2, v7;
	v15 =	vor.u32 v2, v18;
	v2 =	vld [tilespmem:$0x1F4C0];
	[tilespmem:v10+s29+$0x0] =	vst.idx.msk $0xffff, v5  }
0x77a: {  	v10 =	vld [tilespmem:$0x1F420];
	_ =	sdelay $0x2  }
0x77b: {  	v11 =	vld.idx.msk [tilespmem:v11+s25+$0x0], $0xffff;
	_ =	sdelay $0x4  }
0x77c: {  	[tilespmem:v10+s29+$0x0] =	vst.idx.msk $0xffff, v11  }
0x77d: {  	v10 =	vld [tilespmem:$0x1F430];
	_ =	sdelay $0x1  }
0x77e: {  	v3 =	vld.idx.msk [tilespmem:v3+s25+$0x0], $0xffff  }
0x77f: {  	v6 =	vor.u32 v2, v50  }
0x780: {  	v8 =	vld.idx.msk [tilespmem:v8+s25+$0x0], $0xffff;
	_ =	sdelay $0x1  }
0x781: {  	[tilespmem:v63+s29+$0x0] =	vst.idx.msk $0xffff, v0  }
0x782: {  	[tilespmem:v20+s29+$0x0] =	vst.idx.msk $0xffff, v3  }
0x783: {  	v3 =	vld.idx.msk [tilespmem:v6+s25+$0x0], $0xffff;
	[tilespmem:v10+s29+$0x0] =	vst.idx.msk $0xffff, v12  }
0x784: {  	v5 =	vor.u32 v2, v4;
	v11 =	vor.u32 v2, v40;
	[tilespmem:v30+s29+$0x0] =	vst.idx.msk $0xffff, v8;
	v0 =	vld.idx.msk [tilespmem:v15+s25+$0x0], $0xffff  }
0x785: {  	v6 =	vor.u32 v2, v1;
	v12 =	vor.u32 v2, v41;
	v15 =	vor.u32 v2, v7;
	v2 =	vld [tilespmem:$0x1FA00];
	_ =	sdelay $0x2  }
0x786: {  	v9 =	vld.idx.msk [tilespmem:v9+s25+$0x0], $0xffff;
	_ =	sdelay $0x4  }
0x787: {  	[tilespmem:v2+s29+$0x0] =	vst.idx.msk $0xffff, v9  }
0x788: {  	v2 =	vld [tilespmem:$0x1F440];
	_ =	sdelay $0x2  }
0x789: {  	v14 =	vld.idx.msk [tilespmem:v14+s25+$0x0], $0xffff;
	_ =	sdelay $0x4  }
0x78a: {  	[tilespmem:v2+s29+$0x0] =	vst.idx.msk $0xffff, v14  }
0x78b: {  	v2 =	vld [tilespmem:$0x1F450]  }
0x78c: {  	v5 =	vld.idx.msk [tilespmem:v5+s25+$0x0], $0xffff  }
0x78d: {  	v9 =	vld.idx.msk [tilespmem:v11+s25+$0x0], $0xffff;
	_ =	sdelay $0x2  }
0x78e: {  	[tilespmem:v62+s29+$0x0] =	vst.idx.msk $0xffff, v3  }
0x78f: {  	[tilespmem:v27+s29+$0x0] =	vst.idx.msk $0xffff, v5  }
0x790: {  	[tilespmem:v42+s29+$0x0] =	vst.idx.msk $0xffff, v9  }
0x791: {  	[tilespmem:v2+s29+$0x0] =	vst.idx.msk $0xffff, v0  }
0x792: {  	v5 =	vor.u32 v44, v1;
	v1 =	vld [tilespmem:$0x1FA60];
	_ =	sdelay $0x1  }
0x793: {  	v8 =	vor.u32 v44, v50  }
0x794: {  	v11 =	vld.idx.msk [tilespmem:v12+s25+$0x0], $0xffff;
	_ =	sdelay $0x1  }
0x795: {  	v4 =	vor.u32 v44, v4  }
0x796: {  	v12 =	vor.u32 v44, v40  }
0x797: {  	v8 =	vld.idx.msk [tilespmem:v8+s25+$0x0], $0xffff  }
0x798: {  	v3 =	vld.idx.msk [tilespmem:v6+s25+$0x0], $0xffff;
	[tilespmem:v1+s29+$0x0] =	vst.idx.msk $0xffff, v11  }
0x799: {  	v1 =	vld [tilespmem:$0x1F460]  }
0x79a: {  	v4 =	vld.idx.msk [tilespmem:v4+s25+$0x0], $0xffff  }
0x79b: {  	v12 =	vld.idx.msk [tilespmem:v12+s25+$0x0], $0xffff  }
0x79c: {  	v14 =	vld.idx.msk [tilespmem:v15+s25+$0x0], $0xffff;
	v9 =	vor.u32 v45, v50  }
0x79d: {  	[tilespmem:v57+s29+$0x0] =	vst.idx.msk $0xffff, v3  }
0x79e: {  	v11 =	vor.u32 v45, v60;
	[tilespmem:v58+s29+$0x0] =	vst.idx.msk $0xffff, v8  }
0x79f: {  	v6 =	vor.u32 v44, v7;
	[tilespmem:v38+s29+$0x0] =	vst.idx.msk $0xffff, v4  }
0x7a0: {  	v0 =	vor.u32 v44, v41;
	[tilespmem:v43+s29+$0x0] =	vst.idx.msk $0xffff, v12;
	v5 =	vld.idx.msk [tilespmem:v5+s25+$0x0], $0xffff  }
0x7a1: {  	v4 =	vld.idx.msk [tilespmem:v9+s25+$0x0], $0xffff;
	[tilespmem:v1+s29+$0x0] =	vst.idx.msk $0xffff, v14  }
0x7a2: {  	v1 =	vld [tilespmem:$0x1FAB0]  }
0x7a3: {  	v11 =	vld.idx.msk [tilespmem:v11+s25+$0x0], $0xffff  }
0x7a4: {  	v6 =	vld.idx.msk [tilespmem:v6+s25+$0x0], $0xffff  }
0x7a5: {  	v0 =	vld.idx.msk [tilespmem:v0+s25+$0x0], $0xffff  }
0x7a6: {  	[tilespmem:v55+s29+$0x0] =	vst.idx.msk $0xffff, v5  }
0x7a7: {  	[tilespmem:v47+s29+$0x0] =	vst.idx.msk $0xffff, v4  }
0x7a8: {  	[tilespmem:v59+s29+$0x0] =	vst.idx.msk $0xffff, v11  }
0x7a9: {  	v14 =	vor.u32 v45, v40;
	[tilespmem:v56+s29+$0x0] =	vst.idx.msk $0xffff, v6  }
0x7aa: {  	[tilespmem:v1+s29+$0x0] =	vst.idx.msk $0xffff, v0  }
0x7ab: {  	v10 =	vld [tilespmem:$0x1FB20];
	_ =	sdelay $0x2  }
0x7ac: {  	v1 =	vld.idx.msk [tilespmem:v14+s25+$0x0], $0xffff;
	_ =	sdelay $0x3  }
0x7ad: {  	v3 =	vor.u32 v45, v39  }
0x7ae: {  	v8 =	vor.u32 v45, v7;
	[tilespmem:v10+s29+$0x0] =	vst.idx.msk $0xffff, v1  }
0x7af: {  	v9 =	vor.u32 v45, v18;
	v1 =	vld [tilespmem:$0x1FB30]  }
0x7b0: {  	v2 =	vor.u32 v17, v50  }
0x7b1: {  	v0 =	vor.u32 v17, v60  }
0x7b2: {  	v6 =	vor.u32 v17, v40;
	v3 =	vld.idx.msk [tilespmem:v3+s25+$0x0], $0xffff  }
0x7b3: {  	v8 =	vld.idx.msk [tilespmem:v8+s25+$0x0], $0xffff  }
0x7b4: {  	v4 =	vld.idx.msk [tilespmem:v9+s25+$0x0], $0xffff  }
0x7b5: {  	v2 =	vld.idx.msk [tilespmem:v2+s25+$0x0], $0xffff  }
0x7b6: {  	v0 =	vld.idx.msk [tilespmem:v0+s25+$0x0], $0xffff  }
0x7b7: {  	[tilespmem:v1+s29+$0x0] =	vst.idx.msk $0xffff, v3;
	v1 =	vld.idx.msk [tilespmem:v6+s25+$0x0], $0xffff  }
0x7b8: {  	[tilespmem:v53+s29+$0x0] =	vst.idx.msk $0xffff, v8  }
0x7b9: {  	v7 =	vor.u32 v17, v7;
	[tilespmem:v29+s29+$0x0] =	vst.idx.msk $0xffff, v4  }
0x7ba: {  	v9 =	vor.u32 v17, v18;
	[tilespmem:v16+s29+$0x0] =	vst.idx.msk $0xffff, v2  }
0x7bb: {  	v5 =	vor.u32 v17, v39;
	[tilespmem:v54+s29+$0x0] =	vst.idx.msk $0xffff, v0  }
0x7bc: {  	[tilespmem:v35+s29+$0x0] =	vst.idx.msk $0xffff, v1  }
0x7bd: {  	v0 =	vld [tilespmem:$0x1FB80]  }
0x7be: {  	v4 =	vld.idx.msk [tilespmem:v7+s25+$0x0], $0xffff  }
0x7bf: {  	v23 =	vmov v22;
	v2 =	vld.idx.msk [tilespmem:v9+s25+$0x0], $0xffff  }
0x7c0: {  	v3 =	vld.idx.msk [tilespmem:v5+s25+$0x0], $0xffff;
	_ =	sdelay $0x2  }
0x7c1: {  	[tilespmem:v32+s29+$0x0] =	vst.idx.msk $0xffff, v4  }
0x7c2: {  	s31 =	sadd.s32 s5, s23;
	[tilespmem:v23+s29+$0x0] =	vst.idx.msk $0xffff, v2  }
0x7c3: {  	s23 =	sshll.u32 s31, $0xE;
	s1 =	sshll.u32 s31, $0xC;
	[tilespmem:v0+s29+$0x0] =	vst.idx.msk $0xffff, v3  }
0x7c4: {  	s23 =	sand.u32 $0x7FF80000, s23;
	s1 =	sand.u32 $0x1F000, s1;
	v10 =	vld [tilespmem:$0x1FFC0]  }
0x7c5: {  	s1 =	sor.u32 s1, s23;
	v1 =	vld [tilespmem:$0x1FFD0]  }
0x7c6: {  	s1 =	sshrl.u32 s1, $0x3;
	v7 =	vld [tilespmem:$0x1FFE0]  }
0x7c7: {  	s25 =	sadd.s32 s2, s1;
	v36 =	vld [tilespmem:$0x1FFF0]  }
0x7c8: {  	[hbm4b:s25+s3] =	stream.linear.scatter [tilespmem:s24], [sflag:s21], $0x400, $0x38;
	v8 =	vld [tilespmem:$0x1FE80]  }
0x7c9: {  	s31 =	sor.u32 $0x8800, s22;
	s30 =	sadd.s32 s1, s10;
	v43 =	vld [tilespmem:$0x1FEF0]  }
0x7ca: {  	v27 =	vld [tilespmem:$0x1FF00];
	[hbm4b:s30+s3] =	stream.linear.scatter [tilespmem:s31], [sflag:s21], $0x400, $0x38  }
0x7cb: {  	s24 =	sadd.s32 s1, s11;
	s25 =	sor.u32 $0x8C00, s22;
	v25 =	vld [tilespmem:$0x1FF10]  }
0x7cc: {  	v20 =	vld [tilespmem:$0x1FF20];
	[hbm4b:s24+s3] =	stream.linear.scatter [tilespmem:s25], [sflag:s21], $0x400, $0x38  }
0x7cd: {  	s23 =	sor.u32 $0x80, s1;
	v14 =	vld [tilespmem:$0x1FFB0];
	s30 =	sadd.s32 s1, s12;
	s31 =	sor.u32 $0x9000, s22  }
0x7ce: {  	v15 =	vld [tilespmem:$0x1FF80];
	[hbm4b:s30+s3] =	stream.linear.scatter [tilespmem:s31], [sflag:s21], $0x400, $0x38  }
0x7cf: {  	v40 =	vld [tilespmem:$0x1FE90];
	s25 =	sadd.s32 s2, s23  }
0x7d0: {  	v19 =	vld [tilespmem:$0x1FF60];
	[hbm4b:s25+s3] =	stream.linear.scatter [tilespmem:s26], [sflag:s21], $0x400, $0x38  }
0x7d1: {  	v23 =	vld [tilespmem:$0x1FF50];
	s30 =	sadd.s32 s23, s10;
	s31 =	sor.u32 $0x9800, s22  }
0x7d2: {  	v39 =	vld [tilespmem:$0x1FEC0];
	[hbm4b:s30+s3] =	stream.linear.scatter [tilespmem:s31], [sflag:s21], $0x400, $0x38  }
0x7d3: {  	v17 =	vld [tilespmem:$0x1FF90];
	s25 =	sadd.s32 s23, s11;
	s26 =	sor.u32 $0x9C00, s22  }
0x7d4: {  	v41 =	vld [tilespmem:$0x1FF70];
	[hbm4b:s25+s3] =	stream.linear.scatter [tilespmem:s26], [sflag:s21], $0x400, $0x38  }
0x7d5: {  	v58 =	vld [tilespmem:$0x1FF40];
	s23 =	sadd.s32 s23, s12;
	s30 =	sor.u32 $0xA000, s22  }
0x7d6: {  	v18 =	vld [tilespmem:$0x1FFA0];
	[hbm4b:s23+s3] =	stream.linear.scatter [tilespmem:s30], [sflag:s21], $0x400, $0x38  }
0x7d7: {  	v12 =	vld [tilespmem:$0x1FD90];
	s23 =	sor.u32 $0x100, s1  }
0x7d8: {  	v53 =	vld [tilespmem:$0x1FED0];
	s31 =	sadd.s32 s2, s23  }
0x7d9: {  	v56 =	vld [tilespmem:$0x1FEE0];
	[hbm4b:s31+s3] =	stream.linear.scatter [tilespmem:s28], [sflag:s21], $0x400, $0x38  }
0x7da: {  	v55 =	vld [tilespmem:$0x1FEB0];
	s26 =	sor.u32 $0xA800, s22;
	s25 =	sadd.s32 s23, s10  }
0x7db: {  	v57 =	vld [tilespmem:$0x1FF30];
	[hbm4b:s25+s3] =	stream.linear.scatter [tilespmem:s26], [sflag:s21], $0x400, $0x38  }
0x7dc: {  	v16 =	vld [tilespmem:$0x1FDA0];
	s30 =	sor.u32 $0xAC00, s22;
	s28 =	sadd.s32 s23, s11  }
0x7dd: {  	v26 =	vld [tilespmem:$0x1FDB0];
	[hbm4b:s28+s3] =	stream.linear.scatter [tilespmem:s30], [sflag:s21], $0x400, $0x38  }
0x7de: {  	v29 =	vld [tilespmem:$0x1FDC0];
	s1 =	sor.u32 $0x180, s1;
	s23 =	sadd.s32 s23, s12;
	s31 =	sor.u32 $0xB000, s22  }
0x7df: {  	v30 =	vld [tilespmem:$0x1FDD0];
	[hbm4b:s23+s3] =	stream.linear.scatter [tilespmem:s31], [sflag:s21], $0x400, $0x38  }
0x7e0: {  	v33 =	vld [tilespmem:$0x1FDE0];
	s25 =	sadd.s32 s2, s1  }
0x7e1: {  	v34 =	vld [tilespmem:$0x1FDF0];
	[hbm4b:s25+s3] =	stream.linear.scatter [tilespmem:s29], [sflag:s21], $0x400, $0x38  }
0x7e2: {  	p0 =	sne.s32 s20, $0xC8;
	v59 =	vld [tilespmem:$0x1FE00];
	s26 =	sadd.s32 s1, s10;
	s28 =	sor.u32 $0xB800, s22  }
0x7e3: {  	v37 =	vld [tilespmem:$0x1FE10];
	[hbm4b:s26+s3] =	stream.linear.scatter [tilespmem:s28], [sflag:s21], $0x400, $0x38  }
.Ltmp1:
0x7e4: {  	v38 =	vld [tilespmem:$0x1FE20];
	(pc) =	sbr.rel @p0 .LBB2_2-.Ltmp1, $4  }
0x7e5: {  	v42 =	vld [tilespmem:$0x1FE40];
	s30 =	sor.u32 $0xBC00, s22;
	s29 =	sadd.s32 s1, s11  }
0x7e6: {  	v44 =	vld [tilespmem:$0x1FE60];
	[hbm4b:s29+s3] =	stream.linear.scatter [tilespmem:s30], [sflag:s21], $0x400, $0x38  }
0x7e7: {  	v45 =	vld [tilespmem:$0x1FE70];
	s31 =	sadd.s32 $0xC000, s22;
	s23 =	smov.u32 s20;
	s1 =	sadd.s32 s1, s12  }
0x7e8: {  	v22 =	vlaneseq.u32;
	v50 =	vld [tilespmem:$0x1FEA0];
	[hbm4b:s1+s3] =	stream.linear.scatter [tilespmem:s31], [sflag:s21], $0x400, $0x38  }
0x7e9: {  	s19 =	sadd.s32 $0x1, s19  }
0x7ea: {  	_ =	swait.ge [sflag:s17], $0x4000;
	p0 =	sne.s32 s19, s13  }
.Ltmp2:
0x7eb: {  	[sflag:s17] =	ssyncset.done $0x0;
	(pc) =	sbr.rel @p0 .LBB2_1-.Ltmp2, $4  }
0x7ec: {  	[sflag:s17] =	ssyncadd.s32 $0xFFFFC000  }
0x7ed: {  	_ =	swait.ge [sflag:s18], $0x4000  }
0x7ee: {  	[sflag:s18] =	ssyncset.done $0x0  }
0x7ef: {  	[sflag:s18] =	ssyncadd.s32 $0xFFFFC000  }
0x7f0: {  	_ =	sfence.sel $0x180000  }
0x7f1: {  	[bflag:$0x0] =	sbarrier.arrive $0xFFFF  }
0x7f2: {  	_ =	strace $0x90000047  }
0x7f3: {  	[bflag:$0x2] =	sbarrier.arrive $0xFFFF  }
0x7f4: {  	p0 =	sne.s32 s0, $0x0;
	s0 =	rddreg [dreg:$0x2]  }
0x7f5: {  	s0 =	sadd.s32 @!p0 $0x100000, s0  }
0x7f6: {  	[sflag:s0] =	ssyncadd.tile.s32 @!p0 $0x1;
	_ =	shalt  }
.Lfunc_end2:
_tile_overlayer_lowered:
.L_overlay_start_2:
0x7f7: {  	(tag) =	ssettag $0x2  }
0x7f8: {  	s0 =	rddreg [dreg:$0x0];
	s2 =	stileid.u32  }
0x7f9: {  	s1 =	rddreg [dreg:$0x1];
	p0 =	sne.s32 s2, $0x0  }
0x7fa: {  	s3 =	rddreg [dreg:$0x2];
	[bflag:$0x3] =	sbarrier.arrive $0xFFFF;
	s2 =	simm.s32 @!p0 $0x1C07  }
0x7fb: {  	[timem:s3], [sflag:s2] =	dma.local @!p0 [hbm:s0], s1  }
0x7fc: {  	s0 =	simm.s32 @!p0 $0x7  }
0x7fd: {  	_ =	swait.ge @!p0 [sflag:s0], s1  }
0x7fe: {  	s1 =	ssub.s32 @!p0 $0x0, s1;
	[sflag:s0] =	ssyncset.done @!p0 $0x0  }
0x7ff: {  	[sflag:s0] =	ssyncadd.s32 @!p0 s1  }
0x800: {  	[bflag:$0x3] =	sbarrier.arrive $0xFFFF  }
0x801: {  	_ =	shalt  }

</sc_bundles>
